<compile_context>
chip_gen: v7x
topology: tpu7x:2x2x1
jax: 0.10.2.dev20260603
libtpu: 0.0.44.dev20260713+nightly
codegen_flags: <defaults>
</compile_context>

<pallas_src>
import functools

import jax
import jax.numpy as jnp
from jax import lax
from jax.experimental import pallas as pl
from jax.experimental.pallas import tpu as pltpu
from jax.experimental.pallas import tpu_sc as plsc

_NUM_EMBEDDINGS = 100000
_DIM = 64
_BATCH = 1024
_LANES = 128
_NB = 12


def _make_gather():
    info = plsc.get_sparse_core_info()
    nc, ns = info.num_cores, info.num_subcores
    nw = nc * ns
    b_per_w = _BATCH // nw
    nl = 16
    mesh = plsc.VectorSubcoreMesh(core_axis_name="c", subcore_axis_name="s")

    @functools.partial(
        pl.kernel,
        mesh=mesh,
        out_type=jax.ShapeDtypeStruct((_BATCH, _DIM), jnp.float32),
        scratch_types=[
            pltpu.VMEM((b_per_w,), jnp.int32),
            pltpu.VMEM((_NB, _DIM, _LANES), jnp.float32),
            pltpu.VMEM((b_per_w, _DIM), jnp.float32),
        ] + [pltpu.SemaphoreType.DMA] * _NB,
        compiler_params=pltpu.CompilerParams(needs_layout_passes=False),
    )
    def gather_kernel(idx_hbm, tablet_hbm, out_hbm,
                      idx_v, blk_v, rows_v, *sems):
        wid = lax.axis_index("s") * nc + lax.axis_index("c")
        base = wid * b_per_w
        pltpu.sync_copy(idx_hbm.at[pl.ds(base, b_per_w)], idx_v)
        lanes16 = lax.iota(jnp.int32, nl)
        handles = [None] * b_per_w

        def scalar_id(j):
            v = idx_v[pl.ds((j // nl) * nl, nl)]
            return v[j % nl]

        def fire(j):
            q = lax.shift_right_logical(scalar_id(j), 7)
            off = pl.multiple_of(q * _LANES, _LANES)
            handles[j] = pltpu.async_copy(
                tablet_hbm.at[:, pl.ds(off, _LANES)],
                blk_v.at[j % _NB], sems[j % _NB])

        for j in range(_NB):
            fire(j)
        for j in range(b_per_w):
            handles[j].wait()
            r = jnp.full((nl,), scalar_id(j) & (_LANES - 1), jnp.int32)
            blk_j = blk_v.at[j % _NB]
            for k in range(_DIM // nl):
                dd = lanes16 + (k * nl)
                val = plsc.load_gather(blk_j, [dd, r])
                rows_v[j, pl.ds(k * nl, nl)] = val
            if j + _NB < b_per_w:
                fire(j + _NB)
        pltpu.sync_copy(rows_v, out_hbm.at[pl.ds(base, b_per_w)])

    return gather_kernel


_gather = _make_gather()


def kernel(token_ids, embedding):
    return _gather(token_ids.astype(jnp.int32), embedding.T)

# --- scband reference (transcript-rebuilt; emitter-appended) ---
"""Pipeline reference for scband-my-embedding-22978075033999 (READ-ONLY COPY).

The authoritative reference and input builder live on the scoring server;
editing this copy changes nothing except your own understanding.
"""

import jax, jax.numpy as jnp
import numpy as np

NUM_EMBEDDINGS = 100000
EMBEDDING_DIM = 64
BATCH = 1024


def setup_inputs(seed: int = 0) -> dict:
    key = jax.random.key(seed)
    k1, k2 = jax.random.split(key)
    token_ids = jax.random.randint(k1, (BATCH,), 0, NUM_EMBEDDINGS, dtype=jnp.int64 if jax.config.jax_enable_x64 else jnp.int32)
    # trunc_normal_(a=-3, b=3) ~ standard normal clipped to [-3, 3]
    embedding = jnp.clip(jax.random.normal(k2, (NUM_EMBEDDINGS, EMBEDDING_DIM), dtype=jnp.float32), -3.0, 3.0)
    return {"token_ids": token_ids, "embedding": embedding}


def reference(token_ids, embedding):
    # Faithful to the original: one-hot encode then matmul against the table
    one_hot = jax.nn.one_hot(token_ids, NUM_EMBEDDINGS, dtype=embedding.dtype)
    return one_hot @ embedding

if __name__ == "__main__":
    import jax
    _d = setup_inputs()
    print(jax.jit(kernel)(*tuple(_d.values())))

</pallas_src>

<mosaic_0001>
#map = affine_map<(d0, d1) -> (0)>
#map1 = affine_map<(d0, d1) -> (0, 0)>
module attributes {stable_mosaic.version = 14 : i64} {
  func.func @gather_kernel(%arg0: i32, %arg1: i32, %arg2: memref<1024xi32, #tpu.memory_space<hbm>>, %arg3: memref<64x100000xf32, #tpu.memory_space<hbm>>, %arg4: memref<1024x64xf32, #tpu.memory_space<hbm>>, %arg5: memref<32xi32, #tpu.memory_space<vmem>>, %arg6: memref<12x64x128xf32, #tpu.memory_space<vmem>>, %arg7: memref<32x64xf32, #tpu.memory_space<vmem>>, %arg8: memref<!tpu.dma_semaphore, #tpu.memory_space<semaphore_mem>>, %arg9: memref<!tpu.dma_semaphore, #tpu.memory_space<semaphore_mem>>, %arg10: memref<!tpu.dma_semaphore, #tpu.memory_space<semaphore_mem>>, %arg11: memref<!tpu.dma_semaphore, #tpu.memory_space<semaphore_mem>>, %arg12: memref<!tpu.dma_semaphore, #tpu.memory_space<semaphore_mem>>, %arg13: memref<!tpu.dma_semaphore, #tpu.memory_space<semaphore_mem>>, %arg14: memref<!tpu.dma_semaphore, #tpu.memory_space<semaphore_mem>>, %arg15: memref<!tpu.dma_semaphore, #tpu.memory_space<semaphore_mem>>, %arg16: memref<!tpu.dma_semaphore, #tpu.memory_space<semaphore_mem>>, %arg17: memref<!tpu.dma_semaphore, #tpu.memory_space<semaphore_mem>>, %arg18: memref<!tpu.dma_semaphore, #tpu.memory_space<semaphore_mem>>, %arg19: memref<!tpu.dma_semaphore, #tpu.memory_space<semaphore_mem>>) attributes {dimension_semantics = [#tpu.dimension_semantics<core_parallel>, #tpu.dimension_semantics<subcore_parallel>], iteration_bounds = array<i64: 2, 16>, scalar_prefetch = 0 : i64, scratch_operands = 15 : i64, tpu.core_type = #tpu.core_type<sc_vector_subcore>, window_params = [{transform_indices = #map}, {transform_indices = #map1}, {transform_indices = #map1}]} {
    %mul3A = arith.constant 2 : i32
    %mul3A_0 = arith.muli %arg1, %mul3A : i32
    %add3A = arith.addi %mul3A_0, %arg0 : i32
    %mul3A_1 = arith.constant 32 : i32
    %mul3A_2 = arith.muli %add3A, %mul3A_1 : i32
    "tpu.region"() ({
      %run_scoped3A = tpu.sem_alloc : memref<!tpu.dma_semaphore, #tpu.memory_space<semaphore_mem>>
      %dma_start3A_3000 = tpu.memref_slice %arg2[%mul3A_2] : memref<1024xi32, #tpu.memory_space<hbm>> -> memref<32xi32, #tpu.memory_space<hbm>>
      %dma_start3A_3001 = tpu.memref_slice %arg2[%mul3A_2] : memref<1024xi32, #tpu.memory_space<hbm>> -> memref<32xi32, #tpu.memory_space<hbm>>
      tpu.enqueue_dma source(%dma_start3A_3001 : memref<32xi32, #tpu.memory_space<hbm>>) target(%arg5 : memref<32xi32, #tpu.memory_space<vmem>>) target_semaphore(%run_scoped3A : memref<!tpu.dma_semaphore, #tpu.memory_space<semaphore_mem>>)
      %dma_wait3A_3002 = tpu.memref_slice %arg2[%mul3A_2] : memref<1024xi32, #tpu.memory_space<hbm>> -> memref<32xi32, #tpu.memory_space<hbm>>
      %dma_wait3A_3003 = tpu.memref_slice %arg2[%mul3A_2] : memref<1024xi32, #tpu.memory_space<hbm>> -> memref<32xi32, #tpu.memory_space<hbm>>
      tpu.wait_dma2 semaphore(%run_scoped3A : memref<!tpu.dma_semaphore, #tpu.memory_space<semaphore_mem>>) src(%dma_wait3A_3003 : memref<32xi32, #tpu.memory_space<hbm>>) dst(%arg5 : memref<32xi32, #tpu.memory_space<vmem>>)
      tpu.yield
    }) : () -> ()
    %iota3A = tpu.iota {dimensions = array<i32: 0>} : vector<16xi32>
    %get3A = arith.constant 0 : index
    %get3A_3 = tpu.vector_load %arg5[%get3A] {strides = array<i32>} : memref<32xi32, #tpu.memory_space<vmem>>, vector<16xi32>,
    %slice3A = vector.extract_strided_slice %get3A_3 {offsets = [0], sizes = [1], strides = [1]} : vector<16xi32> to vector<1xi32>
    %squeeze3A = vector.extract %slice3A[0] : i32 from vector<1xi32>
    %shift_right_logical3A = arith.constant 7 : i32
    %shift_right_logical3A_4 = arith.shrui %squeeze3A, %shift_right_logical3A : i32
    %mul3A_5 = arith.constant 128 : i32
    %mul3A_6 = arith.muli %shift_right_logical3A_4, %mul3A_5 : i32
    %multiple_of3A = tpu.assume_multiple %mul3A_6, 128 : i32
    %dma_start3A = arith.constant 0 : i32
    %dma_start3A_7 = arith.constant 0 : i32
    %dma_start3A_8 = arith.constant 0 : i32
    %dma_start3A_9 = tpu.memref_slice %arg6[%dma_start3A, %dma_start3A_7, %dma_start3A_8] : memref<12x64x128xf32, #tpu.memory_space<vmem>> -> memref<1x64x128xf32, #tpu.memory_space<vmem>>
    %dma_start3A_10 = tpu.memref_squeeze %dma_start3A_9 : memref<1x64x128xf32, #tpu.memory_space<vmem>> -> memref<64x128xf32, #tpu.memory_space<vmem>>
    %dma_start3A_11 = arith.constant 0 : i32
    %dma_start3A_12 = tpu.memref_slice %arg3[%dma_start3A_11, %multiple_of3A] : memref<64x100000xf32, #tpu.memory_space<hbm>> -> memref<64x128xf32, #tpu.memory_space<hbm>>
    %dma_start3A_13 = arith.constant 0 : i32
    %dma_start3A_14 = arith.constant 0 : i32
    %dma_start3A_15 = tpu.memref_slice %arg6[%dma_start3A, %dma_start3A_13, %dma_start3A_14] : memref<12x64x128xf32, #tpu.memory_space<vmem>> -> memref<1x64x128xf32, #tpu.memory_space<vmem>>
    %dma_start3A_16 = tpu.memref_squeeze %dma_start3A_15 : memref<1x64x128xf32, #tpu.memory_space<vmem>> -> memref<64x128xf32, #tpu.memory_space<vmem>>
    %dma_start3A_17 = arith.constant 0 : i32
    %dma_start3A_18 = tpu.memref_slice %arg3[%dma_start3A_17, %multiple_of3A] : memref<64x100000xf32, #tpu.memory_space<hbm>> -> memref<64x128xf32, #tpu.memory_space<hbm>>
    tpu.enqueue_dma source(%dma_start3A_18 : memref<64x128xf32, #tpu.memory_space<hbm>>) target(%dma_start3A_16 : memref<64x128xf32, #tpu.memory_space<vmem>>) target_semaphore(%arg8 : memref<!tpu.dma_semaphore, #tpu.memory_space<semaphore_mem>>)
    %get3A_19 = arith.constant 0 : index
    %get3A_20 = tpu.vector_load %arg5[%get3A_19] {strides = array<i32>} : memref<32xi32, #tpu.memory_space<vmem>>, vector<16xi32>,
    %slice3A_21 = vector.extract_strided_slice %get3A_20 {offsets = [1], sizes = [1], strides = [1]} : vector<16xi32> to vector<1xi32>
    %squeeze3A_22 = vector.extract %slice3A_21[0] : i32 from vector<1xi32>
    %shift_right_logical3A_23 = arith.constant 7 : i32
    %shift_right_logical3A_24 = arith.shrui %squeeze3A_22, %shift_right_logical3A_23 : i32
    %mul3A_25 = arith.constant 128 : i32
    %mul3A_26 = arith.muli %shift_right_logical3A_24, %mul3A_25 : i32
    %multiple_of3A_27 = tpu.assume_multiple %mul3A_26, 128 : i32
    %dma_start3A_28 = arith.constant 1 : i32
    %dma_start3A_29 = arith.constant 0 : i32
    %dma_start3A_30 = arith.constant 0 : i32
    %dma_start3A_31 = tpu.memref_slice %arg6[%dma_start3A_28, %dma_start3A_29, %dma_start3A_30] : memref<12x64x128xf32, #tpu.memory_space<vmem>> -> memref<1x64x128xf32, #tpu.memory_space<vmem>>
    %dma_start3A_32 = tpu.memref_squeeze %dma_start3A_31 : memref<1x64x128xf32, #tpu.memory_space<vmem>> -> memref<64x128xf32, #tpu.memory_space<vmem>>
    %dma_start3A_33 = arith.constant 0 : i32
    %dma_start3A_34 = tpu.memref_slice %arg3[%dma_start3A_33, %multiple_of3A_27] : memref<64x100000xf32, #tpu.memory_space<hbm>> -> memref<64x128xf32, #tpu.memory_space<hbm>>
    %dma_start3A_35 = arith.constant 0 : i32
    %dma_start3A_36 = arith.constant 0 : i32
    %dma_start3A_37 = tpu.memref_slice %arg6[%dma_start3A_28, %dma_start3A_35, %dma_start3A_36] : memref<12x64x128xf32, #tpu.memory_space<vmem>> -> memref<1x64x128xf32, #tpu.memory_space<vmem>>
    %dma_start3A_38 = tpu.memref_squeeze %dma_start3A_37 : memref<1x64x128xf32, #tpu.memory_space<vmem>> -> memref<64x128xf32, #tpu.memory_space<vmem>>
    %dma_start3A_39 = arith.constant 0 : i32
    %dma_start3A_40 = tpu.memref_slice %arg3[%dma_start3A_39, %multiple_of3A_27] : memref<64x100000xf32, #tpu.memory_space<hbm>> -> memref<64x128xf32, #tpu.memory_space<hbm>>
    tpu.enqueue_dma source(%dma_start3A_40 : memref<64x128xf32, #tpu.memory_space<hbm>>) target(%dma_start3A_38 : memref<64x128xf32, #tpu.memory_space<vmem>>) target_semaphore(%arg9 : memref<!tpu.dma_semaphore, #tpu.memory_space<semaphore_mem>>)
    %get3A_41 = arith.constant 0 : index
    %get3A_42 = tpu.vector_load %arg5[%get3A_41] {strides = array<i32>} : memref<32xi32, #tpu.memory_space<vmem>>, vector<16xi32>,
    %slice3A_43 = vector.extract_strided_slice %get3A_42 {offsets = [2], sizes = [1], strides = [1]} : vector<16xi32> to vector<1xi32>
    %squeeze3A_44 = vector.extract %slice3A_43[0] : i32 from vector<1xi32>
    %shift_right_logical3A_45 = arith.constant 7 : i32
    %shift_right_logical3A_46 = arith.shrui %squeeze3A_44, %shift_right_logical3A_45 : i32
    %mul3A_47 = arith.constant 128 : i32
    %mul3A_48 = arith.muli %shift_right_logical3A_46, %mul3A_47 : i32
    %multiple_of3A_49 = tpu.assume_multiple %mul3A_48, 128 : i32
    %dma_start3A_50 = arith.constant 2 : i32
    %dma_start3A_51 = arith.constant 0 : i32
    %dma_start3A_52 = arith.constant 0 : i32
    %dma_start3A_53 = tpu.memref_slice %arg6[%dma_start3A_50, %dma_start3A_51, %dma_start3A_52] : memref<12x64x128xf32, #tpu.memory_space<vmem>> -> memref<1x64x128xf32, #tpu.memory_space<vmem>>
    %dma_start3A_54 = tpu.memref_squeeze %dma_start3A_53 : memref<1x64x128xf32, #tpu.memory_space<vmem>> -> memref<64x128xf32, #tpu.memory_space<vmem>>
    %dma_start3A_55 = arith.constant 0 : i32
    %dma_start3A_56 = tpu.memref_slice %arg3[%dma_start3A_55, %multiple_of3A_49] : memref<64x100000xf32, #tpu.memory_space<hbm>> -> memref<64x128xf32, #tpu.memory_space<hbm>>
    %dma_start3A_57 = arith.constant 0 : i32
    %dma_start3A_58 = arith.constant 0 : i32
    %dma_start3A_59 = tpu.memref_slice %arg6[%dma_start3A_50, %dma_start3A_57, %dma_start3A_58] : memref<12x64x128xf32, #tpu.memory_space<vmem>> -> memref<1x64x128xf32, #tpu.memory_space<vmem>>
    %dma_start3A_60 = tpu.memref_squeeze %dma_start3A_59 : memref<1x64x128xf32, #tpu.memory_space<vmem>> -> memref<64x128xf32, #tpu.memory_space<vmem>>
    %dma_start3A_61 = arith.constant 0 : i32
    %dma_start3A_62 = tpu.memref_slice %arg3[%dma_start3A_61, %multiple_of3A_49] : memref<64x100000xf32, #tpu.memory_space<hbm>> -> memref<64x128xf32, #tpu.memory_space<hbm>>
    tpu.enqueue_dma source(%dma_start3A_62 : memref<64x128xf32, #tpu.memory_space<hbm>>) target(%dma_start3A_60 : memref<64x128xf32, #tpu.memory_space<vmem>>) target_semaphore(%arg10 : memref<!tpu.dma_semaphore, #tpu.memory_space<semaphore_mem>>)
    %get3A_63 = arith.constant 0 : index
    %get3A_64 = tpu.vector_load %arg5[%get3A_63] {strides = array<i32>} : memref<32xi32, #tpu.memory_space<vmem>>, vector<16xi32>,
    %slice3A_65 = vector.extract_strided_slice %get3A_64 {offsets = [3], sizes = [1], strides = [1]} : vector<16xi32> to vector<1xi32>
    %squeeze3A_66 = vector.extract %slice3A_65[0] : i32 from vector<1xi32>
    %shift_right_logical3A_67 = arith.constant 7 : i32
    %shift_right_logical3A_68 = arith.shrui %squeeze3A_66, %shift_right_logical3A_67 : i32
    %mul3A_69 = arith.constant 128 : i32
    %mul3A_70 = arith.muli %shift_right_logical3A_68, %mul3A_69 : i32
    %multiple_of3A_71 = tpu.assume_multiple %mul3A_70, 128 : i32
    %dma_start3A_72 = arith.constant 3 : i32
    %dma_start3A_73 = arith.constant 0 : i32
    %dma_start3A_74 = arith.constant 0 : i32
    %dma_start3A_75 = tpu.memref_slice %arg6[%dma_start3A_72, %dma_start3A_73, %dma_start3A_74] : memref<12x64x128xf32, #tpu.memory_space<vmem>> -> memref<1x64x128xf32, #tpu.memory_space<vmem>>
    %dma_start3A_76 = tpu.memref_squeeze %dma_start3A_75 : memref<1x64x128xf32, #tpu.memory_space<vmem>> -> memref<64x128xf32, #tpu.memory_space<vmem>>
    %dma_start3A_77 = arith.constant 0 : i32
    %dma_start3A_78 = tpu.memref_slice %arg3[%dma_start3A_77, %multiple_of3A_71] : memref<64x100000xf32, #tpu.memory_space<hbm>> -> memref<64x128xf32, #tpu.memory_space<hbm>>
    %dma_start3A_79 = arith.constant 0 : i32
    %dma_start3A_80 = arith.constant 0 : i32
    %dma_start3A_81 = tpu.memref_slice %arg6[%dma_start3A_72, %dma_start3A_79, %dma_start3A_80] : memref<12x64x128xf32, #tpu.memory_space<vmem>> -> memref<1x64x128xf32, #tpu.memory_space<vmem>>
    %dma_start3A_82 = tpu.memref_squeeze %dma_start3A_81 : memref<1x64x128xf32, #tpu.memory_space<vmem>> -> memref<64x128xf32, #tpu.memory_space<vmem>>
    %dma_start3A_83 = arith.constant 0 : i32
    %dma_start3A_84 = tpu.memref_slice %arg3[%dma_start3A_83, %multiple_of3A_71] : memref<64x100000xf32, #tpu.memory_space<hbm>> -> memref<64x128xf32, #tpu.memory_space<hbm>>
    tpu.enqueue_dma source(%dma_start3A_84 : memref<64x128xf32, #tpu.memory_space<hbm>>) target(%dma_start3A_82 : memref<64x128xf32, #tpu.memory_space<vmem>>) target_semaphore(%arg11 : memref<!tpu.dma_semaphore, #tpu.memory_space<semaphore_mem>>)
    %get3A_85 = arith.constant 0 : index
    %get3A_86 = tpu.vector_load %arg5[%get3A_85] {strides = array<i32>} : memref<32xi32, #tpu.memory_space<vmem>>, vector<16xi32>,
    %slice3A_87 = vector.extract_strided_slice %get3A_86 {offsets = [4], sizes = [1], strides = [1]} : vector<16xi32> to vector<1xi32>
    %squeeze3A_88 = vector.extract %slice3A_87[0] : i32 from vector<1xi32>
    %shift_right_logical3A_89 = arith.constant 7 : i32
    %shift_right_logical3A_90 = arith.shrui %squeeze3A_88, %shift_right_logical3A_89 : i32
    %mul3A_91 = arith.constant 128 : i32
    %mul3A_92 = arith.muli %shift_right_logical3A_90, %mul3A_91 : i32
    %multiple_of3A_93 = tpu.assume_multiple %mul3A_92, 128 : i32
    %dma_start3A_94 = arith.constant 4 : i32
    %dma_start3A_95 = arith.constant 0 : i32
    %dma_start3A_96 = arith.constant 0 : i32
    %dma_start3A_97 = tpu.memref_slice %arg6[%dma_start3A_94, %dma_start3A_95, %dma_start3A_96] : memref<12x64x128xf32, #tpu.memory_space<vmem>> -> memref<1x64x128xf32, #tpu.memory_space<vmem>>
    %dma_start3A_98 = tpu.memref_squeeze %dma_start3A_97 : memref<1x64x128xf32, #tpu.memory_space<vmem>> -> memref<64x128xf32, #tpu.memory_space<vmem>>
    %dma_start3A_99 = arith.constant 0 : i32
    %dma_start3A_100 = tpu.memref_slice %arg3[%dma_start3A_99, %multiple_of3A_93] : memref<64x100000xf32, #tpu.memory_space<hbm>> -> memref<64x128xf32, #tpu.memory_space<hbm>>
    %dma_start3A_101 = arith.constant 0 : i32
    %dma_start3A_102 = arith.constant 0 : i32
    %dma_start3A_103 = tpu.memref_slice %arg6[%dma_start3A_94, %dma_start3A_101, %dma_start3A_102] : memref<12x64x128xf32, #tpu.memory_space<vmem>> -> memref<1x64x128xf32, #tpu.memory_space<vmem>>
    %dma_start3A_104 = tpu.memref_squeeze %dma_start3A_103 : memref<1x64x128xf32, #tpu.memory_space<vmem>> -> memref<64x128xf32, #tpu.memory_space<vmem>>
    %dma_start3A_105 = arith.constant 0 : i32
    %dma_start3A_106 = tpu.memref_slice %arg3[%dma_start3A_105, %multiple_of3A_93] : memref<64x100000xf32, #tpu.memory_space<hbm>> -> memref<64x128xf32, #tpu.memory_space<hbm>>
    tpu.enqueue_dma source(%dma_start3A_106 : memref<64x128xf32, #tpu.memory_space<hbm>>) target(%dma_start3A_104 : memref<64x128xf32, #tpu.memory_space<vmem>>) target_semaphore(%arg12 : memref<!tpu.dma_semaphore, #tpu.memory_space<semaphore_mem>>)
    %get3A_107 = arith.constant 0 : index
    %get3A_108 = tpu.vector_load %arg5[%get3A_107] {strides = array<i32>} : memref<32xi32, #tpu.memory_space<vmem>>, vector<16xi32>,
    %slice3A_109 = vector.extract_strided_slice %get3A_108 {offsets = [5], sizes = [1], strides = [1]} : vector<16xi32> to vector<1xi32>
    %squeeze3A_110 = vector.extract %slice3A_109[0] : i32 from vector<1xi32>
    %shift_right_logical3A_111 = arith.constant 7 : i32
    %shift_right_logical3A_112 = arith.shrui %squeeze3A_110, %shift_right_logical3A_111 : i32
    %mul3A_113 = arith.constant 128 : i32
    %mul3A_114 = arith.muli %shift_right_logical3A_112, %mul3A_113 : i32
    %multiple_of3A_115 = tpu.assume_multiple %mul3A_114, 128 : i32
    %dma_start3A_116 = arith.constant 5 : i32
    %dma_start3A_117 = arith.constant 0 : i32
    %dma_start3A_118 = arith.constant 0 : i32
    %dma_start3A_119 = tpu.memref_slice %arg6[%dma_start3A_116, %dma_start3A_117, %dma_start3A_118] : memref<12x64x128xf32, #tpu.memory_space<vmem>> -> memref<1x64x128xf32, #tpu.memory_space<vmem>>
    %dma_start3A_120 = tpu.memref_squeeze %dma_start3A_119 : memref<1x64x128xf32, #tpu.memory_space<vmem>> -> memref<64x128xf32, #tpu.memory_space<vmem>>
    %dma_start3A_121 = arith.constant 0 : i32
    %dma_start3A_122 = tpu.memref_slice %arg3[%dma_start3A_121, %multiple_of3A_115] : memref<64x100000xf32, #tpu.memory_space<hbm>> -> memref<64x128xf32, #tpu.memory_space<hbm>>
    %dma_start3A_123 = arith.constant 0 : i32
    %dma_start3A_124 = arith.constant 0 : i32
    %dma_start3A_125 = tpu.memref_slice %arg6[%dma_start3A_116, %dma_start3A_123, %dma_start3A_124] : memref<12x64x128xf32, #tpu.memory_space<vmem>> -> memref<1x64x128xf32, #tpu.memory_space<vmem>>
    %dma_start3A_126 = tpu.memref_squeeze %dma_start3A_125 : memref<1x64x128xf32, #tpu.memory_space<vmem>> -> memref<64x128xf32, #tpu.memory_space<vmem>>
    %dma_start3A_127 = arith.constant 0 : i32
    %dma_start3A_128 = tpu.memref_slice %arg3[%dma_start3A_127, %multiple_of3A_115] : memref<64x100000xf32, #tpu.memory_space<hbm>> -> memref<64x128xf32, #tpu.memory_space<hbm>>
    tpu.enqueue_dma source(%dma_start3A_128 : memref<64x128xf32, #tpu.memory_space<hbm>>) target(%dma_start3A_126 : memref<64x128xf32, #tpu.memory_space<vmem>>) target_semaphore(%arg13 : memref<!tpu.dma_semaphore, #tpu.memory_space<semaphore_mem>>)
    %get3A_129 = arith.constant 0 : index
    %get3A_130 = tpu.vector_load %arg5[%get3A_129] {strides = array<i32>} : memref<32xi32, #tpu.memory_space<vmem>>, vector<16xi32>,
    %slice3A_131 = vector.extract_strided_slice %get3A_130 {offsets = [6], sizes = [1], strides = [1]} : vector<16xi32> to vector<1xi32>
    %squeeze3A_132 = vector.extract %slice3A_131[0] : i32 from vector<1xi32>
    %shift_right_logical3A_133 = arith.constant 7 : i32
    %shift_right_logical3A_134 = arith.shrui %squeeze3A_132, %shift_right_logical3A_133 : i32
    %mul3A_135 = arith.constant 128 : i32
    %mul3A_136 = arith.muli %shift_right_logical3A_134, %mul3A_135 : i32
    %multiple_of3A_137 = tpu.assume_multiple %mul3A_136, 128 : i32
    %dma_start3A_138 = arith.constant 6 : i32
    %dma_start3A_139 = arith.constant 0 : i32
    %dma_start3A_140 = arith.constant 0 : i32
    %dma_start3A_141 = tpu.memref_slice %arg6[%dma_start3A_138, %dma_start3A_139, %dma_start3A_140] : memref<12x64x128xf32, #tpu.memory_space<vmem>> -> memref<1x64x128xf32, #tpu.memory_space<vmem>>
    %dma_start3A_142 = tpu.memref_squeeze %dma_start3A_141 : memref<1x64x128xf32, #tpu.memory_space<vmem>> -> memref<64x128xf32, #tpu.memory_space<vmem>>
    %dma_start3A_143 = arith.constant 0 : i32
    %dma_start3A_144 = tpu.memref_slice %arg3[%dma_start3A_143, %multiple_of3A_137] : memref<64x100000xf32, #tpu.memory_space<hbm>> -> memref<64x128xf32, #tpu.memory_space<hbm>>
    %dma_start3A_145 = arith.constant 0 : i32
    %dma_start3A_146 = arith.constant 0 : i32
    %dma_start3A_147 = tpu.memref_slice %arg6[%dma_start3A_138, %dma_start3A_145, %dma_start3A_146] : memref<12x64x128xf32, #tpu.memory_space<vmem>> -> memref<1x64x128xf32, #tpu.memory_space<vmem>>
    %dma_start3A_148 = tpu.memref_squeeze %dma_start3A_147 : memref<1x64x128xf32, #tpu.memory_space<vmem>> -> memref<64x128xf32, #tpu.memory_space<vmem>>
    %dma_start3A_149 = arith.constant 0 : i32
    %dma_start3A_150 = tpu.memref_slice %arg3[%dma_start3A_149, %multiple_of3A_137] : memref<64x100000xf32, #tpu.memory_space<hbm>> -> memref<64x128xf32, #tpu.memory_space<hbm>>
    tpu.enqueue_dma source(%dma_start3A_150 : memref<64x128xf32, #tpu.memory_space<hbm>>) target(%dma_start3A_148 : memref<64x128xf32, #tpu.memory_space<vmem>>) target_semaphore(%arg14 : memref<!tpu.dma_semaphore, #tpu.memory_space<semaphore_mem>>)
    %get3A_151 = arith.constant 0 : index
    %get3A_152 = tpu.vector_load %arg5[%get3A_151] {strides = array<i32>} : memref<32xi32, #tpu.memory_space<vmem>>, vector<16xi32>,
    %slice3A_153 = vector.extract_strided_slice %get3A_152 {offsets = [7], sizes = [1], strides = [1]} : vector<16xi32> to vector<1xi32>
    %squeeze3A_154 = vector.extract %slice3A_153[0] : i32 from vector<1xi32>
    %shift_right_logical3A_155 = arith.constant 7 : i32
    %shift_right_logical3A_156 = arith.shrui %squeeze3A_154, %shift_right_logical3A_155 : i32
    %mul3A_157 = arith.constant 128 : i32
    %mul3A_158 = arith.muli %shift_right_logical3A_156, %mul3A_157 : i32
    %multiple_of3A_159 = tpu.assume_multiple %mul3A_158, 128 : i32
    %dma_start3A_160 = arith.constant 7 : i32
    %dma_start3A_161 = arith.constant 0 : i32
    %dma_start3A_162 = arith.constant 0 : i32
    %dma_start3A_163 = tpu.memref_slice %arg6[%dma_start3A_160, %dma_start3A_161, %dma_start3A_162] : memref<12x64x128xf32, #tpu.memory_space<vmem>> -> memref<1x64x128xf32, #tpu.memory_space<vmem>>
    %dma_start3A_164 = tpu.memref_squeeze %dma_start3A_163 : memref<1x64x128xf32, #tpu.memory_space<vmem>> -> memref<64x128xf32, #tpu.memory_space<vmem>>
    %dma_start3A_165 = arith.constant 0 : i32
    %dma_start3A_166 = tpu.memref_slice %arg3[%dma_start3A_165, %multiple_of3A_159] : memref<64x100000xf32, #tpu.memory_space<hbm>> -> memref<64x128xf32, #tpu.memory_space<hbm>>
    %dma_start3A_167 = arith.constant 0 : i32
    %dma_start3A_168 = arith.constant 0 : i32
    %dma_start3A_169 = tpu.memref_slice %arg6[%dma_start3A_160, %dma_start3A_167, %dma_start3A_168] : memref<12x64x128xf32, #tpu.memory_space<vmem>> -> memref<1x64x128xf32, #tpu.memory_space<vmem>>
    %dma_start3A_170 = tpu.memref_squeeze %dma_start3A_169 : memref<1x64x128xf32, #tpu.memory_space<vmem>> -> memref<64x128xf32, #tpu.memory_space<vmem>>
    %dma_start3A_171 = arith.constant 0 : i32
    %dma_start3A_172 = tpu.memref_slice %arg3[%dma_start3A_171, %multiple_of3A_159] : memref<64x100000xf32, #tpu.memory_space<hbm>> -> memref<64x128xf32, #tpu.memory_space<hbm>>
    tpu.enqueue_dma source(%dma_start3A_172 : memref<64x128xf32, #tpu.memory_space<hbm>>) target(%dma_start3A_170 : memref<64x128xf32, #tpu.memory_space<vmem>>) target_semaphore(%arg15 : memref<!tpu.dma_semaphore, #tpu.memory_space<semaphore_mem>>)
    %get3A_173 = arith.constant 0 : index
    %get3A_174 = tpu.vector_load %arg5[%get3A_173] {strides = array<i32>} : memref<32xi32, #tpu.memory_space<vmem>>, vector<16xi32>,
    %slice3A_175 = vector.extract_strided_slice %get3A_174 {offsets = [8], sizes = [1], strides = [1]} : vector<16xi32> to vector<1xi32>
    %squeeze3A_176 = vector.extract %slice3A_175[0] : i32 from vector<1xi32>
    %shift_right_logical3A_177 = arith.constant 7 : i32
    %shift_right_logical3A_178 = arith.shrui %squeeze3A_176, %shift_right_logical3A_177 : i32
    %mul3A_179 = arith.constant 128 : i32
    %mul3A_180 = arith.muli %shift_right_logical3A_178, %mul3A_179 : i32
    %multiple_of3A_181 = tpu.assume_multiple %mul3A_180, 128 : i32
    %dma_start3A_182 = arith.constant 8 : i32
    %dma_start3A_183 = arith.constant 0 : i32
    %dma_start3A_184 = arith.constant 0 : i32
    %dma_start3A_185 = tpu.memref_slice %arg6[%dma_start3A_182, %dma_start3A_183, %dma_start3A_184] : memref<12x64x128xf32, #tpu.memory_space<vmem>> -> memref<1x64x128xf32, #tpu.memory_space<vmem>>
    %dma_start3A_186 = tpu.memref_squeeze %dma_start3A_185 : memref<1x64x128xf32, #tpu.memory_space<vmem>> -> memref<64x128xf32, #tpu.memory_space<vmem>>
    %dma_start3A_187 = arith.constant 0 : i32
    %dma_start3A_188 = tpu.memref_slice %arg3[%dma_start3A_187, %multiple_of3A_181] : memref<64x100000xf32, #tpu.memory_space<hbm>> -> memref<64x128xf32, #tpu.memory_space<hbm>>
    %dma_start3A_189 = arith.constant 0 : i32
    %dma_start3A_190 = arith.constant 0 : i32
    %dma_start3A_191 = tpu.memref_slice %arg6[%dma_start3A_182, %dma_start3A_189, %dma_start3A_190] : memref<12x64x128xf32, #tpu.memory_space<vmem>> -> memref<1x64x128xf32, #tpu.memory_space<vmem>>
    %dma_start3A_192 = tpu.memref_squeeze %dma_start3A_191 : memref<1x64x128xf32, #tpu.memory_space<vmem>> -> memref<64x128xf32, #tpu.memory_space<vmem>>
    %dma_start3A_193 = arith.constant 0 : i32
    %dma_start3A_194 = tpu.memref_slice %arg3[%dma_start3A_193, %multiple_of3A_181] : memref<64x100000xf32, #tpu.memory_space<hbm>> -> memref<64x128xf32, #tpu.memory_space<hbm>>
    tpu.enqueue_dma source(%dma_start3A_194 : memref<64x128xf32, #tpu.memory_space<hbm>>) target(%dma_start3A_192 : memref<64x128xf32, #tpu.memory_space<vmem>>) target_semaphore(%arg16 : memref<!tpu.dma_semaphore, #tpu.memory_space<semaphore_mem>>)
    %get3A_195 = arith.constant 0 : index
    %get3A_196 = tpu.vector_load %arg5[%get3A_195] {strides = array<i32>} : memref<32xi32, #tpu.memory_space<vmem>>, vector<16xi32>,
    %slice3A_197 = vector.extract_strided_slice %get3A_196 {offsets = [9], sizes = [1], strides = [1]} : vector<16xi32> to vector<1xi32>
    %squeeze3A_198 = vector.extract %slice3A_197[0] : i32 from vector<1xi32>
    %shift_right_logical3A_199 = arith.constant 7 : i32
    %shift_right_logical3A_200 = arith.shrui %squeeze3A_198, %shift_right_logical3A_199 : i32
    %mul3A_201 = arith.constant 128 : i32
    %mul3A_202 = arith.muli %shift_right_logical3A_200, %mul3A_201 : i32
    %multiple_of3A_203 = tpu.assume_multiple %mul3A_202, 128 : i32
    %dma_start3A_204 = arith.constant 9 : i32
    %dma_start3A_205 = arith.constant 0 : i32
    %dma_start3A_206 = arith.constant 0 : i32
    %dma_start3A_207 = tpu.memref_slice %arg6[%dma_start3A_204, %dma_start3A_205, %dma_start3A_206] : memref<12x64x128xf32, #tpu.memory_space<vmem>> -> memref<1x64x128xf32, #tpu.memory_space<vmem>>
    %dma_start3A_208 = tpu.memref_squeeze %dma_start3A_207 : memref<1x64x128xf32, #tpu.memory_space<vmem>> -> memref<64x128xf32, #tpu.memory_space<vmem>>
    %dma_start3A_209 = arith.constant 0 : i32
    %dma_start3A_210 = tpu.memref_slice %arg3[%dma_start3A_209, %multiple_of3A_203] : memref<64x100000xf32, #tpu.memory_space<hbm>> -> memref<64x128xf32, #tpu.memory_space<hbm>>
    %dma_start3A_211 = arith.constant 0 : i32
    %dma_start3A_212 = arith.constant 0 : i32
    %dma_start3A_213 = tpu.memref_slice %arg6[%dma_start3A_204, %dma_start3A_211, %dma_start3A_212] : memref<12x64x128xf32, #tpu.memory_space<vmem>> -> memref<1x64x128xf32, #tpu.memory_space<vmem>>
    %dma_start3A_214 = tpu.memref_squeeze %dma_start3A_213 : memref<1x64x128xf32, #tpu.memory_space<vmem>> -> memref<64x128xf32, #tpu.memory_space<vmem>>
    %dma_start3A_215 = arith.constant 0 : i32
    %dma_start3A_216 = tpu.memref_slice %arg3[%dma_start3A_215, %multiple_of3A_203] : memref<64x100000xf32, #tpu.memory_space<hbm>> -> memref<64x128xf32, #tpu.memory_space<hbm>>
    tpu.enqueue_dma source(%dma_start3A_216 : memref<64x128xf32, #tpu.memory_space<hbm>>) target(%dma_start3A_214 : memref<64x128xf32, #tpu.memory_space<vmem>>) target_semaphore(%arg17 : memref<!tpu.dma_semaphore, #tpu.memory_space<semaphore_mem>>)
    %get3A_217 = arith.constant 0 : index
    %get3A_218 = tpu.vector_load %arg5[%get3A_217] {strides = array<i32>} : memref<32xi32, #tpu.memory_space<vmem>>, vector<16xi32>,
    %slice3A_219 = vector.extract_strided_slice %get3A_218 {offsets = [10], sizes = [1], strides = [1]} : vector<16xi32> to vector<1xi32>
    %squeeze3A_220 = vector.extract %slice3A_219[0] : i32 from vector<1xi32>
    %shift_right_logical3A_221 = arith.constant 7 : i32
    %shift_right_logical3A_222 = arith.shrui %squeeze3A_220, %shift_right_logical3A_221 : i32
    %mul3A_223 = arith.constant 128 : i32
    %mul3A_224 = arith.muli %shift_right_logical3A_222, %mul3A_223 : i32
    %multiple_of3A_225 = tpu.assume_multiple %mul3A_224, 128 : i32
    %dma_start3A_226 = arith.constant 10 : i32
    %dma_start3A_227 = arith.constant 0 : i32
    %dma_start3A_228 = arith.constant 0 : i32
    %dma_start3A_229 = tpu.memref_slice %arg6[%dma_start3A_226, %dma_start3A_227, %dma_start3A_228] : memref<12x64x128xf32, #tpu.memory_space<vmem>> -> memref<1x64x128xf32, #tpu.memory_space<vmem>>
    %dma_start3A_230 = tpu.memref_squeeze %dma_start3A_229 : memref<1x64x128xf32, #tpu.memory_space<vmem>> -> memref<64x128xf32, #tpu.memory_space<vmem>>
    %dma_start3A_231 = arith.constant 0 : i32
    %dma_start3A_232 = tpu.memref_slice %arg3[%dma_start3A_231, %multiple_of3A_225] : memref<64x100000xf32, #tpu.memory_space<hbm>> -> memref<64x128xf32, #tpu.memory_space<hbm>>
    %dma_start3A_233 = arith.constant 0 : i32
    %dma_start3A_234 = arith.constant 0 : i32
    %dma_start3A_235 = tpu.memref_slice %arg6[%dma_start3A_226, %dma_start3A_233, %dma_start3A_234] : memref<12x64x128xf32, #tpu.memory_space<vmem>> -> memref<1x64x128xf32, #tpu.memory_space<vmem>>
    %dma_start3A_236 = tpu.memref_squeeze %dma_start3A_235 : memref<1x64x128xf32, #tpu.memory_space<vmem>> -> memref<64x128xf32, #tpu.memory_space<vmem>>
    %dma_start3A_237 = arith.constant 0 : i32
    %dma_start3A_238 = tpu.memref_slice %arg3[%dma_start3A_237, %multiple_of3A_225] : memref<64x100000xf32, #tpu.memory_space<hbm>> -> memref<64x128xf32, #tpu.memory_space<hbm>>
    tpu.enqueue_dma source(%dma_start3A_238 : memref<64x128xf32, #tpu.memory_space<hbm>>) target(%dma_start3A_236 : memref<64x128xf32, #tpu.memory_space<vmem>>) target_semaphore(%arg18 : memref<!tpu.dma_semaphore, #tpu.memory_space<semaphore_mem>>)
    %get3A_239 = arith.constant 0 : index
    %get3A_240 = tpu.vector_load %arg5[%get3A_239] {strides = array<i32>} : memref<32xi32, #tpu.memory_space<vmem>>, vector<16xi32>,
    %slice3A_241 = vector.extract_strided_slice %get3A_240 {offsets = [11], sizes = [1], strides = [1]} : vector<16xi32> to vector<1xi32>
    %squeeze3A_242 = vector.extract %slice3A_241[0] : i32 from vector<1xi32>
    %shift_right_logical3A_243 = arith.constant 7 : i32
    %shift_right_logical3A_244 = arith.shrui %squeeze3A_242, %shift_right_logical3A_243 : i32
    %mul3A_245 = arith.constant 128 : i32
    %mul3A_246 = arith.muli %shift_right_logical3A_244, %mul3A_245 : i32
    %multiple_of3A_247 = tpu.assume_multiple %mul3A_246, 128 : i32
    %dma_start3A_248 = arith.constant 11 : i32
    %dma_start3A_249 = arith.constant 0 : i32
    %dma_start3A_250 = arith.constant 0 : i32
    %dma_start3A_251 = tpu.memref_slice %arg6[%dma_start3A_248, %dma_start3A_249, %dma_start3A_250] : memref<12x64x128xf32, #tpu.memory_space<vmem>> -> memref<1x64x128xf32, #tpu.memory_space<vmem>>
    %dma_start3A_252 = tpu.memref_squeeze %dma_start3A_251 : memref<1x64x128xf32, #tpu.memory_space<vmem>> -> memref<64x128xf32, #tpu.memory_space<vmem>>
    %dma_start3A_253 = arith.constant 0 : i32
    %dma_start3A_254 = tpu.memref_slice %arg3[%dma_start3A_253, %multiple_of3A_247] : memref<64x100000xf32, #tpu.memory_space<hbm>> -> memref<64x128xf32, #tpu.memory_space<hbm>>
    %dma_start3A_255 = arith.constant 0 : i32
    %dma_start3A_256 = arith.constant 0 : i32
    %dma_start3A_257 = tpu.memref_slice %arg6[%dma_start3A_248, %dma_start3A_255, %dma_start3A_256] : memref<12x64x128xf32, #tpu.memory_space<vmem>> -> memref<1x64x128xf32, #tpu.memory_space<vmem>>
    %dma_start3A_258 = tpu.memref_squeeze %dma_start3A_257 : memref<1x64x128xf32, #tpu.memory_space<vmem>> -> memref<64x128xf32, #tpu.memory_space<vmem>>
    %dma_start3A_259 = arith.constant 0 : i32
    %dma_start3A_260 = tpu.memref_slice %arg3[%dma_start3A_259, %multiple_of3A_247] : memref<64x100000xf32, #tpu.memory_space<hbm>> -> memref<64x128xf32, #tpu.memory_space<hbm>>
    tpu.enqueue_dma source(%dma_start3A_260 : memref<64x128xf32, #tpu.memory_space<hbm>>) target(%dma_start3A_258 : memref<64x128xf32, #tpu.memory_space<vmem>>) target_semaphore(%arg19 : memref<!tpu.dma_semaphore, #tpu.memory_space<semaphore_mem>>)
    %dma_wait3A = arith.constant 0 : i32
    %dma_wait3A_261 = arith.constant 0 : i32
    %dma_wait3A_262 = arith.constant 0 : i32
    %dma_wait3A_263 = tpu.memref_slice %arg6[%dma_wait3A, %dma_wait3A_261, %dma_wait3A_262] : memref<12x64x128xf32, #tpu.memory_space<vmem>> -> memref<1x64x128xf32, #tpu.memory_space<vmem>>
    %dma_wait3A_264 = tpu.memref_squeeze %dma_wait3A_263 : memref<1x64x128xf32, #tpu.memory_space<vmem>> -> memref<64x128xf32, #tpu.memory_space<vmem>>
    %dma_wait3A_265 = arith.constant 0 : i32
    %dma_wait3A_266 = tpu.memref_slice %arg3[%dma_wait3A_265, %multiple_of3A] : memref<64x100000xf32, #tpu.memory_space<hbm>> -> memref<64x128xf32, #tpu.memory_space<hbm>>
    %dma_wait3A_267 = arith.constant 0 : i32
    %dma_wait3A_268 = arith.constant 0 : i32
    %dma_wait3A_269 = tpu.memref_slice %arg6[%dma_wait3A, %dma_wait3A_267, %dma_wait3A_268] : memref<12x64x128xf32, #tpu.memory_space<vmem>> -> memref<1x64x128xf32, #tpu.memory_space<vmem>>
    %dma_wait3A_270 = tpu.memref_squeeze %dma_wait3A_269 : memref<1x64x128xf32, #tpu.memory_space<vmem>> -> memref<64x128xf32, #tpu.memory_space<vmem>>
    %dma_wait3A_271 = arith.constant 0 : i32
    %dma_wait3A_272 = tpu.memref_slice %arg3[%dma_wait3A_271, %multiple_of3A] : memref<64x100000xf32, #tpu.memory_space<hbm>> -> memref<64x128xf32, #tpu.memory_space<hbm>>
    tpu.wait_dma2 semaphore(%arg8 : memref<!tpu.dma_semaphore, #tpu.memory_space<semaphore_mem>>) src(%dma_wait3A_272 : memref<64x128xf32, #tpu.memory_space<hbm>>) dst(%dma_wait3A_270 : memref<64x128xf32, #tpu.memory_space<vmem>>)
    %get3A_273 = arith.constant 0 : index
    %get3A_274 = tpu.vector_load %arg5[%get3A_273] {strides = array<i32>} : memref<32xi32, #tpu.memory_space<vmem>>, vector<16xi32>,
    %slice3A_275 = vector.extract_strided_slice %get3A_274 {offsets = [0], sizes = [1], strides = [1]} : vector<16xi32> to vector<1xi32>
    %squeeze3A_276 = vector.extract %slice3A_275[0] : i32 from vector<1xi32>
    %and3A = arith.constant 127 : i32
    %and3A_277 = arith.andi %squeeze3A_276, %and3A : i32
    %broadcast_in_dim3A = vector.broadcast %and3A_277 : i32 to vector<16xi32>
    %add3A_278 = arith.constant 0 : i32
    %add3A_279 = vector.broadcast %add3A_278 : i32 to vector<16xi32>
    %add3A_280 = arith.addi %iota3A, %add3A_279 : vector<16xi32>
    %gather3A = arith.constant 0 : i32
    %gather3A_281 = arith.constant 0 : i32
    %gather3A_282 = arith.constant 0 : i32
    %gather3A_283 = tpu.memref_slice %arg6[%gather3A, %gather3A_281, %gather3A_282] : memref<12x64x128xf32, #tpu.memory_space<vmem>> -> memref<1x64x128xf32, #tpu.memory_space<vmem>>
    %gather3A_284 = tpu.memref_squeeze %gather3A_283 : memref<1x64x128xf32, #tpu.memory_space<vmem>> -> memref<64x128xf32, #tpu.memory_space<vmem>>
    %gather3A_285 = tpu.vector_load_idx %gather3A_284[%add3A_280, %broadcast_in_dim3A] : memref<64x128xf32, #tpu.memory_space<vmem>>[vector<16xi32>, vector<16xi32>], vector<16xf32>,
    %swap3A = arith.constant 0 : i32
    %swap3A_286 = arith.index_cast %swap3A : i32 to index
    %swap3A_287 = arith.constant 0 : index
    %swap3A_288 = tpu.vector_load %arg7[%swap3A_286, %swap3A_287] {strides = array<i32>} : memref<32x64xf32, #tpu.memory_space<vmem>>, vector<16xf32>,
    tpu.vector_store %arg7[%swap3A_286, %swap3A_287], %gather3A_285 {strides = array<i32>} : memref<32x64xf32, #tpu.memory_space<vmem>>, vector<16xf32>,
    %add3A_289 = arith.constant 16 : i32
    %add3A_290 = vector.broadcast %add3A_289 : i32 to vector<16xi32>
    %add3A_291 = arith.addi %iota3A, %add3A_290 : vector<16xi32>
    %gather3A_292 = arith.constant 0 : i32
    %gather3A_293 = arith.constant 0 : i32
    %gather3A_294 = arith.constant 0 : i32
    %gather3A_295 = tpu.memref_slice %arg6[%gather3A_292, %gather3A_293, %gather3A_294] : memref<12x64x128xf32, #tpu.memory_space<vmem>> -> memref<1x64x128xf32, #tpu.memory_space<vmem>>
    %gather3A_296 = tpu.memref_squeeze %gather3A_295 : memref<1x64x128xf32, #tpu.memory_space<vmem>> -> memref<64x128xf32, #tpu.memory_space<vmem>>
    %gather3A_297 = tpu.vector_load_idx %gather3A_296[%add3A_291, %broadcast_in_dim3A] : memref<64x128xf32, #tpu.memory_space<vmem>>[vector<16xi32>, vector<16xi32>], vector<16xf32>,
    %swap3A_298 = arith.constant 0 : i32
    %swap3A_299 = arith.index_cast %swap3A_298 : i32 to index
    %swap3A_300 = arith.constant 16 : index
    %swap3A_301 = tpu.vector_load %arg7[%swap3A_299, %swap3A_300] {strides = array<i32>} : memref<32x64xf32, #tpu.memory_space<vmem>>, vector<16xf32>,
    tpu.vector_store %arg7[%swap3A_299, %swap3A_300], %gather3A_297 {strides = array<i32>} : memref<32x64xf32, #tpu.memory_space<vmem>>, vector<16xf32>,
    %add3A_302 = arith.constant 32 : i32
    %add3A_303 = vector.broadcast %add3A_302 : i32 to vector<16xi32>
    %add3A_304 = arith.addi %iota3A, %add3A_303 : vector<16xi32>
    %gather3A_305 = arith.constant 0 : i32
    %gather3A_306 = arith.constant 0 : i32
    %gather3A_307 = arith.constant 0 : i32
    %gather3A_308 = tpu.memref_slice %arg6[%gather3A_305, %gather3A_306, %gather3A_307] : memref<12x64x128xf32, #tpu.memory_space<vmem>> -> memref<1x64x128xf32, #tpu.memory_space<vmem>>
    %gather3A_309 = tpu.memref_squeeze %gather3A_308 : memref<1x64x128xf32, #tpu.memory_space<vmem>> -> memref<64x128xf32, #tpu.memory_space<vmem>>
    %gather3A_310 = tpu.vector_load_idx %gather3A_309[%add3A_304, %broadcast_in_dim3A] : memref<64x128xf32, #tpu.memory_space<vmem>>[vector<16xi32>, vector<16xi32>], vector<16xf32>,
    %swap3A_311 = arith.constant 0 : i32
    %swap3A_312 = arith.index_cast %swap3A_311 : i32 to index
    %swap3A_313 = arith.constant 32 : index
    %swap3A_314 = tpu.vector_load %arg7[%swap3A_312, %swap3A_313] {strides = array<i32>} : memref<32x64xf32, #tpu.memory_space<vmem>>, vector<16xf32>,
    tpu.vector_store %arg7[%swap3A_312, %swap3A_313], %gather3A_310 {strides = array<i32>} : memref<32x64xf32, #tpu.memory_space<vmem>>, vector<16xf32>,
    %add3A_315 = arith.constant 48 : i32
    %add3A_316 = vector.broadcast %add3A_315 : i32 to vector<16xi32>
    %add3A_317 = arith.addi %iota3A, %add3A_316 : vector<16xi32>
    %gather3A_318 = arith.constant 0 : i32
    %gather3A_319 = arith.constant 0 : i32
    %gather3A_320 = arith.constant 0 : i32
    %gather3A_321 = tpu.memref_slice %arg6[%gather3A_318, %gather3A_319, %gather3A_320] : memref<12x64x128xf32, #tpu.memory_space<vmem>> -> memref<1x64x128xf32, #tpu.memory_space<vmem>>
    %gather3A_322 = tpu.memref_squeeze %gather3A_321 : memref<1x64x128xf32, #tpu.memory_space<vmem>> -> memref<64x128xf32, #tpu.memory_space<vmem>>
    %gather3A_323 = tpu.vector_load_idx %gather3A_322[%add3A_317, %broadcast_in_dim3A] : memref<64x128xf32, #tpu.memory_space<vmem>>[vector<16xi32>, vector<16xi32>], vector<16xf32>,
    %swap3A_324 = arith.constant 0 : i32
    %swap3A_325 = arith.index_cast %swap3A_324 : i32 to index
    %swap3A_326 = arith.constant 48 : index
    %swap3A_327 = tpu.vector_load %arg7[%swap3A_325, %swap3A_326] {strides = array<i32>} : memref<32x64xf32, #tpu.memory_space<vmem>>, vector<16xf32>,
    tpu.vector_store %arg7[%swap3A_325, %swap3A_326], %gather3A_323 {strides = array<i32>} : memref<32x64xf32, #tpu.memory_space<vmem>>, vector<16xf32>,
    %get3A_328 = arith.constant 0 : index
    %get3A_329 = tpu.vector_load %arg5[%get3A_328] {strides = array<i32>} : memref<32xi32, #tpu.memory_space<vmem>>, vector<16xi32>,
    %slice3A_330 = vector.extract_strided_slice %get3A_329 {offsets = [12], sizes = [1], strides = [1]} : vector<16xi32> to vector<1xi32>
    %squeeze3A_331 = vector.extract %slice3A_330[0] : i32 from vector<1xi32>
    %shift_right_logical3A_332 = arith.constant 7 : i32
    %shift_right_logical3A_333 = arith.shrui %squeeze3A_331, %shift_right_logical3A_332 : i32
    %mul3A_334 = arith.constant 128 : i32
    %mul3A_335 = arith.muli %shift_right_logical3A_333, %mul3A_334 : i32
    %multiple_of3A_336 = tpu.assume_multiple %mul3A_335, 128 : i32
    %dma_start3A_337 = arith.constant 0 : i32
    %dma_start3A_338 = arith.constant 0 : i32
    %dma_start3A_339 = arith.constant 0 : i32
    %dma_start3A_340 = tpu.memref_slice %arg6[%dma_start3A_337, %dma_start3A_338, %dma_start3A_339] : memref<12x64x128xf32, #tpu.memory_space<vmem>> -> memref<1x64x128xf32, #tpu.memory_space<vmem>>
    %dma_start3A_341 = tpu.memref_squeeze %dma_start3A_340 : memref<1x64x128xf32, #tpu.memory_space<vmem>> -> memref<64x128xf32, #tpu.memory_space<vmem>>
    %dma_start3A_342 = arith.constant 0 : i32
    %dma_start3A_343 = tpu.memref_slice %arg3[%dma_start3A_342, %multiple_of3A_336] : memref<64x100000xf32, #tpu.memory_space<hbm>> -> memref<64x128xf32, #tpu.memory_space<hbm>>
    %dma_start3A_344 = arith.constant 0 : i32
    %dma_start3A_345 = arith.constant 0 : i32
    %dma_start3A_346 = tpu.memref_slice %arg6[%dma_start3A_337, %dma_start3A_344, %dma_start3A_345] : memref<12x64x128xf32, #tpu.memory_space<vmem>> -> memref<1x64x128xf32, #tpu.memory_space<vmem>>
    %dma_start3A_347 = tpu.memref_squeeze %dma_start3A_346 : memref<1x64x128xf32, #tpu.memory_space<vmem>> -> memref<64x128xf32, #tpu.memory_space<vmem>>
    %dma_start3A_348 = arith.constant 0 : i32
    %dma_start3A_349 = tpu.memref_slice %arg3[%dma_start3A_348, %multiple_of3A_336] : memref<64x100000xf32, #tpu.memory_space<hbm>> -> memref<64x128xf32, #tpu.memory_space<hbm>>
    tpu.enqueue_dma source(%dma_start3A_349 : memref<64x128xf32, #tpu.memory_space<hbm>>) target(%dma_start3A_347 : memref<64x128xf32, #tpu.memory_space<vmem>>) target_semaphore(%arg8 : memref<!tpu.dma_semaphore, #tpu.memory_space<semaphore_mem>>)
    %dma_wait3A_350 = arith.constant 1 : i32
    %dma_wait3A_351 = arith.constant 0 : i32
    %dma_wait3A_352 = arith.constant 0 : i32
    %dma_wait3A_353 = tpu.memref_slice %arg6[%dma_wait3A_350, %dma_wait3A_351, %dma_wait3A_352] : memref<12x64x128xf32, #tpu.memory_space<vmem>> -> memref<1x64x128xf32, #tpu.memory_space<vmem>>
    %dma_wait3A_354 = tpu.memref_squeeze %dma_wait3A_353 : memref<1x64x128xf32, #tpu.memory_space<vmem>> -> memref<64x128xf32, #tpu.memory_space<vmem>>
    %dma_wait3A_355 = arith.constant 0 : i32
    %dma_wait3A_356 = tpu.memref_slice %arg3[%dma_wait3A_355, %multiple_of3A_27] : memref<64x100000xf32, #tpu.memory_space<hbm>> -> memref<64x128xf32, #tpu.memory_space<hbm>>
    %dma_wait3A_357 = arith.constant 0 : i32
    %dma_wait3A_358 = arith.constant 0 : i32
    %dma_wait3A_359 = tpu.memref_slice %arg6[%dma_wait3A_350, %dma_wait3A_357, %dma_wait3A_358] : memref<12x64x128xf32, #tpu.memory_space<vmem>> -> memref<1x64x128xf32, #tpu.memory_space<vmem>>
    %dma_wait3A_360 = tpu.memref_squeeze %dma_wait3A_359 : memref<1x64x128xf32, #tpu.memory_space<vmem>> -> memref<64x128xf32, #tpu.memory_space<vmem>>
    %dma_wait3A_361 = arith.constant 0 : i32
    %dma_wait3A_362 = tpu.memref_slice %arg3[%dma_wait3A_361, %multiple_of3A_27] : memref<64x100000xf32, #tpu.memory_space<hbm>> -> memref<64x128xf32, #tpu.memory_space<hbm>>
    tpu.wait_dma2 semaphore(%arg9 : memref<!tpu.dma_semaphore, #tpu.memory_space<semaphore_mem>>) src(%dma_wait3A_362 : memref<64x128xf32, #tpu.memory_space<hbm>>) dst(%dma_wait3A_360 : memref<64x128xf32, #tpu.memory_space<vmem>>)
    %get3A_363 = arith.constant 0 : index
    %get3A_364 = tpu.vector_load %arg5[%get3A_363] {strides = array<i32>} : memref<32xi32, #tpu.memory_space<vmem>>, vector<16xi32>,
    %slice3A_365 = vector.extract_strided_slice %get3A_364 {offsets = [1], sizes = [1], strides = [1]} : vector<16xi32> to vector<1xi32>
    %squeeze3A_366 = vector.extract %slice3A_365[0] : i32 from vector<1xi32>
    %and3A_367 = arith.constant 127 : i32
    %and3A_368 = arith.andi %squeeze3A_366, %and3A_367 : i32
    %broadcast_in_dim3A_369 = vector.broadcast %and3A_368 : i32 to vector<16xi32>
    %add3A_370 = arith.constant 0 : i32
    %add3A_371 = vector.broadcast %add3A_370 : i32 to vector<16xi32>
    %add3A_372 = arith.addi %iota3A, %add3A_371 : vector<16xi32>
    %gather3A_373 = arith.constant 1 : i32
    %gather3A_374 = arith.constant 0 : i32
    %gather3A_375 = arith.constant 0 : i32
    %gather3A_376 = tpu.memref_slice %arg6[%gather3A_373, %gather3A_374, %gather3A_375] : memref<12x64x128xf32, #tpu.memory_space<vmem>> -> memref<1x64x128xf32, #tpu.memory_space<vmem>>
    %gather3A_377 = tpu.memref_squeeze %gather3A_376 : memref<1x64x128xf32, #tpu.memory_space<vmem>> -> memref<64x128xf32, #tpu.memory_space<vmem>>
    %gather3A_378 = tpu.vector_load_idx %gather3A_377[%add3A_372, %broadcast_in_dim3A_369] : memref<64x128xf32, #tpu.memory_space<vmem>>[vector<16xi32>, vector<16xi32>], vector<16xf32>,
    %swap3A_379 = arith.constant 1 : i32
    %swap3A_380 = arith.index_cast %swap3A_379 : i32 to index
    %swap3A_381 = arith.constant 0 : index
    %swap3A_382 = tpu.vector_load %arg7[%swap3A_380, %swap3A_381] {strides = array<i32>} : memref<32x64xf32, #tpu.memory_space<vmem>>, vector<16xf32>,
    tpu.vector_store %arg7[%swap3A_380, %swap3A_381], %gather3A_378 {strides = array<i32>} : memref<32x64xf32, #tpu.memory_space<vmem>>, vector<16xf32>,
    %add3A_383 = arith.constant 16 : i32
    %add3A_384 = vector.broadcast %add3A_383 : i32 to vector<16xi32>
    %add3A_385 = arith.addi %iota3A, %add3A_384 : vector<16xi32>
    %gather3A_386 = arith.constant 1 : i32
    %gather3A_387 = arith.constant 0 : i32
    %gather3A_388 = arith.constant 0 : i32
    %gather3A_389 = tpu.memref_slice %arg6[%gather3A_386, %gather3A_387, %gather3A_388] : memref<12x64x128xf32, #tpu.memory_space<vmem>> -> memref<1x64x128xf32, #tpu.memory_space<vmem>>
    %gather3A_390 = tpu.memref_squeeze %gather3A_389 : memref<1x64x128xf32, #tpu.memory_space<vmem>> -> memref<64x128xf32, #tpu.memory_space<vmem>>
    %gather3A_391 = tpu.vector_load_idx %gather3A_390[%add3A_385, %broadcast_in_dim3A_369] : memref<64x128xf32, #tpu.memory_space<vmem>>[vector<16xi32>, vector<16xi32>], vector<16xf32>,
    %swap3A_392 = arith.constant 1 : i32
    %swap3A_393 = arith.index_cast %swap3A_392 : i32 to index
    %swap3A_394 = arith.constant 16 : index
    %swap3A_395 = tpu.vector_load %arg7[%swap3A_393, %swap3A_394] {strides = array<i32>} : memref<32x64xf32, #tpu.memory_space<vmem>>, vector<16xf32>,
    tpu.vector_store %arg7[%swap3A_393, %swap3A_394], %gather3A_391 {strides = array<i32>} : memref<32x64xf32, #tpu.memory_space<vmem>>, vector<16xf32>,
    %add3A_396 = arith.constant 32 : i32
    %add3A_397 = vector.broadcast %add3A_396 : i32 to vector<16xi32>
    %add3A_398 = arith.addi %iota3A, %add3A_397 : vector<16xi32>
    %gather3A_399 = arith.constant 1 : i32
    %gather3A_400 = arith.constant 0 : i32
    %gather3A_401 = arith.constant 0 : i32
    %gather3A_402 = tpu.memref_slice %arg6[%gather3A_399, %gather3A_400, %gather3A_401] : memref<12x64x128xf32, #tpu.memory_space<vmem>> -> memref<1x64x128xf32, #tpu.memory_space<vmem>>
    %gather3A_403 = tpu.memref_squeeze %gather3A_402 : memref<1x64x128xf32, #tpu.memory_space<vmem>> -> memref<64x128xf32, #tpu.memory_space<vmem>>
    %gather3A_404 = tpu.vector_load_idx %gather3A_403[%add3A_398, %broadcast_in_dim3A_369] : memref<64x128xf32, #tpu.memory_space<vmem>>[vector<16xi32>, vector<16xi32>], vector<16xf32>,
    %swap3A_405 = arith.constant 1 : i32
    %swap3A_406 = arith.index_cast %swap3A_405 : i32 to index
    %swap3A_407 = arith.constant 32 : index
    %swap3A_408 = tpu.vector_load %arg7[%swap3A_406, %swap3A_407] {strides = array<i32>} : memref<32x64xf32, #tpu.memory_space<vmem>>, vector<16xf32>,
    tpu.vector_store %arg7[%swap3A_406, %swap3A_407], %gather3A_404 {strides = array<i32>} : memref<32x64xf32, #tpu.memory_space<vmem>>, vector<16xf32>,
    %add3A_409 = arith.constant 48 : i32
    %add3A_410 = vector.broadcast %add3A_409 : i32 to vector<16xi32>
    %add3A_411 = arith.addi %iota3A, %add3A_410 : vector<16xi32>
    %gather3A_412 = arith.constant 1 : i32
    %gather3A_413 = arith.constant 0 : i32
    %gather3A_414 = arith.constant 0 : i32
    %gather3A_415 = tpu.memref_slice %arg6[%gather3A_412, %gather3A_413, %gather3A_414] : memref<12x64x128xf32, #tpu.memory_space<vmem>> -> memref<1x64x128xf32, #tpu.memory_space<vmem>>
    %gather3A_416 = tpu.memref_squeeze %gather3A_415 : memref<1x64x128xf32, #tpu.memory_space<vmem>> -> memref<64x128xf32, #tpu.memory_space<vmem>>
    %gather3A_417 = tpu.vector_load_idx %gather3A_416[%add3A_411, %broadcast_in_dim3A_369] : memref<64x128xf32, #tpu.memory_space<vmem>>[vector<16xi32>, vector<16xi32>], vector<16xf32>,
    %swap3A_418 = arith.constant 1 : i32
    %swap3A_419 = arith.index_cast %swap3A_418 : i32 to index
    %swap3A_420 = arith.constant 48 : index
    %swap3A_421 = tpu.vector_load %arg7[%swap3A_419, %swap3A_420] {strides = array<i32>} : memref<32x64xf32, #tpu.memory_space<vmem>>, vector<16xf32>,
    tpu.vector_store %arg7[%swap3A_419, %swap3A_420], %gather3A_417 {strides = array<i32>} : memref<32x64xf32, #tpu.memory_space<vmem>>, vector<16xf32>,
    %get3A_422 = arith.constant 0 : index
    %get3A_423 = tpu.vector_load %arg5[%get3A_422] {strides = array<i32>} : memref<32xi32, #tpu.memory_space<vmem>>, vector<16xi32>,
    %slice3A_424 = vector.extract_strided_slice %get3A_423 {offsets = [13], sizes = [1], strides = [1]} : vector<16xi32> to vector<1xi32>
    %squeeze3A_425 = vector.extract %slice3A_424[0] : i32 from vector<1xi32>
    %shift_right_logical3A_426 = arith.constant 7 : i32
    %shift_right_logical3A_427 = arith.shrui %squeeze3A_425, %shift_right_logical3A_426 : i32
    %mul3A_428 = arith.constant 128 : i32
    %mul3A_429 = arith.muli %shift_right_logical3A_427, %mul3A_428 : i32
    %multiple_of3A_430 = tpu.assume_multiple %mul3A_429, 128 : i32
    %dma_start3A_431 = arith.constant 1 : i32
    %dma_start3A_432 = arith.constant 0 : i32
    %dma_start3A_433 = arith.constant 0 : i32
    %dma_start3A_434 = tpu.memref_slice %arg6[%dma_start3A_431, %dma_start3A_432, %dma_start3A_433] : memref<12x64x128xf32, #tpu.memory_space<vmem>> -> memref<1x64x128xf32, #tpu.memory_space<vmem>>
    %dma_start3A_435 = tpu.memref_squeeze %dma_start3A_434 : memref<1x64x128xf32, #tpu.memory_space<vmem>> -> memref<64x128xf32, #tpu.memory_space<vmem>>
    %dma_start3A_436 = arith.constant 0 : i32
    %dma_start3A_437 = tpu.memref_slice %arg3[%dma_start3A_436, %multiple_of3A_430] : memref<64x100000xf32, #tpu.memory_space<hbm>> -> memref<64x128xf32, #tpu.memory_space<hbm>>
    %dma_start3A_438 = arith.constant 0 : i32
    %dma_start3A_439 = arith.constant 0 : i32
    %dma_start3A_440 = tpu.memref_slice %arg6[%dma_start3A_431, %dma_start3A_438, %dma_start3A_439] : memref<12x64x128xf32, #tpu.memory_space<vmem>> -> memref<1x64x128xf32, #tpu.memory_space<vmem>>
    %dma_start3A_441 = tpu.memref_squeeze %dma_start3A_440 : memref<1x64x128xf32, #tpu.memory_space<vmem>> -> memref<64x128xf32, #tpu.memory_space<vmem>>
    %dma_start3A_442 = arith.constant 0 : i32
    %dma_start3A_443 = tpu.memref_slice %arg3[%dma_start3A_442, %multiple_of3A_430] : memref<64x100000xf32, #tpu.memory_space<hbm>> -> memref<64x128xf32, #tpu.memory_space<hbm>>
    tpu.enqueue_dma source(%dma_start3A_443 : memref<64x128xf32, #tpu.memory_space<hbm>>) target(%dma_start3A_441 : memref<64x128xf32, #tpu.memory_space<vmem>>) target_semaphore(%arg9 : memref<!tpu.dma_semaphore, #tpu.memory_space<semaphore_mem>>)
    %dma_wait3A_444 = arith.constant 2 : i32
    %dma_wait3A_445 = arith.constant 0 : i32
    %dma_wait3A_446 = arith.constant 0 : i32
    %dma_wait3A_447 = tpu.memref_slice %arg6[%dma_wait3A_444, %dma_wait3A_445, %dma_wait3A_446] : memref<12x64x128xf32, #tpu.memory_space<vmem>> -> memref<1x64x128xf32, #tpu.memory_space<vmem>>
    %dma_wait3A_448 = tpu.memref_squeeze %dma_wait3A_447 : memref<1x64x128xf32, #tpu.memory_space<vmem>> -> memref<64x128xf32, #tpu.memory_space<vmem>>
    %dma_wait3A_449 = arith.constant 0 : i32
    %dma_wait3A_450 = tpu.memref_slice %arg3[%dma_wait3A_449, %multiple_of3A_49] : memref<64x100000xf32, #tpu.memory_space<hbm>> -> memref<64x128xf32, #tpu.memory_space<hbm>>
    %dma_wait3A_451 = arith.constant 0 : i32
    %dma_wait3A_452 = arith.constant 0 : i32
    %dma_wait3A_453 = tpu.memref_slice %arg6[%dma_wait3A_444, %dma_wait3A_451, %dma_wait3A_452] : memref<12x64x128xf32, #tpu.memory_space<vmem>> -> memref<1x64x128xf32, #tpu.memory_space<vmem>>
    %dma_wait3A_454 = tpu.memref_squeeze %dma_wait3A_453 : memref<1x64x128xf32, #tpu.memory_space<vmem>> -> memref<64x128xf32, #tpu.memory_space<vmem>>
    %dma_wait3A_455 = arith.constant 0 : i32
    %dma_wait3A_456 = tpu.memref_slice %arg3[%dma_wait3A_455, %multiple_of3A_49] : memref<64x100000xf32, #tpu.memory_space<hbm>> -> memref<64x128xf32, #tpu.memory_space<hbm>>
    tpu.wait_dma2 semaphore(%arg10 : memref<!tpu.dma_semaphore, #tpu.memory_space<semaphore_mem>>) src(%dma_wait3A_456 : memref<64x128xf32, #tpu.memory_space<hbm>>) dst(%dma_wait3A_454 : memref<64x128xf32, #tpu.memory_space<vmem>>)
    %get3A_457 = arith.constant 0 : index
    %get3A_458 = tpu.vector_load %arg5[%get3A_457] {strides = array<i32>} : memref<32xi32, #tpu.memory_space<vmem>>, vector<16xi32>,
    %slice3A_459 = vector.extract_strided_slice %get3A_458 {offsets = [2], sizes = [1], strides = [1]} : vector<16xi32> to vector<1xi32>
    %squeeze3A_460 = vector.extract %slice3A_459[0] : i32 from vector<1xi32>
    %and3A_461 = arith.constant 127 : i32
    %and3A_462 = arith.andi %squeeze3A_460, %and3A_461 : i32
    %broadcast_in_dim3A_463 = vector.broadcast %and3A_462 : i32 to vector<16xi32>
    %add3A_464 = arith.constant 0 : i32
    %add3A_465 = vector.broadcast %add3A_464 : i32 to vector<16xi32>
    %add3A_466 = arith.addi %iota3A, %add3A_465 : vector<16xi32>
    %gather3A_467 = arith.constant 2 : i32
    %gather3A_468 = arith.constant 0 : i32
    %gather3A_469 = arith.constant 0 : i32
    %gather3A_470 = tpu.memref_slice %arg6[%gather3A_467, %gather3A_468, %gather3A_469] : memref<12x64x128xf32, #tpu.memory_space<vmem>> -> memref<1x64x128xf32, #tpu.memory_space<vmem>>
    %gather3A_471 = tpu.memref_squeeze %gather3A_470 : memref<1x64x128xf32, #tpu.memory_space<vmem>> -> memref<64x128xf32, #tpu.memory_space<vmem>>
    %gather3A_472 = tpu.vector_load_idx %gather3A_471[%add3A_466, %broadcast_in_dim3A_463] : memref<64x128xf32, #tpu.memory_space<vmem>>[vector<16xi32>, vector<16xi32>], vector<16xf32>,
    %swap3A_473 = arith.constant 2 : i32
    %swap3A_474 = arith.index_cast %swap3A_473 : i32 to index
    %swap3A_475 = arith.constant 0 : index
    %swap3A_476 = tpu.vector_load %arg7[%swap3A_474, %swap3A_475] {strides = array<i32>} : memref<32x64xf32, #tpu.memory_space<vmem>>, vector<16xf32>,
    tpu.vector_store %arg7[%swap3A_474, %swap3A_475], %gather3A_472 {strides = array<i32>} : memref<32x64xf32, #tpu.memory_space<vmem>>, vector<16xf32>,
    %add3A_477 = arith.constant 16 : i32
    %add3A_478 = vector.broadcast %add3A_477 : i32 to vector<16xi32>
    %add3A_479 = arith.addi %iota3A, %add3A_478 : vector<16xi32>
    %gather3A_480 = arith.constant 2 : i32
    %gather3A_481 = arith.constant 0 : i32
    %gather3A_482 = arith.constant 0 : i32
    %gather3A_483 = tpu.memref_slice %arg6[%gather3A_480, %gather3A_481, %gather3A_482] : memref<12x64x128xf32, #tpu.memory_space<vmem>> -> memref<1x64x128xf32, #tpu.memory_space<vmem>>
    %gather3A_484 = tpu.memref_squeeze %gather3A_483 : memref<1x64x128xf32, #tpu.memory_space<vmem>> -> memref<64x128xf32, #tpu.memory_space<vmem>>
    %gather3A_485 = tpu.vector_load_idx %gather3A_484[%add3A_479, %broadcast_in_dim3A_463] : memref<64x128xf32, #tpu.memory_space<vmem>>[vector<16xi32>, vector<16xi32>], vector<16xf32>,
    %swap3A_486 = arith.constant 2 : i32
    %swap3A_487 = arith.index_cast %swap3A_486 : i32 to index
    %swap3A_488 = arith.constant 16 : index
    %swap3A_489 = tpu.vector_load %arg7[%swap3A_487, %swap3A_488] {strides = array<i32>} : memref<32x64xf32, #tpu.memory_space<vmem>>, vector<16xf32>,
    tpu.vector_store %arg7[%swap3A_487, %swap3A_488], %gather3A_485 {strides = array<i32>} : memref<32x64xf32, #tpu.memory_space<vmem>>, vector<16xf32>,
    %add3A_490 = arith.constant 32 : i32
    %add3A_491 = vector.broadcast %add3A_490 : i32 to vector<16xi32>
    %add3A_492 = arith.addi %iota3A, %add3A_491 : vector<16xi32>
    %gather3A_493 = arith.constant 2 : i32
    %gather3A_494 = arith.constant 0 : i32
    %gather3A_495 = arith.constant 0 : i32
    %gather3A_496 = tpu.memref_slice %arg6[%gather3A_493, %gather3A_494, %gather3A_495] : memref<12x64x128xf32, #tpu.memory_space<vmem>> -> memref<1x64x128xf32, #tpu.memory_space<vmem>>
    %gather3A_497 = tpu.memref_squeeze %gather3A_496 : memref<1x64x128xf32, #tpu.memory_space<vmem>> -> memref<64x128xf32, #tpu.memory_space<vmem>>
    %gather3A_498 = tpu.vector_load_idx %gather3A_497[%add3A_492, %broadcast_in_dim3A_463] : memref<64x128xf32, #tpu.memory_space<vmem>>[vector<16xi32>, vector<16xi32>], vector<16xf32>,
    %swap3A_499 = arith.constant 2 : i32
    %swap3A_500 = arith.index_cast %swap3A_499 : i32 to index
    %swap3A_501 = arith.constant 32 : index
    %swap3A_502 = tpu.vector_load %arg7[%swap3A_500, %swap3A_501] {strides = array<i32>} : memref<32x64xf32, #tpu.memory_space<vmem>>, vector<16xf32>,
    tpu.vector_store %arg7[%swap3A_500, %swap3A_501], %gather3A_498 {strides = array<i32>} : memref<32x64xf32, #tpu.memory_space<vmem>>, vector<16xf32>,
    %add3A_503 = arith.constant 48 : i32
    %add3A_504 = vector.broadcast %add3A_503 : i32 to vector<16xi32>
    %add3A_505 = arith.addi %iota3A, %add3A_504 : vector<16xi32>
    %gather3A_506 = arith.constant 2 : i32
    %gather3A_507 = arith.constant 0 : i32
    %gather3A_508 = arith.constant 0 : i32
    %gather3A_509 = tpu.memref_slice %arg6[%gather3A_506, %gather3A_507, %gather3A_508] : memref<12x64x128xf32, #tpu.memory_space<vmem>> -> memref<1x64x128xf32, #tpu.memory_space<vmem>>
    %gather3A_510 = tpu.memref_squeeze %gather3A_509 : memref<1x64x128xf32, #tpu.memory_space<vmem>> -> memref<64x128xf32, #tpu.memory_space<vmem>>
    %gather3A_511 = tpu.vector_load_idx %gather3A_510[%add3A_505, %broadcast_in_dim3A_463] : memref<64x128xf32, #tpu.memory_space<vmem>>[vector<16xi32>, vector<16xi32>], vector<16xf32>,
    %swap3A_512 = arith.constant 2 : i32
    %swap3A_513 = arith.index_cast %swap3A_512 : i32 to index
    %swap3A_514 = arith.constant 48 : index
    %swap3A_515 = tpu.vector_load %arg7[%swap3A_513, %swap3A_514] {strides = array<i32>} : memref<32x64xf32, #tpu.memory_space<vmem>>, vector<16xf32>,
    tpu.vector_store %arg7[%swap3A_513, %swap3A_514], %gather3A_511 {strides = array<i32>} : memref<32x64xf32, #tpu.memory_space<vmem>>, vector<16xf32>,
    %get3A_516 = arith.constant 0 : index
    %get3A_517 = tpu.vector_load %arg5[%get3A_516] {strides = array<i32>} : memref<32xi32, #tpu.memory_space<vmem>>, vector<16xi32>,
    %slice3A_518 = vector.extract_strided_slice %get3A_517 {offsets = [14], sizes = [1], strides = [1]} : vector<16xi32> to vector<1xi32>
    %squeeze3A_519 = vector.extract %slice3A_518[0] : i32 from vector<1xi32>
    %shift_right_logical3A_520 = arith.constant 7 : i32
    %shift_right_logical3A_521 = arith.shrui %squeeze3A_519, %shift_right_logical3A_520 : i32
    %mul3A_522 = arith.constant 128 : i32
    %mul3A_523 = arith.muli %shift_right_logical3A_521, %mul3A_522 : i32
    %multiple_of3A_524 = tpu.assume_multiple %mul3A_523, 128 : i32
    %dma_start3A_525 = arith.constant 2 : i32
    %dma_start3A_526 = arith.constant 0 : i32
    %dma_start3A_527 = arith.constant 0 : i32
    %dma_start3A_528 = tpu.memref_slice %arg6[%dma_start3A_525, %dma_start3A_526, %dma_start3A_527] : memref<12x64x128xf32, #tpu.memory_space<vmem>> -> memref<1x64x128xf32, #tpu.memory_space<vmem>>
    %dma_start3A_529 = tpu.memref_squeeze %dma_start3A_528 : memref<1x64x128xf32, #tpu.memory_space<vmem>> -> memref<64x128xf32, #tpu.memory_space<vmem>>
    %dma_start3A_530 = arith.constant 0 : i32
    %dma_start3A_531 = tpu.memref_slice %arg3[%dma_start3A_530, %multiple_of3A_524] : memref<64x100000xf32, #tpu.memory_space<hbm>> -> memref<64x128xf32, #tpu.memory_space<hbm>>
    %dma_start3A_532 = arith.constant 0 : i32
    %dma_start3A_533 = arith.constant 0 : i32
    %dma_start3A_534 = tpu.memref_slice %arg6[%dma_start3A_525, %dma_start3A_532, %dma_start3A_533] : memref<12x64x128xf32, #tpu.memory_space<vmem>> -> memref<1x64x128xf32, #tpu.memory_space<vmem>>
    %dma_start3A_535 = tpu.memref_squeeze %dma_start3A_534 : memref<1x64x128xf32, #tpu.memory_space<vmem>> -> memref<64x128xf32, #tpu.memory_space<vmem>>
    %dma_start3A_536 = arith.constant 0 : i32
    %dma_start3A_537 = tpu.memref_slice %arg3[%dma_start3A_536, %multiple_of3A_524] : memref<64x100000xf32, #tpu.memory_space<hbm>> -> memref<64x128xf32, #tpu.memory_space<hbm>>
    tpu.enqueue_dma source(%dma_start3A_537 : memref<64x128xf32, #tpu.memory_space<hbm>>) target(%dma_start3A_535 : memref<64x128xf32, #tpu.memory_space<vmem>>) target_semaphore(%arg10 : memref<!tpu.dma_semaphore, #tpu.memory_space<semaphore_mem>>)
    %dma_wait3A_538 = arith.constant 3 : i32
    %dma_wait3A_539 = arith.constant 0 : i32
    %dma_wait3A_540 = arith.constant 0 : i32
    %dma_wait3A_541 = tpu.memref_slice %arg6[%dma_wait3A_538, %dma_wait3A_539, %dma_wait3A_540] : memref<12x64x128xf32, #tpu.memory_space<vmem>> -> memref<1x64x128xf32, #tpu.memory_space<vmem>>
    %dma_wait3A_542 = tpu.memref_squeeze %dma_wait3A_541 : memref<1x64x128xf32, #tpu.memory_space<vmem>> -> memref<64x128xf32, #tpu.memory_space<vmem>>
    %dma_wait3A_543 = arith.constant 0 : i32
    %dma_wait3A_544 = tpu.memref_slice %arg3[%dma_wait3A_543, %multiple_of3A_71] : memref<64x100000xf32, #tpu.memory_space<hbm>> -> memref<64x128xf32, #tpu.memory_space<hbm>>
    %dma_wait3A_545 = arith.constant 0 : i32
    %dma_wait3A_546 = arith.constant 0 : i32
    %dma_wait3A_547 = tpu.memref_slice %arg6[%dma_wait3A_538, %dma_wait3A_545, %dma_wait3A_546] : memref<12x64x128xf32, #tpu.memory_space<vmem>> -> memref<1x64x128xf32, #tpu.memory_space<vmem>>
    %dma_wait3A_548 = tpu.memref_squeeze %dma_wait3A_547 : memref<1x64x128xf32, #tpu.memory_space<vmem>> -> memref<64x128xf32, #tpu.memory_space<vmem>>
    %dma_wait3A_549 = arith.constant 0 : i32
    %dma_wait3A_550 = tpu.memref_slice %arg3[%dma_wait3A_549, %multiple_of3A_71] : memref<64x100000xf32, #tpu.memory_space<hbm>> -> memref<64x128xf32, #tpu.memory_space<hbm>>
    tpu.wait_dma2 semaphore(%arg11 : memref<!tpu.dma_semaphore, #tpu.memory_space<semaphore_mem>>) src(%dma_wait3A_550 : memref<64x128xf32, #tpu.memory_space<hbm>>) dst(%dma_wait3A_548 : memref<64x128xf32, #tpu.memory_space<vmem>>)
    %get3A_551 = arith.constant 0 : index
    %get3A_552 = tpu.vector_load %arg5[%get3A_551] {strides = array<i32>} : memref<32xi32, #tpu.memory_space<vmem>>, vector<16xi32>,
    %slice3A_553 = vector.extract_strided_slice %get3A_552 {offsets = [3], sizes = [1], strides = [1]} : vector<16xi32> to vector<1xi32>
    %squeeze3A_554 = vector.extract %slice3A_553[0] : i32 from vector<1xi32>
    %and3A_555 = arith.constant 127 : i32
    %and3A_556 = arith.andi %squeeze3A_554, %and3A_555 : i32
    %broadcast_in_dim3A_557 = vector.broadcast %and3A_556 : i32 to vector<16xi32>
    %add3A_558 = arith.constant 0 : i32
    %add3A_559 = vector.broadcast %add3A_558 : i32 to vector<16xi32>
    %add3A_560 = arith.addi %iota3A, %add3A_559 : vector<16xi32>
    %gather3A_561 = arith.constant 3 : i32
    %gather3A_562 = arith.constant 0 : i32
    %gather3A_563 = arith.constant 0 : i32
    %gather3A_564 = tpu.memref_slice %arg6[%gather3A_561, %gather3A_562, %gather3A_563] : memref<12x64x128xf32, #tpu.memory_space<vmem>> -> memref<1x64x128xf32, #tpu.memory_space<vmem>>
    %gather3A_565 = tpu.memref_squeeze %gather3A_564 : memref<1x64x128xf32, #tpu.memory_space<vmem>> -> memref<64x128xf32, #tpu.memory_space<vmem>>
    %gather3A_566 = tpu.vector_load_idx %gather3A_565[%add3A_560, %broadcast_in_dim3A_557] : memref<64x128xf32, #tpu.memory_space<vmem>>[vector<16xi32>, vector<16xi32>], vector<16xf32>,
    %swap3A_567 = arith.constant 3 : i32
    %swap3A_568 = arith.index_cast %swap3A_567 : i32 to index
    %swap3A_569 = arith.constant 0 : index
    %swap3A_570 = tpu.vector_load %arg7[%swap3A_568, %swap3A_569] {strides = array<i32>} : memref<32x64xf32, #tpu.memory_space<vmem>>, vector<16xf32>,
    tpu.vector_store %arg7[%swap3A_568, %swap3A_569], %gather3A_566 {strides = array<i32>} : memref<32x64xf32, #tpu.memory_space<vmem>>, vector<16xf32>,
    %add3A_571 = arith.constant 16 : i32
    %add3A_572 = vector.broadcast %add3A_571 : i32 to vector<16xi32>
    %add3A_573 = arith.addi %iota3A, %add3A_572 : vector<16xi32>
    %gather3A_574 = arith.constant 3 : i32
    %gather3A_575 = arith.constant 0 : i32
    %gather3A_576 = arith.constant 0 : i32
    %gather3A_577 = tpu.memref_slice %arg6[%gather3A_574, %gather3A_575, %gather3A_576] : memref<12x64x128xf32, #tpu.memory_space<vmem>> -> memref<1x64x128xf32, #tpu.memory_space<vmem>>
    %gather3A_578 = tpu.memref_squeeze %gather3A_577 : memref<1x64x128xf32, #tpu.memory_space<vmem>> -> memref<64x128xf32, #tpu.memory_space<vmem>>
    %gather3A_579 = tpu.vector_load_idx %gather3A_578[%add3A_573, %broadcast_in_dim3A_557] : memref<64x128xf32, #tpu.memory_space<vmem>>[vector<16xi32>, vector<16xi32>], vector<16xf32>,
    %swap3A_580 = arith.constant 3 : i32
    %swap3A_581 = arith.index_cast %swap3A_580 : i32 to index
    %swap3A_582 = arith.constant 16 : index
    %swap3A_583 = tpu.vector_load %arg7[%swap3A_581, %swap3A_582] {strides = array<i32>} : memref<32x64xf32, #tpu.memory_space<vmem>>, vector<16xf32>,
    tpu.vector_store %arg7[%swap3A_581, %swap3A_582], %gather3A_579 {strides = array<i32>} : memref<32x64xf32, #tpu.memory_space<vmem>>, vector<16xf32>,
    %add3A_584 = arith.constant 32 : i32
    %add3A_585 = vector.broadcast %add3A_584 : i32 to vector<16xi32>
    %add3A_586 = arith.addi %iota3A, %add3A_585 : vector<16xi32>
    %gather3A_587 = arith.constant 3 : i32
    %gather3A_588 = arith.constant 0 : i32
    %gather3A_589 = arith.constant 0 : i32
    %gather3A_590 = tpu.memref_slice %arg6[%gather3A_587, %gather3A_588, %gather3A_589] : memref<12x64x128xf32, #tpu.memory_space<vmem>> -> memref<1x64x128xf32, #tpu.memory_space<vmem>>
    %gather3A_591 = tpu.memref_squeeze %gather3A_590 : memref<1x64x128xf32, #tpu.memory_space<vmem>> -> memref<64x128xf32, #tpu.memory_space<vmem>>
    %gather3A_592 = tpu.vector_load_idx %gather3A_591[%add3A_586, %broadcast_in_dim3A_557] : memref<64x128xf32, #tpu.memory_space<vmem>>[vector<16xi32>, vector<16xi32>], vector<16xf32>,
    %swap3A_593 = arith.constant 3 : i32
    %swap3A_594 = arith.index_cast %swap3A_593 : i32 to index
    %swap3A_595 = arith.constant 32 : index
    %swap3A_596 = tpu.vector_load %arg7[%swap3A_594, %swap3A_595] {strides = array<i32>} : memref<32x64xf32, #tpu.memory_space<vmem>>, vector<16xf32>,
    tpu.vector_store %arg7[%swap3A_594, %swap3A_595], %gather3A_592 {strides = array<i32>} : memref<32x64xf32, #tpu.memory_space<vmem>>, vector<16xf32>,
    %add3A_597 = arith.constant 48 : i32
    %add3A_598 = vector.broadcast %add3A_597 : i32 to vector<16xi32>
    %add3A_599 = arith.addi %iota3A, %add3A_598 : vector<16xi32>
    %gather3A_600 = arith.constant 3 : i32
    %gather3A_601 = arith.constant 0 : i32
    %gather3A_602 = arith.constant 0 : i32
    %gather3A_603 = tpu.memref_slice %arg6[%gather3A_600, %gather3A_601, %gather3A_602] : memref<12x64x128xf32, #tpu.memory_space<vmem>> -> memref<1x64x128xf32, #tpu.memory_space<vmem>>
    %gather3A_604 = tpu.memref_squeeze %gather3A_603 : memref<1x64x128xf32, #tpu.memory_space<vmem>> -> memref<64x128xf32, #tpu.memory_space<vmem>>
    %gather3A_605 = tpu.vector_load_idx %gather3A_604[%add3A_599, %broadcast_in_dim3A_557] : memref<64x128xf32, #tpu.memory_space<vmem>>[vector<16xi32>, vector<16xi32>], vector<16xf32>,
    %swap3A_606 = arith.constant 3 : i32
    %swap3A_607 = arith.index_cast %swap3A_606 : i32 to index
    %swap3A_608 = arith.constant 48 : index
    %swap3A_609 = tpu.vector_load %arg7[%swap3A_607, %swap3A_608] {strides = array<i32>} : memref<32x64xf32, #tpu.memory_space<vmem>>, vector<16xf32>,
    tpu.vector_store %arg7[%swap3A_607, %swap3A_608], %gather3A_605 {strides = array<i32>} : memref<32x64xf32, #tpu.memory_space<vmem>>, vector<16xf32>,
    %get3A_610 = arith.constant 0 : index
    %get3A_611 = tpu.vector_load %arg5[%get3A_610] {strides = array<i32>} : memref<32xi32, #tpu.memory_space<vmem>>, vector<16xi32>,
    %slice3A_612 = vector.extract_strided_slice %get3A_611 {offsets = [15], sizes = [1], strides = [1]} : vector<16xi32> to vector<1xi32>
    %squeeze3A_613 = vector.extract %slice3A_612[0] : i32 from vector<1xi32>
    %shift_right_logical3A_614 = arith.constant 7 : i32
    %shift_right_logical3A_615 = arith.shrui %squeeze3A_613, %shift_right_logical3A_614 : i32
    %mul3A_616 = arith.constant 128 : i32
    %mul3A_617 = arith.muli %shift_right_logical3A_615, %mul3A_616 : i32
    %multiple_of3A_618 = tpu.assume_multiple %mul3A_617, 128 : i32
    %dma_start3A_619 = arith.constant 3 : i32
    %dma_start3A_620 = arith.constant 0 : i32
    %dma_start3A_621 = arith.constant 0 : i32
    %dma_start3A_622 = tpu.memref_slice %arg6[%dma_start3A_619, %dma_start3A_620, %dma_start3A_621] : memref<12x64x128xf32, #tpu.memory_space<vmem>> -> memref<1x64x128xf32, #tpu.memory_space<vmem>>
    %dma_start3A_623 = tpu.memref_squeeze %dma_start3A_622 : memref<1x64x128xf32, #tpu.memory_space<vmem>> -> memref<64x128xf32, #tpu.memory_space<vmem>>
    %dma_start3A_624 = arith.constant 0 : i32
    %dma_start3A_625 = tpu.memref_slice %arg3[%dma_start3A_624, %multiple_of3A_618] : memref<64x100000xf32, #tpu.memory_space<hbm>> -> memref<64x128xf32, #tpu.memory_space<hbm>>
    %dma_start3A_626 = arith.constant 0 : i32
    %dma_start3A_627 = arith.constant 0 : i32
    %dma_start3A_628 = tpu.memref_slice %arg6[%dma_start3A_619, %dma_start3A_626, %dma_start3A_627] : memref<12x64x128xf32, #tpu.memory_space<vmem>> -> memref<1x64x128xf32, #tpu.memory_space<vmem>>
    %dma_start3A_629 = tpu.memref_squeeze %dma_start3A_628 : memref<1x64x128xf32, #tpu.memory_space<vmem>> -> memref<64x128xf32, #tpu.memory_space<vmem>>
    %dma_start3A_630 = arith.constant 0 : i32
    %dma_start3A_631 = tpu.memref_slice %arg3[%dma_start3A_630, %multiple_of3A_618] : memref<64x100000xf32, #tpu.memory_space<hbm>> -> memref<64x128xf32, #tpu.memory_space<hbm>>
    tpu.enqueue_dma source(%dma_start3A_631 : memref<64x128xf32, #tpu.memory_space<hbm>>) target(%dma_start3A_629 : memref<64x128xf32, #tpu.memory_space<vmem>>) target_semaphore(%arg11 : memref<!tpu.dma_semaphore, #tpu.memory_space<semaphore_mem>>)
    %dma_wait3A_632 = arith.constant 4 : i32
    %dma_wait3A_633 = arith.constant 0 : i32
    %dma_wait3A_634 = arith.constant 0 : i32
    %dma_wait3A_635 = tpu.memref_slice %arg6[%dma_wait3A_632, %dma_wait3A_633, %dma_wait3A_634] : memref<12x64x128xf32, #tpu.memory_space<vmem>> -> memref<1x64x128xf32, #tpu.memory_space<vmem>>
    %dma_wait3A_636 = tpu.memref_squeeze %dma_wait3A_635 : memref<1x64x128xf32, #tpu.memory_space<vmem>> -> memref<64x128xf32, #tpu.memory_space<vmem>>
    %dma_wait3A_637 = arith.constant 0 : i32
    %dma_wait3A_638 = tpu.memref_slice %arg3[%dma_wait3A_637, %multiple_of3A_93] : memref<64x100000xf32, #tpu.memory_space<hbm>> -> memref<64x128xf32, #tpu.memory_space<hbm>>
    %dma_wait3A_639 = arith.constant 0 : i32
    %dma_wait3A_640 = arith.constant 0 : i32
    %dma_wait3A_641 = tpu.memref_slice %arg6[%dma_wait3A_632, %dma_wait3A_639, %dma_wait3A_640] : memref<12x64x128xf32, #tpu.memory_space<vmem>> -> memref<1x64x128xf32, #tpu.memory_space<vmem>>
    %dma_wait3A_642 = tpu.memref_squeeze %dma_wait3A_641 : memref<1x64x128xf32, #tpu.memory_space<vmem>> -> memref<64x128xf32, #tpu.memory_space<vmem>>
    %dma_wait3A_643 = arith.constant 0 : i32
    %dma_wait3A_644 = tpu.memref_slice %arg3[%dma_wait3A_643, %multiple_of3A_93] : memref<64x100000xf32, #tpu.memory_space<hbm>> -> memref<64x128xf32, #tpu.memory_space<hbm>>
    tpu.wait_dma2 semaphore(%arg12 : memref<!tpu.dma_semaphore, #tpu.memory_space<semaphore_mem>>) src(%dma_wait3A_644 : memref<64x128xf32, #tpu.memory_space<hbm>>) dst(%dma_wait3A_642 : memref<64x128xf32, #tpu.memory_space<vmem>>)
    %get3A_645 = arith.constant 0 : index
    %get3A_646 = tpu.vector_load %arg5[%get3A_645] {strides = array<i32>} : memref<32xi32, #tpu.memory_space<vmem>>, vector<16xi32>,
    %slice3A_647 = vector.extract_strided_slice %get3A_646 {offsets = [4], sizes = [1], strides = [1]} : vector<16xi32> to vector<1xi32>
    %squeeze3A_648 = vector.extract %slice3A_647[0] : i32 from vector<1xi32>
    %and3A_649 = arith.constant 127 : i32
    %and3A_650 = arith.andi %squeeze3A_648, %and3A_649 : i32
    %broadcast_in_dim3A_651 = vector.broadcast %and3A_650 : i32 to vector<16xi32>
    %add3A_652 = arith.constant 0 : i32
    %add3A_653 = vector.broadcast %add3A_652 : i32 to vector<16xi32>
    %add3A_654 = arith.addi %iota3A, %add3A_653 : vector<16xi32>
    %gather3A_655 = arith.constant 4 : i32
    %gather3A_656 = arith.constant 0 : i32
    %gather3A_657 = arith.constant 0 : i32
    %gather3A_658 = tpu.memref_slice %arg6[%gather3A_655, %gather3A_656, %gather3A_657] : memref<12x64x128xf32, #tpu.memory_space<vmem>> -> memref<1x64x128xf32, #tpu.memory_space<vmem>>
    %gather3A_659 = tpu.memref_squeeze %gather3A_658 : memref<1x64x128xf32, #tpu.memory_space<vmem>> -> memref<64x128xf32, #tpu.memory_space<vmem>>
    %gather3A_660 = tpu.vector_load_idx %gather3A_659[%add3A_654, %broadcast_in_dim3A_651] : memref<64x128xf32, #tpu.memory_space<vmem>>[vector<16xi32>, vector<16xi32>], vector<16xf32>,
    %swap3A_661 = arith.constant 4 : i32
    %swap3A_662 = arith.index_cast %swap3A_661 : i32 to index
    %swap3A_663 = arith.constant 0 : index
    %swap3A_664 = tpu.vector_load %arg7[%swap3A_662, %swap3A_663] {strides = array<i32>} : memref<32x64xf32, #tpu.memory_space<vmem>>, vector<16xf32>,
    tpu.vector_store %arg7[%swap3A_662, %swap3A_663], %gather3A_660 {strides = array<i32>} : memref<32x64xf32, #tpu.memory_space<vmem>>, vector<16xf32>,
    %add3A_665 = arith.constant 16 : i32
    %add3A_666 = vector.broadcast %add3A_665 : i32 to vector<16xi32>
    %add3A_667 = arith.addi %iota3A, %add3A_666 : vector<16xi32>
    %gather3A_668 = arith.constant 4 : i32
    %gather3A_669 = arith.constant 0 : i32
    %gather3A_670 = arith.constant 0 : i32
    %gather3A_671 = tpu.memref_slice %arg6[%gather3A_668, %gather3A_669, %gather3A_670] : memref<12x64x128xf32, #tpu.memory_space<vmem>> -> memref<1x64x128xf32, #tpu.memory_space<vmem>>
    %gather3A_672 = tpu.memref_squeeze %gather3A_671 : memref<1x64x128xf32, #tpu.memory_space<vmem>> -> memref<64x128xf32, #tpu.memory_space<vmem>>
    %gather3A_673 = tpu.vector_load_idx %gather3A_672[%add3A_667, %broadcast_in_dim3A_651] : memref<64x128xf32, #tpu.memory_space<vmem>>[vector<16xi32>, vector<16xi32>], vector<16xf32>,
    %swap3A_674 = arith.constant 4 : i32
    %swap3A_675 = arith.index_cast %swap3A_674 : i32 to index
    %swap3A_676 = arith.constant 16 : index
    %swap3A_677 = tpu.vector_load %arg7[%swap3A_675, %swap3A_676] {strides = array<i32>} : memref<32x64xf32, #tpu.memory_space<vmem>>, vector<16xf32>,
    tpu.vector_store %arg7[%swap3A_675, %swap3A_676], %gather3A_673 {strides = array<i32>} : memref<32x64xf32, #tpu.memory_space<vmem>>, vector<16xf32>,
    %add3A_678 = arith.constant 32 : i32
    %add3A_679 = vector.broadcast %add3A_678 : i32 to vector<16xi32>
    %add3A_680 = arith.addi %iota3A, %add3A_679 : vector<16xi32>
    %gather3A_681 = arith.constant 4 : i32
    %gather3A_682 = arith.constant 0 : i32
    %gather3A_683 = arith.constant 0 : i32
    %gather3A_684 = tpu.memref_slice %arg6[%gather3A_681, %gather3A_682, %gather3A_683] : memref<12x64x128xf32, #tpu.memory_space<vmem>> -> memref<1x64x128xf32, #tpu.memory_space<vmem>>
    %gather3A_685 = tpu.memref_squeeze %gather3A_684 : memref<1x64x128xf32, #tpu.memory_space<vmem>> -> memref<64x128xf32, #tpu.memory_space<vmem>>
    %gather3A_686 = tpu.vector_load_idx %gather3A_685[%add3A_680, %broadcast_in_dim3A_651] : memref<64x128xf32, #tpu.memory_space<vmem>>[vector<16xi32>, vector<16xi32>], vector<16xf32>,
    %swap3A_687 = arith.constant 4 : i32
    %swap3A_688 = arith.index_cast %swap3A_687 : i32 to index
    %swap3A_689 = arith.constant 32 : index
    %swap3A_690 = tpu.vector_load %arg7[%swap3A_688, %swap3A_689] {strides = array<i32>} : memref<32x64xf32, #tpu.memory_space<vmem>>, vector<16xf32>,
    tpu.vector_store %arg7[%swap3A_688, %swap3A_689], %gather3A_686 {strides = array<i32>} : memref<32x64xf32, #tpu.memory_space<vmem>>, vector<16xf32>,
    %add3A_691 = arith.constant 48 : i32
    %add3A_692 = vector.broadcast %add3A_691 : i32 to vector<16xi32>
    %add3A_693 = arith.addi %iota3A, %add3A_692 : vector<16xi32>
    %gather3A_694 = arith.constant 4 : i32
    %gather3A_695 = arith.constant 0 : i32
    %gather3A_696 = arith.constant 0 : i32
    %gather3A_697 = tpu.memref_slice %arg6[%gather3A_694, %gather3A_695, %gather3A_696] : memref<12x64x128xf32, #tpu.memory_space<vmem>> -> memref<1x64x128xf32, #tpu.memory_space<vmem>>
    %gather3A_698 = tpu.memref_squeeze %gather3A_697 : memref<1x64x128xf32, #tpu.memory_space<vmem>> -> memref<64x128xf32, #tpu.memory_space<vmem>>
    %gather3A_699 = tpu.vector_load_idx %gather3A_698[%add3A_693, %broadcast_in_dim3A_651] : memref<64x128xf32, #tpu.memory_space<vmem>>[vector<16xi32>, vector<16xi32>], vector<16xf32>,
    %swap3A_700 = arith.constant 4 : i32
    %swap3A_701 = arith.index_cast %swap3A_700 : i32 to index
    %swap3A_702 = arith.constant 48 : index
    %swap3A_703 = tpu.vector_load %arg7[%swap3A_701, %swap3A_702] {strides = array<i32>} : memref<32x64xf32, #tpu.memory_space<vmem>>, vector<16xf32>,
    tpu.vector_store %arg7[%swap3A_701, %swap3A_702], %gather3A_699 {strides = array<i32>} : memref<32x64xf32, #tpu.memory_space<vmem>>, vector<16xf32>,
    %get3A_704 = arith.constant 16 : index
    %get3A_705 = tpu.vector_load %arg5[%get3A_704] {strides = array<i32>} : memref<32xi32, #tpu.memory_space<vmem>>, vector<16xi32>,
    %slice3A_706 = vector.extract_strided_slice %get3A_705 {offsets = [0], sizes = [1], strides = [1]} : vector<16xi32> to vector<1xi32>
    %squeeze3A_707 = vector.extract %slice3A_706[0] : i32 from vector<1xi32>
    %shift_right_logical3A_708 = arith.constant 7 : i32
    %shift_right_logical3A_709 = arith.shrui %squeeze3A_707, %shift_right_logical3A_708 : i32
    %mul3A_710 = arith.constant 128 : i32
    %mul3A_711 = arith.muli %shift_right_logical3A_709, %mul3A_710 : i32
    %multiple_of3A_712 = tpu.assume_multiple %mul3A_711, 128 : i32
    %dma_start3A_713 = arith.constant 4 : i32
    %dma_start3A_714 = arith.constant 0 : i32
    %dma_start3A_715 = arith.constant 0 : i32
    %dma_start3A_716 = tpu.memref_slice %arg6[%dma_start3A_713, %dma_start3A_714, %dma_start3A_715] : memref<12x64x128xf32, #tpu.memory_space<vmem>> -> memref<1x64x128xf32, #tpu.memory_space<vmem>>
    %dma_start3A_717 = tpu.memref_squeeze %dma_start3A_716 : memref<1x64x128xf32, #tpu.memory_space<vmem>> -> memref<64x128xf32, #tpu.memory_space<vmem>>
    %dma_start3A_718 = arith.constant 0 : i32
    %dma_start3A_719 = tpu.memref_slice %arg3[%dma_start3A_718, %multiple_of3A_712] : memref<64x100000xf32, #tpu.memory_space<hbm>> -> memref<64x128xf32, #tpu.memory_space<hbm>>
    %dma_start3A_720 = arith.constant 0 : i32
    %dma_start3A_721 = arith.constant 0 : i32
    %dma_start3A_722 = tpu.memref_slice %arg6[%dma_start3A_713, %dma_start3A_720, %dma_start3A_721] : memref<12x64x128xf32, #tpu.memory_space<vmem>> -> memref<1x64x128xf32, #tpu.memory_space<vmem>>
    %dma_start3A_723 = tpu.memref_squeeze %dma_start3A_722 : memref<1x64x128xf32, #tpu.memory_space<vmem>> -> memref<64x128xf32, #tpu.memory_space<vmem>>
    %dma_start3A_724 = arith.constant 0 : i32
    %dma_start3A_725 = tpu.memref_slice %arg3[%dma_start3A_724, %multiple_of3A_712] : memref<64x100000xf32, #tpu.memory_space<hbm>> -> memref<64x128xf32, #tpu.memory_space<hbm>>
    tpu.enqueue_dma source(%dma_start3A_725 : memref<64x128xf32, #tpu.memory_space<hbm>>) target(%dma_start3A_723 : memref<64x128xf32, #tpu.memory_space<vmem>>) target_semaphore(%arg12 : memref<!tpu.dma_semaphore, #tpu.memory_space<semaphore_mem>>)
    %dma_wait3A_726 = arith.constant 5 : i32
    %dma_wait3A_727 = arith.constant 0 : i32
    %dma_wait3A_728 = arith.constant 0 : i32
    %dma_wait3A_729 = tpu.memref_slice %arg6[%dma_wait3A_726, %dma_wait3A_727, %dma_wait3A_728] : memref<12x64x128xf32, #tpu.memory_space<vmem>> -> memref<1x64x128xf32, #tpu.memory_space<vmem>>
    %dma_wait3A_730 = tpu.memref_squeeze %dma_wait3A_729 : memref<1x64x128xf32, #tpu.memory_space<vmem>> -> memref<64x128xf32, #tpu.memory_space<vmem>>
    %dma_wait3A_731 = arith.constant 0 : i32
    %dma_wait3A_732 = tpu.memref_slice %arg3[%dma_wait3A_731, %multiple_of3A_115] : memref<64x100000xf32, #tpu.memory_space<hbm>> -> memref<64x128xf32, #tpu.memory_space<hbm>>
    %dma_wait3A_733 = arith.constant 0 : i32
    %dma_wait3A_734 = arith.constant 0 : i32
    %dma_wait3A_735 = tpu.memref_slice %arg6[%dma_wait3A_726, %dma_wait3A_733, %dma_wait3A_734] : memref<12x64x128xf32, #tpu.memory_space<vmem>> -> memref<1x64x128xf32, #tpu.memory_space<vmem>>
    %dma_wait3A_736 = tpu.memref_squeeze %dma_wait3A_735 : memref<1x64x128xf32, #tpu.memory_space<vmem>> -> memref<64x128xf32, #tpu.memory_space<vmem>>
    %dma_wait3A_737 = arith.constant 0 : i32
    %dma_wait3A_738 = tpu.memref_slice %arg3[%dma_wait3A_737, %multiple_of3A_115] : memref<64x100000xf32, #tpu.memory_space<hbm>> -> memref<64x128xf32, #tpu.memory_space<hbm>>
    tpu.wait_dma2 semaphore(%arg13 : memref<!tpu.dma_semaphore, #tpu.memory_space<semaphore_mem>>) src(%dma_wait3A_738 : memref<64x128xf32, #tpu.memory_space<hbm>>) dst(%dma_wait3A_736 : memref<64x128xf32, #tpu.memory_space<vmem>>)
    %get3A_739 = arith.constant 0 : index
    %get3A_740 = tpu.vector_load %arg5[%get3A_739] {strides = array<i32>} : memref<32xi32, #tpu.memory_space<vmem>>, vector<16xi32>,
    %slice3A_741 = vector.extract_strided_slice %get3A_740 {offsets = [5], sizes = [1], strides = [1]} : vector<16xi32> to vector<1xi32>
    %squeeze3A_742 = vector.extract %slice3A_741[0] : i32 from vector<1xi32>
    %and3A_743 = arith.constant 127 : i32
    %and3A_744 = arith.andi %squeeze3A_742, %and3A_743 : i32
    %broadcast_in_dim3A_745 = vector.broadcast %and3A_744 : i32 to vector<16xi32>
    %add3A_746 = arith.constant 0 : i32
    %add3A_747 = vector.broadcast %add3A_746 : i32 to vector<16xi32>
    %add3A_748 = arith.addi %iota3A, %add3A_747 : vector<16xi32>
    %gather3A_749 = arith.constant 5 : i32
    %gather3A_750 = arith.constant 0 : i32
    %gather3A_751 = arith.constant 0 : i32
    %gather3A_752 = tpu.memref_slice %arg6[%gather3A_749, %gather3A_750, %gather3A_751] : memref<12x64x128xf32, #tpu.memory_space<vmem>> -> memref<1x64x128xf32, #tpu.memory_space<vmem>>
    %gather3A_753 = tpu.memref_squeeze %gather3A_752 : memref<1x64x128xf32, #tpu.memory_space<vmem>> -> memref<64x128xf32, #tpu.memory_space<vmem>>
    %gather3A_754 = tpu.vector_load_idx %gather3A_753[%add3A_748, %broadcast_in_dim3A_745] : memref<64x128xf32, #tpu.memory_space<vmem>>[vector<16xi32>, vector<16xi32>], vector<16xf32>,
    %swap3A_755 = arith.constant 5 : i32
    %swap3A_756 = arith.index_cast %swap3A_755 : i32 to index
    %swap3A_757 = arith.constant 0 : index
    %swap3A_758 = tpu.vector_load %arg7[%swap3A_756, %swap3A_757] {strides = array<i32>} : memref<32x64xf32, #tpu.memory_space<vmem>>, vector<16xf32>,
    tpu.vector_store %arg7[%swap3A_756, %swap3A_757], %gather3A_754 {strides = array<i32>} : memref<32x64xf32, #tpu.memory_space<vmem>>, vector<16xf32>,
    %add3A_759 = arith.constant 16 : i32
    %add3A_760 = vector.broadcast %add3A_759 : i32 to vector<16xi32>
    %add3A_761 = arith.addi %iota3A, %add3A_760 : vector<16xi32>
    %gather3A_762 = arith.constant 5 : i32
    %gather3A_763 = arith.constant 0 : i32
    %gather3A_764 = arith.constant 0 : i32
    %gather3A_765 = tpu.memref_slice %arg6[%gather3A_762, %gather3A_763, %gather3A_764] : memref<12x64x128xf32, #tpu.memory_space<vmem>> -> memref<1x64x128xf32, #tpu.memory_space<vmem>>
    %gather3A_766 = tpu.memref_squeeze %gather3A_765 : memref<1x64x128xf32, #tpu.memory_space<vmem>> -> memref<64x128xf32, #tpu.memory_space<vmem>>
    %gather3A_767 = tpu.vector_load_idx %gather3A_766[%add3A_761, %broadcast_in_dim3A_745] : memref<64x128xf32, #tpu.memory_space<vmem>>[vector<16xi32>, vector<16xi32>], vector<16xf32>,
    %swap3A_768 = arith.constant 5 : i32
    %swap3A_769 = arith.index_cast %swap3A_768 : i32 to index
    %swap3A_770 = arith.constant 16 : index
    %swap3A_771 = tpu.vector_load %arg7[%swap3A_769, %swap3A_770] {strides = array<i32>} : memref<32x64xf32, #tpu.memory_space<vmem>>, vector<16xf32>,
    tpu.vector_store %arg7[%swap3A_769, %swap3A_770], %gather3A_767 {strides = array<i32>} : memref<32x64xf32, #tpu.memory_space<vmem>>, vector<16xf32>,
    %add3A_772 = arith.constant 32 : i32
    %add3A_773 = vector.broadcast %add3A_772 : i32 to vector<16xi32>
    %add3A_774 = arith.addi %iota3A, %add3A_773 : vector<16xi32>
    %gather3A_775 = arith.constant 5 : i32
    %gather3A_776 = arith.constant 0 : i32
    %gather3A_777 = arith.constant 0 : i32
    %gather3A_778 = tpu.memref_slice %arg6[%gather3A_775, %gather3A_776, %gather3A_777] : memref<12x64x128xf32, #tpu.memory_space<vmem>> -> memref<1x64x128xf32, #tpu.memory_space<vmem>>
    %gather3A_779 = tpu.memref_squeeze %gather3A_778 : memref<1x64x128xf32, #tpu.memory_space<vmem>> -> memref<64x128xf32, #tpu.memory_space<vmem>>
    %gather3A_780 = tpu.vector_load_idx %gather3A_779[%add3A_774, %broadcast_in_dim3A_745] : memref<64x128xf32, #tpu.memory_space<vmem>>[vector<16xi32>, vector<16xi32>], vector<16xf32>,
    %swap3A_781 = arith.constant 5 : i32
    %swap3A_782 = arith.index_cast %swap3A_781 : i32 to index
    %swap3A_783 = arith.constant 32 : index
    %swap3A_784 = tpu.vector_load %arg7[%swap3A_782, %swap3A_783] {strides = array<i32>} : memref<32x64xf32, #tpu.memory_space<vmem>>, vector<16xf32>,
    tpu.vector_store %arg7[%swap3A_782, %swap3A_783], %gather3A_780 {strides = array<i32>} : memref<32x64xf32, #tpu.memory_space<vmem>>, vector<16xf32>,
    %add3A_785 = arith.constant 48 : i32
    %add3A_786 = vector.broadcast %add3A_785 : i32 to vector<16xi32>
    %add3A_787 = arith.addi %iota3A, %add3A_786 : vector<16xi32>
    %gather3A_788 = arith.constant 5 : i32
    %gather3A_789 = arith.constant 0 : i32
    %gather3A_790 = arith.constant 0 : i32
    %gather3A_791 = tpu.memref_slice %arg6[%gather3A_788, %gather3A_789, %gather3A_790] : memref<12x64x128xf32, #tpu.memory_space<vmem>> -> memref<1x64x128xf32, #tpu.memory_space<vmem>>
    %gather3A_792 = tpu.memref_squeeze %gather3A_791 : memref<1x64x128xf32, #tpu.memory_space<vmem>> -> memref<64x128xf32, #tpu.memory_space<vmem>>
    %gather3A_793 = tpu.vector_load_idx %gather3A_792[%add3A_787, %broadcast_in_dim3A_745] : memref<64x128xf32, #tpu.memory_space<vmem>>[vector<16xi32>, vector<16xi32>], vector<16xf32>,
    %swap3A_794 = arith.constant 5 : i32
    %swap3A_795 = arith.index_cast %swap3A_794 : i32 to index
    %swap3A_796 = arith.constant 48 : index
    %swap3A_797 = tpu.vector_load %arg7[%swap3A_795, %swap3A_796] {strides = array<i32>} : memref<32x64xf32, #tpu.memory_space<vmem>>, vector<16xf32>,
    tpu.vector_store %arg7[%swap3A_795, %swap3A_796], %gather3A_793 {strides = array<i32>} : memref<32x64xf32, #tpu.memory_space<vmem>>, vector<16xf32>,
    %get3A_798 = arith.constant 16 : index
    %get3A_799 = tpu.vector_load %arg5[%get3A_798] {strides = array<i32>} : memref<32xi32, #tpu.memory_space<vmem>>, vector<16xi32>,
    %slice3A_800 = vector.extract_strided_slice %get3A_799 {offsets = [1], sizes = [1], strides = [1]} : vector<16xi32> to vector<1xi32>
    %squeeze3A_801 = vector.extract %slice3A_800[0] : i32 from vector<1xi32>
    %shift_right_logical3A_802 = arith.constant 7 : i32
    %shift_right_logical3A_803 = arith.shrui %squeeze3A_801, %shift_right_logical3A_802 : i32
    %mul3A_804 = arith.constant 128 : i32
    %mul3A_805 = arith.muli %shift_right_logical3A_803, %mul3A_804 : i32
    %multiple_of3A_806 = tpu.assume_multiple %mul3A_805, 128 : i32
    %dma_start3A_807 = arith.constant 5 : i32
    %dma_start3A_808 = arith.constant 0 : i32
    %dma_start3A_809 = arith.constant 0 : i32
    %dma_start3A_810 = tpu.memref_slice %arg6[%dma_start3A_807, %dma_start3A_808, %dma_start3A_809] : memref<12x64x128xf32, #tpu.memory_space<vmem>> -> memref<1x64x128xf32, #tpu.memory_space<vmem>>
    %dma_start3A_811 = tpu.memref_squeeze %dma_start3A_810 : memref<1x64x128xf32, #tpu.memory_space<vmem>> -> memref<64x128xf32, #tpu.memory_space<vmem>>
    %dma_start3A_812 = arith.constant 0 : i32
    %dma_start3A_813 = tpu.memref_slice %arg3[%dma_start3A_812, %multiple_of3A_806] : memref<64x100000xf32, #tpu.memory_space<hbm>> -> memref<64x128xf32, #tpu.memory_space<hbm>>
    %dma_start3A_814 = arith.constant 0 : i32
    %dma_start3A_815 = arith.constant 0 : i32
    %dma_start3A_816 = tpu.memref_slice %arg6[%dma_start3A_807, %dma_start3A_814, %dma_start3A_815] : memref<12x64x128xf32, #tpu.memory_space<vmem>> -> memref<1x64x128xf32, #tpu.memory_space<vmem>>
    %dma_start3A_817 = tpu.memref_squeeze %dma_start3A_816 : memref<1x64x128xf32, #tpu.memory_space<vmem>> -> memref<64x128xf32, #tpu.memory_space<vmem>>
    %dma_start3A_818 = arith.constant 0 : i32
    %dma_start3A_819 = tpu.memref_slice %arg3[%dma_start3A_818, %multiple_of3A_806] : memref<64x100000xf32, #tpu.memory_space<hbm>> -> memref<64x128xf32, #tpu.memory_space<hbm>>
    tpu.enqueue_dma source(%dma_start3A_819 : memref<64x128xf32, #tpu.memory_space<hbm>>) target(%dma_start3A_817 : memref<64x128xf32, #tpu.memory_space<vmem>>) target_semaphore(%arg13 : memref<!tpu.dma_semaphore, #tpu.memory_space<semaphore_mem>>)
    %dma_wait3A_820 = arith.constant 6 : i32
    %dma_wait3A_821 = arith.constant 0 : i32
    %dma_wait3A_822 = arith.constant 0 : i32
    %dma_wait3A_823 = tpu.memref_slice %arg6[%dma_wait3A_820, %dma_wait3A_821, %dma_wait3A_822] : memref<12x64x128xf32, #tpu.memory_space<vmem>> -> memref<1x64x128xf32, #tpu.memory_space<vmem>>
    %dma_wait3A_824 = tpu.memref_squeeze %dma_wait3A_823 : memref<1x64x128xf32, #tpu.memory_space<vmem>> -> memref<64x128xf32, #tpu.memory_space<vmem>>
    %dma_wait3A_825 = arith.constant 0 : i32
    %dma_wait3A_826 = tpu.memref_slice %arg3[%dma_wait3A_825, %multiple_of3A_137] : memref<64x100000xf32, #tpu.memory_space<hbm>> -> memref<64x128xf32, #tpu.memory_space<hbm>>
    %dma_wait3A_827 = arith.constant 0 : i32
    %dma_wait3A_828 = arith.constant 0 : i32
    %dma_wait3A_829 = tpu.memref_slice %arg6[%dma_wait3A_820, %dma_wait3A_827, %dma_wait3A_828] : memref<12x64x128xf32, #tpu.memory_space<vmem>> -> memref<1x64x128xf32, #tpu.memory_space<vmem>>
    %dma_wait3A_830 = tpu.memref_squeeze %dma_wait3A_829 : memref<1x64x128xf32, #tpu.memory_space<vmem>> -> memref<64x128xf32, #tpu.memory_space<vmem>>
    %dma_wait3A_831 = arith.constant 0 : i32
    %dma_wait3A_832 = tpu.memref_slice %arg3[%dma_wait3A_831, %multiple_of3A_137] : memref<64x100000xf32, #tpu.memory_space<hbm>> -> memref<64x128xf32, #tpu.memory_space<hbm>>
    tpu.wait_dma2 semaphore(%arg14 : memref<!tpu.dma_semaphore, #tpu.memory_space<semaphore_mem>>) src(%dma_wait3A_832 : memref<64x128xf32, #tpu.memory_space<hbm>>) dst(%dma_wait3A_830 : memref<64x128xf32, #tpu.memory_space<vmem>>)
    %get3A_833 = arith.constant 0 : index
    %get3A_834 = tpu.vector_load %arg5[%get3A_833] {strides = array<i32>} : memref<32xi32, #tpu.memory_space<vmem>>, vector<16xi32>,
    %slice3A_835 = vector.extract_strided_slice %get3A_834 {offsets = [6], sizes = [1], strides = [1]} : vector<16xi32> to vector<1xi32>
    %squeeze3A_836 = vector.extract %slice3A_835[0] : i32 from vector<1xi32>
    %and3A_837 = arith.constant 127 : i32
    %and3A_838 = arith.andi %squeeze3A_836, %and3A_837 : i32
    %broadcast_in_dim3A_839 = vector.broadcast %and3A_838 : i32 to vector<16xi32>
    %add3A_840 = arith.constant 0 : i32
    %add3A_841 = vector.broadcast %add3A_840 : i32 to vector<16xi32>
    %add3A_842 = arith.addi %iota3A, %add3A_841 : vector<16xi32>
    %gather3A_843 = arith.constant 6 : i32
    %gather3A_844 = arith.constant 0 : i32
    %gather3A_845 = arith.constant 0 : i32
    %gather3A_846 = tpu.memref_slice %arg6[%gather3A_843, %gather3A_844, %gather3A_845] : memref<12x64x128xf32, #tpu.memory_space<vmem>> -> memref<1x64x128xf32, #tpu.memory_space<vmem>>
    %gather3A_847 = tpu.memref_squeeze %gather3A_846 : memref<1x64x128xf32, #tpu.memory_space<vmem>> -> memref<64x128xf32, #tpu.memory_space<vmem>>
    %gather3A_848 = tpu.vector_load_idx %gather3A_847[%add3A_842, %broadcast_in_dim3A_839] : memref<64x128xf32, #tpu.memory_space<vmem>>[vector<16xi32>, vector<16xi32>], vector<16xf32>,
    %swap3A_849 = arith.constant 6 : i32
    %swap3A_850 = arith.index_cast %swap3A_849 : i32 to index
    %swap3A_851 = arith.constant 0 : index
    %swap3A_852 = tpu.vector_load %arg7[%swap3A_850, %swap3A_851] {strides = array<i32>} : memref<32x64xf32, #tpu.memory_space<vmem>>, vector<16xf32>,
    tpu.vector_store %arg7[%swap3A_850, %swap3A_851], %gather3A_848 {strides = array<i32>} : memref<32x64xf32, #tpu.memory_space<vmem>>, vector<16xf32>,
    %add3A_853 = arith.constant 16 : i32
    %add3A_854 = vector.broadcast %add3A_853 : i32 to vector<16xi32>
    %add3A_855 = arith.addi %iota3A, %add3A_854 : vector<16xi32>
    %gather3A_856 = arith.constant 6 : i32
    %gather3A_857 = arith.constant 0 : i32
    %gather3A_858 = arith.constant 0 : i32
    %gather3A_859 = tpu.memref_slice %arg6[%gather3A_856, %gather3A_857, %gather3A_858] : memref<12x64x128xf32, #tpu.memory_space<vmem>> -> memref<1x64x128xf32, #tpu.memory_space<vmem>>
    %gather3A_860 = tpu.memref_squeeze %gather3A_859 : memref<1x64x128xf32, #tpu.memory_space<vmem>> -> memref<64x128xf32, #tpu.memory_space<vmem>>
    %gather3A_861 = tpu.vector_load_idx %gather3A_860[%add3A_855, %broadcast_in_dim3A_839] : memref<64x128xf32, #tpu.memory_space<vmem>>[vector<16xi32>, vector<16xi32>], vector<16xf32>,
    %swap3A_862 = arith.constant 6 : i32
    %swap3A_863 = arith.index_cast %swap3A_862 : i32 to index
    %swap3A_864 = arith.constant 16 : index
    %swap3A_865 = tpu.vector_load %arg7[%swap3A_863, %swap3A_864] {strides = array<i32>} : memref<32x64xf32, #tpu.memory_space<vmem>>, vector<16xf32>,
    tpu.vector_store %arg7[%swap3A_863, %swap3A_864], %gather3A_861 {strides = array<i32>} : memref<32x64xf32, #tpu.memory_space<vmem>>, vector<16xf32>,
    %add3A_866 = arith.constant 32 : i32
    %add3A_867 = vector.broadcast %add3A_866 : i32 to vector<16xi32>
    %add3A_868 = arith.addi %iota3A, %add3A_867 : vector<16xi32>
    %gather3A_869 = arith.constant 6 : i32
    %gather3A_870 = arith.constant 0 : i32
    %gather3A_871 = arith.constant 0 : i32
    %gather3A_872 = tpu.memref_slice %arg6[%gather3A_869, %gather3A_870, %gather3A_871] : memref<12x64x128xf32, #tpu.memory_space<vmem>> -> memref<1x64x128xf32, #tpu.memory_space<vmem>>
    %gather3A_873 = tpu.memref_squeeze %gather3A_872 : memref<1x64x128xf32, #tpu.memory_space<vmem>> -> memref<64x128xf32, #tpu.memory_space<vmem>>
    %gather3A_874 = tpu.vector_load_idx %gather3A_873[%add3A_868, %broadcast_in_dim3A_839] : memref<64x128xf32, #tpu.memory_space<vmem>>[vector<16xi32>, vector<16xi32>], vector<16xf32>,
    %swap3A_875 = arith.constant 6 : i32
    %swap3A_876 = arith.index_cast %swap3A_875 : i32 to index
    %swap3A_877 = arith.constant 32 : index
    %swap3A_878 = tpu.vector_load %arg7[%swap3A_876, %swap3A_877] {strides = array<i32>} : memref<32x64xf32, #tpu.memory_space<vmem>>, vector<16xf32>,
    tpu.vector_store %arg7[%swap3A_876, %swap3A_877], %gather3A_874 {strides = array<i32>} : memref<32x64xf32, #tpu.memory_space<vmem>>, vector<16xf32>,
    %add3A_879 = arith.constant 48 : i32
    %add3A_880 = vector.broadcast %add3A_879 : i32 to vector<16xi32>
    %add3A_881 = arith.addi %iota3A, %add3A_880 : vector<16xi32>
    %gather3A_882 = arith.constant 6 : i32
    %gather3A_883 = arith.constant 0 : i32
    %gather3A_884 = arith.constant 0 : i32
    %gather3A_885 = tpu.memref_slice %arg6[%gather3A_882, %gather3A_883, %gather3A_884] : memref<12x64x128xf32, #tpu.memory_space<vmem>> -> memref<1x64x128xf32, #tpu.memory_space<vmem>>
    %gather3A_886 = tpu.memref_squeeze %gather3A_885 : memref<1x64x128xf32, #tpu.memory_space<vmem>> -> memref<64x128xf32, #tpu.memory_space<vmem>>
    %gather3A_887 = tpu.vector_load_idx %gather3A_886[%add3A_881, %broadcast_in_dim3A_839] : memref<64x128xf32, #tpu.memory_space<vmem>>[vector<16xi32>, vector<16xi32>], vector<16xf32>,
    %swap3A_888 = arith.constant 6 : i32
    %swap3A_889 = arith.index_cast %swap3A_888 : i32 to index
    %swap3A_890 = arith.constant 48 : index
    %swap3A_891 = tpu.vector_load %arg7[%swap3A_889, %swap3A_890] {strides = array<i32>} : memref<32x64xf32, #tpu.memory_space<vmem>>, vector<16xf32>,
    tpu.vector_store %arg7[%swap3A_889, %swap3A_890], %gather3A_887 {strides = array<i32>} : memref<32x64xf32, #tpu.memory_space<vmem>>, vector<16xf32>,
    %get3A_892 = arith.constant 16 : index
    %get3A_893 = tpu.vector_load %arg5[%get3A_892] {strides = array<i32>} : memref<32xi32, #tpu.memory_space<vmem>>, vector<16xi32>,
    %slice3A_894 = vector.extract_strided_slice %get3A_893 {offsets = [2], sizes = [1], strides = [1]} : vector<16xi32> to vector<1xi32>
    %squeeze3A_895 = vector.extract %slice3A_894[0] : i32 from vector<1xi32>
    %shift_right_logical3A_896 = arith.constant 7 : i32
    %shift_right_logical3A_897 = arith.shrui %squeeze3A_895, %shift_right_logical3A_896 : i32
    %mul3A_898 = arith.constant 128 : i32
    %mul3A_899 = arith.muli %shift_right_logical3A_897, %mul3A_898 : i32
    %multiple_of3A_900 = tpu.assume_multiple %mul3A_899, 128 : i32
    %dma_start3A_901 = arith.constant 6 : i32
    %dma_start3A_902 = arith.constant 0 : i32
    %dma_start3A_903 = arith.constant 0 : i32
    %dma_start3A_904 = tpu.memref_slice %arg6[%dma_start3A_901, %dma_start3A_902, %dma_start3A_903] : memref<12x64x128xf32, #tpu.memory_space<vmem>> -> memref<1x64x128xf32, #tpu.memory_space<vmem>>
    %dma_start3A_905 = tpu.memref_squeeze %dma_start3A_904 : memref<1x64x128xf32, #tpu.memory_space<vmem>> -> memref<64x128xf32, #tpu.memory_space<vmem>>
    %dma_start3A_906 = arith.constant 0 : i32
    %dma_start3A_907 = tpu.memref_slice %arg3[%dma_start3A_906, %multiple_of3A_900] : memref<64x100000xf32, #tpu.memory_space<hbm>> -> memref<64x128xf32, #tpu.memory_space<hbm>>
    %dma_start3A_908 = arith.constant 0 : i32
    %dma_start3A_909 = arith.constant 0 : i32
    %dma_start3A_910 = tpu.memref_slice %arg6[%dma_start3A_901, %dma_start3A_908, %dma_start3A_909] : memref<12x64x128xf32, #tpu.memory_space<vmem>> -> memref<1x64x128xf32, #tpu.memory_space<vmem>>
    %dma_start3A_911 = tpu.memref_squeeze %dma_start3A_910 : memref<1x64x128xf32, #tpu.memory_space<vmem>> -> memref<64x128xf32, #tpu.memory_space<vmem>>
    %dma_start3A_912 = arith.constant 0 : i32
    %dma_start3A_913 = tpu.memref_slice %arg3[%dma_start3A_912, %multiple_of3A_900] : memref<64x100000xf32, #tpu.memory_space<hbm>> -> memref<64x128xf32, #tpu.memory_space<hbm>>
    tpu.enqueue_dma source(%dma_start3A_913 : memref<64x128xf32, #tpu.memory_space<hbm>>) target(%dma_start3A_911 : memref<64x128xf32, #tpu.memory_space<vmem>>) target_semaphore(%arg14 : memref<!tpu.dma_semaphore, #tpu.memory_space<semaphore_mem>>)
    %dma_wait3A_914 = arith.constant 7 : i32
    %dma_wait3A_915 = arith.constant 0 : i32
    %dma_wait3A_916 = arith.constant 0 : i32
    %dma_wait3A_917 = tpu.memref_slice %arg6[%dma_wait3A_914, %dma_wait3A_915, %dma_wait3A_916] : memref<12x64x128xf32, #tpu.memory_space<vmem>> -> memref<1x64x128xf32, #tpu.memory_space<vmem>>
    %dma_wait3A_918 = tpu.memref_squeeze %dma_wait3A_917 : memref<1x64x128xf32, #tpu.memory_space<vmem>> -> memref<64x128xf32, #tpu.memory_space<vmem>>
    %dma_wait3A_919 = arith.constant 0 : i32
    %dma_wait3A_920 = tpu.memref_slice %arg3[%dma_wait3A_919, %multiple_of3A_159] : memref<64x100000xf32, #tpu.memory_space<hbm>> -> memref<64x128xf32, #tpu.memory_space<hbm>>
    %dma_wait3A_921 = arith.constant 0 : i32
    %dma_wait3A_922 = arith.constant 0 : i32
    %dma_wait3A_923 = tpu.memref_slice %arg6[%dma_wait3A_914, %dma_wait3A_921, %dma_wait3A_922] : memref<12x64x128xf32, #tpu.memory_space<vmem>> -> memref<1x64x128xf32, #tpu.memory_space<vmem>>
    %dma_wait3A_924 = tpu.memref_squeeze %dma_wait3A_923 : memref<1x64x128xf32, #tpu.memory_space<vmem>> -> memref<64x128xf32, #tpu.memory_space<vmem>>
    %dma_wait3A_925 = arith.constant 0 : i32
    %dma_wait3A_926 = tpu.memref_slice %arg3[%dma_wait3A_925, %multiple_of3A_159] : memref<64x100000xf32, #tpu.memory_space<hbm>> -> memref<64x128xf32, #tpu.memory_space<hbm>>
    tpu.wait_dma2 semaphore(%arg15 : memref<!tpu.dma_semaphore, #tpu.memory_space<semaphore_mem>>) src(%dma_wait3A_926 : memref<64x128xf32, #tpu.memory_space<hbm>>) dst(%dma_wait3A_924 : memref<64x128xf32, #tpu.memory_space<vmem>>)
    %get3A_927 = arith.constant 0 : index
    %get3A_928 = tpu.vector_load %arg5[%get3A_927] {strides = array<i32>} : memref<32xi32, #tpu.memory_space<vmem>>, vector<16xi32>,
    %slice3A_929 = vector.extract_strided_slice %get3A_928 {offsets = [7], sizes = [1], strides = [1]} : vector<16xi32> to vector<1xi32>
    %squeeze3A_930 = vector.extract %slice3A_929[0] : i32 from vector<1xi32>
    %and3A_931 = arith.constant 127 : i32
    %and3A_932 = arith.andi %squeeze3A_930, %and3A_931 : i32
    %broadcast_in_dim3A_933 = vector.broadcast %and3A_932 : i32 to vector<16xi32>
    %add3A_934 = arith.constant 0 : i32
    %add3A_935 = vector.broadcast %add3A_934 : i32 to vector<16xi32>
    %add3A_936 = arith.addi %iota3A, %add3A_935 : vector<16xi32>
    %gather3A_937 = arith.constant 7 : i32
    %gather3A_938 = arith.constant 0 : i32
    %gather3A_939 = arith.constant 0 : i32
    %gather3A_940 = tpu.memref_slice %arg6[%gather3A_937, %gather3A_938, %gather3A_939] : memref<12x64x128xf32, #tpu.memory_space<vmem>> -> memref<1x64x128xf32, #tpu.memory_space<vmem>>
    %gather3A_941 = tpu.memref_squeeze %gather3A_940 : memref<1x64x128xf32, #tpu.memory_space<vmem>> -> memref<64x128xf32, #tpu.memory_space<vmem>>
    %gather3A_942 = tpu.vector_load_idx %gather3A_941[%add3A_936, %broadcast_in_dim3A_933] : memref<64x128xf32, #tpu.memory_space<vmem>>[vector<16xi32>, vector<16xi32>], vector<16xf32>,
    %swap3A_943 = arith.constant 7 : i32
    %swap3A_944 = arith.index_cast %swap3A_943 : i32 to index
    %swap3A_945 = arith.constant 0 : index
    %swap3A_946 = tpu.vector_load %arg7[%swap3A_944, %swap3A_945] {strides = array<i32>} : memref<32x64xf32, #tpu.memory_space<vmem>>, vector<16xf32>,
    tpu.vector_store %arg7[%swap3A_944, %swap3A_945], %gather3A_942 {strides = array<i32>} : memref<32x64xf32, #tpu.memory_space<vmem>>, vector<16xf32>,
    %add3A_947 = arith.constant 16 : i32
    %add3A_948 = vector.broadcast %add3A_947 : i32 to vector<16xi32>
    %add3A_949 = arith.addi %iota3A, %add3A_948 : vector<16xi32>
    %gather3A_950 = arith.constant 7 : i32
    %gather3A_951 = arith.constant 0 : i32
    %gather3A_952 = arith.constant 0 : i32
    %gather3A_953 = tpu.memref_slice %arg6[%gather3A_950, %gather3A_951, %gather3A_952] : memref<12x64x128xf32, #tpu.memory_space<vmem>> -> memref<1x64x128xf32, #tpu.memory_space<vmem>>
    %gather3A_954 = tpu.memref_squeeze %gather3A_953 : memref<1x64x128xf32, #tpu.memory_space<vmem>> -> memref<64x128xf32, #tpu.memory_space<vmem>>
    %gather3A_955 = tpu.vector_load_idx %gather3A_954[%add3A_949, %broadcast_in_dim3A_933] : memref<64x128xf32, #tpu.memory_space<vmem>>[vector<16xi32>, vector<16xi32>], vector<16xf32>,
    %swap3A_956 = arith.constant 7 : i32
    %swap3A_957 = arith.index_cast %swap3A_956 : i32 to index
    %swap3A_958 = arith.constant 16 : index
    %swap3A_959 = tpu.vector_load %arg7[%swap3A_957, %swap3A_958] {strides = array<i32>} : memref<32x64xf32, #tpu.memory_space<vmem>>, vector<16xf32>,
    tpu.vector_store %arg7[%swap3A_957, %swap3A_958], %gather3A_955 {strides = array<i32>} : memref<32x64xf32, #tpu.memory_space<vmem>>, vector<16xf32>,
    %add3A_960 = arith.constant 32 : i32
    %add3A_961 = vector.broadcast %add3A_960 : i32 to vector<16xi32>
    %add3A_962 = arith.addi %iota3A, %add3A_961 : vector<16xi32>
    %gather3A_963 = arith.constant 7 : i32
    %gather3A_964 = arith.constant 0 : i32
    %gather3A_965 = arith.constant 0 : i32
    %gather3A_966 = tpu.memref_slice %arg6[%gather3A_963, %gather3A_964, %gather3A_965] : memref<12x64x128xf32, #tpu.memory_space<vmem>> -> memref<1x64x128xf32, #tpu.memory_space<vmem>>
    %gather3A_967 = tpu.memref_squeeze %gather3A_966 : memref<1x64x128xf32, #tpu.memory_space<vmem>> -> memref<64x128xf32, #tpu.memory_space<vmem>>
    %gather3A_968 = tpu.vector_load_idx %gather3A_967[%add3A_962, %broadcast_in_dim3A_933] : memref<64x128xf32, #tpu.memory_space<vmem>>[vector<16xi32>, vector<16xi32>], vector<16xf32>,
    %swap3A_969 = arith.constant 7 : i32
    %swap3A_970 = arith.index_cast %swap3A_969 : i32 to index
    %swap3A_971 = arith.constant 32 : index
    %swap3A_972 = tpu.vector_load %arg7[%swap3A_970, %swap3A_971] {strides = array<i32>} : memref<32x64xf32, #tpu.memory_space<vmem>>, vector<16xf32>,
    tpu.vector_store %arg7[%swap3A_970, %swap3A_971], %gather3A_968 {strides = array<i32>} : memref<32x64xf32, #tpu.memory_space<vmem>>, vector<16xf32>,
    %add3A_973 = arith.constant 48 : i32
    %add3A_974 = vector.broadcast %add3A_973 : i32 to vector<16xi32>
    %add3A_975 = arith.addi %iota3A, %add3A_974 : vector<16xi32>
    %gather3A_976 = arith.constant 7 : i32
    %gather3A_977 = arith.constant 0 : i32
    %gather3A_978 = arith.constant 0 : i32
    %gather3A_979 = tpu.memref_slice %arg6[%gather3A_976, %gather3A_977, %gather3A_978] : memref<12x64x128xf32, #tpu.memory_space<vmem>> -> memref<1x64x128xf32, #tpu.memory_space<vmem>>
    %gather3A_980 = tpu.memref_squeeze %gather3A_979 : memref<1x64x128xf32, #tpu.memory_space<vmem>> -> memref<64x128xf32, #tpu.memory_space<vmem>>
    %gather3A_981 = tpu.vector_load_idx %gather3A_980[%add3A_975, %broadcast_in_dim3A_933] : memref<64x128xf32, #tpu.memory_space<vmem>>[vector<16xi32>, vector<16xi32>], vector<16xf32>,
    %swap3A_982 = arith.constant 7 : i32
    %swap3A_983 = arith.index_cast %swap3A_982 : i32 to index
    %swap3A_984 = arith.constant 48 : index
    %swap3A_985 = tpu.vector_load %arg7[%swap3A_983, %swap3A_984] {strides = array<i32>} : memref<32x64xf32, #tpu.memory_space<vmem>>, vector<16xf32>,
    tpu.vector_store %arg7[%swap3A_983, %swap3A_984], %gather3A_981 {strides = array<i32>} : memref<32x64xf32, #tpu.memory_space<vmem>>, vector<16xf32>,
    %get3A_986 = arith.constant 16 : index
    %get3A_987 = tpu.vector_load %arg5[%get3A_986] {strides = array<i32>} : memref<32xi32, #tpu.memory_space<vmem>>, vector<16xi32>,
    %slice3A_988 = vector.extract_strided_slice %get3A_987 {offsets = [3], sizes = [1], strides = [1]} : vector<16xi32> to vector<1xi32>
    %squeeze3A_989 = vector.extract %slice3A_988[0] : i32 from vector<1xi32>
    %shift_right_logical3A_990 = arith.constant 7 : i32
    %shift_right_logical3A_991 = arith.shrui %squeeze3A_989, %shift_right_logical3A_990 : i32
    %mul3A_992 = arith.constant 128 : i32
    %mul3A_993 = arith.muli %shift_right_logical3A_991, %mul3A_992 : i32
    %multiple_of3A_994 = tpu.assume_multiple %mul3A_993, 128 : i32
    %dma_start3A_995 = arith.constant 7 : i32
    %dma_start3A_996 = arith.constant 0 : i32
    %dma_start3A_997 = arith.constant 0 : i32
    %dma_start3A_998 = tpu.memref_slice %arg6[%dma_start3A_995, %dma_start3A_996, %dma_start3A_997] : memref<12x64x128xf32, #tpu.memory_space<vmem>> -> memref<1x64x128xf32, #tpu.memory_space<vmem>>
    %dma_start3A_999 = tpu.memref_squeeze %dma_start3A_998 : memref<1x64x128xf32, #tpu.memory_space<vmem>> -> memref<64x128xf32, #tpu.memory_space<vmem>>
    %dma_start3A_1000 = arith.constant 0 : i32
    %dma_start3A_1001 = tpu.memref_slice %arg3[%dma_start3A_1000, %multiple_of3A_994] : memref<64x100000xf32, #tpu.memory_space<hbm>> -> memref<64x128xf32, #tpu.memory_space<hbm>>
    %dma_start3A_1002 = arith.constant 0 : i32
    %dma_start3A_1003 = arith.constant 0 : i32
    %dma_start3A_1004 = tpu.memref_slice %arg6[%dma_start3A_995, %dma_start3A_1002, %dma_start3A_1003] : memref<12x64x128xf32, #tpu.memory_space<vmem>> -> memref<1x64x128xf32, #tpu.memory_space<vmem>>
    %dma_start3A_1005 = tpu.memref_squeeze %dma_start3A_1004 : memref<1x64x128xf32, #tpu.memory_space<vmem>> -> memref<64x128xf32, #tpu.memory_space<vmem>>
    %dma_start3A_1006 = arith.constant 0 : i32
    %dma_start3A_1007 = tpu.memref_slice %arg3[%dma_start3A_1006, %multiple_of3A_994] : memref<64x100000xf32, #tpu.memory_space<hbm>> -> memref<64x128xf32, #tpu.memory_space<hbm>>
    tpu.enqueue_dma source(%dma_start3A_1007 : memref<64x128xf32, #tpu.memory_space<hbm>>) target(%dma_start3A_1005 : memref<64x128xf32, #tpu.memory_space<vmem>>) target_semaphore(%arg15 : memref<!tpu.dma_semaphore, #tpu.memory_space<semaphore_mem>>)
    %dma_wait3A_1008 = arith.constant 8 : i32
    %dma_wait3A_1009 = arith.constant 0 : i32
    %dma_wait3A_1010 = arith.constant 0 : i32
    %dma_wait3A_1011 = tpu.memref_slice %arg6[%dma_wait3A_1008, %dma_wait3A_1009, %dma_wait3A_1010] : memref<12x64x128xf32, #tpu.memory_space<vmem>> -> memref<1x64x128xf32, #tpu.memory_space<vmem>>
    %dma_wait3A_1012 = tpu.memref_squeeze %dma_wait3A_1011 : memref<1x64x128xf32, #tpu.memory_space<vmem>> -> memref<64x128xf32, #tpu.memory_space<vmem>>
    %dma_wait3A_1013 = arith.constant 0 : i32
    %dma_wait3A_1014 = tpu.memref_slice %arg3[%dma_wait3A_1013, %multiple_of3A_181] : memref<64x100000xf32, #tpu.memory_space<hbm>> -> memref<64x128xf32, #tpu.memory_space<hbm>>
    %dma_wait3A_1015 = arith.constant 0 : i32
    %dma_wait3A_1016 = arith.constant 0 : i32
    %dma_wait3A_1017 = tpu.memref_slice %arg6[%dma_wait3A_1008, %dma_wait3A_1015, %dma_wait3A_1016] : memref<12x64x128xf32, #tpu.memory_space<vmem>> -> memref<1x64x128xf32, #tpu.memory_space<vmem>>
    %dma_wait3A_1018 = tpu.memref_squeeze %dma_wait3A_1017 : memref<1x64x128xf32, #tpu.memory_space<vmem>> -> memref<64x128xf32, #tpu.memory_space<vmem>>
    %dma_wait3A_1019 = arith.constant 0 : i32
    %dma_wait3A_1020 = tpu.memref_slice %arg3[%dma_wait3A_1019, %multiple_of3A_181] : memref<64x100000xf32, #tpu.memory_space<hbm>> -> memref<64x128xf32, #tpu.memory_space<hbm>>
    tpu.wait_dma2 semaphore(%arg16 : memref<!tpu.dma_semaphore, #tpu.memory_space<semaphore_mem>>) src(%dma_wait3A_1020 : memref<64x128xf32, #tpu.memory_space<hbm>>) dst(%dma_wait3A_1018 : memref<64x128xf32, #tpu.memory_space<vmem>>)
    %get3A_1021 = arith.constant 0 : index
    %get3A_1022 = tpu.vector_load %arg5[%get3A_1021] {strides = array<i32>} : memref<32xi32, #tpu.memory_space<vmem>>, vector<16xi32>,
    %slice3A_1023 = vector.extract_strided_slice %get3A_1022 {offsets = [8], sizes = [1], strides = [1]} : vector<16xi32> to vector<1xi32>
    %squeeze3A_1024 = vector.extract %slice3A_1023[0] : i32 from vector<1xi32>
    %and3A_1025 = arith.constant 127 : i32
    %and3A_1026 = arith.andi %squeeze3A_1024, %and3A_1025 : i32
    %broadcast_in_dim3A_1027 = vector.broadcast %and3A_1026 : i32 to vector<16xi32>
    %add3A_1028 = arith.constant 0 : i32
    %add3A_1029 = vector.broadcast %add3A_1028 : i32 to vector<16xi32>
    %add3A_1030 = arith.addi %iota3A, %add3A_1029 : vector<16xi32>
    %gather3A_1031 = arith.constant 8 : i32
    %gather3A_1032 = arith.constant 0 : i32
    %gather3A_1033 = arith.constant 0 : i32
    %gather3A_1034 = tpu.memref_slice %arg6[%gather3A_1031, %gather3A_1032, %gather3A_1033] : memref<12x64x128xf32, #tpu.memory_space<vmem>> -> memref<1x64x128xf32, #tpu.memory_space<vmem>>
    %gather3A_1035 = tpu.memref_squeeze %gather3A_1034 : memref<1x64x128xf32, #tpu.memory_space<vmem>> -> memref<64x128xf32, #tpu.memory_space<vmem>>
    %gather3A_1036 = tpu.vector_load_idx %gather3A_1035[%add3A_1030, %broadcast_in_dim3A_1027] : memref<64x128xf32, #tpu.memory_space<vmem>>[vector<16xi32>, vector<16xi32>], vector<16xf32>,
    %swap3A_1037 = arith.constant 8 : i32
    %swap3A_1038 = arith.index_cast %swap3A_1037 : i32 to index
    %swap3A_1039 = arith.constant 0 : index
    %swap3A_1040 = tpu.vector_load %arg7[%swap3A_1038, %swap3A_1039] {strides = array<i32>} : memref<32x64xf32, #tpu.memory_space<vmem>>, vector<16xf32>,
    tpu.vector_store %arg7[%swap3A_1038, %swap3A_1039], %gather3A_1036 {strides = array<i32>} : memref<32x64xf32, #tpu.memory_space<vmem>>, vector<16xf32>,
    %add3A_1041 = arith.constant 16 : i32
    %add3A_1042 = vector.broadcast %add3A_1041 : i32 to vector<16xi32>
    %add3A_1043 = arith.addi %iota3A, %add3A_1042 : vector<16xi32>
    %gather3A_1044 = arith.constant 8 : i32
    %gather3A_1045 = arith.constant 0 : i32
    %gather3A_1046 = arith.constant 0 : i32
    %gather3A_1047 = tpu.memref_slice %arg6[%gather3A_1044, %gather3A_1045, %gather3A_1046] : memref<12x64x128xf32, #tpu.memory_space<vmem>> -> memref<1x64x128xf32, #tpu.memory_space<vmem>>
    %gather3A_1048 = tpu.memref_squeeze %gather3A_1047 : memref<1x64x128xf32, #tpu.memory_space<vmem>> -> memref<64x128xf32, #tpu.memory_space<vmem>>
    %gather3A_1049 = tpu.vector_load_idx %gather3A_1048[%add3A_1043, %broadcast_in_dim3A_1027] : memref<64x128xf32, #tpu.memory_space<vmem>>[vector<16xi32>, vector<16xi32>], vector<16xf32>,
    %swap3A_1050 = arith.constant 8 : i32
    %swap3A_1051 = arith.index_cast %swap3A_1050 : i32 to index
    %swap3A_1052 = arith.constant 16 : index
    %swap3A_1053 = tpu.vector_load %arg7[%swap3A_1051, %swap3A_1052] {strides = array<i32>} : memref<32x64xf32, #tpu.memory_space<vmem>>, vector<16xf32>,
    tpu.vector_store %arg7[%swap3A_1051, %swap3A_1052], %gather3A_1049 {strides = array<i32>} : memref<32x64xf32, #tpu.memory_space<vmem>>, vector<16xf32>,
    %add3A_1054 = arith.constant 32 : i32
    %add3A_1055 = vector.broadcast %add3A_1054 : i32 to vector<16xi32>
    %add3A_1056 = arith.addi %iota3A, %add3A_1055 : vector<16xi32>
    %gather3A_1057 = arith.constant 8 : i32
    %gather3A_1058 = arith.constant 0 : i32
    %gather3A_1059 = arith.constant 0 : i32
    %gather3A_1060 = tpu.memref_slice %arg6[%gather3A_1057, %gather3A_1058, %gather3A_1059] : memref<12x64x128xf32, #tpu.memory_space<vmem>> -> memref<1x64x128xf32, #tpu.memory_space<vmem>>
    %gather3A_1061 = tpu.memref_squeeze %gather3A_1060 : memref<1x64x128xf32, #tpu.memory_space<vmem>> -> memref<64x128xf32, #tpu.memory_space<vmem>>
    %gather3A_1062 = tpu.vector_load_idx %gather3A_1061[%add3A_1056, %broadcast_in_dim3A_1027] : memref<64x128xf32, #tpu.memory_space<vmem>>[vector<16xi32>, vector<16xi32>], vector<16xf32>,
    %swap3A_1063 = arith.constant 8 : i32
    %swap3A_1064 = arith.index_cast %swap3A_1063 : i32 to index
    %swap3A_1065 = arith.constant 32 : index
    %swap3A_1066 = tpu.vector_load %arg7[%swap3A_1064, %swap3A_1065] {strides = array<i32>} : memref<32x64xf32, #tpu.memory_space<vmem>>, vector<16xf32>,
    tpu.vector_store %arg7[%swap3A_1064, %swap3A_1065], %gather3A_1062 {strides = array<i32>} : memref<32x64xf32, #tpu.memory_space<vmem>>, vector<16xf32>,
    %add3A_1067 = arith.constant 48 : i32
    %add3A_1068 = vector.broadcast %add3A_1067 : i32 to vector<16xi32>
    %add3A_1069 = arith.addi %iota3A, %add3A_1068 : vector<16xi32>
    %gather3A_1070 = arith.constant 8 : i32
    %gather3A_1071 = arith.constant 0 : i32
    %gather3A_1072 = arith.constant 0 : i32
    %gather3A_1073 = tpu.memref_slice %arg6[%gather3A_1070, %gather3A_1071, %gather3A_1072] : memref<12x64x128xf32, #tpu.memory_space<vmem>> -> memref<1x64x128xf32, #tpu.memory_space<vmem>>
    %gather3A_1074 = tpu.memref_squeeze %gather3A_1073 : memref<1x64x128xf32, #tpu.memory_space<vmem>> -> memref<64x128xf32, #tpu.memory_space<vmem>>
    %gather3A_1075 = tpu.vector_load_idx %gather3A_1074[%add3A_1069, %broadcast_in_dim3A_1027] : memref<64x128xf32, #tpu.memory_space<vmem>>[vector<16xi32>, vector<16xi32>], vector<16xf32>,
    %swap3A_1076 = arith.constant 8 : i32
    %swap3A_1077 = arith.index_cast %swap3A_1076 : i32 to index
    %swap3A_1078 = arith.constant 48 : index
    %swap3A_1079 = tpu.vector_load %arg7[%swap3A_1077, %swap3A_1078] {strides = array<i32>} : memref<32x64xf32, #tpu.memory_space<vmem>>, vector<16xf32>,
    tpu.vector_store %arg7[%swap3A_1077, %swap3A_1078], %gather3A_1075 {strides = array<i32>} : memref<32x64xf32, #tpu.memory_space<vmem>>, vector<16xf32>,
    %get3A_1080 = arith.constant 16 : index
    %get3A_1081 = tpu.vector_load %arg5[%get3A_1080] {strides = array<i32>} : memref<32xi32, #tpu.memory_space<vmem>>, vector<16xi32>,
    %slice3A_1082 = vector.extract_strided_slice %get3A_1081 {offsets = [4], sizes = [1], strides = [1]} : vector<16xi32> to vector<1xi32>
    %squeeze3A_1083 = vector.extract %slice3A_1082[0] : i32 from vector<1xi32>
    %shift_right_logical3A_1084 = arith.constant 7 : i32
    %shift_right_logical3A_1085 = arith.shrui %squeeze3A_1083, %shift_right_logical3A_1084 : i32
    %mul3A_1086 = arith.constant 128 : i32
    %mul3A_1087 = arith.muli %shift_right_logical3A_1085, %mul3A_1086 : i32
    %multiple_of3A_1088 = tpu.assume_multiple %mul3A_1087, 128 : i32
    %dma_start3A_1089 = arith.constant 8 : i32
    %dma_start3A_1090 = arith.constant 0 : i32
    %dma_start3A_1091 = arith.constant 0 : i32
    %dma_start3A_1092 = tpu.memref_slice %arg6[%dma_start3A_1089, %dma_start3A_1090, %dma_start3A_1091] : memref<12x64x128xf32, #tpu.memory_space<vmem>> -> memref<1x64x128xf32, #tpu.memory_space<vmem>>
    %dma_start3A_1093 = tpu.memref_squeeze %dma_start3A_1092 : memref<1x64x128xf32, #tpu.memory_space<vmem>> -> memref<64x128xf32, #tpu.memory_space<vmem>>
    %dma_start3A_1094 = arith.constant 0 : i32
    %dma_start3A_1095 = tpu.memref_slice %arg3[%dma_start3A_1094, %multiple_of3A_1088] : memref<64x100000xf32, #tpu.memory_space<hbm>> -> memref<64x128xf32, #tpu.memory_space<hbm>>
    %dma_start3A_1096 = arith.constant 0 : i32
    %dma_start3A_1097 = arith.constant 0 : i32
    %dma_start3A_1098 = tpu.memref_slice %arg6[%dma_start3A_1089, %dma_start3A_1096, %dma_start3A_1097] : memref<12x64x128xf32, #tpu.memory_space<vmem>> -> memref<1x64x128xf32, #tpu.memory_space<vmem>>
    %dma_start3A_1099 = tpu.memref_squeeze %dma_start3A_1098 : memref<1x64x128xf32, #tpu.memory_space<vmem>> -> memref<64x128xf32, #tpu.memory_space<vmem>>
    %dma_start3A_1100 = arith.constant 0 : i32
    %dma_start3A_1101 = tpu.memref_slice %arg3[%dma_start3A_1100, %multiple_of3A_1088] : memref<64x100000xf32, #tpu.memory_space<hbm>> -> memref<64x128xf32, #tpu.memory_space<hbm>>
    tpu.enqueue_dma source(%dma_start3A_1101 : memref<64x128xf32, #tpu.memory_space<hbm>>) target(%dma_start3A_1099 : memref<64x128xf32, #tpu.memory_space<vmem>>) target_semaphore(%arg16 : memref<!tpu.dma_semaphore, #tpu.memory_space<semaphore_mem>>)
    %dma_wait3A_1102 = arith.constant 9 : i32
    %dma_wait3A_1103 = arith.constant 0 : i32
    %dma_wait3A_1104 = arith.constant 0 : i32
    %dma_wait3A_1105 = tpu.memref_slice %arg6[%dma_wait3A_1102, %dma_wait3A_1103, %dma_wait3A_1104] : memref<12x64x128xf32, #tpu.memory_space<vmem>> -> memref<1x64x128xf32, #tpu.memory_space<vmem>>
    %dma_wait3A_1106 = tpu.memref_squeeze %dma_wait3A_1105 : memref<1x64x128xf32, #tpu.memory_space<vmem>> -> memref<64x128xf32, #tpu.memory_space<vmem>>
    %dma_wait3A_1107 = arith.constant 0 : i32
    %dma_wait3A_1108 = tpu.memref_slice %arg3[%dma_wait3A_1107, %multiple_of3A_203] : memref<64x100000xf32, #tpu.memory_space<hbm>> -> memref<64x128xf32, #tpu.memory_space<hbm>>
    %dma_wait3A_1109 = arith.constant 0 : i32
    %dma_wait3A_1110 = arith.constant 0 : i32
    %dma_wait3A_1111 = tpu.memref_slice %arg6[%dma_wait3A_1102, %dma_wait3A_1109, %dma_wait3A_1110] : memref<12x64x128xf32, #tpu.memory_space<vmem>> -> memref<1x64x128xf32, #tpu.memory_space<vmem>>
    %dma_wait3A_1112 = tpu.memref_squeeze %dma_wait3A_1111 : memref<1x64x128xf32, #tpu.memory_space<vmem>> -> memref<64x128xf32, #tpu.memory_space<vmem>>
    %dma_wait3A_1113 = arith.constant 0 : i32
    %dma_wait3A_1114 = tpu.memref_slice %arg3[%dma_wait3A_1113, %multiple_of3A_203] : memref<64x100000xf32, #tpu.memory_space<hbm>> -> memref<64x128xf32, #tpu.memory_space<hbm>>
    tpu.wait_dma2 semaphore(%arg17 : memref<!tpu.dma_semaphore, #tpu.memory_space<semaphore_mem>>) src(%dma_wait3A_1114 : memref<64x128xf32, #tpu.memory_space<hbm>>) dst(%dma_wait3A_1112 : memref<64x128xf32, #tpu.memory_space<vmem>>)
    %get3A_1115 = arith.constant 0 : index
    %get3A_1116 = tpu.vector_load %arg5[%get3A_1115] {strides = array<i32>} : memref<32xi32, #tpu.memory_space<vmem>>, vector<16xi32>,
    %slice3A_1117 = vector.extract_strided_slice %get3A_1116 {offsets = [9], sizes = [1], strides = [1]} : vector<16xi32> to vector<1xi32>
    %squeeze3A_1118 = vector.extract %slice3A_1117[0] : i32 from vector<1xi32>
    %and3A_1119 = arith.constant 127 : i32
    %and3A_1120 = arith.andi %squeeze3A_1118, %and3A_1119 : i32
    %broadcast_in_dim3A_1121 = vector.broadcast %and3A_1120 : i32 to vector<16xi32>
    %add3A_1122 = arith.constant 0 : i32
    %add3A_1123 = vector.broadcast %add3A_1122 : i32 to vector<16xi32>
    %add3A_1124 = arith.addi %iota3A, %add3A_1123 : vector<16xi32>
    %gather3A_1125 = arith.constant 9 : i32
    %gather3A_1126 = arith.constant 0 : i32
    %gather3A_1127 = arith.constant 0 : i32
    %gather3A_1128 = tpu.memref_slice %arg6[%gather3A_1125, %gather3A_1126, %gather3A_1127] : memref<12x64x128xf32, #tpu.memory_space<vmem>> -> memref<1x64x128xf32, #tpu.memory_space<vmem>>
    %gather3A_1129 = tpu.memref_squeeze %gather3A_1128 : memref<1x64x128xf32, #tpu.memory_space<vmem>> -> memref<64x128xf32, #tpu.memory_space<vmem>>
    %gather3A_1130 = tpu.vector_load_idx %gather3A_1129[%add3A_1124, %broadcast_in_dim3A_1121] : memref<64x128xf32, #tpu.memory_space<vmem>>[vector<16xi32>, vector<16xi32>], vector<16xf32>,
    %swap3A_1131 = arith.constant 9 : i32
    %swap3A_1132 = arith.index_cast %swap3A_1131 : i32 to index
    %swap3A_1133 = arith.constant 0 : index
    %swap3A_1134 = tpu.vector_load %arg7[%swap3A_1132, %swap3A_1133] {strides = array<i32>} : memref<32x64xf32, #tpu.memory_space<vmem>>, vector<16xf32>,
    tpu.vector_store %arg7[%swap3A_1132, %swap3A_1133], %gather3A_1130 {strides = array<i32>} : memref<32x64xf32, #tpu.memory_space<vmem>>, vector<16xf32>,
    %add3A_1135 = arith.constant 16 : i32
    %add3A_1136 = vector.broadcast %add3A_1135 : i32 to vector<16xi32>
    %add3A_1137 = arith.addi %iota3A, %add3A_1136 : vector<16xi32>
    %gather3A_1138 = arith.constant 9 : i32
    %gather3A_1139 = arith.constant 0 : i32
    %gather3A_1140 = arith.constant 0 : i32
    %gather3A_1141 = tpu.memref_slice %arg6[%gather3A_1138, %gather3A_1139, %gather3A_1140] : memref<12x64x128xf32, #tpu.memory_space<vmem>> -> memref<1x64x128xf32, #tpu.memory_space<vmem>>
    %gather3A_1142 = tpu.memref_squeeze %gather3A_1141 : memref<1x64x128xf32, #tpu.memory_space<vmem>> -> memref<64x128xf32, #tpu.memory_space<vmem>>
    %gather3A_1143 = tpu.vector_load_idx %gather3A_1142[%add3A_1137, %broadcast_in_dim3A_1121] : memref<64x128xf32, #tpu.memory_space<vmem>>[vector<16xi32>, vector<16xi32>], vector<16xf32>,
    %swap3A_1144 = arith.constant 9 : i32
    %swap3A_1145 = arith.index_cast %swap3A_1144 : i32 to index
    %swap3A_1146 = arith.constant 16 : index
    %swap3A_1147 = tpu.vector_load %arg7[%swap3A_1145, %swap3A_1146] {strides = array<i32>} : memref<32x64xf32, #tpu.memory_space<vmem>>, vector<16xf32>,
    tpu.vector_store %arg7[%swap3A_1145, %swap3A_1146], %gather3A_1143 {strides = array<i32>} : memref<32x64xf32, #tpu.memory_space<vmem>>, vector<16xf32>,
    %add3A_1148 = arith.constant 32 : i32
    %add3A_1149 = vector.broadcast %add3A_1148 : i32 to vector<16xi32>
    %add3A_1150 = arith.addi %iota3A, %add3A_1149 : vector<16xi32>
    %gather3A_1151 = arith.constant 9 : i32
    %gather3A_1152 = arith.constant 0 : i32
    %gather3A_1153 = arith.constant 0 : i32
    %gather3A_1154 = tpu.memref_slice %arg6[%gather3A_1151, %gather3A_1152, %gather3A_1153] : memref<12x64x128xf32, #tpu.memory_space<vmem>> -> memref<1x64x128xf32, #tpu.memory_space<vmem>>
    %gather3A_1155 = tpu.memref_squeeze %gather3A_1154 : memref<1x64x128xf32, #tpu.memory_space<vmem>> -> memref<64x128xf32, #tpu.memory_space<vmem>>
    %gather3A_1156 = tpu.vector_load_idx %gather3A_1155[%add3A_1150, %broadcast_in_dim3A_1121] : memref<64x128xf32, #tpu.memory_space<vmem>>[vector<16xi32>, vector<16xi32>], vector<16xf32>,
    %swap3A_1157 = arith.constant 9 : i32
    %swap3A_1158 = arith.index_cast %swap3A_1157 : i32 to index
    %swap3A_1159 = arith.constant 32 : index
    %swap3A_1160 = tpu.vector_load %arg7[%swap3A_1158, %swap3A_1159] {strides = array<i32>} : memref<32x64xf32, #tpu.memory_space<vmem>>, vector<16xf32>,
    tpu.vector_store %arg7[%swap3A_1158, %swap3A_1159], %gather3A_1156 {strides = array<i32>} : memref<32x64xf32, #tpu.memory_space<vmem>>, vector<16xf32>,
    %add3A_1161 = arith.constant 48 : i32
    %add3A_1162 = vector.broadcast %add3A_1161 : i32 to vector<16xi32>
    %add3A_1163 = arith.addi %iota3A, %add3A_1162 : vector<16xi32>
    %gather3A_1164 = arith.constant 9 : i32
    %gather3A_1165 = arith.constant 0 : i32
    %gather3A_1166 = arith.constant 0 : i32
    %gather3A_1167 = tpu.memref_slice %arg6[%gather3A_1164, %gather3A_1165, %gather3A_1166] : memref<12x64x128xf32, #tpu.memory_space<vmem>> -> memref<1x64x128xf32, #tpu.memory_space<vmem>>
    %gather3A_1168 = tpu.memref_squeeze %gather3A_1167 : memref<1x64x128xf32, #tpu.memory_space<vmem>> -> memref<64x128xf32, #tpu.memory_space<vmem>>
    %gather3A_1169 = tpu.vector_load_idx %gather3A_1168[%add3A_1163, %broadcast_in_dim3A_1121] : memref<64x128xf32, #tpu.memory_space<vmem>>[vector<16xi32>, vector<16xi32>], vector<16xf32>,
    %swap3A_1170 = arith.constant 9 : i32
    %swap3A_1171 = arith.index_cast %swap3A_1170 : i32 to index
    %swap3A_1172 = arith.constant 48 : index
    %swap3A_1173 = tpu.vector_load %arg7[%swap3A_1171, %swap3A_1172] {strides = array<i32>} : memref<32x64xf32, #tpu.memory_space<vmem>>, vector<16xf32>,
    tpu.vector_store %arg7[%swap3A_1171, %swap3A_1172], %gather3A_1169 {strides = array<i32>} : memref<32x64xf32, #tpu.memory_space<vmem>>, vector<16xf32>,
    %get3A_1174 = arith.constant 16 : index
    %get3A_1175 = tpu.vector_load %arg5[%get3A_1174] {strides = array<i32>} : memref<32xi32, #tpu.memory_space<vmem>>, vector<16xi32>,
    %slice3A_1176 = vector.extract_strided_slice %get3A_1175 {offsets = [5], sizes = [1], strides = [1]} : vector<16xi32> to vector<1xi32>
    %squeeze3A_1177 = vector.extract %slice3A_1176[0] : i32 from vector<1xi32>
    %shift_right_logical3A_1178 = arith.constant 7 : i32
    %shift_right_logical3A_1179 = arith.shrui %squeeze3A_1177, %shift_right_logical3A_1178 : i32
    %mul3A_1180 = arith.constant 128 : i32
    %mul3A_1181 = arith.muli %shift_right_logical3A_1179, %mul3A_1180 : i32
    %multiple_of3A_1182 = tpu.assume_multiple %mul3A_1181, 128 : i32
    %dma_start3A_1183 = arith.constant 9 : i32
    %dma_start3A_1184 = arith.constant 0 : i32
    %dma_start3A_1185 = arith.constant 0 : i32
    %dma_start3A_1186 = tpu.memref_slice %arg6[%dma_start3A_1183, %dma_start3A_1184, %dma_start3A_1185] : memref<12x64x128xf32, #tpu.memory_space<vmem>> -> memref<1x64x128xf32, #tpu.memory_space<vmem>>
    %dma_start3A_1187 = tpu.memref_squeeze %dma_start3A_1186 : memref<1x64x128xf32, #tpu.memory_space<vmem>> -> memref<64x128xf32, #tpu.memory_space<vmem>>
    %dma_start3A_1188 = arith.constant 0 : i32
    %dma_start3A_1189 = tpu.memref_slice %arg3[%dma_start3A_1188, %multiple_of3A_1182] : memref<64x100000xf32, #tpu.memory_space<hbm>> -> memref<64x128xf32, #tpu.memory_space<hbm>>
    %dma_start3A_1190 = arith.constant 0 : i32
    %dma_start3A_1191 = arith.constant 0 : i32
    %dma_start3A_1192 = tpu.memref_slice %arg6[%dma_start3A_1183, %dma_start3A_1190, %dma_start3A_1191] : memref<12x64x128xf32, #tpu.memory_space<vmem>> -> memref<1x64x128xf32, #tpu.memory_space<vmem>>
    %dma_start3A_1193 = tpu.memref_squeeze %dma_start3A_1192 : memref<1x64x128xf32, #tpu.memory_space<vmem>> -> memref<64x128xf32, #tpu.memory_space<vmem>>
    %dma_start3A_1194 = arith.constant 0 : i32
    %dma_start3A_1195 = tpu.memref_slice %arg3[%dma_start3A_1194, %multiple_of3A_1182] : memref<64x100000xf32, #tpu.memory_space<hbm>> -> memref<64x128xf32, #tpu.memory_space<hbm>>
    tpu.enqueue_dma source(%dma_start3A_1195 : memref<64x128xf32, #tpu.memory_space<hbm>>) target(%dma_start3A_1193 : memref<64x128xf32, #tpu.memory_space<vmem>>) target_semaphore(%arg17 : memref<!tpu.dma_semaphore, #tpu.memory_space<semaphore_mem>>)
    %dma_wait3A_1196 = arith.constant 10 : i32
    %dma_wait3A_1197 = arith.constant 0 : i32
    %dma_wait3A_1198 = arith.constant 0 : i32
    %dma_wait3A_1199 = tpu.memref_slice %arg6[%dma_wait3A_1196, %dma_wait3A_1197, %dma_wait3A_1198] : memref<12x64x128xf32, #tpu.memory_space<vmem>> -> memref<1x64x128xf32, #tpu.memory_space<vmem>>
    %dma_wait3A_1200 = tpu.memref_squeeze %dma_wait3A_1199 : memref<1x64x128xf32, #tpu.memory_space<vmem>> -> memref<64x128xf32, #tpu.memory_space<vmem>>
    %dma_wait3A_1201 = arith.constant 0 : i32
    %dma_wait3A_1202 = tpu.memref_slice %arg3[%dma_wait3A_1201, %multiple_of3A_225] : memref<64x100000xf32, #tpu.memory_space<hbm>> -> memref<64x128xf32, #tpu.memory_space<hbm>>
    %dma_wait3A_1203 = arith.constant 0 : i32
    %dma_wait3A_1204 = arith.constant 0 : i32
    %dma_wait3A_1205 = tpu.memref_slice %arg6[%dma_wait3A_1196, %dma_wait3A_1203, %dma_wait3A_1204] : memref<12x64x128xf32, #tpu.memory_space<vmem>> -> memref<1x64x128xf32, #tpu.memory_space<vmem>>
    %dma_wait3A_1206 = tpu.memref_squeeze %dma_wait3A_1205 : memref<1x64x128xf32, #tpu.memory_space<vmem>> -> memref<64x128xf32, #tpu.memory_space<vmem>>
    %dma_wait3A_1207 = arith.constant 0 : i32
    %dma_wait3A_1208 = tpu.memref_slice %arg3[%dma_wait3A_1207, %multiple_of3A_225] : memref<64x100000xf32, #tpu.memory_space<hbm>> -> memref<64x128xf32, #tpu.memory_space<hbm>>
    tpu.wait_dma2 semaphore(%arg18 : memref<!tpu.dma_semaphore, #tpu.memory_space<semaphore_mem>>) src(%dma_wait3A_1208 : memref<64x128xf32, #tpu.memory_space<hbm>>) dst(%dma_wait3A_1206 : memref<64x128xf32, #tpu.memory_space<vmem>>)
    %get3A_1209 = arith.constant 0 : index
    %get3A_1210 = tpu.vector_load %arg5[%get3A_1209] {strides = array<i32>} : memref<32xi32, #tpu.memory_space<vmem>>, vector<16xi32>,
    %slice3A_1211 = vector.extract_strided_slice %get3A_1210 {offsets = [10], sizes = [1], strides = [1]} : vector<16xi32> to vector<1xi32>
    %squeeze3A_1212 = vector.extract %slice3A_1211[0] : i32 from vector<1xi32>
    %and3A_1213 = arith.constant 127 : i32
    %and3A_1214 = arith.andi %squeeze3A_1212, %and3A_1213 : i32
    %broadcast_in_dim3A_1215 = vector.broadcast %and3A_1214 : i32 to vector<16xi32>
    %add3A_1216 = arith.constant 0 : i32
    %add3A_1217 = vector.broadcast %add3A_1216 : i32 to vector<16xi32>
    %add3A_1218 = arith.addi %iota3A, %add3A_1217 : vector<16xi32>
    %gather3A_1219 = arith.constant 10 : i32
    %gather3A_1220 = arith.constant 0 : i32
    %gather3A_1221 = arith.constant 0 : i32
    %gather3A_1222 = tpu.memref_slice %arg6[%gather3A_1219, %gather3A_1220, %gather3A_1221] : memref<12x64x128xf32, #tpu.memory_space<vmem>> -> memref<1x64x128xf32, #tpu.memory_space<vmem>>
    %gather3A_1223 = tpu.memref_squeeze %gather3A_1222 : memref<1x64x128xf32, #tpu.memory_space<vmem>> -> memref<64x128xf32, #tpu.memory_space<vmem>>
    %gather3A_1224 = tpu.vector_load_idx %gather3A_1223[%add3A_1218, %broadcast_in_dim3A_1215] : memref<64x128xf32, #tpu.memory_space<vmem>>[vector<16xi32>, vector<16xi32>], vector<16xf32>,
    %swap3A_1225 = arith.constant 10 : i32
    %swap3A_1226 = arith.index_cast %swap3A_1225 : i32 to index
    %swap3A_1227 = arith.constant 0 : index
    %swap3A_1228 = tpu.vector_load %arg7[%swap3A_1226, %swap3A_1227] {strides = array<i32>} : memref<32x64xf32, #tpu.memory_space<vmem>>, vector<16xf32>,
    tpu.vector_store %arg7[%swap3A_1226, %swap3A_1227], %gather3A_1224 {strides = array<i32>} : memref<32x64xf32, #tpu.memory_space<vmem>>, vector<16xf32>,
    %add3A_1229 = arith.constant 16 : i32
    %add3A_1230 = vector.broadcast %add3A_1229 : i32 to vector<16xi32>
    %add3A_1231 = arith.addi %iota3A, %add3A_1230 : vector<16xi32>
    %gather3A_1232 = arith.constant 10 : i32
    %gather3A_1233 = arith.constant 0 : i32
    %gather3A_1234 = arith.constant 0 : i32
    %gather3A_1235 = tpu.memref_slice %arg6[%gather3A_1232, %gather3A_1233, %gather3A_1234] : memref<12x64x128xf32, #tpu.memory_space<vmem>> -> memref<1x64x128xf32, #tpu.memory_space<vmem>>
    %gather3A_1236 = tpu.memref_squeeze %gather3A_1235 : memref<1x64x128xf32, #tpu.memory_space<vmem>> -> memref<64x128xf32, #tpu.memory_space<vmem>>
    %gather3A_1237 = tpu.vector_load_idx %gather3A_1236[%add3A_1231, %broadcast_in_dim3A_1215] : memref<64x128xf32, #tpu.memory_space<vmem>>[vector<16xi32>, vector<16xi32>], vector<16xf32>,
    %swap3A_1238 = arith.constant 10 : i32
    %swap3A_1239 = arith.index_cast %swap3A_1238 : i32 to index
    %swap3A_1240 = arith.constant 16 : index
    %swap3A_1241 = tpu.vector_load %arg7[%swap3A_1239, %swap3A_1240] {strides = array<i32>} : memref<32x64xf32, #tpu.memory_space<vmem>>, vector<16xf32>,
    tpu.vector_store %arg7[%swap3A_1239, %swap3A_1240], %gather3A_1237 {strides = array<i32>} : memref<32x64xf32, #tpu.memory_space<vmem>>, vector<16xf32>,
    %add3A_1242 = arith.constant 32 : i32
    %add3A_1243 = vector.broadcast %add3A_1242 : i32 to vector<16xi32>
    %add3A_1244 = arith.addi %iota3A, %add3A_1243 : vector<16xi32>
    %gather3A_1245 = arith.constant 10 : i32
    %gather3A_1246 = arith.constant 0 : i32
    %gather3A_1247 = arith.constant 0 : i32
    %gather3A_1248 = tpu.memref_slice %arg6[%gather3A_1245, %gather3A_1246, %gather3A_1247] : memref<12x64x128xf32, #tpu.memory_space<vmem>> -> memref<1x64x128xf32, #tpu.memory_space<vmem>>
    %gather3A_1249 = tpu.memref_squeeze %gather3A_1248 : memref<1x64x128xf32, #tpu.memory_space<vmem>> -> memref<64x128xf32, #tpu.memory_space<vmem>>
    %gather3A_1250 = tpu.vector_load_idx %gather3A_1249[%add3A_1244, %broadcast_in_dim3A_1215] : memref<64x128xf32, #tpu.memory_space<vmem>>[vector<16xi32>, vector<16xi32>], vector<16xf32>,
    %swap3A_1251 = arith.constant 10 : i32
    %swap3A_1252 = arith.index_cast %swap3A_1251 : i32 to index
    %swap3A_1253 = arith.constant 32 : index
    %swap3A_1254 = tpu.vector_load %arg7[%swap3A_1252, %swap3A_1253] {strides = array<i32>} : memref<32x64xf32, #tpu.memory_space<vmem>>, vector<16xf32>,
    tpu.vector_store %arg7[%swap3A_1252, %swap3A_1253], %gather3A_1250 {strides = array<i32>} : memref<32x64xf32, #tpu.memory_space<vmem>>, vector<16xf32>,
    %add3A_1255 = arith.constant 48 : i32
    %add3A_1256 = vector.broadcast %add3A_1255 : i32 to vector<16xi32>
    %add3A_1257 = arith.addi %iota3A, %add3A_1256 : vector<16xi32>
    %gather3A_1258 = arith.constant 10 : i32
    %gather3A_1259 = arith.constant 0 : i32
    %gather3A_1260 = arith.constant 0 : i32
    %gather3A_1261 = tpu.memref_slice %arg6[%gather3A_1258, %gather3A_1259, %gather3A_1260] : memref<12x64x128xf32, #tpu.memory_space<vmem>> -> memref<1x64x128xf32, #tpu.memory_space<vmem>>
    %gather3A_1262 = tpu.memref_squeeze %gather3A_1261 : memref<1x64x128xf32, #tpu.memory_space<vmem>> -> memref<64x128xf32, #tpu.memory_space<vmem>>
    %gather3A_1263 = tpu.vector_load_idx %gather3A_1262[%add3A_1257, %broadcast_in_dim3A_1215] : memref<64x128xf32, #tpu.memory_space<vmem>>[vector<16xi32>, vector<16xi32>], vector<16xf32>,
    %swap3A_1264 = arith.constant 10 : i32
    %swap3A_1265 = arith.index_cast %swap3A_1264 : i32 to index
    %swap3A_1266 = arith.constant 48 : index
    %swap3A_1267 = tpu.vector_load %arg7[%swap3A_1265, %swap3A_1266] {strides = array<i32>} : memref<32x64xf32, #tpu.memory_space<vmem>>, vector<16xf32>,
    tpu.vector_store %arg7[%swap3A_1265, %swap3A_1266], %gather3A_1263 {strides = array<i32>} : memref<32x64xf32, #tpu.memory_space<vmem>>, vector<16xf32>,
    %get3A_1268 = arith.constant 16 : index
    %get3A_1269 = tpu.vector_load %arg5[%get3A_1268] {strides = array<i32>} : memref<32xi32, #tpu.memory_space<vmem>>, vector<16xi32>,
    %slice3A_1270 = vector.extract_strided_slice %get3A_1269 {offsets = [6], sizes = [1], strides = [1]} : vector<16xi32> to vector<1xi32>
    %squeeze3A_1271 = vector.extract %slice3A_1270[0] : i32 from vector<1xi32>
    %shift_right_logical3A_1272 = arith.constant 7 : i32
    %shift_right_logical3A_1273 = arith.shrui %squeeze3A_1271, %shift_right_logical3A_1272 : i32
    %mul3A_1274 = arith.constant 128 : i32
    %mul3A_1275 = arith.muli %shift_right_logical3A_1273, %mul3A_1274 : i32
    %multiple_of3A_1276 = tpu.assume_multiple %mul3A_1275, 128 : i32
    %dma_start3A_1277 = arith.constant 10 : i32
    %dma_start3A_1278 = arith.constant 0 : i32
    %dma_start3A_1279 = arith.constant 0 : i32
    %dma_start3A_1280 = tpu.memref_slice %arg6[%dma_start3A_1277, %dma_start3A_1278, %dma_start3A_1279] : memref<12x64x128xf32, #tpu.memory_space<vmem>> -> memref<1x64x128xf32, #tpu.memory_space<vmem>>
    %dma_start3A_1281 = tpu.memref_squeeze %dma_start3A_1280 : memref<1x64x128xf32, #tpu.memory_space<vmem>> -> memref<64x128xf32, #tpu.memory_space<vmem>>
    %dma_start3A_1282 = arith.constant 0 : i32
    %dma_start3A_1283 = tpu.memref_slice %arg3[%dma_start3A_1282, %multiple_of3A_1276] : memref<64x100000xf32, #tpu.memory_space<hbm>> -> memref<64x128xf32, #tpu.memory_space<hbm>>
    %dma_start3A_1284 = arith.constant 0 : i32
    %dma_start3A_1285 = arith.constant 0 : i32
    %dma_start3A_1286 = tpu.memref_slice %arg6[%dma_start3A_1277, %dma_start3A_1284, %dma_start3A_1285] : memref<12x64x128xf32, #tpu.memory_space<vmem>> -> memref<1x64x128xf32, #tpu.memory_space<vmem>>
    %dma_start3A_1287 = tpu.memref_squeeze %dma_start3A_1286 : memref<1x64x128xf32, #tpu.memory_space<vmem>> -> memref<64x128xf32, #tpu.memory_space<vmem>>
    %dma_start3A_1288 = arith.constant 0 : i32
    %dma_start3A_1289 = tpu.memref_slice %arg3[%dma_start3A_1288, %multiple_of3A_1276] : memref<64x100000xf32, #tpu.memory_space<hbm>> -> memref<64x128xf32, #tpu.memory_space<hbm>>
    tpu.enqueue_dma source(%dma_start3A_1289 : memref<64x128xf32, #tpu.memory_space<hbm>>) target(%dma_start3A_1287 : memref<64x128xf32, #tpu.memory_space<vmem>>) target_semaphore(%arg18 : memref<!tpu.dma_semaphore, #tpu.memory_space<semaphore_mem>>)
    %dma_wait3A_1290 = arith.constant 11 : i32
    %dma_wait3A_1291 = arith.constant 0 : i32
    %dma_wait3A_1292 = arith.constant 0 : i32
    %dma_wait3A_1293 = tpu.memref_slice %arg6[%dma_wait3A_1290, %dma_wait3A_1291, %dma_wait3A_1292] : memref<12x64x128xf32, #tpu.memory_space<vmem>> -> memref<1x64x128xf32, #tpu.memory_space<vmem>>
    %dma_wait3A_1294 = tpu.memref_squeeze %dma_wait3A_1293 : memref<1x64x128xf32, #tpu.memory_space<vmem>> -> memref<64x128xf32, #tpu.memory_space<vmem>>
    %dma_wait3A_1295 = arith.constant 0 : i32
    %dma_wait3A_1296 = tpu.memref_slice %arg3[%dma_wait3A_1295, %multiple_of3A_247] : memref<64x100000xf32, #tpu.memory_space<hbm>> -> memref<64x128xf32, #tpu.memory_space<hbm>>
    %dma_wait3A_1297 = arith.constant 0 : i32
    %dma_wait3A_1298 = arith.constant 0 : i32
    %dma_wait3A_1299 = tpu.memref_slice %arg6[%dma_wait3A_1290, %dma_wait3A_1297, %dma_wait3A_1298] : memref<12x64x128xf32, #tpu.memory_space<vmem>> -> memref<1x64x128xf32, #tpu.memory_space<vmem>>
    %dma_wait3A_1300 = tpu.memref_squeeze %dma_wait3A_1299 : memref<1x64x128xf32, #tpu.memory_space<vmem>> -> memref<64x128xf32, #tpu.memory_space<vmem>>
    %dma_wait3A_1301 = arith.constant 0 : i32
    %dma_wait3A_1302 = tpu.memref_slice %arg3[%dma_wait3A_1301, %multiple_of3A_247] : memref<64x100000xf32, #tpu.memory_space<hbm>> -> memref<64x128xf32, #tpu.memory_space<hbm>>
    tpu.wait_dma2 semaphore(%arg19 : memref<!tpu.dma_semaphore, #tpu.memory_space<semaphore_mem>>) src(%dma_wait3A_1302 : memref<64x128xf32, #tpu.memory_space<hbm>>) dst(%dma_wait3A_1300 : memref<64x128xf32, #tpu.memory_space<vmem>>)
    %get3A_1303 = arith.constant 0 : index
    %get3A_1304 = tpu.vector_load %arg5[%get3A_1303] {strides = array<i32>} : memref<32xi32, #tpu.memory_space<vmem>>, vector<16xi32>,
    %slice3A_1305 = vector.extract_strided_slice %get3A_1304 {offsets = [11], sizes = [1], strides = [1]} : vector<16xi32> to vector<1xi32>
    %squeeze3A_1306 = vector.extract %slice3A_1305[0] : i32 from vector<1xi32>
    %and3A_1307 = arith.constant 127 : i32
    %and3A_1308 = arith.andi %squeeze3A_1306, %and3A_1307 : i32
    %broadcast_in_dim3A_1309 = vector.broadcast %and3A_1308 : i32 to vector<16xi32>
    %add3A_1310 = arith.constant 0 : i32
    %add3A_1311 = vector.broadcast %add3A_1310 : i32 to vector<16xi32>
    %add3A_1312 = arith.addi %iota3A, %add3A_1311 : vector<16xi32>
    %gather3A_1313 = arith.constant 11 : i32
    %gather3A_1314 = arith.constant 0 : i32
    %gather3A_1315 = arith.constant 0 : i32
    %gather3A_1316 = tpu.memref_slice %arg6[%gather3A_1313, %gather3A_1314, %gather3A_1315] : memref<12x64x128xf32, #tpu.memory_space<vmem>> -> memref<1x64x128xf32, #tpu.memory_space<vmem>>
    %gather3A_1317 = tpu.memref_squeeze %gather3A_1316 : memref<1x64x128xf32, #tpu.memory_space<vmem>> -> memref<64x128xf32, #tpu.memory_space<vmem>>
    %gather3A_1318 = tpu.vector_load_idx %gather3A_1317[%add3A_1312, %broadcast_in_dim3A_1309] : memref<64x128xf32, #tpu.memory_space<vmem>>[vector<16xi32>, vector<16xi32>], vector<16xf32>,
    %swap3A_1319 = arith.constant 11 : i32
    %swap3A_1320 = arith.index_cast %swap3A_1319 : i32 to index
    %swap3A_1321 = arith.constant 0 : index
    %swap3A_1322 = tpu.vector_load %arg7[%swap3A_1320, %swap3A_1321] {strides = array<i32>} : memref<32x64xf32, #tpu.memory_space<vmem>>, vector<16xf32>,
    tpu.vector_store %arg7[%swap3A_1320, %swap3A_1321], %gather3A_1318 {strides = array<i32>} : memref<32x64xf32, #tpu.memory_space<vmem>>, vector<16xf32>,
    %add3A_1323 = arith.constant 16 : i32
    %add3A_1324 = vector.broadcast %add3A_1323 : i32 to vector<16xi32>
    %add3A_1325 = arith.addi %iota3A, %add3A_1324 : vector<16xi32>
    %gather3A_1326 = arith.constant 11 : i32
    %gather3A_1327 = arith.constant 0 : i32
    %gather3A_1328 = arith.constant 0 : i32
    %gather3A_1329 = tpu.memref_slice %arg6[%gather3A_1326, %gather3A_1327, %gather3A_1328] : memref<12x64x128xf32, #tpu.memory_space<vmem>> -> memref<1x64x128xf32, #tpu.memory_space<vmem>>
    %gather3A_1330 = tpu.memref_squeeze %gather3A_1329 : memref<1x64x128xf32, #tpu.memory_space<vmem>> -> memref<64x128xf32, #tpu.memory_space<vmem>>
    %gather3A_1331 = tpu.vector_load_idx %gather3A_1330[%add3A_1325, %broadcast_in_dim3A_1309] : memref<64x128xf32, #tpu.memory_space<vmem>>[vector<16xi32>, vector<16xi32>], vector<16xf32>,
    %swap3A_1332 = arith.constant 11 : i32
    %swap3A_1333 = arith.index_cast %swap3A_1332 : i32 to index
    %swap3A_1334 = arith.constant 16 : index
    %swap3A_1335 = tpu.vector_load %arg7[%swap3A_1333, %swap3A_1334] {strides = array<i32>} : memref<32x64xf32, #tpu.memory_space<vmem>>, vector<16xf32>,
    tpu.vector_store %arg7[%swap3A_1333, %swap3A_1334], %gather3A_1331 {strides = array<i32>} : memref<32x64xf32, #tpu.memory_space<vmem>>, vector<16xf32>,
    %add3A_1336 = arith.constant 32 : i32
    %add3A_1337 = vector.broadcast %add3A_1336 : i32 to vector<16xi32>
    %add3A_1338 = arith.addi %iota3A, %add3A_1337 : vector<16xi32>
    %gather3A_1339 = arith.constant 11 : i32
    %gather3A_1340 = arith.constant 0 : i32
    %gather3A_1341 = arith.constant 0 : i32
    %gather3A_1342 = tpu.memref_slice %arg6[%gather3A_1339, %gather3A_1340, %gather3A_1341] : memref<12x64x128xf32, #tpu.memory_space<vmem>> -> memref<1x64x128xf32, #tpu.memory_space<vmem>>
    %gather3A_1343 = tpu.memref_squeeze %gather3A_1342 : memref<1x64x128xf32, #tpu.memory_space<vmem>> -> memref<64x128xf32, #tpu.memory_space<vmem>>
    %gather3A_1344 = tpu.vector_load_idx %gather3A_1343[%add3A_1338, %broadcast_in_dim3A_1309] : memref<64x128xf32, #tpu.memory_space<vmem>>[vector<16xi32>, vector<16xi32>], vector<16xf32>,
    %swap3A_1345 = arith.constant 11 : i32
    %swap3A_1346 = arith.index_cast %swap3A_1345 : i32 to index
    %swap3A_1347 = arith.constant 32 : index
    %swap3A_1348 = tpu.vector_load %arg7[%swap3A_1346, %swap3A_1347] {strides = array<i32>} : memref<32x64xf32, #tpu.memory_space<vmem>>, vector<16xf32>,
    tpu.vector_store %arg7[%swap3A_1346, %swap3A_1347], %gather3A_1344 {strides = array<i32>} : memref<32x64xf32, #tpu.memory_space<vmem>>, vector<16xf32>,
    %add3A_1349 = arith.constant 48 : i32
    %add3A_1350 = vector.broadcast %add3A_1349 : i32 to vector<16xi32>
    %add3A_1351 = arith.addi %iota3A, %add3A_1350 : vector<16xi32>
    %gather3A_1352 = arith.constant 11 : i32
    %gather3A_1353 = arith.constant 0 : i32
    %gather3A_1354 = arith.constant 0 : i32
    %gather3A_1355 = tpu.memref_slice %arg6[%gather3A_1352, %gather3A_1353, %gather3A_1354] : memref<12x64x128xf32, #tpu.memory_space<vmem>> -> memref<1x64x128xf32, #tpu.memory_space<vmem>>
    %gather3A_1356 = tpu.memref_squeeze %gather3A_1355 : memref<1x64x128xf32, #tpu.memory_space<vmem>> -> memref<64x128xf32, #tpu.memory_space<vmem>>
    %gather3A_1357 = tpu.vector_load_idx %gather3A_1356[%add3A_1351, %broadcast_in_dim3A_1309] : memref<64x128xf32, #tpu.memory_space<vmem>>[vector<16xi32>, vector<16xi32>], vector<16xf32>,
    %swap3A_1358 = arith.constant 11 : i32
    %swap3A_1359 = arith.index_cast %swap3A_1358 : i32 to index
    %swap3A_1360 = arith.constant 48 : index
    %swap3A_1361 = tpu.vector_load %arg7[%swap3A_1359, %swap3A_1360] {strides = array<i32>} : memref<32x64xf32, #tpu.memory_space<vmem>>, vector<16xf32>,
    tpu.vector_store %arg7[%swap3A_1359, %swap3A_1360], %gather3A_1357 {strides = array<i32>} : memref<32x64xf32, #tpu.memory_space<vmem>>, vector<16xf32>,
    %get3A_1362 = arith.constant 16 : index
    %get3A_1363 = tpu.vector_load %arg5[%get3A_1362] {strides = array<i32>} : memref<32xi32, #tpu.memory_space<vmem>>, vector<16xi32>,
    %slice3A_1364 = vector.extract_strided_slice %get3A_1363 {offsets = [7], sizes = [1], strides = [1]} : vector<16xi32> to vector<1xi32>
    %squeeze3A_1365 = vector.extract %slice3A_1364[0] : i32 from vector<1xi32>
    %shift_right_logical3A_1366 = arith.constant 7 : i32
    %shift_right_logical3A_1367 = arith.shrui %squeeze3A_1365, %shift_right_logical3A_1366 : i32
    %mul3A_1368 = arith.constant 128 : i32
    %mul3A_1369 = arith.muli %shift_right_logical3A_1367, %mul3A_1368 : i32
    %multiple_of3A_1370 = tpu.assume_multiple %mul3A_1369, 128 : i32
    %dma_start3A_1371 = arith.constant 11 : i32
    %dma_start3A_1372 = arith.constant 0 : i32
    %dma_start3A_1373 = arith.constant 0 : i32
    %dma_start3A_1374 = tpu.memref_slice %arg6[%dma_start3A_1371, %dma_start3A_1372, %dma_start3A_1373] : memref<12x64x128xf32, #tpu.memory_space<vmem>> -> memref<1x64x128xf32, #tpu.memory_space<vmem>>
    %dma_start3A_1375 = tpu.memref_squeeze %dma_start3A_1374 : memref<1x64x128xf32, #tpu.memory_space<vmem>> -> memref<64x128xf32, #tpu.memory_space<vmem>>
    %dma_start3A_1376 = arith.constant 0 : i32
    %dma_start3A_1377 = tpu.memref_slice %arg3[%dma_start3A_1376, %multiple_of3A_1370] : memref<64x100000xf32, #tpu.memory_space<hbm>> -> memref<64x128xf32, #tpu.memory_space<hbm>>
    %dma_start3A_1378 = arith.constant 0 : i32
    %dma_start3A_1379 = arith.constant 0 : i32
    %dma_start3A_1380 = tpu.memref_slice %arg6[%dma_start3A_1371, %dma_start3A_1378, %dma_start3A_1379] : memref<12x64x128xf32, #tpu.memory_space<vmem>> -> memref<1x64x128xf32, #tpu.memory_space<vmem>>
    %dma_start3A_1381 = tpu.memref_squeeze %dma_start3A_1380 : memref<1x64x128xf32, #tpu.memory_space<vmem>> -> memref<64x128xf32, #tpu.memory_space<vmem>>
    %dma_start3A_1382 = arith.constant 0 : i32
    %dma_start3A_1383 = tpu.memref_slice %arg3[%dma_start3A_1382, %multiple_of3A_1370] : memref<64x100000xf32, #tpu.memory_space<hbm>> -> memref<64x128xf32, #tpu.memory_space<hbm>>
    tpu.enqueue_dma source(%dma_start3A_1383 : memref<64x128xf32, #tpu.memory_space<hbm>>) target(%dma_start3A_1381 : memref<64x128xf32, #tpu.memory_space<vmem>>) target_semaphore(%arg19 : memref<!tpu.dma_semaphore, #tpu.memory_space<semaphore_mem>>)
    %dma_wait3A_1384 = arith.constant 0 : i32
    %dma_wait3A_1385 = arith.constant 0 : i32
    %dma_wait3A_1386 = arith.constant 0 : i32
    %dma_wait3A_1387 = tpu.memref_slice %arg6[%dma_wait3A_1384, %dma_wait3A_1385, %dma_wait3A_1386] : memref<12x64x128xf32, #tpu.memory_space<vmem>> -> memref<1x64x128xf32, #tpu.memory_space<vmem>>
    %dma_wait3A_1388 = tpu.memref_squeeze %dma_wait3A_1387 : memref<1x64x128xf32, #tpu.memory_space<vmem>> -> memref<64x128xf32, #tpu.memory_space<vmem>>
    %dma_wait3A_1389 = arith.constant 0 : i32
    %dma_wait3A_1390 = tpu.memref_slice %arg3[%dma_wait3A_1389, %multiple_of3A_336] : memref<64x100000xf32, #tpu.memory_space<hbm>> -> memref<64x128xf32, #tpu.memory_space<hbm>>
    %dma_wait3A_1391 = arith.constant 0 : i32
    %dma_wait3A_1392 = arith.constant 0 : i32
    %dma_wait3A_1393 = tpu.memref_slice %arg6[%dma_wait3A_1384, %dma_wait3A_1391, %dma_wait3A_1392] : memref<12x64x128xf32, #tpu.memory_space<vmem>> -> memref<1x64x128xf32, #tpu.memory_space<vmem>>
    %dma_wait3A_1394 = tpu.memref_squeeze %dma_wait3A_1393 : memref<1x64x128xf32, #tpu.memory_space<vmem>> -> memref<64x128xf32, #tpu.memory_space<vmem>>
    %dma_wait3A_1395 = arith.constant 0 : i32
    %dma_wait3A_1396 = tpu.memref_slice %arg3[%dma_wait3A_1395, %multiple_of3A_336] : memref<64x100000xf32, #tpu.memory_space<hbm>> -> memref<64x128xf32, #tpu.memory_space<hbm>>
    tpu.wait_dma2 semaphore(%arg8 : memref<!tpu.dma_semaphore, #tpu.memory_space<semaphore_mem>>) src(%dma_wait3A_1396 : memref<64x128xf32, #tpu.memory_space<hbm>>) dst(%dma_wait3A_1394 : memref<64x128xf32, #tpu.memory_space<vmem>>)
    %get3A_1397 = arith.constant 0 : index
    %get3A_1398 = tpu.vector_load %arg5[%get3A_1397] {strides = array<i32>} : memref<32xi32, #tpu.memory_space<vmem>>, vector<16xi32>,
    %slice3A_1399 = vector.extract_strided_slice %get3A_1398 {offsets = [12], sizes = [1], strides = [1]} : vector<16xi32> to vector<1xi32>
    %squeeze3A_1400 = vector.extract %slice3A_1399[0] : i32 from vector<1xi32>
    %and3A_1401 = arith.constant 127 : i32
    %and3A_1402 = arith.andi %squeeze3A_1400, %and3A_1401 : i32
    %broadcast_in_dim3A_1403 = vector.broadcast %and3A_1402 : i32 to vector<16xi32>
    %add3A_1404 = arith.constant 0 : i32
    %add3A_1405 = vector.broadcast %add3A_1404 : i32 to vector<16xi32>
    %add3A_1406 = arith.addi %iota3A, %add3A_1405 : vector<16xi32>
    %gather3A_1407 = arith.constant 0 : i32
    %gather3A_1408 = arith.constant 0 : i32
    %gather3A_1409 = arith.constant 0 : i32
    %gather3A_1410 = tpu.memref_slice %arg6[%gather3A_1407, %gather3A_1408, %gather3A_1409] : memref<12x64x128xf32, #tpu.memory_space<vmem>> -> memref<1x64x128xf32, #tpu.memory_space<vmem>>
    %gather3A_1411 = tpu.memref_squeeze %gather3A_1410 : memref<1x64x128xf32, #tpu.memory_space<vmem>> -> memref<64x128xf32, #tpu.memory_space<vmem>>
    %gather3A_1412 = tpu.vector_load_idx %gather3A_1411[%add3A_1406, %broadcast_in_dim3A_1403] : memref<64x128xf32, #tpu.memory_space<vmem>>[vector<16xi32>, vector<16xi32>], vector<16xf32>,
    %swap3A_1413 = arith.constant 12 : i32
    %swap3A_1414 = arith.index_cast %swap3A_1413 : i32 to index
    %swap3A_1415 = arith.constant 0 : index
    %swap3A_1416 = tpu.vector_load %arg7[%swap3A_1414, %swap3A_1415] {strides = array<i32>} : memref<32x64xf32, #tpu.memory_space<vmem>>, vector<16xf32>,
    tpu.vector_store %arg7[%swap3A_1414, %swap3A_1415], %gather3A_1412 {strides = array<i32>} : memref<32x64xf32, #tpu.memory_space<vmem>>, vector<16xf32>,
    %add3A_1417 = arith.constant 16 : i32
    %add3A_1418 = vector.broadcast %add3A_1417 : i32 to vector<16xi32>
    %add3A_1419 = arith.addi %iota3A, %add3A_1418 : vector<16xi32>
    %gather3A_1420 = arith.constant 0 : i32
    %gather3A_1421 = arith.constant 0 : i32
    %gather3A_1422 = arith.constant 0 : i32
    %gather3A_1423 = tpu.memref_slice %arg6[%gather3A_1420, %gather3A_1421, %gather3A_1422] : memref<12x64x128xf32, #tpu.memory_space<vmem>> -> memref<1x64x128xf32, #tpu.memory_space<vmem>>
    %gather3A_1424 = tpu.memref_squeeze %gather3A_1423 : memref<1x64x128xf32, #tpu.memory_space<vmem>> -> memref<64x128xf32, #tpu.memory_space<vmem>>
    %gather3A_1425 = tpu.vector_load_idx %gather3A_1424[%add3A_1419, %broadcast_in_dim3A_1403] : memref<64x128xf32, #tpu.memory_space<vmem>>[vector<16xi32>, vector<16xi32>], vector<16xf32>,
    %swap3A_1426 = arith.constant 12 : i32
    %swap3A_1427 = arith.index_cast %swap3A_1426 : i32 to index
    %swap3A_1428 = arith.constant 16 : index
    %swap3A_1429 = tpu.vector_load %arg7[%swap3A_1427, %swap3A_1428] {strides = array<i32>} : memref<32x64xf32, #tpu.memory_space<vmem>>, vector<16xf32>,
    tpu.vector_store %arg7[%swap3A_1427, %swap3A_1428], %gather3A_1425 {strides = array<i32>} : memref<32x64xf32, #tpu.memory_space<vmem>>, vector<16xf32>,
    %add3A_1430 = arith.constant 32 : i32
    %add3A_1431 = vector.broadcast %add3A_1430 : i32 to vector<16xi32>
    %add3A_1432 = arith.addi %iota3A, %add3A_1431 : vector<16xi32>
    %gather3A_1433 = arith.constant 0 : i32
    %gather3A_1434 = arith.constant 0 : i32
    %gather3A_1435 = arith.constant 0 : i32
    %gather3A_1436 = tpu.memref_slice %arg6[%gather3A_1433, %gather3A_1434, %gather3A_1435] : memref<12x64x128xf32, #tpu.memory_space<vmem>> -> memref<1x64x128xf32, #tpu.memory_space<vmem>>
    %gather3A_1437 = tpu.memref_squeeze %gather3A_1436 : memref<1x64x128xf32, #tpu.memory_space<vmem>> -> memref<64x128xf32, #tpu.memory_space<vmem>>
    %gather3A_1438 = tpu.vector_load_idx %gather3A_1437[%add3A_1432, %broadcast_in_dim3A_1403] : memref<64x128xf32, #tpu.memory_space<vmem>>[vector<16xi32>, vector<16xi32>], vector<16xf32>,
    %swap3A_1439 = arith.constant 12 : i32
    %swap3A_1440 = arith.index_cast %swap3A_1439 : i32 to index
    %swap3A_1441 = arith.constant 32 : index
    %swap3A_1442 = tpu.vector_load %arg7[%swap3A_1440, %swap3A_1441] {strides = array<i32>} : memref<32x64xf32, #tpu.memory_space<vmem>>, vector<16xf32>,
    tpu.vector_store %arg7[%swap3A_1440, %swap3A_1441], %gather3A_1438 {strides = array<i32>} : memref<32x64xf32, #tpu.memory_space<vmem>>, vector<16xf32>,
    %add3A_1443 = arith.constant 48 : i32
    %add3A_1444 = vector.broadcast %add3A_1443 : i32 to vector<16xi32>
    %add3A_1445 = arith.addi %iota3A, %add3A_1444 : vector<16xi32>
    %gather3A_1446 = arith.constant 0 : i32
    %gather3A_1447 = arith.constant 0 : i32
    %gather3A_1448 = arith.constant 0 : i32
    %gather3A_1449 = tpu.memref_slice %arg6[%gather3A_1446, %gather3A_1447, %gather3A_1448] : memref<12x64x128xf32, #tpu.memory_space<vmem>> -> memref<1x64x128xf32, #tpu.memory_space<vmem>>
    %gather3A_1450 = tpu.memref_squeeze %gather3A_1449 : memref<1x64x128xf32, #tpu.memory_space<vmem>> -> memref<64x128xf32, #tpu.memory_space<vmem>>
    %gather3A_1451 = tpu.vector_load_idx %gather3A_1450[%add3A_1445, %broadcast_in_dim3A_1403] : memref<64x128xf32, #tpu.memory_space<vmem>>[vector<16xi32>, vector<16xi32>], vector<16xf32>,
    %swap3A_1452 = arith.constant 12 : i32
    %swap3A_1453 = arith.index_cast %swap3A_1452 : i32 to index
    %swap3A_1454 = arith.constant 48 : index
    %swap3A_1455 = tpu.vector_load %arg7[%swap3A_1453, %swap3A_1454] {strides = array<i32>} : memref<32x64xf32, #tpu.memory_space<vmem>>, vector<16xf32>,
    tpu.vector_store %arg7[%swap3A_1453, %swap3A_1454], %gather3A_1451 {strides = array<i32>} : memref<32x64xf32, #tpu.memory_space<vmem>>, vector<16xf32>,
    %get3A_1456 = arith.constant 16 : index
    %get3A_1457 = tpu.vector_load %arg5[%get3A_1456] {strides = array<i32>} : memref<32xi32, #tpu.memory_space<vmem>>, vector<16xi32>,
    %slice3A_1458 = vector.extract_strided_slice %get3A_1457 {offsets = [8], sizes = [1], strides = [1]} : vector<16xi32> to vector<1xi32>
    %squeeze3A_1459 = vector.extract %slice3A_1458[0] : i32 from vector<1xi32>
    %shift_right_logical3A_1460 = arith.constant 7 : i32
    %shift_right_logical3A_1461 = arith.shrui %squeeze3A_1459, %shift_right_logical3A_1460 : i32
    %mul3A_1462 = arith.constant 128 : i32
    %mul3A_1463 = arith.muli %shift_right_logical3A_1461, %mul3A_1462 : i32
    %multiple_of3A_1464 = tpu.assume_multiple %mul3A_1463, 128 : i32
    %dma_start3A_1465 = arith.constant 0 : i32
    %dma_start3A_1466 = arith.constant 0 : i32
    %dma_start3A_1467 = arith.constant 0 : i32
    %dma_start3A_1468 = tpu.memref_slice %arg6[%dma_start3A_1465, %dma_start3A_1466, %dma_start3A_1467] : memref<12x64x128xf32, #tpu.memory_space<vmem>> -> memref<1x64x128xf32, #tpu.memory_space<vmem>>
    %dma_start3A_1469 = tpu.memref_squeeze %dma_start3A_1468 : memref<1x64x128xf32, #tpu.memory_space<vmem>> -> memref<64x128xf32, #tpu.memory_space<vmem>>
    %dma_start3A_1470 = arith.constant 0 : i32
    %dma_start3A_1471 = tpu.memref_slice %arg3[%dma_start3A_1470, %multiple_of3A_1464] : memref<64x100000xf32, #tpu.memory_space<hbm>> -> memref<64x128xf32, #tpu.memory_space<hbm>>
    %dma_start3A_1472 = arith.constant 0 : i32
    %dma_start3A_1473 = arith.constant 0 : i32
    %dma_start3A_1474 = tpu.memref_slice %arg6[%dma_start3A_1465, %dma_start3A_1472, %dma_start3A_1473] : memref<12x64x128xf32, #tpu.memory_space<vmem>> -> memref<1x64x128xf32, #tpu.memory_space<vmem>>
    %dma_start3A_1475 = tpu.memref_squeeze %dma_start3A_1474 : memref<1x64x128xf32, #tpu.memory_space<vmem>> -> memref<64x128xf32, #tpu.memory_space<vmem>>
    %dma_start3A_1476 = arith.constant 0 : i32
    %dma_start3A_1477 = tpu.memref_slice %arg3[%dma_start3A_1476, %multiple_of3A_1464] : memref<64x100000xf32, #tpu.memory_space<hbm>> -> memref<64x128xf32, #tpu.memory_space<hbm>>
    tpu.enqueue_dma source(%dma_start3A_1477 : memref<64x128xf32, #tpu.memory_space<hbm>>) target(%dma_start3A_1475 : memref<64x128xf32, #tpu.memory_space<vmem>>) target_semaphore(%arg8 : memref<!tpu.dma_semaphore, #tpu.memory_space<semaphore_mem>>)
    %dma_wait3A_1478 = arith.constant 1 : i32
    %dma_wait3A_1479 = arith.constant 0 : i32
    %dma_wait3A_1480 = arith.constant 0 : i32
    %dma_wait3A_1481 = tpu.memref_slice %arg6[%dma_wait3A_1478, %dma_wait3A_1479, %dma_wait3A_1480] : memref<12x64x128xf32, #tpu.memory_space<vmem>> -> memref<1x64x128xf32, #tpu.memory_space<vmem>>
    %dma_wait3A_1482 = tpu.memref_squeeze %dma_wait3A_1481 : memref<1x64x128xf32, #tpu.memory_space<vmem>> -> memref<64x128xf32, #tpu.memory_space<vmem>>
    %dma_wait3A_1483 = arith.constant 0 : i32
    %dma_wait3A_1484 = tpu.memref_slice %arg3[%dma_wait3A_1483, %multiple_of3A_430] : memref<64x100000xf32, #tpu.memory_space<hbm>> -> memref<64x128xf32, #tpu.memory_space<hbm>>
    %dma_wait3A_1485 = arith.constant 0 : i32
    %dma_wait3A_1486 = arith.constant 0 : i32
    %dma_wait3A_1487 = tpu.memref_slice %arg6[%dma_wait3A_1478, %dma_wait3A_1485, %dma_wait3A_1486] : memref<12x64x128xf32, #tpu.memory_space<vmem>> -> memref<1x64x128xf32, #tpu.memory_space<vmem>>
    %dma_wait3A_1488 = tpu.memref_squeeze %dma_wait3A_1487 : memref<1x64x128xf32, #tpu.memory_space<vmem>> -> memref<64x128xf32, #tpu.memory_space<vmem>>
    %dma_wait3A_1489 = arith.constant 0 : i32
    %dma_wait3A_1490 = tpu.memref_slice %arg3[%dma_wait3A_1489, %multiple_of3A_430] : memref<64x100000xf32, #tpu.memory_space<hbm>> -> memref<64x128xf32, #tpu.memory_space<hbm>>
    tpu.wait_dma2 semaphore(%arg9 : memref<!tpu.dma_semaphore, #tpu.memory_space<semaphore_mem>>) src(%dma_wait3A_1490 : memref<64x128xf32, #tpu.memory_space<hbm>>) dst(%dma_wait3A_1488 : memref<64x128xf32, #tpu.memory_space<vmem>>)
    %get3A_1491 = arith.constant 0 : index
    %get3A_1492 = tpu.vector_load %arg5[%get3A_1491] {strides = array<i32>} : memref<32xi32, #tpu.memory_space<vmem>>, vector<16xi32>,
    %slice3A_1493 = vector.extract_strided_slice %get3A_1492 {offsets = [13], sizes = [1], strides = [1]} : vector<16xi32> to vector<1xi32>
    %squeeze3A_1494 = vector.extract %slice3A_1493[0] : i32 from vector<1xi32>
    %and3A_1495 = arith.constant 127 : i32
    %and3A_1496 = arith.andi %squeeze3A_1494, %and3A_1495 : i32
    %broadcast_in_dim3A_1497 = vector.broadcast %and3A_1496 : i32 to vector<16xi32>
    %add3A_1498 = arith.constant 0 : i32
    %add3A_1499 = vector.broadcast %add3A_1498 : i32 to vector<16xi32>
    %add3A_1500 = arith.addi %iota3A, %add3A_1499 : vector<16xi32>
    %gather3A_1501 = arith.constant 1 : i32
    %gather3A_1502 = arith.constant 0 : i32
    %gather3A_1503 = arith.constant 0 : i32
    %gather3A_1504 = tpu.memref_slice %arg6[%gather3A_1501, %gather3A_1502, %gather3A_1503] : memref<12x64x128xf32, #tpu.memory_space<vmem>> -> memref<1x64x128xf32, #tpu.memory_space<vmem>>
    %gather3A_1505 = tpu.memref_squeeze %gather3A_1504 : memref<1x64x128xf32, #tpu.memory_space<vmem>> -> memref<64x128xf32, #tpu.memory_space<vmem>>
    %gather3A_1506 = tpu.vector_load_idx %gather3A_1505[%add3A_1500, %broadcast_in_dim3A_1497] : memref<64x128xf32, #tpu.memory_space<vmem>>[vector<16xi32>, vector<16xi32>], vector<16xf32>,
    %swap3A_1507 = arith.constant 13 : i32
    %swap3A_1508 = arith.index_cast %swap3A_1507 : i32 to index
    %swap3A_1509 = arith.constant 0 : index
    %swap3A_1510 = tpu.vector_load %arg7[%swap3A_1508, %swap3A_1509] {strides = array<i32>} : memref<32x64xf32, #tpu.memory_space<vmem>>, vector<16xf32>,
    tpu.vector_store %arg7[%swap3A_1508, %swap3A_1509], %gather3A_1506 {strides = array<i32>} : memref<32x64xf32, #tpu.memory_space<vmem>>, vector<16xf32>,
    %add3A_1511 = arith.constant 16 : i32
    %add3A_1512 = vector.broadcast %add3A_1511 : i32 to vector<16xi32>
    %add3A_1513 = arith.addi %iota3A, %add3A_1512 : vector<16xi32>
    %gather3A_1514 = arith.constant 1 : i32
    %gather3A_1515 = arith.constant 0 : i32
    %gather3A_1516 = arith.constant 0 : i32
    %gather3A_1517 = tpu.memref_slice %arg6[%gather3A_1514, %gather3A_1515, %gather3A_1516] : memref<12x64x128xf32, #tpu.memory_space<vmem>> -> memref<1x64x128xf32, #tpu.memory_space<vmem>>
    %gather3A_1518 = tpu.memref_squeeze %gather3A_1517 : memref<1x64x128xf32, #tpu.memory_space<vmem>> -> memref<64x128xf32, #tpu.memory_space<vmem>>
    %gather3A_1519 = tpu.vector_load_idx %gather3A_1518[%add3A_1513, %broadcast_in_dim3A_1497] : memref<64x128xf32, #tpu.memory_space<vmem>>[vector<16xi32>, vector<16xi32>], vector<16xf32>,
    %swap3A_1520 = arith.constant 13 : i32
    %swap3A_1521 = arith.index_cast %swap3A_1520 : i32 to index
    %swap3A_1522 = arith.constant 16 : index
    %swap3A_1523 = tpu.vector_load %arg7[%swap3A_1521, %swap3A_1522] {strides = array<i32>} : memref<32x64xf32, #tpu.memory_space<vmem>>, vector<16xf32>,
    tpu.vector_store %arg7[%swap3A_1521, %swap3A_1522], %gather3A_1519 {strides = array<i32>} : memref<32x64xf32, #tpu.memory_space<vmem>>, vector<16xf32>,
    %add3A_1524 = arith.constant 32 : i32
    %add3A_1525 = vector.broadcast %add3A_1524 : i32 to vector<16xi32>
    %add3A_1526 = arith.addi %iota3A, %add3A_1525 : vector<16xi32>
    %gather3A_1527 = arith.constant 1 : i32
    %gather3A_1528 = arith.constant 0 : i32
    %gather3A_1529 = arith.constant 0 : i32
    %gather3A_1530 = tpu.memref_slice %arg6[%gather3A_1527, %gather3A_1528, %gather3A_1529] : memref<12x64x128xf32, #tpu.memory_space<vmem>> -> memref<1x64x128xf32, #tpu.memory_space<vmem>>
    %gather3A_1531 = tpu.memref_squeeze %gather3A_1530 : memref<1x64x128xf32, #tpu.memory_space<vmem>> -> memref<64x128xf32, #tpu.memory_space<vmem>>
    %gather3A_1532 = tpu.vector_load_idx %gather3A_1531[%add3A_1526, %broadcast_in_dim3A_1497] : memref<64x128xf32, #tpu.memory_space<vmem>>[vector<16xi32>, vector<16xi32>], vector<16xf32>,
    %swap3A_1533 = arith.constant 13 : i32
    %swap3A_1534 = arith.index_cast %swap3A_1533 : i32 to index
    %swap3A_1535 = arith.constant 32 : index
    %swap3A_1536 = tpu.vector_load %arg7[%swap3A_1534, %swap3A_1535] {strides = array<i32>} : memref<32x64xf32, #tpu.memory_space<vmem>>, vector<16xf32>,
    tpu.vector_store %arg7[%swap3A_1534, %swap3A_1535], %gather3A_1532 {strides = array<i32>} : memref<32x64xf32, #tpu.memory_space<vmem>>, vector<16xf32>,
    %add3A_1537 = arith.constant 48 : i32
    %add3A_1538 = vector.broadcast %add3A_1537 : i32 to vector<16xi32>
    %add3A_1539 = arith.addi %iota3A, %add3A_1538 : vector<16xi32>
    %gather3A_1540 = arith.constant 1 : i32
    %gather3A_1541 = arith.constant 0 : i32
    %gather3A_1542 = arith.constant 0 : i32
    %gather3A_1543 = tpu.memref_slice %arg6[%gather3A_1540, %gather3A_1541, %gather3A_1542] : memref<12x64x128xf32, #tpu.memory_space<vmem>> -> memref<1x64x128xf32, #tpu.memory_space<vmem>>
    %gather3A_1544 = tpu.memref_squeeze %gather3A_1543 : memref<1x64x128xf32, #tpu.memory_space<vmem>> -> memref<64x128xf32, #tpu.memory_space<vmem>>
    %gather3A_1545 = tpu.vector_load_idx %gather3A_1544[%add3A_1539, %broadcast_in_dim3A_1497] : memref<64x128xf32, #tpu.memory_space<vmem>>[vector<16xi32>, vector<16xi32>], vector<16xf32>,
    %swap3A_1546 = arith.constant 13 : i32
    %swap3A_1547 = arith.index_cast %swap3A_1546 : i32 to index
    %swap3A_1548 = arith.constant 48 : index
    %swap3A_1549 = tpu.vector_load %arg7[%swap3A_1547, %swap3A_1548] {strides = array<i32>} : memref<32x64xf32, #tpu.memory_space<vmem>>, vector<16xf32>,
    tpu.vector_store %arg7[%swap3A_1547, %swap3A_1548], %gather3A_1545 {strides = array<i32>} : memref<32x64xf32, #tpu.memory_space<vmem>>, vector<16xf32>,
    %get3A_1550 = arith.constant 16 : index
    %get3A_1551 = tpu.vector_load %arg5[%get3A_1550] {strides = array<i32>} : memref<32xi32, #tpu.memory_space<vmem>>, vector<16xi32>,
    %slice3A_1552 = vector.extract_strided_slice %get3A_1551 {offsets = [9], sizes = [1], strides = [1]} : vector<16xi32> to vector<1xi32>
    %squeeze3A_1553 = vector.extract %slice3A_1552[0] : i32 from vector<1xi32>
    %shift_right_logical3A_1554 = arith.constant 7 : i32
    %shift_right_logical3A_1555 = arith.shrui %squeeze3A_1553, %shift_right_logical3A_1554 : i32
    %mul3A_1556 = arith.constant 128 : i32
    %mul3A_1557 = arith.muli %shift_right_logical3A_1555, %mul3A_1556 : i32
    %multiple_of3A_1558 = tpu.assume_multiple %mul3A_1557, 128 : i32
    %dma_start3A_1559 = arith.constant 1 : i32
    %dma_start3A_1560 = arith.constant 0 : i32
    %dma_start3A_1561 = arith.constant 0 : i32
    %dma_start3A_1562 = tpu.memref_slice %arg6[%dma_start3A_1559, %dma_start3A_1560, %dma_start3A_1561] : memref<12x64x128xf32, #tpu.memory_space<vmem>> -> memref<1x64x128xf32, #tpu.memory_space<vmem>>
    %dma_start3A_1563 = tpu.memref_squeeze %dma_start3A_1562 : memref<1x64x128xf32, #tpu.memory_space<vmem>> -> memref<64x128xf32, #tpu.memory_space<vmem>>
    %dma_start3A_1564 = arith.constant 0 : i32
    %dma_start3A_1565 = tpu.memref_slice %arg3[%dma_start3A_1564, %multiple_of3A_1558] : memref<64x100000xf32, #tpu.memory_space<hbm>> -> memref<64x128xf32, #tpu.memory_space<hbm>>
    %dma_start3A_1566 = arith.constant 0 : i32
    %dma_start3A_1567 = arith.constant 0 : i32
    %dma_start3A_1568 = tpu.memref_slice %arg6[%dma_start3A_1559, %dma_start3A_1566, %dma_start3A_1567] : memref<12x64x128xf32, #tpu.memory_space<vmem>> -> memref<1x64x128xf32, #tpu.memory_space<vmem>>
    %dma_start3A_1569 = tpu.memref_squeeze %dma_start3A_1568 : memref<1x64x128xf32, #tpu.memory_space<vmem>> -> memref<64x128xf32, #tpu.memory_space<vmem>>
    %dma_start3A_1570 = arith.constant 0 : i32
    %dma_start3A_1571 = tpu.memref_slice %arg3[%dma_start3A_1570, %multiple_of3A_1558] : memref<64x100000xf32, #tpu.memory_space<hbm>> -> memref<64x128xf32, #tpu.memory_space<hbm>>
    tpu.enqueue_dma source(%dma_start3A_1571 : memref<64x128xf32, #tpu.memory_space<hbm>>) target(%dma_start3A_1569 : memref<64x128xf32, #tpu.memory_space<vmem>>) target_semaphore(%arg9 : memref<!tpu.dma_semaphore, #tpu.memory_space<semaphore_mem>>)
    %dma_wait3A_1572 = arith.constant 2 : i32
    %dma_wait3A_1573 = arith.constant 0 : i32
    %dma_wait3A_1574 = arith.constant 0 : i32
    %dma_wait3A_1575 = tpu.memref_slice %arg6[%dma_wait3A_1572, %dma_wait3A_1573, %dma_wait3A_1574] : memref<12x64x128xf32, #tpu.memory_space<vmem>> -> memref<1x64x128xf32, #tpu.memory_space<vmem>>
    %dma_wait3A_1576 = tpu.memref_squeeze %dma_wait3A_1575 : memref<1x64x128xf32, #tpu.memory_space<vmem>> -> memref<64x128xf32, #tpu.memory_space<vmem>>
    %dma_wait3A_1577 = arith.constant 0 : i32
    %dma_wait3A_1578 = tpu.memref_slice %arg3[%dma_wait3A_1577, %multiple_of3A_524] : memref<64x100000xf32, #tpu.memory_space<hbm>> -> memref<64x128xf32, #tpu.memory_space<hbm>>
    %dma_wait3A_1579 = arith.constant 0 : i32
    %dma_wait3A_1580 = arith.constant 0 : i32
    %dma_wait3A_1581 = tpu.memref_slice %arg6[%dma_wait3A_1572, %dma_wait3A_1579, %dma_wait3A_1580] : memref<12x64x128xf32, #tpu.memory_space<vmem>> -> memref<1x64x128xf32, #tpu.memory_space<vmem>>
    %dma_wait3A_1582 = tpu.memref_squeeze %dma_wait3A_1581 : memref<1x64x128xf32, #tpu.memory_space<vmem>> -> memref<64x128xf32, #tpu.memory_space<vmem>>
    %dma_wait3A_1583 = arith.constant 0 : i32
    %dma_wait3A_1584 = tpu.memref_slice %arg3[%dma_wait3A_1583, %multiple_of3A_524] : memref<64x100000xf32, #tpu.memory_space<hbm>> -> memref<64x128xf32, #tpu.memory_space<hbm>>
    tpu.wait_dma2 semaphore(%arg10 : memref<!tpu.dma_semaphore, #tpu.memory_space<semaphore_mem>>) src(%dma_wait3A_1584 : memref<64x128xf32, #tpu.memory_space<hbm>>) dst(%dma_wait3A_1582 : memref<64x128xf32, #tpu.memory_space<vmem>>)
    %get3A_1585 = arith.constant 0 : index
    %get3A_1586 = tpu.vector_load %arg5[%get3A_1585] {strides = array<i32>} : memref<32xi32, #tpu.memory_space<vmem>>, vector<16xi32>,
    %slice3A_1587 = vector.extract_strided_slice %get3A_1586 {offsets = [14], sizes = [1], strides = [1]} : vector<16xi32> to vector<1xi32>
    %squeeze3A_1588 = vector.extract %slice3A_1587[0] : i32 from vector<1xi32>
    %and3A_1589 = arith.constant 127 : i32
    %and3A_1590 = arith.andi %squeeze3A_1588, %and3A_1589 : i32
    %broadcast_in_dim3A_1591 = vector.broadcast %and3A_1590 : i32 to vector<16xi32>
    %add3A_1592 = arith.constant 0 : i32
    %add3A_1593 = vector.broadcast %add3A_1592 : i32 to vector<16xi32>
    %add3A_1594 = arith.addi %iota3A, %add3A_1593 : vector<16xi32>
    %gather3A_1595 = arith.constant 2 : i32
    %gather3A_1596 = arith.constant 0 : i32
    %gather3A_1597 = arith.constant 0 : i32
    %gather3A_1598 = tpu.memref_slice %arg6[%gather3A_1595, %gather3A_1596, %gather3A_1597] : memref<12x64x128xf32, #tpu.memory_space<vmem>> -> memref<1x64x128xf32, #tpu.memory_space<vmem>>
    %gather3A_1599 = tpu.memref_squeeze %gather3A_1598 : memref<1x64x128xf32, #tpu.memory_space<vmem>> -> memref<64x128xf32, #tpu.memory_space<vmem>>
    %gather3A_1600 = tpu.vector_load_idx %gather3A_1599[%add3A_1594, %broadcast_in_dim3A_1591] : memref<64x128xf32, #tpu.memory_space<vmem>>[vector<16xi32>, vector<16xi32>], vector<16xf32>,
    %swap3A_1601 = arith.constant 14 : i32
    %swap3A_1602 = arith.index_cast %swap3A_1601 : i32 to index
    %swap3A_1603 = arith.constant 0 : index
    %swap3A_1604 = tpu.vector_load %arg7[%swap3A_1602, %swap3A_1603] {strides = array<i32>} : memref<32x64xf32, #tpu.memory_space<vmem>>, vector<16xf32>,
    tpu.vector_store %arg7[%swap3A_1602, %swap3A_1603], %gather3A_1600 {strides = array<i32>} : memref<32x64xf32, #tpu.memory_space<vmem>>, vector<16xf32>,
    %add3A_1605 = arith.constant 16 : i32
    %add3A_1606 = vector.broadcast %add3A_1605 : i32 to vector<16xi32>
    %add3A_1607 = arith.addi %iota3A, %add3A_1606 : vector<16xi32>
    %gather3A_1608 = arith.constant 2 : i32
    %gather3A_1609 = arith.constant 0 : i32
    %gather3A_1610 = arith.constant 0 : i32
    %gather3A_1611 = tpu.memref_slice %arg6[%gather3A_1608, %gather3A_1609, %gather3A_1610] : memref<12x64x128xf32, #tpu.memory_space<vmem>> -> memref<1x64x128xf32, #tpu.memory_space<vmem>>
    %gather3A_1612 = tpu.memref_squeeze %gather3A_1611 : memref<1x64x128xf32, #tpu.memory_space<vmem>> -> memref<64x128xf32, #tpu.memory_space<vmem>>
    %gather3A_1613 = tpu.vector_load_idx %gather3A_1612[%add3A_1607, %broadcast_in_dim3A_1591] : memref<64x128xf32, #tpu.memory_space<vmem>>[vector<16xi32>, vector<16xi32>], vector<16xf32>,
    %swap3A_1614 = arith.constant 14 : i32
    %swap3A_1615 = arith.index_cast %swap3A_1614 : i32 to index
    %swap3A_1616 = arith.constant 16 : index
    %swap3A_1617 = tpu.vector_load %arg7[%swap3A_1615, %swap3A_1616] {strides = array<i32>} : memref<32x64xf32, #tpu.memory_space<vmem>>, vector<16xf32>,
    tpu.vector_store %arg7[%swap3A_1615, %swap3A_1616], %gather3A_1613 {strides = array<i32>} : memref<32x64xf32, #tpu.memory_space<vmem>>, vector<16xf32>,
    %add3A_1618 = arith.constant 32 : i32
    %add3A_1619 = vector.broadcast %add3A_1618 : i32 to vector<16xi32>
    %add3A_1620 = arith.addi %iota3A, %add3A_1619 : vector<16xi32>
    %gather3A_1621 = arith.constant 2 : i32
    %gather3A_1622 = arith.constant 0 : i32
    %gather3A_1623 = arith.constant 0 : i32
    %gather3A_1624 = tpu.memref_slice %arg6[%gather3A_1621, %gather3A_1622, %gather3A_1623] : memref<12x64x128xf32, #tpu.memory_space<vmem>> -> memref<1x64x128xf32, #tpu.memory_space<vmem>>
    %gather3A_1625 = tpu.memref_squeeze %gather3A_1624 : memref<1x64x128xf32, #tpu.memory_space<vmem>> -> memref<64x128xf32, #tpu.memory_space<vmem>>
    %gather3A_1626 = tpu.vector_load_idx %gather3A_1625[%add3A_1620, %broadcast_in_dim3A_1591] : memref<64x128xf32, #tpu.memory_space<vmem>>[vector<16xi32>, vector<16xi32>], vector<16xf32>,
    %swap3A_1627 = arith.constant 14 : i32
    %swap3A_1628 = arith.index_cast %swap3A_1627 : i32 to index
    %swap3A_1629 = arith.constant 32 : index
    %swap3A_1630 = tpu.vector_load %arg7[%swap3A_1628, %swap3A_1629] {strides = array<i32>} : memref<32x64xf32, #tpu.memory_space<vmem>>, vector<16xf32>,
    tpu.vector_store %arg7[%swap3A_1628, %swap3A_1629], %gather3A_1626 {strides = array<i32>} : memref<32x64xf32, #tpu.memory_space<vmem>>, vector<16xf32>,
    %add3A_1631 = arith.constant 48 : i32
    %add3A_1632 = vector.broadcast %add3A_1631 : i32 to vector<16xi32>
    %add3A_1633 = arith.addi %iota3A, %add3A_1632 : vector<16xi32>
    %gather3A_1634 = arith.constant 2 : i32
    %gather3A_1635 = arith.constant 0 : i32
    %gather3A_1636 = arith.constant 0 : i32
    %gather3A_1637 = tpu.memref_slice %arg6[%gather3A_1634, %gather3A_1635, %gather3A_1636] : memref<12x64x128xf32, #tpu.memory_space<vmem>> -> memref<1x64x128xf32, #tpu.memory_space<vmem>>
    %gather3A_1638 = tpu.memref_squeeze %gather3A_1637 : memref<1x64x128xf32, #tpu.memory_space<vmem>> -> memref<64x128xf32, #tpu.memory_space<vmem>>
    %gather3A_1639 = tpu.vector_load_idx %gather3A_1638[%add3A_1633, %broadcast_in_dim3A_1591] : memref<64x128xf32, #tpu.memory_space<vmem>>[vector<16xi32>, vector<16xi32>], vector<16xf32>,
    %swap3A_1640 = arith.constant 14 : i32
    %swap3A_1641 = arith.index_cast %swap3A_1640 : i32 to index
    %swap3A_1642 = arith.constant 48 : index
    %swap3A_1643 = tpu.vector_load %arg7[%swap3A_1641, %swap3A_1642] {strides = array<i32>} : memref<32x64xf32, #tpu.memory_space<vmem>>, vector<16xf32>,
    tpu.vector_store %arg7[%swap3A_1641, %swap3A_1642], %gather3A_1639 {strides = array<i32>} : memref<32x64xf32, #tpu.memory_space<vmem>>, vector<16xf32>,
    %get3A_1644 = arith.constant 16 : index
    %get3A_1645 = tpu.vector_load %arg5[%get3A_1644] {strides = array<i32>} : memref<32xi32, #tpu.memory_space<vmem>>, vector<16xi32>,
    %slice3A_1646 = vector.extract_strided_slice %get3A_1645 {offsets = [10], sizes = [1], strides = [1]} : vector<16xi32> to vector<1xi32>
    %squeeze3A_1647 = vector.extract %slice3A_1646[0] : i32 from vector<1xi32>
    %shift_right_logical3A_1648 = arith.constant 7 : i32
    %shift_right_logical3A_1649 = arith.shrui %squeeze3A_1647, %shift_right_logical3A_1648 : i32
    %mul3A_1650 = arith.constant 128 : i32
    %mul3A_1651 = arith.muli %shift_right_logical3A_1649, %mul3A_1650 : i32
    %multiple_of3A_1652 = tpu.assume_multiple %mul3A_1651, 128 : i32
    %dma_start3A_1653 = arith.constant 2 : i32
    %dma_start3A_1654 = arith.constant 0 : i32
    %dma_start3A_1655 = arith.constant 0 : i32
    %dma_start3A_1656 = tpu.memref_slice %arg6[%dma_start3A_1653, %dma_start3A_1654, %dma_start3A_1655] : memref<12x64x128xf32, #tpu.memory_space<vmem>> -> memref<1x64x128xf32, #tpu.memory_space<vmem>>
    %dma_start3A_1657 = tpu.memref_squeeze %dma_start3A_1656 : memref<1x64x128xf32, #tpu.memory_space<vmem>> -> memref<64x128xf32, #tpu.memory_space<vmem>>
    %dma_start3A_1658 = arith.constant 0 : i32
    %dma_start3A_1659 = tpu.memref_slice %arg3[%dma_start3A_1658, %multiple_of3A_1652] : memref<64x100000xf32, #tpu.memory_space<hbm>> -> memref<64x128xf32, #tpu.memory_space<hbm>>
    %dma_start3A_1660 = arith.constant 0 : i32
    %dma_start3A_1661 = arith.constant 0 : i32
    %dma_start3A_1662 = tpu.memref_slice %arg6[%dma_start3A_1653, %dma_start3A_1660, %dma_start3A_1661] : memref<12x64x128xf32, #tpu.memory_space<vmem>> -> memref<1x64x128xf32, #tpu.memory_space<vmem>>
    %dma_start3A_1663 = tpu.memref_squeeze %dma_start3A_1662 : memref<1x64x128xf32, #tpu.memory_space<vmem>> -> memref<64x128xf32, #tpu.memory_space<vmem>>
    %dma_start3A_1664 = arith.constant 0 : i32
    %dma_start3A_1665 = tpu.memref_slice %arg3[%dma_start3A_1664, %multiple_of3A_1652] : memref<64x100000xf32, #tpu.memory_space<hbm>> -> memref<64x128xf32, #tpu.memory_space<hbm>>
    tpu.enqueue_dma source(%dma_start3A_1665 : memref<64x128xf32, #tpu.memory_space<hbm>>) target(%dma_start3A_1663 : memref<64x128xf32, #tpu.memory_space<vmem>>) target_semaphore(%arg10 : memref<!tpu.dma_semaphore, #tpu.memory_space<semaphore_mem>>)
    %dma_wait3A_1666 = arith.constant 3 : i32
    %dma_wait3A_1667 = arith.constant 0 : i32
    %dma_wait3A_1668 = arith.constant 0 : i32
    %dma_wait3A_1669 = tpu.memref_slice %arg6[%dma_wait3A_1666, %dma_wait3A_1667, %dma_wait3A_1668] : memref<12x64x128xf32, #tpu.memory_space<vmem>> -> memref<1x64x128xf32, #tpu.memory_space<vmem>>
    %dma_wait3A_1670 = tpu.memref_squeeze %dma_wait3A_1669 : memref<1x64x128xf32, #tpu.memory_space<vmem>> -> memref<64x128xf32, #tpu.memory_space<vmem>>
    %dma_wait3A_1671 = arith.constant 0 : i32
    %dma_wait3A_1672 = tpu.memref_slice %arg3[%dma_wait3A_1671, %multiple_of3A_618] : memref<64x100000xf32, #tpu.memory_space<hbm>> -> memref<64x128xf32, #tpu.memory_space<hbm>>
    %dma_wait3A_1673 = arith.constant 0 : i32
    %dma_wait3A_1674 = arith.constant 0 : i32
    %dma_wait3A_1675 = tpu.memref_slice %arg6[%dma_wait3A_1666, %dma_wait3A_1673, %dma_wait3A_1674] : memref<12x64x128xf32, #tpu.memory_space<vmem>> -> memref<1x64x128xf32, #tpu.memory_space<vmem>>
    %dma_wait3A_1676 = tpu.memref_squeeze %dma_wait3A_1675 : memref<1x64x128xf32, #tpu.memory_space<vmem>> -> memref<64x128xf32, #tpu.memory_space<vmem>>
    %dma_wait3A_1677 = arith.constant 0 : i32
    %dma_wait3A_1678 = tpu.memref_slice %arg3[%dma_wait3A_1677, %multiple_of3A_618] : memref<64x100000xf32, #tpu.memory_space<hbm>> -> memref<64x128xf32, #tpu.memory_space<hbm>>
    tpu.wait_dma2 semaphore(%arg11 : memref<!tpu.dma_semaphore, #tpu.memory_space<semaphore_mem>>) src(%dma_wait3A_1678 : memref<64x128xf32, #tpu.memory_space<hbm>>) dst(%dma_wait3A_1676 : memref<64x128xf32, #tpu.memory_space<vmem>>)
    %get3A_1679 = arith.constant 0 : index
    %get3A_1680 = tpu.vector_load %arg5[%get3A_1679] {strides = array<i32>} : memref<32xi32, #tpu.memory_space<vmem>>, vector<16xi32>,
    %slice3A_1681 = vector.extract_strided_slice %get3A_1680 {offsets = [15], sizes = [1], strides = [1]} : vector<16xi32> to vector<1xi32>
    %squeeze3A_1682 = vector.extract %slice3A_1681[0] : i32 from vector<1xi32>
    %and3A_1683 = arith.constant 127 : i32
    %and3A_1684 = arith.andi %squeeze3A_1682, %and3A_1683 : i32
    %broadcast_in_dim3A_1685 = vector.broadcast %and3A_1684 : i32 to vector<16xi32>
    %add3A_1686 = arith.constant 0 : i32
    %add3A_1687 = vector.broadcast %add3A_1686 : i32 to vector<16xi32>
    %add3A_1688 = arith.addi %iota3A, %add3A_1687 : vector<16xi32>
    %gather3A_1689 = arith.constant 3 : i32
    %gather3A_1690 = arith.constant 0 : i32
    %gather3A_1691 = arith.constant 0 : i32
    %gather3A_1692 = tpu.memref_slice %arg6[%gather3A_1689, %gather3A_1690, %gather3A_1691] : memref<12x64x128xf32, #tpu.memory_space<vmem>> -> memref<1x64x128xf32, #tpu.memory_space<vmem>>
    %gather3A_1693 = tpu.memref_squeeze %gather3A_1692 : memref<1x64x128xf32, #tpu.memory_space<vmem>> -> memref<64x128xf32, #tpu.memory_space<vmem>>
    %gather3A_1694 = tpu.vector_load_idx %gather3A_1693[%add3A_1688, %broadcast_in_dim3A_1685] : memref<64x128xf32, #tpu.memory_space<vmem>>[vector<16xi32>, vector<16xi32>], vector<16xf32>,
    %swap3A_1695 = arith.constant 15 : i32
    %swap3A_1696 = arith.index_cast %swap3A_1695 : i32 to index
    %swap3A_1697 = arith.constant 0 : index
    %swap3A_1698 = tpu.vector_load %arg7[%swap3A_1696, %swap3A_1697] {strides = array<i32>} : memref<32x64xf32, #tpu.memory_space<vmem>>, vector<16xf32>,
    tpu.vector_store %arg7[%swap3A_1696, %swap3A_1697], %gather3A_1694 {strides = array<i32>} : memref<32x64xf32, #tpu.memory_space<vmem>>, vector<16xf32>,
    %add3A_1699 = arith.constant 16 : i32
    %add3A_1700 = vector.broadcast %add3A_1699 : i32 to vector<16xi32>
    %add3A_1701 = arith.addi %iota3A, %add3A_1700 : vector<16xi32>
    %gather3A_1702 = arith.constant 3 : i32
    %gather3A_1703 = arith.constant 0 : i32
    %gather3A_1704 = arith.constant 0 : i32
    %gather3A_1705 = tpu.memref_slice %arg6[%gather3A_1702, %gather3A_1703, %gather3A_1704] : memref<12x64x128xf32, #tpu.memory_space<vmem>> -> memref<1x64x128xf32, #tpu.memory_space<vmem>>
    %gather3A_1706 = tpu.memref_squeeze %gather3A_1705 : memref<1x64x128xf32, #tpu.memory_space<vmem>> -> memref<64x128xf32, #tpu.memory_space<vmem>>
    %gather3A_1707 = tpu.vector_load_idx %gather3A_1706[%add3A_1701, %broadcast_in_dim3A_1685] : memref<64x128xf32, #tpu.memory_space<vmem>>[vector<16xi32>, vector<16xi32>], vector<16xf32>,
    %swap3A_1708 = arith.constant 15 : i32
    %swap3A_1709 = arith.index_cast %swap3A_1708 : i32 to index
    %swap3A_1710 = arith.constant 16 : index
    %swap3A_1711 = tpu.vector_load %arg7[%swap3A_1709, %swap3A_1710] {strides = array<i32>} : memref<32x64xf32, #tpu.memory_space<vmem>>, vector<16xf32>,
    tpu.vector_store %arg7[%swap3A_1709, %swap3A_1710], %gather3A_1707 {strides = array<i32>} : memref<32x64xf32, #tpu.memory_space<vmem>>, vector<16xf32>,
    %add3A_1712 = arith.constant 32 : i32
    %add3A_1713 = vector.broadcast %add3A_1712 : i32 to vector<16xi32>
    %add3A_1714 = arith.addi %iota3A, %add3A_1713 : vector<16xi32>
    %gather3A_1715 = arith.constant 3 : i32
    %gather3A_1716 = arith.constant 0 : i32
    %gather3A_1717 = arith.constant 0 : i32
    %gather3A_1718 = tpu.memref_slice %arg6[%gather3A_1715, %gather3A_1716, %gather3A_1717] : memref<12x64x128xf32, #tpu.memory_space<vmem>> -> memref<1x64x128xf32, #tpu.memory_space<vmem>>
    %gather3A_1719 = tpu.memref_squeeze %gather3A_1718 : memref<1x64x128xf32, #tpu.memory_space<vmem>> -> memref<64x128xf32, #tpu.memory_space<vmem>>
    %gather3A_1720 = tpu.vector_load_idx %gather3A_1719[%add3A_1714, %broadcast_in_dim3A_1685] : memref<64x128xf32, #tpu.memory_space<vmem>>[vector<16xi32>, vector<16xi32>], vector<16xf32>,
    %swap3A_1721 = arith.constant 15 : i32
    %swap3A_1722 = arith.index_cast %swap3A_1721 : i32 to index
    %swap3A_1723 = arith.constant 32 : index
    %swap3A_1724 = tpu.vector_load %arg7[%swap3A_1722, %swap3A_1723] {strides = array<i32>} : memref<32x64xf32, #tpu.memory_space<vmem>>, vector<16xf32>,
    tpu.vector_store %arg7[%swap3A_1722, %swap3A_1723], %gather3A_1720 {strides = array<i32>} : memref<32x64xf32, #tpu.memory_space<vmem>>, vector<16xf32>,
    %add3A_1725 = arith.constant 48 : i32
    %add3A_1726 = vector.broadcast %add3A_1725 : i32 to vector<16xi32>
    %add3A_1727 = arith.addi %iota3A, %add3A_1726 : vector<16xi32>
    %gather3A_1728 = arith.constant 3 : i32
    %gather3A_1729 = arith.constant 0 : i32
    %gather3A_1730 = arith.constant 0 : i32
    %gather3A_1731 = tpu.memref_slice %arg6[%gather3A_1728, %gather3A_1729, %gather3A_1730] : memref<12x64x128xf32, #tpu.memory_space<vmem>> -> memref<1x64x128xf32, #tpu.memory_space<vmem>>
    %gather3A_1732 = tpu.memref_squeeze %gather3A_1731 : memref<1x64x128xf32, #tpu.memory_space<vmem>> -> memref<64x128xf32, #tpu.memory_space<vmem>>
    %gather3A_1733 = tpu.vector_load_idx %gather3A_1732[%add3A_1727, %broadcast_in_dim3A_1685] : memref<64x128xf32, #tpu.memory_space<vmem>>[vector<16xi32>, vector<16xi32>], vector<16xf32>,
    %swap3A_1734 = arith.constant 15 : i32
    %swap3A_1735 = arith.index_cast %swap3A_1734 : i32 to index
    %swap3A_1736 = arith.constant 48 : index
    %swap3A_1737 = tpu.vector_load %arg7[%swap3A_1735, %swap3A_1736] {strides = array<i32>} : memref<32x64xf32, #tpu.memory_space<vmem>>, vector<16xf32>,
    tpu.vector_store %arg7[%swap3A_1735, %swap3A_1736], %gather3A_1733 {strides = array<i32>} : memref<32x64xf32, #tpu.memory_space<vmem>>, vector<16xf32>,
    %get3A_1738 = arith.constant 16 : index
    %get3A_1739 = tpu.vector_load %arg5[%get3A_1738] {strides = array<i32>} : memref<32xi32, #tpu.memory_space<vmem>>, vector<16xi32>,
    %slice3A_1740 = vector.extract_strided_slice %get3A_1739 {offsets = [11], sizes = [1], strides = [1]} : vector<16xi32> to vector<1xi32>
    %squeeze3A_1741 = vector.extract %slice3A_1740[0] : i32 from vector<1xi32>
    %shift_right_logical3A_1742 = arith.constant 7 : i32
    %shift_right_logical3A_1743 = arith.shrui %squeeze3A_1741, %shift_right_logical3A_1742 : i32
    %mul3A_1744 = arith.constant 128 : i32
    %mul3A_1745 = arith.muli %shift_right_logical3A_1743, %mul3A_1744 : i32
    %multiple_of3A_1746 = tpu.assume_multiple %mul3A_1745, 128 : i32
    %dma_start3A_1747 = arith.constant 3 : i32
    %dma_start3A_1748 = arith.constant 0 : i32
    %dma_start3A_1749 = arith.constant 0 : i32
    %dma_start3A_1750 = tpu.memref_slice %arg6[%dma_start3A_1747, %dma_start3A_1748, %dma_start3A_1749] : memref<12x64x128xf32, #tpu.memory_space<vmem>> -> memref<1x64x128xf32, #tpu.memory_space<vmem>>
    %dma_start3A_1751 = tpu.memref_squeeze %dma_start3A_1750 : memref<1x64x128xf32, #tpu.memory_space<vmem>> -> memref<64x128xf32, #tpu.memory_space<vmem>>
    %dma_start3A_1752 = arith.constant 0 : i32
    %dma_start3A_1753 = tpu.memref_slice %arg3[%dma_start3A_1752, %multiple_of3A_1746] : memref<64x100000xf32, #tpu.memory_space<hbm>> -> memref<64x128xf32, #tpu.memory_space<hbm>>
    %dma_start3A_1754 = arith.constant 0 : i32
    %dma_start3A_1755 = arith.constant 0 : i32
    %dma_start3A_1756 = tpu.memref_slice %arg6[%dma_start3A_1747, %dma_start3A_1754, %dma_start3A_1755] : memref<12x64x128xf32, #tpu.memory_space<vmem>> -> memref<1x64x128xf32, #tpu.memory_space<vmem>>
    %dma_start3A_1757 = tpu.memref_squeeze %dma_start3A_1756 : memref<1x64x128xf32, #tpu.memory_space<vmem>> -> memref<64x128xf32, #tpu.memory_space<vmem>>
    %dma_start3A_1758 = arith.constant 0 : i32
    %dma_start3A_1759 = tpu.memref_slice %arg3[%dma_start3A_1758, %multiple_of3A_1746] : memref<64x100000xf32, #tpu.memory_space<hbm>> -> memref<64x128xf32, #tpu.memory_space<hbm>>
    tpu.enqueue_dma source(%dma_start3A_1759 : memref<64x128xf32, #tpu.memory_space<hbm>>) target(%dma_start3A_1757 : memref<64x128xf32, #tpu.memory_space<vmem>>) target_semaphore(%arg11 : memref<!tpu.dma_semaphore, #tpu.memory_space<semaphore_mem>>)
    %dma_wait3A_1760 = arith.constant 4 : i32
    %dma_wait3A_1761 = arith.constant 0 : i32
    %dma_wait3A_1762 = arith.constant 0 : i32
    %dma_wait3A_1763 = tpu.memref_slice %arg6[%dma_wait3A_1760, %dma_wait3A_1761, %dma_wait3A_1762] : memref<12x64x128xf32, #tpu.memory_space<vmem>> -> memref<1x64x128xf32, #tpu.memory_space<vmem>>
    %dma_wait3A_1764 = tpu.memref_squeeze %dma_wait3A_1763 : memref<1x64x128xf32, #tpu.memory_space<vmem>> -> memref<64x128xf32, #tpu.memory_space<vmem>>
    %dma_wait3A_1765 = arith.constant 0 : i32
    %dma_wait3A_1766 = tpu.memref_slice %arg3[%dma_wait3A_1765, %multiple_of3A_712] : memref<64x100000xf32, #tpu.memory_space<hbm>> -> memref<64x128xf32, #tpu.memory_space<hbm>>
    %dma_wait3A_1767 = arith.constant 0 : i32
    %dma_wait3A_1768 = arith.constant 0 : i32
    %dma_wait3A_1769 = tpu.memref_slice %arg6[%dma_wait3A_1760, %dma_wait3A_1767, %dma_wait3A_1768] : memref<12x64x128xf32, #tpu.memory_space<vmem>> -> memref<1x64x128xf32, #tpu.memory_space<vmem>>
    %dma_wait3A_1770 = tpu.memref_squeeze %dma_wait3A_1769 : memref<1x64x128xf32, #tpu.memory_space<vmem>> -> memref<64x128xf32, #tpu.memory_space<vmem>>
    %dma_wait3A_1771 = arith.constant 0 : i32
    %dma_wait3A_1772 = tpu.memref_slice %arg3[%dma_wait3A_1771, %multiple_of3A_712] : memref<64x100000xf32, #tpu.memory_space<hbm>> -> memref<64x128xf32, #tpu.memory_space<hbm>>
    tpu.wait_dma2 semaphore(%arg12 : memref<!tpu.dma_semaphore, #tpu.memory_space<semaphore_mem>>) src(%dma_wait3A_1772 : memref<64x128xf32, #tpu.memory_space<hbm>>) dst(%dma_wait3A_1770 : memref<64x128xf32, #tpu.memory_space<vmem>>)
    %get3A_1773 = arith.constant 16 : index
    %get3A_1774 = tpu.vector_load %arg5[%get3A_1773] {strides = array<i32>} : memref<32xi32, #tpu.memory_space<vmem>>, vector<16xi32>,
    %slice3A_1775 = vector.extract_strided_slice %get3A_1774 {offsets = [0], sizes = [1], strides = [1]} : vector<16xi32> to vector<1xi32>
    %squeeze3A_1776 = vector.extract %slice3A_1775[0] : i32 from vector<1xi32>
    %and3A_1777 = arith.constant 127 : i32
    %and3A_1778 = arith.andi %squeeze3A_1776, %and3A_1777 : i32
    %broadcast_in_dim3A_1779 = vector.broadcast %and3A_1778 : i32 to vector<16xi32>
    %add3A_1780 = arith.constant 0 : i32
    %add3A_1781 = vector.broadcast %add3A_1780 : i32 to vector<16xi32>
    %add3A_1782 = arith.addi %iota3A, %add3A_1781 : vector<16xi32>
    %gather3A_1783 = arith.constant 4 : i32
    %gather3A_1784 = arith.constant 0 : i32
    %gather3A_1785 = arith.constant 0 : i32
    %gather3A_1786 = tpu.memref_slice %arg6[%gather3A_1783, %gather3A_1784, %gather3A_1785] : memref<12x64x128xf32, #tpu.memory_space<vmem>> -> memref<1x64x128xf32, #tpu.memory_space<vmem>>
    %gather3A_1787 = tpu.memref_squeeze %gather3A_1786 : memref<1x64x128xf32, #tpu.memory_space<vmem>> -> memref<64x128xf32, #tpu.memory_space<vmem>>
    %gather3A_1788 = tpu.vector_load_idx %gather3A_1787[%add3A_1782, %broadcast_in_dim3A_1779] : memref<64x128xf32, #tpu.memory_space<vmem>>[vector<16xi32>, vector<16xi32>], vector<16xf32>,
    %swap3A_1789 = arith.constant 16 : i32
    %swap3A_1790 = arith.index_cast %swap3A_1789 : i32 to index
    %swap3A_1791 = arith.constant 0 : index
    %swap3A_1792 = tpu.vector_load %arg7[%swap3A_1790, %swap3A_1791] {strides = array<i32>} : memref<32x64xf32, #tpu.memory_space<vmem>>, vector<16xf32>,
    tpu.vector_store %arg7[%swap3A_1790, %swap3A_1791], %gather3A_1788 {strides = array<i32>} : memref<32x64xf32, #tpu.memory_space<vmem>>, vector<16xf32>,
    %add3A_1793 = arith.constant 16 : i32
    %add3A_1794 = vector.broadcast %add3A_1793 : i32 to vector<16xi32>
    %add3A_1795 = arith.addi %iota3A, %add3A_1794 : vector<16xi32>
    %gather3A_1796 = arith.constant 4 : i32
    %gather3A_1797 = arith.constant 0 : i32
    %gather3A_1798 = arith.constant 0 : i32
    %gather3A_1799 = tpu.memref_slice %arg6[%gather3A_1796, %gather3A_1797, %gather3A_1798] : memref<12x64x128xf32, #tpu.memory_space<vmem>> -> memref<1x64x128xf32, #tpu.memory_space<vmem>>
    %gather3A_1800 = tpu.memref_squeeze %gather3A_1799 : memref<1x64x128xf32, #tpu.memory_space<vmem>> -> memref<64x128xf32, #tpu.memory_space<vmem>>
    %gather3A_1801 = tpu.vector_load_idx %gather3A_1800[%add3A_1795, %broadcast_in_dim3A_1779] : memref<64x128xf32, #tpu.memory_space<vmem>>[vector<16xi32>, vector<16xi32>], vector<16xf32>,
    %swap3A_1802 = arith.constant 16 : i32
    %swap3A_1803 = arith.index_cast %swap3A_1802 : i32 to index
    %swap3A_1804 = arith.constant 16 : index
    %swap3A_1805 = tpu.vector_load %arg7[%swap3A_1803, %swap3A_1804] {strides = array<i32>} : memref<32x64xf32, #tpu.memory_space<vmem>>, vector<16xf32>,
    tpu.vector_store %arg7[%swap3A_1803, %swap3A_1804], %gather3A_1801 {strides = array<i32>} : memref<32x64xf32, #tpu.memory_space<vmem>>, vector<16xf32>,
    %add3A_1806 = arith.constant 32 : i32
    %add3A_1807 = vector.broadcast %add3A_1806 : i32 to vector<16xi32>
    %add3A_1808 = arith.addi %iota3A, %add3A_1807 : vector<16xi32>
    %gather3A_1809 = arith.constant 4 : i32
    %gather3A_1810 = arith.constant 0 : i32
    %gather3A_1811 = arith.constant 0 : i32
    %gather3A_1812 = tpu.memref_slice %arg6[%gather3A_1809, %gather3A_1810, %gather3A_1811] : memref<12x64x128xf32, #tpu.memory_space<vmem>> -> memref<1x64x128xf32, #tpu.memory_space<vmem>>
    %gather3A_1813 = tpu.memref_squeeze %gather3A_1812 : memref<1x64x128xf32, #tpu.memory_space<vmem>> -> memref<64x128xf32, #tpu.memory_space<vmem>>
    %gather3A_1814 = tpu.vector_load_idx %gather3A_1813[%add3A_1808, %broadcast_in_dim3A_1779] : memref<64x128xf32, #tpu.memory_space<vmem>>[vector<16xi32>, vector<16xi32>], vector<16xf32>,
    %swap3A_1815 = arith.constant 16 : i32
    %swap3A_1816 = arith.index_cast %swap3A_1815 : i32 to index
    %swap3A_1817 = arith.constant 32 : index
    %swap3A_1818 = tpu.vector_load %arg7[%swap3A_1816, %swap3A_1817] {strides = array<i32>} : memref<32x64xf32, #tpu.memory_space<vmem>>, vector<16xf32>,
    tpu.vector_store %arg7[%swap3A_1816, %swap3A_1817], %gather3A_1814 {strides = array<i32>} : memref<32x64xf32, #tpu.memory_space<vmem>>, vector<16xf32>,
    %add3A_1819 = arith.constant 48 : i32
    %add3A_1820 = vector.broadcast %add3A_1819 : i32 to vector<16xi32>
    %add3A_1821 = arith.addi %iota3A, %add3A_1820 : vector<16xi32>
    %gather3A_1822 = arith.constant 4 : i32
    %gather3A_1823 = arith.constant 0 : i32
    %gather3A_1824 = arith.constant 0 : i32
    %gather3A_1825 = tpu.memref_slice %arg6[%gather3A_1822, %gather3A_1823, %gather3A_1824] : memref<12x64x128xf32, #tpu.memory_space<vmem>> -> memref<1x64x128xf32, #tpu.memory_space<vmem>>
    %gather3A_1826 = tpu.memref_squeeze %gather3A_1825 : memref<1x64x128xf32, #tpu.memory_space<vmem>> -> memref<64x128xf32, #tpu.memory_space<vmem>>
    %gather3A_1827 = tpu.vector_load_idx %gather3A_1826[%add3A_1821, %broadcast_in_dim3A_1779] : memref<64x128xf32, #tpu.memory_space<vmem>>[vector<16xi32>, vector<16xi32>], vector<16xf32>,
    %swap3A_1828 = arith.constant 16 : i32
    %swap3A_1829 = arith.index_cast %swap3A_1828 : i32 to index
    %swap3A_1830 = arith.constant 48 : index
    %swap3A_1831 = tpu.vector_load %arg7[%swap3A_1829, %swap3A_1830] {strides = array<i32>} : memref<32x64xf32, #tpu.memory_space<vmem>>, vector<16xf32>,
    tpu.vector_store %arg7[%swap3A_1829, %swap3A_1830], %gather3A_1827 {strides = array<i32>} : memref<32x64xf32, #tpu.memory_space<vmem>>, vector<16xf32>,
    %get3A_1832 = arith.constant 16 : index
    %get3A_1833 = tpu.vector_load %arg5[%get3A_1832] {strides = array<i32>} : memref<32xi32, #tpu.memory_space<vmem>>, vector<16xi32>,
    %slice3A_1834 = vector.extract_strided_slice %get3A_1833 {offsets = [12], sizes = [1], strides = [1]} : vector<16xi32> to vector<1xi32>
    %squeeze3A_1835 = vector.extract %slice3A_1834[0] : i32 from vector<1xi32>
    %shift_right_logical3A_1836 = arith.constant 7 : i32
    %shift_right_logical3A_1837 = arith.shrui %squeeze3A_1835, %shift_right_logical3A_1836 : i32
    %mul3A_1838 = arith.constant 128 : i32
    %mul3A_1839 = arith.muli %shift_right_logical3A_1837, %mul3A_1838 : i32
    %multiple_of3A_1840 = tpu.assume_multiple %mul3A_1839, 128 : i32
    %dma_start3A_1841 = arith.constant 4 : i32
    %dma_start3A_1842 = arith.constant 0 : i32
    %dma_start3A_1843 = arith.constant 0 : i32
    %dma_start3A_1844 = tpu.memref_slice %arg6[%dma_start3A_1841, %dma_start3A_1842, %dma_start3A_1843] : memref<12x64x128xf32, #tpu.memory_space<vmem>> -> memref<1x64x128xf32, #tpu.memory_space<vmem>>
    %dma_start3A_1845 = tpu.memref_squeeze %dma_start3A_1844 : memref<1x64x128xf32, #tpu.memory_space<vmem>> -> memref<64x128xf32, #tpu.memory_space<vmem>>
    %dma_start3A_1846 = arith.constant 0 : i32
    %dma_start3A_1847 = tpu.memref_slice %arg3[%dma_start3A_1846, %multiple_of3A_1840] : memref<64x100000xf32, #tpu.memory_space<hbm>> -> memref<64x128xf32, #tpu.memory_space<hbm>>
    %dma_start3A_1848 = arith.constant 0 : i32
    %dma_start3A_1849 = arith.constant 0 : i32
    %dma_start3A_1850 = tpu.memref_slice %arg6[%dma_start3A_1841, %dma_start3A_1848, %dma_start3A_1849] : memref<12x64x128xf32, #tpu.memory_space<vmem>> -> memref<1x64x128xf32, #tpu.memory_space<vmem>>
    %dma_start3A_1851 = tpu.memref_squeeze %dma_start3A_1850 : memref<1x64x128xf32, #tpu.memory_space<vmem>> -> memref<64x128xf32, #tpu.memory_space<vmem>>
    %dma_start3A_1852 = arith.constant 0 : i32
    %dma_start3A_1853 = tpu.memref_slice %arg3[%dma_start3A_1852, %multiple_of3A_1840] : memref<64x100000xf32, #tpu.memory_space<hbm>> -> memref<64x128xf32, #tpu.memory_space<hbm>>
    tpu.enqueue_dma source(%dma_start3A_1853 : memref<64x128xf32, #tpu.memory_space<hbm>>) target(%dma_start3A_1851 : memref<64x128xf32, #tpu.memory_space<vmem>>) target_semaphore(%arg12 : memref<!tpu.dma_semaphore, #tpu.memory_space<semaphore_mem>>)
    %dma_wait3A_1854 = arith.constant 5 : i32
    %dma_wait3A_1855 = arith.constant 0 : i32
    %dma_wait3A_1856 = arith.constant 0 : i32
    %dma_wait3A_1857 = tpu.memref_slice %arg6[%dma_wait3A_1854, %dma_wait3A_1855, %dma_wait3A_1856] : memref<12x64x128xf32, #tpu.memory_space<vmem>> -> memref<1x64x128xf32, #tpu.memory_space<vmem>>
    %dma_wait3A_1858 = tpu.memref_squeeze %dma_wait3A_1857 : memref<1x64x128xf32, #tpu.memory_space<vmem>> -> memref<64x128xf32, #tpu.memory_space<vmem>>
    %dma_wait3A_1859 = arith.constant 0 : i32
    %dma_wait3A_1860 = tpu.memref_slice %arg3[%dma_wait3A_1859, %multiple_of3A_806] : memref<64x100000xf32, #tpu.memory_space<hbm>> -> memref<64x128xf32, #tpu.memory_space<hbm>>
    %dma_wait3A_1861 = arith.constant 0 : i32
    %dma_wait3A_1862 = arith.constant 0 : i32
    %dma_wait3A_1863 = tpu.memref_slice %arg6[%dma_wait3A_1854, %dma_wait3A_1861, %dma_wait3A_1862] : memref<12x64x128xf32, #tpu.memory_space<vmem>> -> memref<1x64x128xf32, #tpu.memory_space<vmem>>
    %dma_wait3A_1864 = tpu.memref_squeeze %dma_wait3A_1863 : memref<1x64x128xf32, #tpu.memory_space<vmem>> -> memref<64x128xf32, #tpu.memory_space<vmem>>
    %dma_wait3A_1865 = arith.constant 0 : i32
    %dma_wait3A_1866 = tpu.memref_slice %arg3[%dma_wait3A_1865, %multiple_of3A_806] : memref<64x100000xf32, #tpu.memory_space<hbm>> -> memref<64x128xf32, #tpu.memory_space<hbm>>
    tpu.wait_dma2 semaphore(%arg13 : memref<!tpu.dma_semaphore, #tpu.memory_space<semaphore_mem>>) src(%dma_wait3A_1866 : memref<64x128xf32, #tpu.memory_space<hbm>>) dst(%dma_wait3A_1864 : memref<64x128xf32, #tpu.memory_space<vmem>>)
    %get3A_1867 = arith.constant 16 : index
    %get3A_1868 = tpu.vector_load %arg5[%get3A_1867] {strides = array<i32>} : memref<32xi32, #tpu.memory_space<vmem>>, vector<16xi32>,
    %slice3A_1869 = vector.extract_strided_slice %get3A_1868 {offsets = [1], sizes = [1], strides = [1]} : vector<16xi32> to vector<1xi32>
    %squeeze3A_1870 = vector.extract %slice3A_1869[0] : i32 from vector<1xi32>
    %and3A_1871 = arith.constant 127 : i32
    %and3A_1872 = arith.andi %squeeze3A_1870, %and3A_1871 : i32
    %broadcast_in_dim3A_1873 = vector.broadcast %and3A_1872 : i32 to vector<16xi32>
    %add3A_1874 = arith.constant 0 : i32
    %add3A_1875 = vector.broadcast %add3A_1874 : i32 to vector<16xi32>
    %add3A_1876 = arith.addi %iota3A, %add3A_1875 : vector<16xi32>
    %gather3A_1877 = arith.constant 5 : i32
    %gather3A_1878 = arith.constant 0 : i32
    %gather3A_1879 = arith.constant 0 : i32
    %gather3A_1880 = tpu.memref_slice %arg6[%gather3A_1877, %gather3A_1878, %gather3A_1879] : memref<12x64x128xf32, #tpu.memory_space<vmem>> -> memref<1x64x128xf32, #tpu.memory_space<vmem>>
    %gather3A_1881 = tpu.memref_squeeze %gather3A_1880 : memref<1x64x128xf32, #tpu.memory_space<vmem>> -> memref<64x128xf32, #tpu.memory_space<vmem>>
    %gather3A_1882 = tpu.vector_load_idx %gather3A_1881[%add3A_1876, %broadcast_in_dim3A_1873] : memref<64x128xf32, #tpu.memory_space<vmem>>[vector<16xi32>, vector<16xi32>], vector<16xf32>,
    %swap3A_1883 = arith.constant 17 : i32
    %swap3A_1884 = arith.index_cast %swap3A_1883 : i32 to index
    %swap3A_1885 = arith.constant 0 : index
    %swap3A_1886 = tpu.vector_load %arg7[%swap3A_1884, %swap3A_1885] {strides = array<i32>} : memref<32x64xf32, #tpu.memory_space<vmem>>, vector<16xf32>,
    tpu.vector_store %arg7[%swap3A_1884, %swap3A_1885], %gather3A_1882 {strides = array<i32>} : memref<32x64xf32, #tpu.memory_space<vmem>>, vector<16xf32>,
    %add3A_1887 = arith.constant 16 : i32
    %add3A_1888 = vector.broadcast %add3A_1887 : i32 to vector<16xi32>
    %add3A_1889 = arith.addi %iota3A, %add3A_1888 : vector<16xi32>
    %gather3A_1890 = arith.constant 5 : i32
    %gather3A_1891 = arith.constant 0 : i32
    %gather3A_1892 = arith.constant 0 : i32
    %gather3A_1893 = tpu.memref_slice %arg6[%gather3A_1890, %gather3A_1891, %gather3A_1892] : memref<12x64x128xf32, #tpu.memory_space<vmem>> -> memref<1x64x128xf32, #tpu.memory_space<vmem>>
    %gather3A_1894 = tpu.memref_squeeze %gather3A_1893 : memref<1x64x128xf32, #tpu.memory_space<vmem>> -> memref<64x128xf32, #tpu.memory_space<vmem>>
    %gather3A_1895 = tpu.vector_load_idx %gather3A_1894[%add3A_1889, %broadcast_in_dim3A_1873] : memref<64x128xf32, #tpu.memory_space<vmem>>[vector<16xi32>, vector<16xi32>], vector<16xf32>,
    %swap3A_1896 = arith.constant 17 : i32
    %swap3A_1897 = arith.index_cast %swap3A_1896 : i32 to index
    %swap3A_1898 = arith.constant 16 : index
    %swap3A_1899 = tpu.vector_load %arg7[%swap3A_1897, %swap3A_1898] {strides = array<i32>} : memref<32x64xf32, #tpu.memory_space<vmem>>, vector<16xf32>,
    tpu.vector_store %arg7[%swap3A_1897, %swap3A_1898], %gather3A_1895 {strides = array<i32>} : memref<32x64xf32, #tpu.memory_space<vmem>>, vector<16xf32>,
    %add3A_1900 = arith.constant 32 : i32
    %add3A_1901 = vector.broadcast %add3A_1900 : i32 to vector<16xi32>
    %add3A_1902 = arith.addi %iota3A, %add3A_1901 : vector<16xi32>
    %gather3A_1903 = arith.constant 5 : i32
    %gather3A_1904 = arith.constant 0 : i32
    %gather3A_1905 = arith.constant 0 : i32
    %gather3A_1906 = tpu.memref_slice %arg6[%gather3A_1903, %gather3A_1904, %gather3A_1905] : memref<12x64x128xf32, #tpu.memory_space<vmem>> -> memref<1x64x128xf32, #tpu.memory_space<vmem>>
    %gather3A_1907 = tpu.memref_squeeze %gather3A_1906 : memref<1x64x128xf32, #tpu.memory_space<vmem>> -> memref<64x128xf32, #tpu.memory_space<vmem>>
    %gather3A_1908 = tpu.vector_load_idx %gather3A_1907[%add3A_1902, %broadcast_in_dim3A_1873] : memref<64x128xf32, #tpu.memory_space<vmem>>[vector<16xi32>, vector<16xi32>], vector<16xf32>,
    %swap3A_1909 = arith.constant 17 : i32
    %swap3A_1910 = arith.index_cast %swap3A_1909 : i32 to index
    %swap3A_1911 = arith.constant 32 : index
    %swap3A_1912 = tpu.vector_load %arg7[%swap3A_1910, %swap3A_1911] {strides = array<i32>} : memref<32x64xf32, #tpu.memory_space<vmem>>, vector<16xf32>,
    tpu.vector_store %arg7[%swap3A_1910, %swap3A_1911], %gather3A_1908 {strides = array<i32>} : memref<32x64xf32, #tpu.memory_space<vmem>>, vector<16xf32>,
    %add3A_1913 = arith.constant 48 : i32
    %add3A_1914 = vector.broadcast %add3A_1913 : i32 to vector<16xi32>
    %add3A_1915 = arith.addi %iota3A, %add3A_1914 : vector<16xi32>
    %gather3A_1916 = arith.constant 5 : i32
    %gather3A_1917 = arith.constant 0 : i32
    %gather3A_1918 = arith.constant 0 : i32
    %gather3A_1919 = tpu.memref_slice %arg6[%gather3A_1916, %gather3A_1917, %gather3A_1918] : memref<12x64x128xf32, #tpu.memory_space<vmem>> -> memref<1x64x128xf32, #tpu.memory_space<vmem>>
    %gather3A_1920 = tpu.memref_squeeze %gather3A_1919 : memref<1x64x128xf32, #tpu.memory_space<vmem>> -> memref<64x128xf32, #tpu.memory_space<vmem>>
    %gather3A_1921 = tpu.vector_load_idx %gather3A_1920[%add3A_1915, %broadcast_in_dim3A_1873] : memref<64x128xf32, #tpu.memory_space<vmem>>[vector<16xi32>, vector<16xi32>], vector<16xf32>,
    %swap3A_1922 = arith.constant 17 : i32
    %swap3A_1923 = arith.index_cast %swap3A_1922 : i32 to index
    %swap3A_1924 = arith.constant 48 : index
    %swap3A_1925 = tpu.vector_load %arg7[%swap3A_1923, %swap3A_1924] {strides = array<i32>} : memref<32x64xf32, #tpu.memory_space<vmem>>, vector<16xf32>,
    tpu.vector_store %arg7[%swap3A_1923, %swap3A_1924], %gather3A_1921 {strides = array<i32>} : memref<32x64xf32, #tpu.memory_space<vmem>>, vector<16xf32>,
    %get3A_1926 = arith.constant 16 : index
    %get3A_1927 = tpu.vector_load %arg5[%get3A_1926] {strides = array<i32>} : memref<32xi32, #tpu.memory_space<vmem>>, vector<16xi32>,
    %slice3A_1928 = vector.extract_strided_slice %get3A_1927 {offsets = [13], sizes = [1], strides = [1]} : vector<16xi32> to vector<1xi32>
    %squeeze3A_1929 = vector.extract %slice3A_1928[0] : i32 from vector<1xi32>
    %shift_right_logical3A_1930 = arith.constant 7 : i32
    %shift_right_logical3A_1931 = arith.shrui %squeeze3A_1929, %shift_right_logical3A_1930 : i32
    %mul3A_1932 = arith.constant 128 : i32
    %mul3A_1933 = arith.muli %shift_right_logical3A_1931, %mul3A_1932 : i32
    %multiple_of3A_1934 = tpu.assume_multiple %mul3A_1933, 128 : i32
    %dma_start3A_1935 = arith.constant 5 : i32
    %dma_start3A_1936 = arith.constant 0 : i32
    %dma_start3A_1937 = arith.constant 0 : i32
    %dma_start3A_1938 = tpu.memref_slice %arg6[%dma_start3A_1935, %dma_start3A_1936, %dma_start3A_1937] : memref<12x64x128xf32, #tpu.memory_space<vmem>> -> memref<1x64x128xf32, #tpu.memory_space<vmem>>
    %dma_start3A_1939 = tpu.memref_squeeze %dma_start3A_1938 : memref<1x64x128xf32, #tpu.memory_space<vmem>> -> memref<64x128xf32, #tpu.memory_space<vmem>>
    %dma_start3A_1940 = arith.constant 0 : i32
    %dma_start3A_1941 = tpu.memref_slice %arg3[%dma_start3A_1940, %multiple_of3A_1934] : memref<64x100000xf32, #tpu.memory_space<hbm>> -> memref<64x128xf32, #tpu.memory_space<hbm>>
    %dma_start3A_1942 = arith.constant 0 : i32
    %dma_start3A_1943 = arith.constant 0 : i32
    %dma_start3A_1944 = tpu.memref_slice %arg6[%dma_start3A_1935, %dma_start3A_1942, %dma_start3A_1943] : memref<12x64x128xf32, #tpu.memory_space<vmem>> -> memref<1x64x128xf32, #tpu.memory_space<vmem>>
    %dma_start3A_1945 = tpu.memref_squeeze %dma_start3A_1944 : memref<1x64x128xf32, #tpu.memory_space<vmem>> -> memref<64x128xf32, #tpu.memory_space<vmem>>
    %dma_start3A_1946 = arith.constant 0 : i32
    %dma_start3A_1947 = tpu.memref_slice %arg3[%dma_start3A_1946, %multiple_of3A_1934] : memref<64x100000xf32, #tpu.memory_space<hbm>> -> memref<64x128xf32, #tpu.memory_space<hbm>>
    tpu.enqueue_dma source(%dma_start3A_1947 : memref<64x128xf32, #tpu.memory_space<hbm>>) target(%dma_start3A_1945 : memref<64x128xf32, #tpu.memory_space<vmem>>) target_semaphore(%arg13 : memref<!tpu.dma_semaphore, #tpu.memory_space<semaphore_mem>>)
    %dma_wait3A_1948 = arith.constant 6 : i32
    %dma_wait3A_1949 = arith.constant 0 : i32
    %dma_wait3A_1950 = arith.constant 0 : i32
    %dma_wait3A_1951 = tpu.memref_slice %arg6[%dma_wait3A_1948, %dma_wait3A_1949, %dma_wait3A_1950] : memref<12x64x128xf32, #tpu.memory_space<vmem>> -> memref<1x64x128xf32, #tpu.memory_space<vmem>>
    %dma_wait3A_1952 = tpu.memref_squeeze %dma_wait3A_1951 : memref<1x64x128xf32, #tpu.memory_space<vmem>> -> memref<64x128xf32, #tpu.memory_space<vmem>>
    %dma_wait3A_1953 = arith.constant 0 : i32
    %dma_wait3A_1954 = tpu.memref_slice %arg3[%dma_wait3A_1953, %multiple_of3A_900] : memref<64x100000xf32, #tpu.memory_space<hbm>> -> memref<64x128xf32, #tpu.memory_space<hbm>>
    %dma_wait3A_1955 = arith.constant 0 : i32
    %dma_wait3A_1956 = arith.constant 0 : i32
    %dma_wait3A_1957 = tpu.memref_slice %arg6[%dma_wait3A_1948, %dma_wait3A_1955, %dma_wait3A_1956] : memref<12x64x128xf32, #tpu.memory_space<vmem>> -> memref<1x64x128xf32, #tpu.memory_space<vmem>>
    %dma_wait3A_1958 = tpu.memref_squeeze %dma_wait3A_1957 : memref<1x64x128xf32, #tpu.memory_space<vmem>> -> memref<64x128xf32, #tpu.memory_space<vmem>>
    %dma_wait3A_1959 = arith.constant 0 : i32
    %dma_wait3A_1960 = tpu.memref_slice %arg3[%dma_wait3A_1959, %multiple_of3A_900] : memref<64x100000xf32, #tpu.memory_space<hbm>> -> memref<64x128xf32, #tpu.memory_space<hbm>>
    tpu.wait_dma2 semaphore(%arg14 : memref<!tpu.dma_semaphore, #tpu.memory_space<semaphore_mem>>) src(%dma_wait3A_1960 : memref<64x128xf32, #tpu.memory_space<hbm>>) dst(%dma_wait3A_1958 : memref<64x128xf32, #tpu.memory_space<vmem>>)
    %get3A_1961 = arith.constant 16 : index
    %get3A_1962 = tpu.vector_load %arg5[%get3A_1961] {strides = array<i32>} : memref<32xi32, #tpu.memory_space<vmem>>, vector<16xi32>,
    %slice3A_1963 = vector.extract_strided_slice %get3A_1962 {offsets = [2], sizes = [1], strides = [1]} : vector<16xi32> to vector<1xi32>
    %squeeze3A_1964 = vector.extract %slice3A_1963[0] : i32 from vector<1xi32>
    %and3A_1965 = arith.constant 127 : i32
    %and3A_1966 = arith.andi %squeeze3A_1964, %and3A_1965 : i32
    %broadcast_in_dim3A_1967 = vector.broadcast %and3A_1966 : i32 to vector<16xi32>
    %add3A_1968 = arith.constant 0 : i32
    %add3A_1969 = vector.broadcast %add3A_1968 : i32 to vector<16xi32>
    %add3A_1970 = arith.addi %iota3A, %add3A_1969 : vector<16xi32>
    %gather3A_1971 = arith.constant 6 : i32
    %gather3A_1972 = arith.constant 0 : i32
    %gather3A_1973 = arith.constant 0 : i32
    %gather3A_1974 = tpu.memref_slice %arg6[%gather3A_1971, %gather3A_1972, %gather3A_1973] : memref<12x64x128xf32, #tpu.memory_space<vmem>> -> memref<1x64x128xf32, #tpu.memory_space<vmem>>
    %gather3A_1975 = tpu.memref_squeeze %gather3A_1974 : memref<1x64x128xf32, #tpu.memory_space<vmem>> -> memref<64x128xf32, #tpu.memory_space<vmem>>
    %gather3A_1976 = tpu.vector_load_idx %gather3A_1975[%add3A_1970, %broadcast_in_dim3A_1967] : memref<64x128xf32, #tpu.memory_space<vmem>>[vector<16xi32>, vector<16xi32>], vector<16xf32>,
    %swap3A_1977 = arith.constant 18 : i32
    %swap3A_1978 = arith.index_cast %swap3A_1977 : i32 to index
    %swap3A_1979 = arith.constant 0 : index
    %swap3A_1980 = tpu.vector_load %arg7[%swap3A_1978, %swap3A_1979] {strides = array<i32>} : memref<32x64xf32, #tpu.memory_space<vmem>>, vector<16xf32>,
    tpu.vector_store %arg7[%swap3A_1978, %swap3A_1979], %gather3A_1976 {strides = array<i32>} : memref<32x64xf32, #tpu.memory_space<vmem>>, vector<16xf32>,
    %add3A_1981 = arith.constant 16 : i32
    %add3A_1982 = vector.broadcast %add3A_1981 : i32 to vector<16xi32>
    %add3A_1983 = arith.addi %iota3A, %add3A_1982 : vector<16xi32>
    %gather3A_1984 = arith.constant 6 : i32
    %gather3A_1985 = arith.constant 0 : i32
    %gather3A_1986 = arith.constant 0 : i32
    %gather3A_1987 = tpu.memref_slice %arg6[%gather3A_1984, %gather3A_1985, %gather3A_1986] : memref<12x64x128xf32, #tpu.memory_space<vmem>> -> memref<1x64x128xf32, #tpu.memory_space<vmem>>
    %gather3A_1988 = tpu.memref_squeeze %gather3A_1987 : memref<1x64x128xf32, #tpu.memory_space<vmem>> -> memref<64x128xf32, #tpu.memory_space<vmem>>
    %gather3A_1989 = tpu.vector_load_idx %gather3A_1988[%add3A_1983, %broadcast_in_dim3A_1967] : memref<64x128xf32, #tpu.memory_space<vmem>>[vector<16xi32>, vector<16xi32>], vector<16xf32>,
    %swap3A_1990 = arith.constant 18 : i32
    %swap3A_1991 = arith.index_cast %swap3A_1990 : i32 to index
    %swap3A_1992 = arith.constant 16 : index
    %swap3A_1993 = tpu.vector_load %arg7[%swap3A_1991, %swap3A_1992] {strides = array<i32>} : memref<32x64xf32, #tpu.memory_space<vmem>>, vector<16xf32>,
    tpu.vector_store %arg7[%swap3A_1991, %swap3A_1992], %gather3A_1989 {strides = array<i32>} : memref<32x64xf32, #tpu.memory_space<vmem>>, vector<16xf32>,
    %add3A_1994 = arith.constant 32 : i32
    %add3A_1995 = vector.broadcast %add3A_1994 : i32 to vector<16xi32>
    %add3A_1996 = arith.addi %iota3A, %add3A_1995 : vector<16xi32>
    %gather3A_1997 = arith.constant 6 : i32
    %gather3A_1998 = arith.constant 0 : i32
    %gather3A_1999 = arith.constant 0 : i32
    %gather3A_2000 = tpu.memref_slice %arg6[%gather3A_1997, %gather3A_1998, %gather3A_1999] : memref<12x64x128xf32, #tpu.memory_space<vmem>> -> memref<1x64x128xf32, #tpu.memory_space<vmem>>
    %gather3A_2001 = tpu.memref_squeeze %gather3A_2000 : memref<1x64x128xf32, #tpu.memory_space<vmem>> -> memref<64x128xf32, #tpu.memory_space<vmem>>
    %gather3A_2002 = tpu.vector_load_idx %gather3A_2001[%add3A_1996, %broadcast_in_dim3A_1967] : memref<64x128xf32, #tpu.memory_space<vmem>>[vector<16xi32>, vector<16xi32>], vector<16xf32>,
    %swap3A_2003 = arith.constant 18 : i32
    %swap3A_2004 = arith.index_cast %swap3A_2003 : i32 to index
    %swap3A_2005 = arith.constant 32 : index
    %swap3A_2006 = tpu.vector_load %arg7[%swap3A_2004, %swap3A_2005] {strides = array<i32>} : memref<32x64xf32, #tpu.memory_space<vmem>>, vector<16xf32>,
    tpu.vector_store %arg7[%swap3A_2004, %swap3A_2005], %gather3A_2002 {strides = array<i32>} : memref<32x64xf32, #tpu.memory_space<vmem>>, vector<16xf32>,
    %add3A_2007 = arith.constant 48 : i32
    %add3A_2008 = vector.broadcast %add3A_2007 : i32 to vector<16xi32>
    %add3A_2009 = arith.addi %iota3A, %add3A_2008 : vector<16xi32>
    %gather3A_2010 = arith.constant 6 : i32
    %gather3A_2011 = arith.constant 0 : i32
    %gather3A_2012 = arith.constant 0 : i32
    %gather3A_2013 = tpu.memref_slice %arg6[%gather3A_2010, %gather3A_2011, %gather3A_2012] : memref<12x64x128xf32, #tpu.memory_space<vmem>> -> memref<1x64x128xf32, #tpu.memory_space<vmem>>
    %gather3A_2014 = tpu.memref_squeeze %gather3A_2013 : memref<1x64x128xf32, #tpu.memory_space<vmem>> -> memref<64x128xf32, #tpu.memory_space<vmem>>
    %gather3A_2015 = tpu.vector_load_idx %gather3A_2014[%add3A_2009, %broadcast_in_dim3A_1967] : memref<64x128xf32, #tpu.memory_space<vmem>>[vector<16xi32>, vector<16xi32>], vector<16xf32>,
    %swap3A_2016 = arith.constant 18 : i32
    %swap3A_2017 = arith.index_cast %swap3A_2016 : i32 to index
    %swap3A_2018 = arith.constant 48 : index
    %swap3A_2019 = tpu.vector_load %arg7[%swap3A_2017, %swap3A_2018] {strides = array<i32>} : memref<32x64xf32, #tpu.memory_space<vmem>>, vector<16xf32>,
    tpu.vector_store %arg7[%swap3A_2017, %swap3A_2018], %gather3A_2015 {strides = array<i32>} : memref<32x64xf32, #tpu.memory_space<vmem>>, vector<16xf32>,
    %get3A_2020 = arith.constant 16 : index
    %get3A_2021 = tpu.vector_load %arg5[%get3A_2020] {strides = array<i32>} : memref<32xi32, #tpu.memory_space<vmem>>, vector<16xi32>,
    %slice3A_2022 = vector.extract_strided_slice %get3A_2021 {offsets = [14], sizes = [1], strides = [1]} : vector<16xi32> to vector<1xi32>
    %squeeze3A_2023 = vector.extract %slice3A_2022[0] : i32 from vector<1xi32>
    %shift_right_logical3A_2024 = arith.constant 7 : i32
    %shift_right_logical3A_2025 = arith.shrui %squeeze3A_2023, %shift_right_logical3A_2024 : i32
    %mul3A_2026 = arith.constant 128 : i32
    %mul3A_2027 = arith.muli %shift_right_logical3A_2025, %mul3A_2026 : i32
    %multiple_of3A_2028 = tpu.assume_multiple %mul3A_2027, 128 : i32
    %dma_start3A_2029 = arith.constant 6 : i32
    %dma_start3A_2030 = arith.constant 0 : i32
    %dma_start3A_2031 = arith.constant 0 : i32
    %dma_start3A_2032 = tpu.memref_slice %arg6[%dma_start3A_2029, %dma_start3A_2030, %dma_start3A_2031] : memref<12x64x128xf32, #tpu.memory_space<vmem>> -> memref<1x64x128xf32, #tpu.memory_space<vmem>>
    %dma_start3A_2033 = tpu.memref_squeeze %dma_start3A_2032 : memref<1x64x128xf32, #tpu.memory_space<vmem>> -> memref<64x128xf32, #tpu.memory_space<vmem>>
    %dma_start3A_2034 = arith.constant 0 : i32
    %dma_start3A_2035 = tpu.memref_slice %arg3[%dma_start3A_2034, %multiple_of3A_2028] : memref<64x100000xf32, #tpu.memory_space<hbm>> -> memref<64x128xf32, #tpu.memory_space<hbm>>
    %dma_start3A_2036 = arith.constant 0 : i32
    %dma_start3A_2037 = arith.constant 0 : i32
    %dma_start3A_2038 = tpu.memref_slice %arg6[%dma_start3A_2029, %dma_start3A_2036, %dma_start3A_2037] : memref<12x64x128xf32, #tpu.memory_space<vmem>> -> memref<1x64x128xf32, #tpu.memory_space<vmem>>
    %dma_start3A_2039 = tpu.memref_squeeze %dma_start3A_2038 : memref<1x64x128xf32, #tpu.memory_space<vmem>> -> memref<64x128xf32, #tpu.memory_space<vmem>>
    %dma_start3A_2040 = arith.constant 0 : i32
    %dma_start3A_2041 = tpu.memref_slice %arg3[%dma_start3A_2040, %multiple_of3A_2028] : memref<64x100000xf32, #tpu.memory_space<hbm>> -> memref<64x128xf32, #tpu.memory_space<hbm>>
    tpu.enqueue_dma source(%dma_start3A_2041 : memref<64x128xf32, #tpu.memory_space<hbm>>) target(%dma_start3A_2039 : memref<64x128xf32, #tpu.memory_space<vmem>>) target_semaphore(%arg14 : memref<!tpu.dma_semaphore, #tpu.memory_space<semaphore_mem>>)
    %dma_wait3A_2042 = arith.constant 7 : i32
    %dma_wait3A_2043 = arith.constant 0 : i32
    %dma_wait3A_2044 = arith.constant 0 : i32
    %dma_wait3A_2045 = tpu.memref_slice %arg6[%dma_wait3A_2042, %dma_wait3A_2043, %dma_wait3A_2044] : memref<12x64x128xf32, #tpu.memory_space<vmem>> -> memref<1x64x128xf32, #tpu.memory_space<vmem>>
    %dma_wait3A_2046 = tpu.memref_squeeze %dma_wait3A_2045 : memref<1x64x128xf32, #tpu.memory_space<vmem>> -> memref<64x128xf32, #tpu.memory_space<vmem>>
    %dma_wait3A_2047 = arith.constant 0 : i32
    %dma_wait3A_2048 = tpu.memref_slice %arg3[%dma_wait3A_2047, %multiple_of3A_994] : memref<64x100000xf32, #tpu.memory_space<hbm>> -> memref<64x128xf32, #tpu.memory_space<hbm>>
    %dma_wait3A_2049 = arith.constant 0 : i32
    %dma_wait3A_2050 = arith.constant 0 : i32
    %dma_wait3A_2051 = tpu.memref_slice %arg6[%dma_wait3A_2042, %dma_wait3A_2049, %dma_wait3A_2050] : memref<12x64x128xf32, #tpu.memory_space<vmem>> -> memref<1x64x128xf32, #tpu.memory_space<vmem>>
    %dma_wait3A_2052 = tpu.memref_squeeze %dma_wait3A_2051 : memref<1x64x128xf32, #tpu.memory_space<vmem>> -> memref<64x128xf32, #tpu.memory_space<vmem>>
    %dma_wait3A_2053 = arith.constant 0 : i32
    %dma_wait3A_2054 = tpu.memref_slice %arg3[%dma_wait3A_2053, %multiple_of3A_994] : memref<64x100000xf32, #tpu.memory_space<hbm>> -> memref<64x128xf32, #tpu.memory_space<hbm>>
    tpu.wait_dma2 semaphore(%arg15 : memref<!tpu.dma_semaphore, #tpu.memory_space<semaphore_mem>>) src(%dma_wait3A_2054 : memref<64x128xf32, #tpu.memory_space<hbm>>) dst(%dma_wait3A_2052 : memref<64x128xf32, #tpu.memory_space<vmem>>)
    %get3A_2055 = arith.constant 16 : index
    %get3A_2056 = tpu.vector_load %arg5[%get3A_2055] {strides = array<i32>} : memref<32xi32, #tpu.memory_space<vmem>>, vector<16xi32>,
    %slice3A_2057 = vector.extract_strided_slice %get3A_2056 {offsets = [3], sizes = [1], strides = [1]} : vector<16xi32> to vector<1xi32>
    %squeeze3A_2058 = vector.extract %slice3A_2057[0] : i32 from vector<1xi32>
    %and3A_2059 = arith.constant 127 : i32
    %and3A_2060 = arith.andi %squeeze3A_2058, %and3A_2059 : i32
    %broadcast_in_dim3A_2061 = vector.broadcast %and3A_2060 : i32 to vector<16xi32>
    %add3A_2062 = arith.constant 0 : i32
    %add3A_2063 = vector.broadcast %add3A_2062 : i32 to vector<16xi32>
    %add3A_2064 = arith.addi %iota3A, %add3A_2063 : vector<16xi32>
    %gather3A_2065 = arith.constant 7 : i32
    %gather3A_2066 = arith.constant 0 : i32
    %gather3A_2067 = arith.constant 0 : i32
    %gather3A_2068 = tpu.memref_slice %arg6[%gather3A_2065, %gather3A_2066, %gather3A_2067] : memref<12x64x128xf32, #tpu.memory_space<vmem>> -> memref<1x64x128xf32, #tpu.memory_space<vmem>>
    %gather3A_2069 = tpu.memref_squeeze %gather3A_2068 : memref<1x64x128xf32, #tpu.memory_space<vmem>> -> memref<64x128xf32, #tpu.memory_space<vmem>>
    %gather3A_2070 = tpu.vector_load_idx %gather3A_2069[%add3A_2064, %broadcast_in_dim3A_2061] : memref<64x128xf32, #tpu.memory_space<vmem>>[vector<16xi32>, vector<16xi32>], vector<16xf32>,
    %swap3A_2071 = arith.constant 19 : i32
    %swap3A_2072 = arith.index_cast %swap3A_2071 : i32 to index
    %swap3A_2073 = arith.constant 0 : index
    %swap3A_2074 = tpu.vector_load %arg7[%swap3A_2072, %swap3A_2073] {strides = array<i32>} : memref<32x64xf32, #tpu.memory_space<vmem>>, vector<16xf32>,
    tpu.vector_store %arg7[%swap3A_2072, %swap3A_2073], %gather3A_2070 {strides = array<i32>} : memref<32x64xf32, #tpu.memory_space<vmem>>, vector<16xf32>,
    %add3A_2075 = arith.constant 16 : i32
    %add3A_2076 = vector.broadcast %add3A_2075 : i32 to vector<16xi32>
    %add3A_2077 = arith.addi %iota3A, %add3A_2076 : vector<16xi32>
    %gather3A_2078 = arith.constant 7 : i32
    %gather3A_2079 = arith.constant 0 : i32
    %gather3A_2080 = arith.constant 0 : i32
    %gather3A_2081 = tpu.memref_slice %arg6[%gather3A_2078, %gather3A_2079, %gather3A_2080] : memref<12x64x128xf32, #tpu.memory_space<vmem>> -> memref<1x64x128xf32, #tpu.memory_space<vmem>>
    %gather3A_2082 = tpu.memref_squeeze %gather3A_2081 : memref<1x64x128xf32, #tpu.memory_space<vmem>> -> memref<64x128xf32, #tpu.memory_space<vmem>>
    %gather3A_2083 = tpu.vector_load_idx %gather3A_2082[%add3A_2077, %broadcast_in_dim3A_2061] : memref<64x128xf32, #tpu.memory_space<vmem>>[vector<16xi32>, vector<16xi32>], vector<16xf32>,
    %swap3A_2084 = arith.constant 19 : i32
    %swap3A_2085 = arith.index_cast %swap3A_2084 : i32 to index
    %swap3A_2086 = arith.constant 16 : index
    %swap3A_2087 = tpu.vector_load %arg7[%swap3A_2085, %swap3A_2086] {strides = array<i32>} : memref<32x64xf32, #tpu.memory_space<vmem>>, vector<16xf32>,
    tpu.vector_store %arg7[%swap3A_2085, %swap3A_2086], %gather3A_2083 {strides = array<i32>} : memref<32x64xf32, #tpu.memory_space<vmem>>, vector<16xf32>,
    %add3A_2088 = arith.constant 32 : i32
    %add3A_2089 = vector.broadcast %add3A_2088 : i32 to vector<16xi32>
    %add3A_2090 = arith.addi %iota3A, %add3A_2089 : vector<16xi32>
    %gather3A_2091 = arith.constant 7 : i32
    %gather3A_2092 = arith.constant 0 : i32
    %gather3A_2093 = arith.constant 0 : i32
    %gather3A_2094 = tpu.memref_slice %arg6[%gather3A_2091, %gather3A_2092, %gather3A_2093] : memref<12x64x128xf32, #tpu.memory_space<vmem>> -> memref<1x64x128xf32, #tpu.memory_space<vmem>>
    %gather3A_2095 = tpu.memref_squeeze %gather3A_2094 : memref<1x64x128xf32, #tpu.memory_space<vmem>> -> memref<64x128xf32, #tpu.memory_space<vmem>>
    %gather3A_2096 = tpu.vector_load_idx %gather3A_2095[%add3A_2090, %broadcast_in_dim3A_2061] : memref<64x128xf32, #tpu.memory_space<vmem>>[vector<16xi32>, vector<16xi32>], vector<16xf32>,
    %swap3A_2097 = arith.constant 19 : i32
    %swap3A_2098 = arith.index_cast %swap3A_2097 : i32 to index
    %swap3A_2099 = arith.constant 32 : index
    %swap3A_2100 = tpu.vector_load %arg7[%swap3A_2098, %swap3A_2099] {strides = array<i32>} : memref<32x64xf32, #tpu.memory_space<vmem>>, vector<16xf32>,
    tpu.vector_store %arg7[%swap3A_2098, %swap3A_2099], %gather3A_2096 {strides = array<i32>} : memref<32x64xf32, #tpu.memory_space<vmem>>, vector<16xf32>,
    %add3A_2101 = arith.constant 48 : i32
    %add3A_2102 = vector.broadcast %add3A_2101 : i32 to vector<16xi32>
    %add3A_2103 = arith.addi %iota3A, %add3A_2102 : vector<16xi32>
    %gather3A_2104 = arith.constant 7 : i32
    %gather3A_2105 = arith.constant 0 : i32
    %gather3A_2106 = arith.constant 0 : i32
    %gather3A_2107 = tpu.memref_slice %arg6[%gather3A_2104, %gather3A_2105, %gather3A_2106] : memref<12x64x128xf32, #tpu.memory_space<vmem>> -> memref<1x64x128xf32, #tpu.memory_space<vmem>>
    %gather3A_2108 = tpu.memref_squeeze %gather3A_2107 : memref<1x64x128xf32, #tpu.memory_space<vmem>> -> memref<64x128xf32, #tpu.memory_space<vmem>>
    %gather3A_2109 = tpu.vector_load_idx %gather3A_2108[%add3A_2103, %broadcast_in_dim3A_2061] : memref<64x128xf32, #tpu.memory_space<vmem>>[vector<16xi32>, vector<16xi32>], vector<16xf32>,
    %swap3A_2110 = arith.constant 19 : i32
    %swap3A_2111 = arith.index_cast %swap3A_2110 : i32 to index
    %swap3A_2112 = arith.constant 48 : index
    %swap3A_2113 = tpu.vector_load %arg7[%swap3A_2111, %swap3A_2112] {strides = array<i32>} : memref<32x64xf32, #tpu.memory_space<vmem>>, vector<16xf32>,
    tpu.vector_store %arg7[%swap3A_2111, %swap3A_2112], %gather3A_2109 {strides = array<i32>} : memref<32x64xf32, #tpu.memory_space<vmem>>, vector<16xf32>,
    %get3A_2114 = arith.constant 16 : index
    %get3A_2115 = tpu.vector_load %arg5[%get3A_2114] {strides = array<i32>} : memref<32xi32, #tpu.memory_space<vmem>>, vector<16xi32>,
    %slice3A_2116 = vector.extract_strided_slice %get3A_2115 {offsets = [15], sizes = [1], strides = [1]} : vector<16xi32> to vector<1xi32>
    %squeeze3A_2117 = vector.extract %slice3A_2116[0] : i32 from vector<1xi32>
    %shift_right_logical3A_2118 = arith.constant 7 : i32
    %shift_right_logical3A_2119 = arith.shrui %squeeze3A_2117, %shift_right_logical3A_2118 : i32
    %mul3A_2120 = arith.constant 128 : i32
    %mul3A_2121 = arith.muli %shift_right_logical3A_2119, %mul3A_2120 : i32
    %multiple_of3A_2122 = tpu.assume_multiple %mul3A_2121, 128 : i32
    %dma_start3A_2123 = arith.constant 7 : i32
    %dma_start3A_2124 = arith.constant 0 : i32
    %dma_start3A_2125 = arith.constant 0 : i32
    %dma_start3A_2126 = tpu.memref_slice %arg6[%dma_start3A_2123, %dma_start3A_2124, %dma_start3A_2125] : memref<12x64x128xf32, #tpu.memory_space<vmem>> -> memref<1x64x128xf32, #tpu.memory_space<vmem>>
    %dma_start3A_2127 = tpu.memref_squeeze %dma_start3A_2126 : memref<1x64x128xf32, #tpu.memory_space<vmem>> -> memref<64x128xf32, #tpu.memory_space<vmem>>
    %dma_start3A_2128 = arith.constant 0 : i32
    %dma_start3A_2129 = tpu.memref_slice %arg3[%dma_start3A_2128, %multiple_of3A_2122] : memref<64x100000xf32, #tpu.memory_space<hbm>> -> memref<64x128xf32, #tpu.memory_space<hbm>>
    %dma_start3A_2130 = arith.constant 0 : i32
    %dma_start3A_2131 = arith.constant 0 : i32
    %dma_start3A_2132 = tpu.memref_slice %arg6[%dma_start3A_2123, %dma_start3A_2130, %dma_start3A_2131] : memref<12x64x128xf32, #tpu.memory_space<vmem>> -> memref<1x64x128xf32, #tpu.memory_space<vmem>>
    %dma_start3A_2133 = tpu.memref_squeeze %dma_start3A_2132 : memref<1x64x128xf32, #tpu.memory_space<vmem>> -> memref<64x128xf32, #tpu.memory_space<vmem>>
    %dma_start3A_2134 = arith.constant 0 : i32
    %dma_start3A_2135 = tpu.memref_slice %arg3[%dma_start3A_2134, %multiple_of3A_2122] : memref<64x100000xf32, #tpu.memory_space<hbm>> -> memref<64x128xf32, #tpu.memory_space<hbm>>
    tpu.enqueue_dma source(%dma_start3A_2135 : memref<64x128xf32, #tpu.memory_space<hbm>>) target(%dma_start3A_2133 : memref<64x128xf32, #tpu.memory_space<vmem>>) target_semaphore(%arg15 : memref<!tpu.dma_semaphore, #tpu.memory_space<semaphore_mem>>)
    %dma_wait3A_2136 = arith.constant 8 : i32
    %dma_wait3A_2137 = arith.constant 0 : i32
    %dma_wait3A_2138 = arith.constant 0 : i32
    %dma_wait3A_2139 = tpu.memref_slice %arg6[%dma_wait3A_2136, %dma_wait3A_2137, %dma_wait3A_2138] : memref<12x64x128xf32, #tpu.memory_space<vmem>> -> memref<1x64x128xf32, #tpu.memory_space<vmem>>
    %dma_wait3A_2140 = tpu.memref_squeeze %dma_wait3A_2139 : memref<1x64x128xf32, #tpu.memory_space<vmem>> -> memref<64x128xf32, #tpu.memory_space<vmem>>
    %dma_wait3A_2141 = arith.constant 0 : i32
    %dma_wait3A_2142 = tpu.memref_slice %arg3[%dma_wait3A_2141, %multiple_of3A_1088] : memref<64x100000xf32, #tpu.memory_space<hbm>> -> memref<64x128xf32, #tpu.memory_space<hbm>>
    %dma_wait3A_2143 = arith.constant 0 : i32
    %dma_wait3A_2144 = arith.constant 0 : i32
    %dma_wait3A_2145 = tpu.memref_slice %arg6[%dma_wait3A_2136, %dma_wait3A_2143, %dma_wait3A_2144] : memref<12x64x128xf32, #tpu.memory_space<vmem>> -> memref<1x64x128xf32, #tpu.memory_space<vmem>>
    %dma_wait3A_2146 = tpu.memref_squeeze %dma_wait3A_2145 : memref<1x64x128xf32, #tpu.memory_space<vmem>> -> memref<64x128xf32, #tpu.memory_space<vmem>>
    %dma_wait3A_2147 = arith.constant 0 : i32
    %dma_wait3A_2148 = tpu.memref_slice %arg3[%dma_wait3A_2147, %multiple_of3A_1088] : memref<64x100000xf32, #tpu.memory_space<hbm>> -> memref<64x128xf32, #tpu.memory_space<hbm>>
    tpu.wait_dma2 semaphore(%arg16 : memref<!tpu.dma_semaphore, #tpu.memory_space<semaphore_mem>>) src(%dma_wait3A_2148 : memref<64x128xf32, #tpu.memory_space<hbm>>) dst(%dma_wait3A_2146 : memref<64x128xf32, #tpu.memory_space<vmem>>)
    %get3A_2149 = arith.constant 16 : index
    %get3A_2150 = tpu.vector_load %arg5[%get3A_2149] {strides = array<i32>} : memref<32xi32, #tpu.memory_space<vmem>>, vector<16xi32>,
    %slice3A_2151 = vector.extract_strided_slice %get3A_2150 {offsets = [4], sizes = [1], strides = [1]} : vector<16xi32> to vector<1xi32>
    %squeeze3A_2152 = vector.extract %slice3A_2151[0] : i32 from vector<1xi32>
    %and3A_2153 = arith.constant 127 : i32
    %and3A_2154 = arith.andi %squeeze3A_2152, %and3A_2153 : i32
    %broadcast_in_dim3A_2155 = vector.broadcast %and3A_2154 : i32 to vector<16xi32>
    %add3A_2156 = arith.constant 0 : i32
    %add3A_2157 = vector.broadcast %add3A_2156 : i32 to vector<16xi32>
    %add3A_2158 = arith.addi %iota3A, %add3A_2157 : vector<16xi32>
    %gather3A_2159 = arith.constant 8 : i32
    %gather3A_2160 = arith.constant 0 : i32
    %gather3A_2161 = arith.constant 0 : i32
    %gather3A_2162 = tpu.memref_slice %arg6[%gather3A_2159, %gather3A_2160, %gather3A_2161] : memref<12x64x128xf32, #tpu.memory_space<vmem>> -> memref<1x64x128xf32, #tpu.memory_space<vmem>>
    %gather3A_2163 = tpu.memref_squeeze %gather3A_2162 : memref<1x64x128xf32, #tpu.memory_space<vmem>> -> memref<64x128xf32, #tpu.memory_space<vmem>>
    %gather3A_2164 = tpu.vector_load_idx %gather3A_2163[%add3A_2158, %broadcast_in_dim3A_2155] : memref<64x128xf32, #tpu.memory_space<vmem>>[vector<16xi32>, vector<16xi32>], vector<16xf32>,
    %swap3A_2165 = arith.constant 20 : i32
    %swap3A_2166 = arith.index_cast %swap3A_2165 : i32 to index
    %swap3A_2167 = arith.constant 0 : index
    %swap3A_2168 = tpu.vector_load %arg7[%swap3A_2166, %swap3A_2167] {strides = array<i32>} : memref<32x64xf32, #tpu.memory_space<vmem>>, vector<16xf32>,
    tpu.vector_store %arg7[%swap3A_2166, %swap3A_2167], %gather3A_2164 {strides = array<i32>} : memref<32x64xf32, #tpu.memory_space<vmem>>, vector<16xf32>,
    %add3A_2169 = arith.constant 16 : i32
    %add3A_2170 = vector.broadcast %add3A_2169 : i32 to vector<16xi32>
    %add3A_2171 = arith.addi %iota3A, %add3A_2170 : vector<16xi32>
    %gather3A_2172 = arith.constant 8 : i32
    %gather3A_2173 = arith.constant 0 : i32
    %gather3A_2174 = arith.constant 0 : i32
    %gather3A_2175 = tpu.memref_slice %arg6[%gather3A_2172, %gather3A_2173, %gather3A_2174] : memref<12x64x128xf32, #tpu.memory_space<vmem>> -> memref<1x64x128xf32, #tpu.memory_space<vmem>>
    %gather3A_2176 = tpu.memref_squeeze %gather3A_2175 : memref<1x64x128xf32, #tpu.memory_space<vmem>> -> memref<64x128xf32, #tpu.memory_space<vmem>>
    %gather3A_2177 = tpu.vector_load_idx %gather3A_2176[%add3A_2171, %broadcast_in_dim3A_2155] : memref<64x128xf32, #tpu.memory_space<vmem>>[vector<16xi32>, vector<16xi32>], vector<16xf32>,
    %swap3A_2178 = arith.constant 20 : i32
    %swap3A_2179 = arith.index_cast %swap3A_2178 : i32 to index
    %swap3A_2180 = arith.constant 16 : index
    %swap3A_2181 = tpu.vector_load %arg7[%swap3A_2179, %swap3A_2180] {strides = array<i32>} : memref<32x64xf32, #tpu.memory_space<vmem>>, vector<16xf32>,
    tpu.vector_store %arg7[%swap3A_2179, %swap3A_2180], %gather3A_2177 {strides = array<i32>} : memref<32x64xf32, #tpu.memory_space<vmem>>, vector<16xf32>,
    %add3A_2182 = arith.constant 32 : i32
    %add3A_2183 = vector.broadcast %add3A_2182 : i32 to vector<16xi32>
    %add3A_2184 = arith.addi %iota3A, %add3A_2183 : vector<16xi32>
    %gather3A_2185 = arith.constant 8 : i32
    %gather3A_2186 = arith.constant 0 : i32
    %gather3A_2187 = arith.constant 0 : i32
    %gather3A_2188 = tpu.memref_slice %arg6[%gather3A_2185, %gather3A_2186, %gather3A_2187] : memref<12x64x128xf32, #tpu.memory_space<vmem>> -> memref<1x64x128xf32, #tpu.memory_space<vmem>>
    %gather3A_2189 = tpu.memref_squeeze %gather3A_2188 : memref<1x64x128xf32, #tpu.memory_space<vmem>> -> memref<64x128xf32, #tpu.memory_space<vmem>>
    %gather3A_2190 = tpu.vector_load_idx %gather3A_2189[%add3A_2184, %broadcast_in_dim3A_2155] : memref<64x128xf32, #tpu.memory_space<vmem>>[vector<16xi32>, vector<16xi32>], vector<16xf32>,
    %swap3A_2191 = arith.constant 20 : i32
    %swap3A_2192 = arith.index_cast %swap3A_2191 : i32 to index
    %swap3A_2193 = arith.constant 32 : index
    %swap3A_2194 = tpu.vector_load %arg7[%swap3A_2192, %swap3A_2193] {strides = array<i32>} : memref<32x64xf32, #tpu.memory_space<vmem>>, vector<16xf32>,
    tpu.vector_store %arg7[%swap3A_2192, %swap3A_2193], %gather3A_2190 {strides = array<i32>} : memref<32x64xf32, #tpu.memory_space<vmem>>, vector<16xf32>,
    %add3A_2195 = arith.constant 48 : i32
    %add3A_2196 = vector.broadcast %add3A_2195 : i32 to vector<16xi32>
    %add3A_2197 = arith.addi %iota3A, %add3A_2196 : vector<16xi32>
    %gather3A_2198 = arith.constant 8 : i32
    %gather3A_2199 = arith.constant 0 : i32
    %gather3A_2200 = arith.constant 0 : i32
    %gather3A_2201 = tpu.memref_slice %arg6[%gather3A_2198, %gather3A_2199, %gather3A_2200] : memref<12x64x128xf32, #tpu.memory_space<vmem>> -> memref<1x64x128xf32, #tpu.memory_space<vmem>>
    %gather3A_2202 = tpu.memref_squeeze %gather3A_2201 : memref<1x64x128xf32, #tpu.memory_space<vmem>> -> memref<64x128xf32, #tpu.memory_space<vmem>>
    %gather3A_2203 = tpu.vector_load_idx %gather3A_2202[%add3A_2197, %broadcast_in_dim3A_2155] : memref<64x128xf32, #tpu.memory_space<vmem>>[vector<16xi32>, vector<16xi32>], vector<16xf32>,
    %swap3A_2204 = arith.constant 20 : i32
    %swap3A_2205 = arith.index_cast %swap3A_2204 : i32 to index
    %swap3A_2206 = arith.constant 48 : index
    %swap3A_2207 = tpu.vector_load %arg7[%swap3A_2205, %swap3A_2206] {strides = array<i32>} : memref<32x64xf32, #tpu.memory_space<vmem>>, vector<16xf32>,
    tpu.vector_store %arg7[%swap3A_2205, %swap3A_2206], %gather3A_2203 {strides = array<i32>} : memref<32x64xf32, #tpu.memory_space<vmem>>, vector<16xf32>,
    %dma_wait3A_2208 = arith.constant 9 : i32
    %dma_wait3A_2209 = arith.constant 0 : i32
    %dma_wait3A_2210 = arith.constant 0 : i32
    %dma_wait3A_2211 = tpu.memref_slice %arg6[%dma_wait3A_2208, %dma_wait3A_2209, %dma_wait3A_2210] : memref<12x64x128xf32, #tpu.memory_space<vmem>> -> memref<1x64x128xf32, #tpu.memory_space<vmem>>
    %dma_wait3A_2212 = tpu.memref_squeeze %dma_wait3A_2211 : memref<1x64x128xf32, #tpu.memory_space<vmem>> -> memref<64x128xf32, #tpu.memory_space<vmem>>
    %dma_wait3A_2213 = arith.constant 0 : i32
    %dma_wait3A_2214 = tpu.memref_slice %arg3[%dma_wait3A_2213, %multiple_of3A_1182] : memref<64x100000xf32, #tpu.memory_space<hbm>> -> memref<64x128xf32, #tpu.memory_space<hbm>>
    %dma_wait3A_2215 = arith.constant 0 : i32
    %dma_wait3A_2216 = arith.constant 0 : i32
    %dma_wait3A_2217 = tpu.memref_slice %arg6[%dma_wait3A_2208, %dma_wait3A_2215, %dma_wait3A_2216] : memref<12x64x128xf32, #tpu.memory_space<vmem>> -> memref<1x64x128xf32, #tpu.memory_space<vmem>>
    %dma_wait3A_2218 = tpu.memref_squeeze %dma_wait3A_2217 : memref<1x64x128xf32, #tpu.memory_space<vmem>> -> memref<64x128xf32, #tpu.memory_space<vmem>>
    %dma_wait3A_2219 = arith.constant 0 : i32
    %dma_wait3A_2220 = tpu.memref_slice %arg3[%dma_wait3A_2219, %multiple_of3A_1182] : memref<64x100000xf32, #tpu.memory_space<hbm>> -> memref<64x128xf32, #tpu.memory_space<hbm>>
    tpu.wait_dma2 semaphore(%arg17 : memref<!tpu.dma_semaphore, #tpu.memory_space<semaphore_mem>>) src(%dma_wait3A_2220 : memref<64x128xf32, #tpu.memory_space<hbm>>) dst(%dma_wait3A_2218 : memref<64x128xf32, #tpu.memory_space<vmem>>)
    %get3A_2221 = arith.constant 16 : index
    %get3A_2222 = tpu.vector_load %arg5[%get3A_2221] {strides = array<i32>} : memref<32xi32, #tpu.memory_space<vmem>>, vector<16xi32>,
    %slice3A_2223 = vector.extract_strided_slice %get3A_2222 {offsets = [5], sizes = [1], strides = [1]} : vector<16xi32> to vector<1xi32>
    %squeeze3A_2224 = vector.extract %slice3A_2223[0] : i32 from vector<1xi32>
    %and3A_2225 = arith.constant 127 : i32
    %and3A_2226 = arith.andi %squeeze3A_2224, %and3A_2225 : i32
    %broadcast_in_dim3A_2227 = vector.broadcast %and3A_2226 : i32 to vector<16xi32>
    %add3A_2228 = arith.constant 0 : i32
    %add3A_2229 = vector.broadcast %add3A_2228 : i32 to vector<16xi32>
    %add3A_2230 = arith.addi %iota3A, %add3A_2229 : vector<16xi32>
    %gather3A_2231 = arith.constant 9 : i32
    %gather3A_2232 = arith.constant 0 : i32
    %gather3A_2233 = arith.constant 0 : i32
    %gather3A_2234 = tpu.memref_slice %arg6[%gather3A_2231, %gather3A_2232, %gather3A_2233] : memref<12x64x128xf32, #tpu.memory_space<vmem>> -> memref<1x64x128xf32, #tpu.memory_space<vmem>>
    %gather3A_2235 = tpu.memref_squeeze %gather3A_2234 : memref<1x64x128xf32, #tpu.memory_space<vmem>> -> memref<64x128xf32, #tpu.memory_space<vmem>>
    %gather3A_2236 = tpu.vector_load_idx %gather3A_2235[%add3A_2230, %broadcast_in_dim3A_2227] : memref<64x128xf32, #tpu.memory_space<vmem>>[vector<16xi32>, vector<16xi32>], vector<16xf32>,
    %swap3A_2237 = arith.constant 21 : i32
    %swap3A_2238 = arith.index_cast %swap3A_2237 : i32 to index
    %swap3A_2239 = arith.constant 0 : index
    %swap3A_2240 = tpu.vector_load %arg7[%swap3A_2238, %swap3A_2239] {strides = array<i32>} : memref<32x64xf32, #tpu.memory_space<vmem>>, vector<16xf32>,
    tpu.vector_store %arg7[%swap3A_2238, %swap3A_2239], %gather3A_2236 {strides = array<i32>} : memref<32x64xf32, #tpu.memory_space<vmem>>, vector<16xf32>,
    %add3A_2241 = arith.constant 16 : i32
    %add3A_2242 = vector.broadcast %add3A_2241 : i32 to vector<16xi32>
    %add3A_2243 = arith.addi %iota3A, %add3A_2242 : vector<16xi32>
    %gather3A_2244 = arith.constant 9 : i32
    %gather3A_2245 = arith.constant 0 : i32
    %gather3A_2246 = arith.constant 0 : i32
    %gather3A_2247 = tpu.memref_slice %arg6[%gather3A_2244, %gather3A_2245, %gather3A_2246] : memref<12x64x128xf32, #tpu.memory_space<vmem>> -> memref<1x64x128xf32, #tpu.memory_space<vmem>>
    %gather3A_2248 = tpu.memref_squeeze %gather3A_2247 : memref<1x64x128xf32, #tpu.memory_space<vmem>> -> memref<64x128xf32, #tpu.memory_space<vmem>>
    %gather3A_2249 = tpu.vector_load_idx %gather3A_2248[%add3A_2243, %broadcast_in_dim3A_2227] : memref<64x128xf32, #tpu.memory_space<vmem>>[vector<16xi32>, vector<16xi32>], vector<16xf32>,
    %swap3A_2250 = arith.constant 21 : i32
    %swap3A_2251 = arith.index_cast %swap3A_2250 : i32 to index
    %swap3A_2252 = arith.constant 16 : index
    %swap3A_2253 = tpu.vector_load %arg7[%swap3A_2251, %swap3A_2252] {strides = array<i32>} : memref<32x64xf32, #tpu.memory_space<vmem>>, vector<16xf32>,
    tpu.vector_store %arg7[%swap3A_2251, %swap3A_2252], %gather3A_2249 {strides = array<i32>} : memref<32x64xf32, #tpu.memory_space<vmem>>, vector<16xf32>,
    %add3A_2254 = arith.constant 32 : i32
    %add3A_2255 = vector.broadcast %add3A_2254 : i32 to vector<16xi32>
    %add3A_2256 = arith.addi %iota3A, %add3A_2255 : vector<16xi32>
    %gather3A_2257 = arith.constant 9 : i32
    %gather3A_2258 = arith.constant 0 : i32
    %gather3A_2259 = arith.constant 0 : i32
    %gather3A_2260 = tpu.memref_slice %arg6[%gather3A_2257, %gather3A_2258, %gather3A_2259] : memref<12x64x128xf32, #tpu.memory_space<vmem>> -> memref<1x64x128xf32, #tpu.memory_space<vmem>>
    %gather3A_2261 = tpu.memref_squeeze %gather3A_2260 : memref<1x64x128xf32, #tpu.memory_space<vmem>> -> memref<64x128xf32, #tpu.memory_space<vmem>>
    %gather3A_2262 = tpu.vector_load_idx %gather3A_2261[%add3A_2256, %broadcast_in_dim3A_2227] : memref<64x128xf32, #tpu.memory_space<vmem>>[vector<16xi32>, vector<16xi32>], vector<16xf32>,
    %swap3A_2263 = arith.constant 21 : i32
    %swap3A_2264 = arith.index_cast %swap3A_2263 : i32 to index
    %swap3A_2265 = arith.constant 32 : index
    %swap3A_2266 = tpu.vector_load %arg7[%swap3A_2264, %swap3A_2265] {strides = array<i32>} : memref<32x64xf32, #tpu.memory_space<vmem>>, vector<16xf32>,
    tpu.vector_store %arg7[%swap3A_2264, %swap3A_2265], %gather3A_2262 {strides = array<i32>} : memref<32x64xf32, #tpu.memory_space<vmem>>, vector<16xf32>,
    %add3A_2267 = arith.constant 48 : i32
    %add3A_2268 = vector.broadcast %add3A_2267 : i32 to vector<16xi32>
    %add3A_2269 = arith.addi %iota3A, %add3A_2268 : vector<16xi32>
    %gather3A_2270 = arith.constant 9 : i32
    %gather3A_2271 = arith.constant 0 : i32
    %gather3A_2272 = arith.constant 0 : i32
    %gather3A_2273 = tpu.memref_slice %arg6[%gather3A_2270, %gather3A_2271, %gather3A_2272] : memref<12x64x128xf32, #tpu.memory_space<vmem>> -> memref<1x64x128xf32, #tpu.memory_space<vmem>>
    %gather3A_2274 = tpu.memref_squeeze %gather3A_2273 : memref<1x64x128xf32, #tpu.memory_space<vmem>> -> memref<64x128xf32, #tpu.memory_space<vmem>>
    %gather3A_2275 = tpu.vector_load_idx %gather3A_2274[%add3A_2269, %broadcast_in_dim3A_2227] : memref<64x128xf32, #tpu.memory_space<vmem>>[vector<16xi32>, vector<16xi32>], vector<16xf32>,
    %swap3A_2276 = arith.constant 21 : i32
    %swap3A_2277 = arith.index_cast %swap3A_2276 : i32 to index
    %swap3A_2278 = arith.constant 48 : index
    %swap3A_2279 = tpu.vector_load %arg7[%swap3A_2277, %swap3A_2278] {strides = array<i32>} : memref<32x64xf32, #tpu.memory_space<vmem>>, vector<16xf32>,
    tpu.vector_store %arg7[%swap3A_2277, %swap3A_2278], %gather3A_2275 {strides = array<i32>} : memref<32x64xf32, #tpu.memory_space<vmem>>, vector<16xf32>,
    %dma_wait3A_2280 = arith.constant 10 : i32
    %dma_wait3A_2281 = arith.constant 0 : i32
    %dma_wait3A_2282 = arith.constant 0 : i32
    %dma_wait3A_2283 = tpu.memref_slice %arg6[%dma_wait3A_2280, %dma_wait3A_2281, %dma_wait3A_2282] : memref<12x64x128xf32, #tpu.memory_space<vmem>> -> memref<1x64x128xf32, #tpu.memory_space<vmem>>
    %dma_wait3A_2284 = tpu.memref_squeeze %dma_wait3A_2283 : memref<1x64x128xf32, #tpu.memory_space<vmem>> -> memref<64x128xf32, #tpu.memory_space<vmem>>
    %dma_wait3A_2285 = arith.constant 0 : i32
    %dma_wait3A_2286 = tpu.memref_slice %arg3[%dma_wait3A_2285, %multiple_of3A_1276] : memref<64x100000xf32, #tpu.memory_space<hbm>> -> memref<64x128xf32, #tpu.memory_space<hbm>>
    %dma_wait3A_2287 = arith.constant 0 : i32
    %dma_wait3A_2288 = arith.constant 0 : i32
    %dma_wait3A_2289 = tpu.memref_slice %arg6[%dma_wait3A_2280, %dma_wait3A_2287, %dma_wait3A_2288] : memref<12x64x128xf32, #tpu.memory_space<vmem>> -> memref<1x64x128xf32, #tpu.memory_space<vmem>>
    %dma_wait3A_2290 = tpu.memref_squeeze %dma_wait3A_2289 : memref<1x64x128xf32, #tpu.memory_space<vmem>> -> memref<64x128xf32, #tpu.memory_space<vmem>>
    %dma_wait3A_2291 = arith.constant 0 : i32
    %dma_wait3A_2292 = tpu.memref_slice %arg3[%dma_wait3A_2291, %multiple_of3A_1276] : memref<64x100000xf32, #tpu.memory_space<hbm>> -> memref<64x128xf32, #tpu.memory_space<hbm>>
    tpu.wait_dma2 semaphore(%arg18 : memref<!tpu.dma_semaphore, #tpu.memory_space<semaphore_mem>>) src(%dma_wait3A_2292 : memref<64x128xf32, #tpu.memory_space<hbm>>) dst(%dma_wait3A_2290 : memref<64x128xf32, #tpu.memory_space<vmem>>)
    %get3A_2293 = arith.constant 16 : index
    %get3A_2294 = tpu.vector_load %arg5[%get3A_2293] {strides = array<i32>} : memref<32xi32, #tpu.memory_space<vmem>>, vector<16xi32>,
    %slice3A_2295 = vector.extract_strided_slice %get3A_2294 {offsets = [6], sizes = [1], strides = [1]} : vector<16xi32> to vector<1xi32>
    %squeeze3A_2296 = vector.extract %slice3A_2295[0] : i32 from vector<1xi32>
    %and3A_2297 = arith.constant 127 : i32
    %and3A_2298 = arith.andi %squeeze3A_2296, %and3A_2297 : i32
    %broadcast_in_dim3A_2299 = vector.broadcast %and3A_2298 : i32 to vector<16xi32>
    %add3A_2300 = arith.constant 0 : i32
    %add3A_2301 = vector.broadcast %add3A_2300 : i32 to vector<16xi32>
    %add3A_2302 = arith.addi %iota3A, %add3A_2301 : vector<16xi32>
    %gather3A_2303 = arith.constant 10 : i32
    %gather3A_2304 = arith.constant 0 : i32
    %gather3A_2305 = arith.constant 0 : i32
    %gather3A_2306 = tpu.memref_slice %arg6[%gather3A_2303, %gather3A_2304, %gather3A_2305] : memref<12x64x128xf32, #tpu.memory_space<vmem>> -> memref<1x64x128xf32, #tpu.memory_space<vmem>>
    %gather3A_2307 = tpu.memref_squeeze %gather3A_2306 : memref<1x64x128xf32, #tpu.memory_space<vmem>> -> memref<64x128xf32, #tpu.memory_space<vmem>>
    %gather3A_2308 = tpu.vector_load_idx %gather3A_2307[%add3A_2302, %broadcast_in_dim3A_2299] : memref<64x128xf32, #tpu.memory_space<vmem>>[vector<16xi32>, vector<16xi32>], vector<16xf32>,
    %swap3A_2309 = arith.constant 22 : i32
    %swap3A_2310 = arith.index_cast %swap3A_2309 : i32 to index
    %swap3A_2311 = arith.constant 0 : index
    %swap3A_2312 = tpu.vector_load %arg7[%swap3A_2310, %swap3A_2311] {strides = array<i32>} : memref<32x64xf32, #tpu.memory_space<vmem>>, vector<16xf32>,
    tpu.vector_store %arg7[%swap3A_2310, %swap3A_2311], %gather3A_2308 {strides = array<i32>} : memref<32x64xf32, #tpu.memory_space<vmem>>, vector<16xf32>,
    %add3A_2313 = arith.constant 16 : i32
    %add3A_2314 = vector.broadcast %add3A_2313 : i32 to vector<16xi32>
    %add3A_2315 = arith.addi %iota3A, %add3A_2314 : vector<16xi32>
    %gather3A_2316 = arith.constant 10 : i32
    %gather3A_2317 = arith.constant 0 : i32
    %gather3A_2318 = arith.constant 0 : i32
    %gather3A_2319 = tpu.memref_slice %arg6[%gather3A_2316, %gather3A_2317, %gather3A_2318] : memref<12x64x128xf32, #tpu.memory_space<vmem>> -> memref<1x64x128xf32, #tpu.memory_space<vmem>>
    %gather3A_2320 = tpu.memref_squeeze %gather3A_2319 : memref<1x64x128xf32, #tpu.memory_space<vmem>> -> memref<64x128xf32, #tpu.memory_space<vmem>>
    %gather3A_2321 = tpu.vector_load_idx %gather3A_2320[%add3A_2315, %broadcast_in_dim3A_2299] : memref<64x128xf32, #tpu.memory_space<vmem>>[vector<16xi32>, vector<16xi32>], vector<16xf32>,
    %swap3A_2322 = arith.constant 22 : i32
    %swap3A_2323 = arith.index_cast %swap3A_2322 : i32 to index
    %swap3A_2324 = arith.constant 16 : index
    %swap3A_2325 = tpu.vector_load %arg7[%swap3A_2323, %swap3A_2324] {strides = array<i32>} : memref<32x64xf32, #tpu.memory_space<vmem>>, vector<16xf32>,
    tpu.vector_store %arg7[%swap3A_2323, %swap3A_2324], %gather3A_2321 {strides = array<i32>} : memref<32x64xf32, #tpu.memory_space<vmem>>, vector<16xf32>,
    %add3A_2326 = arith.constant 32 : i32
    %add3A_2327 = vector.broadcast %add3A_2326 : i32 to vector<16xi32>
    %add3A_2328 = arith.addi %iota3A, %add3A_2327 : vector<16xi32>
    %gather3A_2329 = arith.constant 10 : i32
    %gather3A_2330 = arith.constant 0 : i32
    %gather3A_2331 = arith.constant 0 : i32
    %gather3A_2332 = tpu.memref_slice %arg6[%gather3A_2329, %gather3A_2330, %gather3A_2331] : memref<12x64x128xf32, #tpu.memory_space<vmem>> -> memref<1x64x128xf32, #tpu.memory_space<vmem>>
    %gather3A_2333 = tpu.memref_squeeze %gather3A_2332 : memref<1x64x128xf32, #tpu.memory_space<vmem>> -> memref<64x128xf32, #tpu.memory_space<vmem>>
    %gather3A_2334 = tpu.vector_load_idx %gather3A_2333[%add3A_2328, %broadcast_in_dim3A_2299] : memref<64x128xf32, #tpu.memory_space<vmem>>[vector<16xi32>, vector<16xi32>], vector<16xf32>,
    %swap3A_2335 = arith.constant 22 : i32
    %swap3A_2336 = arith.index_cast %swap3A_2335 : i32 to index
    %swap3A_2337 = arith.constant 32 : index
    %swap3A_2338 = tpu.vector_load %arg7[%swap3A_2336, %swap3A_2337] {strides = array<i32>} : memref<32x64xf32, #tpu.memory_space<vmem>>, vector<16xf32>,
    tpu.vector_store %arg7[%swap3A_2336, %swap3A_2337], %gather3A_2334 {strides = array<i32>} : memref<32x64xf32, #tpu.memory_space<vmem>>, vector<16xf32>,
    %add3A_2339 = arith.constant 48 : i32
    %add3A_2340 = vector.broadcast %add3A_2339 : i32 to vector<16xi32>
    %add3A_2341 = arith.addi %iota3A, %add3A_2340 : vector<16xi32>
    %gather3A_2342 = arith.constant 10 : i32
    %gather3A_2343 = arith.constant 0 : i32
    %gather3A_2344 = arith.constant 0 : i32
    %gather3A_2345 = tpu.memref_slice %arg6[%gather3A_2342, %gather3A_2343, %gather3A_2344] : memref<12x64x128xf32, #tpu.memory_space<vmem>> -> memref<1x64x128xf32, #tpu.memory_space<vmem>>
    %gather3A_2346 = tpu.memref_squeeze %gather3A_2345 : memref<1x64x128xf32, #tpu.memory_space<vmem>> -> memref<64x128xf32, #tpu.memory_space<vmem>>
    %gather3A_2347 = tpu.vector_load_idx %gather3A_2346[%add3A_2341, %broadcast_in_dim3A_2299] : memref<64x128xf32, #tpu.memory_space<vmem>>[vector<16xi32>, vector<16xi32>], vector<16xf32>,
    %swap3A_2348 = arith.constant 22 : i32
    %swap3A_2349 = arith.index_cast %swap3A_2348 : i32 to index
    %swap3A_2350 = arith.constant 48 : index
    %swap3A_2351 = tpu.vector_load %arg7[%swap3A_2349, %swap3A_2350] {strides = array<i32>} : memref<32x64xf32, #tpu.memory_space<vmem>>, vector<16xf32>,
    tpu.vector_store %arg7[%swap3A_2349, %swap3A_2350], %gather3A_2347 {strides = array<i32>} : memref<32x64xf32, #tpu.memory_space<vmem>>, vector<16xf32>,
    %dma_wait3A_2352 = arith.constant 11 : i32
    %dma_wait3A_2353 = arith.constant 0 : i32
    %dma_wait3A_2354 = arith.constant 0 : i32
    %dma_wait3A_2355 = tpu.memref_slice %arg6[%dma_wait3A_2352, %dma_wait3A_2353, %dma_wait3A_2354] : memref<12x64x128xf32, #tpu.memory_space<vmem>> -> memref<1x64x128xf32, #tpu.memory_space<vmem>>
    %dma_wait3A_2356 = tpu.memref_squeeze %dma_wait3A_2355 : memref<1x64x128xf32, #tpu.memory_space<vmem>> -> memref<64x128xf32, #tpu.memory_space<vmem>>
    %dma_wait3A_2357 = arith.constant 0 : i32
    %dma_wait3A_2358 = tpu.memref_slice %arg3[%dma_wait3A_2357, %multiple_of3A_1370] : memref<64x100000xf32, #tpu.memory_space<hbm>> -> memref<64x128xf32, #tpu.memory_space<hbm>>
    %dma_wait3A_2359 = arith.constant 0 : i32
    %dma_wait3A_2360 = arith.constant 0 : i32
    %dma_wait3A_2361 = tpu.memref_slice %arg6[%dma_wait3A_2352, %dma_wait3A_2359, %dma_wait3A_2360] : memref<12x64x128xf32, #tpu.memory_space<vmem>> -> memref<1x64x128xf32, #tpu.memory_space<vmem>>
    %dma_wait3A_2362 = tpu.memref_squeeze %dma_wait3A_2361 : memref<1x64x128xf32, #tpu.memory_space<vmem>> -> memref<64x128xf32, #tpu.memory_space<vmem>>
    %dma_wait3A_2363 = arith.constant 0 : i32
    %dma_wait3A_2364 = tpu.memref_slice %arg3[%dma_wait3A_2363, %multiple_of3A_1370] : memref<64x100000xf32, #tpu.memory_space<hbm>> -> memref<64x128xf32, #tpu.memory_space<hbm>>
    tpu.wait_dma2 semaphore(%arg19 : memref<!tpu.dma_semaphore, #tpu.memory_space<semaphore_mem>>) src(%dma_wait3A_2364 : memref<64x128xf32, #tpu.memory_space<hbm>>) dst(%dma_wait3A_2362 : memref<64x128xf32, #tpu.memory_space<vmem>>)
    %get3A_2365 = arith.constant 16 : index
    %get3A_2366 = tpu.vector_load %arg5[%get3A_2365] {strides = array<i32>} : memref<32xi32, #tpu.memory_space<vmem>>, vector<16xi32>,
    %slice3A_2367 = vector.extract_strided_slice %get3A_2366 {offsets = [7], sizes = [1], strides = [1]} : vector<16xi32> to vector<1xi32>
    %squeeze3A_2368 = vector.extract %slice3A_2367[0] : i32 from vector<1xi32>
    %and3A_2369 = arith.constant 127 : i32
    %and3A_2370 = arith.andi %squeeze3A_2368, %and3A_2369 : i32
    %broadcast_in_dim3A_2371 = vector.broadcast %and3A_2370 : i32 to vector<16xi32>
    %add3A_2372 = arith.constant 0 : i32
    %add3A_2373 = vector.broadcast %add3A_2372 : i32 to vector<16xi32>
    %add3A_2374 = arith.addi %iota3A, %add3A_2373 : vector<16xi32>
    %gather3A_2375 = arith.constant 11 : i32
    %gather3A_2376 = arith.constant 0 : i32
    %gather3A_2377 = arith.constant 0 : i32
    %gather3A_2378 = tpu.memref_slice %arg6[%gather3A_2375, %gather3A_2376, %gather3A_2377] : memref<12x64x128xf32, #tpu.memory_space<vmem>> -> memref<1x64x128xf32, #tpu.memory_space<vmem>>
    %gather3A_2379 = tpu.memref_squeeze %gather3A_2378 : memref<1x64x128xf32, #tpu.memory_space<vmem>> -> memref<64x128xf32, #tpu.memory_space<vmem>>
    %gather3A_2380 = tpu.vector_load_idx %gather3A_2379[%add3A_2374, %broadcast_in_dim3A_2371] : memref<64x128xf32, #tpu.memory_space<vmem>>[vector<16xi32>, vector<16xi32>], vector<16xf32>,
    %swap3A_2381 = arith.constant 23 : i32
    %swap3A_2382 = arith.index_cast %swap3A_2381 : i32 to index
    %swap3A_2383 = arith.constant 0 : index
    %swap3A_2384 = tpu.vector_load %arg7[%swap3A_2382, %swap3A_2383] {strides = array<i32>} : memref<32x64xf32, #tpu.memory_space<vmem>>, vector<16xf32>,
    tpu.vector_store %arg7[%swap3A_2382, %swap3A_2383], %gather3A_2380 {strides = array<i32>} : memref<32x64xf32, #tpu.memory_space<vmem>>, vector<16xf32>,
    %add3A_2385 = arith.constant 16 : i32
    %add3A_2386 = vector.broadcast %add3A_2385 : i32 to vector<16xi32>
    %add3A_2387 = arith.addi %iota3A, %add3A_2386 : vector<16xi32>
    %gather3A_2388 = arith.constant 11 : i32
    %gather3A_2389 = arith.constant 0 : i32
    %gather3A_2390 = arith.constant 0 : i32
    %gather3A_2391 = tpu.memref_slice %arg6[%gather3A_2388, %gather3A_2389, %gather3A_2390] : memref<12x64x128xf32, #tpu.memory_space<vmem>> -> memref<1x64x128xf32, #tpu.memory_space<vmem>>
    %gather3A_2392 = tpu.memref_squeeze %gather3A_2391 : memref<1x64x128xf32, #tpu.memory_space<vmem>> -> memref<64x128xf32, #tpu.memory_space<vmem>>
    %gather3A_2393 = tpu.vector_load_idx %gather3A_2392[%add3A_2387, %broadcast_in_dim3A_2371] : memref<64x128xf32, #tpu.memory_space<vmem>>[vector<16xi32>, vector<16xi32>], vector<16xf32>,
    %swap3A_2394 = arith.constant 23 : i32
    %swap3A_2395 = arith.index_cast %swap3A_2394 : i32 to index
    %swap3A_2396 = arith.constant 16 : index
    %swap3A_2397 = tpu.vector_load %arg7[%swap3A_2395, %swap3A_2396] {strides = array<i32>} : memref<32x64xf32, #tpu.memory_space<vmem>>, vector<16xf32>,
    tpu.vector_store %arg7[%swap3A_2395, %swap3A_2396], %gather3A_2393 {strides = array<i32>} : memref<32x64xf32, #tpu.memory_space<vmem>>, vector<16xf32>,
    %add3A_2398 = arith.constant 32 : i32
    %add3A_2399 = vector.broadcast %add3A_2398 : i32 to vector<16xi32>
    %add3A_2400 = arith.addi %iota3A, %add3A_2399 : vector<16xi32>
    %gather3A_2401 = arith.constant 11 : i32
    %gather3A_2402 = arith.constant 0 : i32
    %gather3A_2403 = arith.constant 0 : i32
    %gather3A_2404 = tpu.memref_slice %arg6[%gather3A_2401, %gather3A_2402, %gather3A_2403] : memref<12x64x128xf32, #tpu.memory_space<vmem>> -> memref<1x64x128xf32, #tpu.memory_space<vmem>>
    %gather3A_2405 = tpu.memref_squeeze %gather3A_2404 : memref<1x64x128xf32, #tpu.memory_space<vmem>> -> memref<64x128xf32, #tpu.memory_space<vmem>>
    %gather3A_2406 = tpu.vector_load_idx %gather3A_2405[%add3A_2400, %broadcast_in_dim3A_2371] : memref<64x128xf32, #tpu.memory_space<vmem>>[vector<16xi32>, vector<16xi32>], vector<16xf32>,
    %swap3A_2407 = arith.constant 23 : i32
    %swap3A_2408 = arith.index_cast %swap3A_2407 : i32 to index
    %swap3A_2409 = arith.constant 32 : index
    %swap3A_2410 = tpu.vector_load %arg7[%swap3A_2408, %swap3A_2409] {strides = array<i32>} : memref<32x64xf32, #tpu.memory_space<vmem>>, vector<16xf32>,
    tpu.vector_store %arg7[%swap3A_2408, %swap3A_2409], %gather3A_2406 {strides = array<i32>} : memref<32x64xf32, #tpu.memory_space<vmem>>, vector<16xf32>,
    %add3A_2411 = arith.constant 48 : i32
    %add3A_2412 = vector.broadcast %add3A_2411 : i32 to vector<16xi32>
    %add3A_2413 = arith.addi %iota3A, %add3A_2412 : vector<16xi32>
    %gather3A_2414 = arith.constant 11 : i32
    %gather3A_2415 = arith.constant 0 : i32
    %gather3A_2416 = arith.constant 0 : i32
    %gather3A_2417 = tpu.memref_slice %arg6[%gather3A_2414, %gather3A_2415, %gather3A_2416] : memref<12x64x128xf32, #tpu.memory_space<vmem>> -> memref<1x64x128xf32, #tpu.memory_space<vmem>>
    %gather3A_2418 = tpu.memref_squeeze %gather3A_2417 : memref<1x64x128xf32, #tpu.memory_space<vmem>> -> memref<64x128xf32, #tpu.memory_space<vmem>>
    %gather3A_2419 = tpu.vector_load_idx %gather3A_2418[%add3A_2413, %broadcast_in_dim3A_2371] : memref<64x128xf32, #tpu.memory_space<vmem>>[vector<16xi32>, vector<16xi32>], vector<16xf32>,
    %swap3A_2420 = arith.constant 23 : i32
    %swap3A_2421 = arith.index_cast %swap3A_2420 : i32 to index
    %swap3A_2422 = arith.constant 48 : index
    %swap3A_2423 = tpu.vector_load %arg7[%swap3A_2421, %swap3A_2422] {strides = array<i32>} : memref<32x64xf32, #tpu.memory_space<vmem>>, vector<16xf32>,
    tpu.vector_store %arg7[%swap3A_2421, %swap3A_2422], %gather3A_2419 {strides = array<i32>} : memref<32x64xf32, #tpu.memory_space<vmem>>, vector<16xf32>,
    %dma_wait3A_2424 = arith.constant 0 : i32
    %dma_wait3A_2425 = arith.constant 0 : i32
    %dma_wait3A_2426 = arith.constant 0 : i32
    %dma_wait3A_2427 = tpu.memref_slice %arg6[%dma_wait3A_2424, %dma_wait3A_2425, %dma_wait3A_2426] : memref<12x64x128xf32, #tpu.memory_space<vmem>> -> memref<1x64x128xf32, #tpu.memory_space<vmem>>
    %dma_wait3A_2428 = tpu.memref_squeeze %dma_wait3A_2427 : memref<1x64x128xf32, #tpu.memory_space<vmem>> -> memref<64x128xf32, #tpu.memory_space<vmem>>
    %dma_wait3A_2429 = arith.constant 0 : i32
    %dma_wait3A_2430 = tpu.memref_slice %arg3[%dma_wait3A_2429, %multiple_of3A_1464] : memref<64x100000xf32, #tpu.memory_space<hbm>> -> memref<64x128xf32, #tpu.memory_space<hbm>>
    %dma_wait3A_2431 = arith.constant 0 : i32
    %dma_wait3A_2432 = arith.constant 0 : i32
    %dma_wait3A_2433 = tpu.memref_slice %arg6[%dma_wait3A_2424, %dma_wait3A_2431, %dma_wait3A_2432] : memref<12x64x128xf32, #tpu.memory_space<vmem>> -> memref<1x64x128xf32, #tpu.memory_space<vmem>>
    %dma_wait3A_2434 = tpu.memref_squeeze %dma_wait3A_2433 : memref<1x64x128xf32, #tpu.memory_space<vmem>> -> memref<64x128xf32, #tpu.memory_space<vmem>>
    %dma_wait3A_2435 = arith.constant 0 : i32
    %dma_wait3A_2436 = tpu.memref_slice %arg3[%dma_wait3A_2435, %multiple_of3A_1464] : memref<64x100000xf32, #tpu.memory_space<hbm>> -> memref<64x128xf32, #tpu.memory_space<hbm>>
    tpu.wait_dma2 semaphore(%arg8 : memref<!tpu.dma_semaphore, #tpu.memory_space<semaphore_mem>>) src(%dma_wait3A_2436 : memref<64x128xf32, #tpu.memory_space<hbm>>) dst(%dma_wait3A_2434 : memref<64x128xf32, #tpu.memory_space<vmem>>)
    %get3A_2437 = arith.constant 16 : index
    %get3A_2438 = tpu.vector_load %arg5[%get3A_2437] {strides = array<i32>} : memref<32xi32, #tpu.memory_space<vmem>>, vector<16xi32>,
    %slice3A_2439 = vector.extract_strided_slice %get3A_2438 {offsets = [8], sizes = [1], strides = [1]} : vector<16xi32> to vector<1xi32>
    %squeeze3A_2440 = vector.extract %slice3A_2439[0] : i32 from vector<1xi32>
    %and3A_2441 = arith.constant 127 : i32
    %and3A_2442 = arith.andi %squeeze3A_2440, %and3A_2441 : i32
    %broadcast_in_dim3A_2443 = vector.broadcast %and3A_2442 : i32 to vector<16xi32>
    %add3A_2444 = arith.constant 0 : i32
    %add3A_2445 = vector.broadcast %add3A_2444 : i32 to vector<16xi32>
    %add3A_2446 = arith.addi %iota3A, %add3A_2445 : vector<16xi32>
    %gather3A_2447 = arith.constant 0 : i32
    %gather3A_2448 = arith.constant 0 : i32
    %gather3A_2449 = arith.constant 0 : i32
    %gather3A_2450 = tpu.memref_slice %arg6[%gather3A_2447, %gather3A_2448, %gather3A_2449] : memref<12x64x128xf32, #tpu.memory_space<vmem>> -> memref<1x64x128xf32, #tpu.memory_space<vmem>>
    %gather3A_2451 = tpu.memref_squeeze %gather3A_2450 : memref<1x64x128xf32, #tpu.memory_space<vmem>> -> memref<64x128xf32, #tpu.memory_space<vmem>>
    %gather3A_2452 = tpu.vector_load_idx %gather3A_2451[%add3A_2446, %broadcast_in_dim3A_2443] : memref<64x128xf32, #tpu.memory_space<vmem>>[vector<16xi32>, vector<16xi32>], vector<16xf32>,
    %swap3A_2453 = arith.constant 24 : i32
    %swap3A_2454 = arith.index_cast %swap3A_2453 : i32 to index
    %swap3A_2455 = arith.constant 0 : index
    %swap3A_2456 = tpu.vector_load %arg7[%swap3A_2454, %swap3A_2455] {strides = array<i32>} : memref<32x64xf32, #tpu.memory_space<vmem>>, vector<16xf32>,
    tpu.vector_store %arg7[%swap3A_2454, %swap3A_2455], %gather3A_2452 {strides = array<i32>} : memref<32x64xf32, #tpu.memory_space<vmem>>, vector<16xf32>,
    %add3A_2457 = arith.constant 16 : i32
    %add3A_2458 = vector.broadcast %add3A_2457 : i32 to vector<16xi32>
    %add3A_2459 = arith.addi %iota3A, %add3A_2458 : vector<16xi32>
    %gather3A_2460 = arith.constant 0 : i32
    %gather3A_2461 = arith.constant 0 : i32
    %gather3A_2462 = arith.constant 0 : i32
    %gather3A_2463 = tpu.memref_slice %arg6[%gather3A_2460, %gather3A_2461, %gather3A_2462] : memref<12x64x128xf32, #tpu.memory_space<vmem>> -> memref<1x64x128xf32, #tpu.memory_space<vmem>>
    %gather3A_2464 = tpu.memref_squeeze %gather3A_2463 : memref<1x64x128xf32, #tpu.memory_space<vmem>> -> memref<64x128xf32, #tpu.memory_space<vmem>>
    %gather3A_2465 = tpu.vector_load_idx %gather3A_2464[%add3A_2459, %broadcast_in_dim3A_2443] : memref<64x128xf32, #tpu.memory_space<vmem>>[vector<16xi32>, vector<16xi32>], vector<16xf32>,
    %swap3A_2466 = arith.constant 24 : i32
    %swap3A_2467 = arith.index_cast %swap3A_2466 : i32 to index
    %swap3A_2468 = arith.constant 16 : index
    %swap3A_2469 = tpu.vector_load %arg7[%swap3A_2467, %swap3A_2468] {strides = array<i32>} : memref<32x64xf32, #tpu.memory_space<vmem>>, vector<16xf32>,
    tpu.vector_store %arg7[%swap3A_2467, %swap3A_2468], %gather3A_2465 {strides = array<i32>} : memref<32x64xf32, #tpu.memory_space<vmem>>, vector<16xf32>,
    %add3A_2470 = arith.constant 32 : i32
    %add3A_2471 = vector.broadcast %add3A_2470 : i32 to vector<16xi32>
    %add3A_2472 = arith.addi %iota3A, %add3A_2471 : vector<16xi32>
    %gather3A_2473 = arith.constant 0 : i32
    %gather3A_2474 = arith.constant 0 : i32
    %gather3A_2475 = arith.constant 0 : i32
    %gather3A_2476 = tpu.memref_slice %arg6[%gather3A_2473, %gather3A_2474, %gather3A_2475] : memref<12x64x128xf32, #tpu.memory_space<vmem>> -> memref<1x64x128xf32, #tpu.memory_space<vmem>>
    %gather3A_2477 = tpu.memref_squeeze %gather3A_2476 : memref<1x64x128xf32, #tpu.memory_space<vmem>> -> memref<64x128xf32, #tpu.memory_space<vmem>>
    %gather3A_2478 = tpu.vector_load_idx %gather3A_2477[%add3A_2472, %broadcast_in_dim3A_2443] : memref<64x128xf32, #tpu.memory_space<vmem>>[vector<16xi32>, vector<16xi32>], vector<16xf32>,
    %swap3A_2479 = arith.constant 24 : i32
    %swap3A_2480 = arith.index_cast %swap3A_2479 : i32 to index
    %swap3A_2481 = arith.constant 32 : index
    %swap3A_2482 = tpu.vector_load %arg7[%swap3A_2480, %swap3A_2481] {strides = array<i32>} : memref<32x64xf32, #tpu.memory_space<vmem>>, vector<16xf32>,
    tpu.vector_store %arg7[%swap3A_2480, %swap3A_2481], %gather3A_2478 {strides = array<i32>} : memref<32x64xf32, #tpu.memory_space<vmem>>, vector<16xf32>,
    %add3A_2483 = arith.constant 48 : i32
    %add3A_2484 = vector.broadcast %add3A_2483 : i32 to vector<16xi32>
    %add3A_2485 = arith.addi %iota3A, %add3A_2484 : vector<16xi32>
    %gather3A_2486 = arith.constant 0 : i32
    %gather3A_2487 = arith.constant 0 : i32
    %gather3A_2488 = arith.constant 0 : i32
    %gather3A_2489 = tpu.memref_slice %arg6[%gather3A_2486, %gather3A_2487, %gather3A_2488] : memref<12x64x128xf32, #tpu.memory_space<vmem>> -> memref<1x64x128xf32, #tpu.memory_space<vmem>>
    %gather3A_2490 = tpu.memref_squeeze %gather3A_2489 : memref<1x64x128xf32, #tpu.memory_space<vmem>> -> memref<64x128xf32, #tpu.memory_space<vmem>>
    %gather3A_2491 = tpu.vector_load_idx %gather3A_2490[%add3A_2485, %broadcast_in_dim3A_2443] : memref<64x128xf32, #tpu.memory_space<vmem>>[vector<16xi32>, vector<16xi32>], vector<16xf32>,
    %swap3A_2492 = arith.constant 24 : i32
    %swap3A_2493 = arith.index_cast %swap3A_2492 : i32 to index
    %swap3A_2494 = arith.constant 48 : index
    %swap3A_2495 = tpu.vector_load %arg7[%swap3A_2493, %swap3A_2494] {strides = array<i32>} : memref<32x64xf32, #tpu.memory_space<vmem>>, vector<16xf32>,
    tpu.vector_store %arg7[%swap3A_2493, %swap3A_2494], %gather3A_2491 {strides = array<i32>} : memref<32x64xf32, #tpu.memory_space<vmem>>, vector<16xf32>,
    %dma_wait3A_2496 = arith.constant 1 : i32
    %dma_wait3A_2497 = arith.constant 0 : i32
    %dma_wait3A_2498 = arith.constant 0 : i32
    %dma_wait3A_2499 = tpu.memref_slice %arg6[%dma_wait3A_2496, %dma_wait3A_2497, %dma_wait3A_2498] : memref<12x64x128xf32, #tpu.memory_space<vmem>> -> memref<1x64x128xf32, #tpu.memory_space<vmem>>
    %dma_wait3A_2500 = tpu.memref_squeeze %dma_wait3A_2499 : memref<1x64x128xf32, #tpu.memory_space<vmem>> -> memref<64x128xf32, #tpu.memory_space<vmem>>
    %dma_wait3A_2501 = arith.constant 0 : i32
    %dma_wait3A_2502 = tpu.memref_slice %arg3[%dma_wait3A_2501, %multiple_of3A_1558] : memref<64x100000xf32, #tpu.memory_space<hbm>> -> memref<64x128xf32, #tpu.memory_space<hbm>>
    %dma_wait3A_2503 = arith.constant 0 : i32
    %dma_wait3A_2504 = arith.constant 0 : i32
    %dma_wait3A_2505 = tpu.memref_slice %arg6[%dma_wait3A_2496, %dma_wait3A_2503, %dma_wait3A_2504] : memref<12x64x128xf32, #tpu.memory_space<vmem>> -> memref<1x64x128xf32, #tpu.memory_space<vmem>>
    %dma_wait3A_2506 = tpu.memref_squeeze %dma_wait3A_2505 : memref<1x64x128xf32, #tpu.memory_space<vmem>> -> memref<64x128xf32, #tpu.memory_space<vmem>>
    %dma_wait3A_2507 = arith.constant 0 : i32
    %dma_wait3A_2508 = tpu.memref_slice %arg3[%dma_wait3A_2507, %multiple_of3A_1558] : memref<64x100000xf32, #tpu.memory_space<hbm>> -> memref<64x128xf32, #tpu.memory_space<hbm>>
    tpu.wait_dma2 semaphore(%arg9 : memref<!tpu.dma_semaphore, #tpu.memory_space<semaphore_mem>>) src(%dma_wait3A_2508 : memref<64x128xf32, #tpu.memory_space<hbm>>) dst(%dma_wait3A_2506 : memref<64x128xf32, #tpu.memory_space<vmem>>)
    %get3A_2509 = arith.constant 16 : index
    %get3A_2510 = tpu.vector_load %arg5[%get3A_2509] {strides = array<i32>} : memref<32xi32, #tpu.memory_space<vmem>>, vector<16xi32>,
    %slice3A_2511 = vector.extract_strided_slice %get3A_2510 {offsets = [9], sizes = [1], strides = [1]} : vector<16xi32> to vector<1xi32>
    %squeeze3A_2512 = vector.extract %slice3A_2511[0] : i32 from vector<1xi32>
    %and3A_2513 = arith.constant 127 : i32
    %and3A_2514 = arith.andi %squeeze3A_2512, %and3A_2513 : i32
    %broadcast_in_dim3A_2515 = vector.broadcast %and3A_2514 : i32 to vector<16xi32>
    %add3A_2516 = arith.constant 0 : i32
    %add3A_2517 = vector.broadcast %add3A_2516 : i32 to vector<16xi32>
    %add3A_2518 = arith.addi %iota3A, %add3A_2517 : vector<16xi32>
    %gather3A_2519 = arith.constant 1 : i32
    %gather3A_2520 = arith.constant 0 : i32
    %gather3A_2521 = arith.constant 0 : i32
    %gather3A_2522 = tpu.memref_slice %arg6[%gather3A_2519, %gather3A_2520, %gather3A_2521] : memref<12x64x128xf32, #tpu.memory_space<vmem>> -> memref<1x64x128xf32, #tpu.memory_space<vmem>>
    %gather3A_2523 = tpu.memref_squeeze %gather3A_2522 : memref<1x64x128xf32, #tpu.memory_space<vmem>> -> memref<64x128xf32, #tpu.memory_space<vmem>>
    %gather3A_2524 = tpu.vector_load_idx %gather3A_2523[%add3A_2518, %broadcast_in_dim3A_2515] : memref<64x128xf32, #tpu.memory_space<vmem>>[vector<16xi32>, vector<16xi32>], vector<16xf32>,
    %swap3A_2525 = arith.constant 25 : i32
    %swap3A_2526 = arith.index_cast %swap3A_2525 : i32 to index
    %swap3A_2527 = arith.constant 0 : index
    %swap3A_2528 = tpu.vector_load %arg7[%swap3A_2526, %swap3A_2527] {strides = array<i32>} : memref<32x64xf32, #tpu.memory_space<vmem>>, vector<16xf32>,
    tpu.vector_store %arg7[%swap3A_2526, %swap3A_2527], %gather3A_2524 {strides = array<i32>} : memref<32x64xf32, #tpu.memory_space<vmem>>, vector<16xf32>,
    %add3A_2529 = arith.constant 16 : i32
    %add3A_2530 = vector.broadcast %add3A_2529 : i32 to vector<16xi32>
    %add3A_2531 = arith.addi %iota3A, %add3A_2530 : vector<16xi32>
    %gather3A_2532 = arith.constant 1 : i32
    %gather3A_2533 = arith.constant 0 : i32
    %gather3A_2534 = arith.constant 0 : i32
    %gather3A_2535 = tpu.memref_slice %arg6[%gather3A_2532, %gather3A_2533, %gather3A_2534] : memref<12x64x128xf32, #tpu.memory_space<vmem>> -> memref<1x64x128xf32, #tpu.memory_space<vmem>>
    %gather3A_2536 = tpu.memref_squeeze %gather3A_2535 : memref<1x64x128xf32, #tpu.memory_space<vmem>> -> memref<64x128xf32, #tpu.memory_space<vmem>>
    %gather3A_2537 = tpu.vector_load_idx %gather3A_2536[%add3A_2531, %broadcast_in_dim3A_2515] : memref<64x128xf32, #tpu.memory_space<vmem>>[vector<16xi32>, vector<16xi32>], vector<16xf32>,
    %swap3A_2538 = arith.constant 25 : i32
    %swap3A_2539 = arith.index_cast %swap3A_2538 : i32 to index
    %swap3A_2540 = arith.constant 16 : index
    %swap3A_2541 = tpu.vector_load %arg7[%swap3A_2539, %swap3A_2540] {strides = array<i32>} : memref<32x64xf32, #tpu.memory_space<vmem>>, vector<16xf32>,
    tpu.vector_store %arg7[%swap3A_2539, %swap3A_2540], %gather3A_2537 {strides = array<i32>} : memref<32x64xf32, #tpu.memory_space<vmem>>, vector<16xf32>,
    %add3A_2542 = arith.constant 32 : i32
    %add3A_2543 = vector.broadcast %add3A_2542 : i32 to vector<16xi32>
    %add3A_2544 = arith.addi %iota3A, %add3A_2543 : vector<16xi32>
    %gather3A_2545 = arith.constant 1 : i32
    %gather3A_2546 = arith.constant 0 : i32
    %gather3A_2547 = arith.constant 0 : i32
    %gather3A_2548 = tpu.memref_slice %arg6[%gather3A_2545, %gather3A_2546, %gather3A_2547] : memref<12x64x128xf32, #tpu.memory_space<vmem>> -> memref<1x64x128xf32, #tpu.memory_space<vmem>>
    %gather3A_2549 = tpu.memref_squeeze %gather3A_2548 : memref<1x64x128xf32, #tpu.memory_space<vmem>> -> memref<64x128xf32, #tpu.memory_space<vmem>>
    %gather3A_2550 = tpu.vector_load_idx %gather3A_2549[%add3A_2544, %broadcast_in_dim3A_2515] : memref<64x128xf32, #tpu.memory_space<vmem>>[vector<16xi32>, vector<16xi32>], vector<16xf32>,
    %swap3A_2551 = arith.constant 25 : i32
    %swap3A_2552 = arith.index_cast %swap3A_2551 : i32 to index
    %swap3A_2553 = arith.constant 32 : index
    %swap3A_2554 = tpu.vector_load %arg7[%swap3A_2552, %swap3A_2553] {strides = array<i32>} : memref<32x64xf32, #tpu.memory_space<vmem>>, vector<16xf32>,
    tpu.vector_store %arg7[%swap3A_2552, %swap3A_2553], %gather3A_2550 {strides = array<i32>} : memref<32x64xf32, #tpu.memory_space<vmem>>, vector<16xf32>,
    %add3A_2555 = arith.constant 48 : i32
    %add3A_2556 = vector.broadcast %add3A_2555 : i32 to vector<16xi32>
    %add3A_2557 = arith.addi %iota3A, %add3A_2556 : vector<16xi32>
    %gather3A_2558 = arith.constant 1 : i32
    %gather3A_2559 = arith.constant 0 : i32
    %gather3A_2560 = arith.constant 0 : i32
    %gather3A_2561 = tpu.memref_slice %arg6[%gather3A_2558, %gather3A_2559, %gather3A_2560] : memref<12x64x128xf32, #tpu.memory_space<vmem>> -> memref<1x64x128xf32, #tpu.memory_space<vmem>>
    %gather3A_2562 = tpu.memref_squeeze %gather3A_2561 : memref<1x64x128xf32, #tpu.memory_space<vmem>> -> memref<64x128xf32, #tpu.memory_space<vmem>>
    %gather3A_2563 = tpu.vector_load_idx %gather3A_2562[%add3A_2557, %broadcast_in_dim3A_2515] : memref<64x128xf32, #tpu.memory_space<vmem>>[vector<16xi32>, vector<16xi32>], vector<16xf32>,
    %swap3A_2564 = arith.constant 25 : i32
    %swap3A_2565 = arith.index_cast %swap3A_2564 : i32 to index
    %swap3A_2566 = arith.constant 48 : index
    %swap3A_2567 = tpu.vector_load %arg7[%swap3A_2565, %swap3A_2566] {strides = array<i32>} : memref<32x64xf32, #tpu.memory_space<vmem>>, vector<16xf32>,
    tpu.vector_store %arg7[%swap3A_2565, %swap3A_2566], %gather3A_2563 {strides = array<i32>} : memref<32x64xf32, #tpu.memory_space<vmem>>, vector<16xf32>,
    %dma_wait3A_2568 = arith.constant 2 : i32
    %dma_wait3A_2569 = arith.constant 0 : i32
    %dma_wait3A_2570 = arith.constant 0 : i32
    %dma_wait3A_2571 = tpu.memref_slice %arg6[%dma_wait3A_2568, %dma_wait3A_2569, %dma_wait3A_2570] : memref<12x64x128xf32, #tpu.memory_space<vmem>> -> memref<1x64x128xf32, #tpu.memory_space<vmem>>
    %dma_wait3A_2572 = tpu.memref_squeeze %dma_wait3A_2571 : memref<1x64x128xf32, #tpu.memory_space<vmem>> -> memref<64x128xf32, #tpu.memory_space<vmem>>
    %dma_wait3A_2573 = arith.constant 0 : i32
    %dma_wait3A_2574 = tpu.memref_slice %arg3[%dma_wait3A_2573, %multiple_of3A_1652] : memref<64x100000xf32, #tpu.memory_space<hbm>> -> memref<64x128xf32, #tpu.memory_space<hbm>>
    %dma_wait3A_2575 = arith.constant 0 : i32
    %dma_wait3A_2576 = arith.constant 0 : i32
    %dma_wait3A_2577 = tpu.memref_slice %arg6[%dma_wait3A_2568, %dma_wait3A_2575, %dma_wait3A_2576] : memref<12x64x128xf32, #tpu.memory_space<vmem>> -> memref<1x64x128xf32, #tpu.memory_space<vmem>>
    %dma_wait3A_2578 = tpu.memref_squeeze %dma_wait3A_2577 : memref<1x64x128xf32, #tpu.memory_space<vmem>> -> memref<64x128xf32, #tpu.memory_space<vmem>>
    %dma_wait3A_2579 = arith.constant 0 : i32
    %dma_wait3A_2580 = tpu.memref_slice %arg3[%dma_wait3A_2579, %multiple_of3A_1652] : memref<64x100000xf32, #tpu.memory_space<hbm>> -> memref<64x128xf32, #tpu.memory_space<hbm>>
    tpu.wait_dma2 semaphore(%arg10 : memref<!tpu.dma_semaphore, #tpu.memory_space<semaphore_mem>>) src(%dma_wait3A_2580 : memref<64x128xf32, #tpu.memory_space<hbm>>) dst(%dma_wait3A_2578 : memref<64x128xf32, #tpu.memory_space<vmem>>)
    %get3A_2581 = arith.constant 16 : index
    %get3A_2582 = tpu.vector_load %arg5[%get3A_2581] {strides = array<i32>} : memref<32xi32, #tpu.memory_space<vmem>>, vector<16xi32>,
    %slice3A_2583 = vector.extract_strided_slice %get3A_2582 {offsets = [10], sizes = [1], strides = [1]} : vector<16xi32> to vector<1xi32>
    %squeeze3A_2584 = vector.extract %slice3A_2583[0] : i32 from vector<1xi32>
    %and3A_2585 = arith.constant 127 : i32
    %and3A_2586 = arith.andi %squeeze3A_2584, %and3A_2585 : i32
    %broadcast_in_dim3A_2587 = vector.broadcast %and3A_2586 : i32 to vector<16xi32>
    %add3A_2588 = arith.constant 0 : i32
    %add3A_2589 = vector.broadcast %add3A_2588 : i32 to vector<16xi32>
    %add3A_2590 = arith.addi %iota3A, %add3A_2589 : vector<16xi32>
    %gather3A_2591 = arith.constant 2 : i32
    %gather3A_2592 = arith.constant 0 : i32
    %gather3A_2593 = arith.constant 0 : i32
    %gather3A_2594 = tpu.memref_slice %arg6[%gather3A_2591, %gather3A_2592, %gather3A_2593] : memref<12x64x128xf32, #tpu.memory_space<vmem>> -> memref<1x64x128xf32, #tpu.memory_space<vmem>>
    %gather3A_2595 = tpu.memref_squeeze %gather3A_2594 : memref<1x64x128xf32, #tpu.memory_space<vmem>> -> memref<64x128xf32, #tpu.memory_space<vmem>>
    %gather3A_2596 = tpu.vector_load_idx %gather3A_2595[%add3A_2590, %broadcast_in_dim3A_2587] : memref<64x128xf32, #tpu.memory_space<vmem>>[vector<16xi32>, vector<16xi32>], vector<16xf32>,
    %swap3A_2597 = arith.constant 26 : i32
    %swap3A_2598 = arith.index_cast %swap3A_2597 : i32 to index
    %swap3A_2599 = arith.constant 0 : index
    %swap3A_2600 = tpu.vector_load %arg7[%swap3A_2598, %swap3A_2599] {strides = array<i32>} : memref<32x64xf32, #tpu.memory_space<vmem>>, vector<16xf32>,
    tpu.vector_store %arg7[%swap3A_2598, %swap3A_2599], %gather3A_2596 {strides = array<i32>} : memref<32x64xf32, #tpu.memory_space<vmem>>, vector<16xf32>,
    %add3A_2601 = arith.constant 16 : i32
    %add3A_2602 = vector.broadcast %add3A_2601 : i32 to vector<16xi32>
    %add3A_2603 = arith.addi %iota3A, %add3A_2602 : vector<16xi32>
    %gather3A_2604 = arith.constant 2 : i32
    %gather3A_2605 = arith.constant 0 : i32
    %gather3A_2606 = arith.constant 0 : i32
    %gather3A_2607 = tpu.memref_slice %arg6[%gather3A_2604, %gather3A_2605, %gather3A_2606] : memref<12x64x128xf32, #tpu.memory_space<vmem>> -> memref<1x64x128xf32, #tpu.memory_space<vmem>>
    %gather3A_2608 = tpu.memref_squeeze %gather3A_2607 : memref<1x64x128xf32, #tpu.memory_space<vmem>> -> memref<64x128xf32, #tpu.memory_space<vmem>>
    %gather3A_2609 = tpu.vector_load_idx %gather3A_2608[%add3A_2603, %broadcast_in_dim3A_2587] : memref<64x128xf32, #tpu.memory_space<vmem>>[vector<16xi32>, vector<16xi32>], vector<16xf32>,
    %swap3A_2610 = arith.constant 26 : i32
    %swap3A_2611 = arith.index_cast %swap3A_2610 : i32 to index
    %swap3A_2612 = arith.constant 16 : index
    %swap3A_2613 = tpu.vector_load %arg7[%swap3A_2611, %swap3A_2612] {strides = array<i32>} : memref<32x64xf32, #tpu.memory_space<vmem>>, vector<16xf32>,
    tpu.vector_store %arg7[%swap3A_2611, %swap3A_2612], %gather3A_2609 {strides = array<i32>} : memref<32x64xf32, #tpu.memory_space<vmem>>, vector<16xf32>,
    %add3A_2614 = arith.constant 32 : i32
    %add3A_2615 = vector.broadcast %add3A_2614 : i32 to vector<16xi32>
    %add3A_2616 = arith.addi %iota3A, %add3A_2615 : vector<16xi32>
    %gather3A_2617 = arith.constant 2 : i32
    %gather3A_2618 = arith.constant 0 : i32
    %gather3A_2619 = arith.constant 0 : i32
    %gather3A_2620 = tpu.memref_slice %arg6[%gather3A_2617, %gather3A_2618, %gather3A_2619] : memref<12x64x128xf32, #tpu.memory_space<vmem>> -> memref<1x64x128xf32, #tpu.memory_space<vmem>>
    %gather3A_2621 = tpu.memref_squeeze %gather3A_2620 : memref<1x64x128xf32, #tpu.memory_space<vmem>> -> memref<64x128xf32, #tpu.memory_space<vmem>>
    %gather3A_2622 = tpu.vector_load_idx %gather3A_2621[%add3A_2616, %broadcast_in_dim3A_2587] : memref<64x128xf32, #tpu.memory_space<vmem>>[vector<16xi32>, vector<16xi32>], vector<16xf32>,
    %swap3A_2623 = arith.constant 26 : i32
    %swap3A_2624 = arith.index_cast %swap3A_2623 : i32 to index
    %swap3A_2625 = arith.constant 32 : index
    %swap3A_2626 = tpu.vector_load %arg7[%swap3A_2624, %swap3A_2625] {strides = array<i32>} : memref<32x64xf32, #tpu.memory_space<vmem>>, vector<16xf32>,
    tpu.vector_store %arg7[%swap3A_2624, %swap3A_2625], %gather3A_2622 {strides = array<i32>} : memref<32x64xf32, #tpu.memory_space<vmem>>, vector<16xf32>,
    %add3A_2627 = arith.constant 48 : i32
    %add3A_2628 = vector.broadcast %add3A_2627 : i32 to vector<16xi32>
    %add3A_2629 = arith.addi %iota3A, %add3A_2628 : vector<16xi32>
    %gather3A_2630 = arith.constant 2 : i32
    %gather3A_2631 = arith.constant 0 : i32
    %gather3A_2632 = arith.constant 0 : i32
    %gather3A_2633 = tpu.memref_slice %arg6[%gather3A_2630, %gather3A_2631, %gather3A_2632] : memref<12x64x128xf32, #tpu.memory_space<vmem>> -> memref<1x64x128xf32, #tpu.memory_space<vmem>>
    %gather3A_2634 = tpu.memref_squeeze %gather3A_2633 : memref<1x64x128xf32, #tpu.memory_space<vmem>> -> memref<64x128xf32, #tpu.memory_space<vmem>>
    %gather3A_2635 = tpu.vector_load_idx %gather3A_2634[%add3A_2629, %broadcast_in_dim3A_2587] : memref<64x128xf32, #tpu.memory_space<vmem>>[vector<16xi32>, vector<16xi32>], vector<16xf32>,
    %swap3A_2636 = arith.constant 26 : i32
    %swap3A_2637 = arith.index_cast %swap3A_2636 : i32 to index
    %swap3A_2638 = arith.constant 48 : index
    %swap3A_2639 = tpu.vector_load %arg7[%swap3A_2637, %swap3A_2638] {strides = array<i32>} : memref<32x64xf32, #tpu.memory_space<vmem>>, vector<16xf32>,
    tpu.vector_store %arg7[%swap3A_2637, %swap3A_2638], %gather3A_2635 {strides = array<i32>} : memref<32x64xf32, #tpu.memory_space<vmem>>, vector<16xf32>,
    %dma_wait3A_2640 = arith.constant 3 : i32
    %dma_wait3A_2641 = arith.constant 0 : i32
    %dma_wait3A_2642 = arith.constant 0 : i32
    %dma_wait3A_2643 = tpu.memref_slice %arg6[%dma_wait3A_2640, %dma_wait3A_2641, %dma_wait3A_2642] : memref<12x64x128xf32, #tpu.memory_space<vmem>> -> memref<1x64x128xf32, #tpu.memory_space<vmem>>
    %dma_wait3A_2644 = tpu.memref_squeeze %dma_wait3A_2643 : memref<1x64x128xf32, #tpu.memory_space<vmem>> -> memref<64x128xf32, #tpu.memory_space<vmem>>
    %dma_wait3A_2645 = arith.constant 0 : i32
    %dma_wait3A_2646 = tpu.memref_slice %arg3[%dma_wait3A_2645, %multiple_of3A_1746] : memref<64x100000xf32, #tpu.memory_space<hbm>> -> memref<64x128xf32, #tpu.memory_space<hbm>>
    %dma_wait3A_2647 = arith.constant 0 : i32
    %dma_wait3A_2648 = arith.constant 0 : i32
    %dma_wait3A_2649 = tpu.memref_slice %arg6[%dma_wait3A_2640, %dma_wait3A_2647, %dma_wait3A_2648] : memref<12x64x128xf32, #tpu.memory_space<vmem>> -> memref<1x64x128xf32, #tpu.memory_space<vmem>>
    %dma_wait3A_2650 = tpu.memref_squeeze %dma_wait3A_2649 : memref<1x64x128xf32, #tpu.memory_space<vmem>> -> memref<64x128xf32, #tpu.memory_space<vmem>>
    %dma_wait3A_2651 = arith.constant 0 : i32
    %dma_wait3A_2652 = tpu.memref_slice %arg3[%dma_wait3A_2651, %multiple_of3A_1746] : memref<64x100000xf32, #tpu.memory_space<hbm>> -> memref<64x128xf32, #tpu.memory_space<hbm>>
    tpu.wait_dma2 semaphore(%arg11 : memref<!tpu.dma_semaphore, #tpu.memory_space<semaphore_mem>>) src(%dma_wait3A_2652 : memref<64x128xf32, #tpu.memory_space<hbm>>) dst(%dma_wait3A_2650 : memref<64x128xf32, #tpu.memory_space<vmem>>)
    %get3A_2653 = arith.constant 16 : index
    %get3A_2654 = tpu.vector_load %arg5[%get3A_2653] {strides = array<i32>} : memref<32xi32, #tpu.memory_space<vmem>>, vector<16xi32>,
    %slice3A_2655 = vector.extract_strided_slice %get3A_2654 {offsets = [11], sizes = [1], strides = [1]} : vector<16xi32> to vector<1xi32>
    %squeeze3A_2656 = vector.extract %slice3A_2655[0] : i32 from vector<1xi32>
    %and3A_2657 = arith.constant 127 : i32
    %and3A_2658 = arith.andi %squeeze3A_2656, %and3A_2657 : i32
    %broadcast_in_dim3A_2659 = vector.broadcast %and3A_2658 : i32 to vector<16xi32>
    %add3A_2660 = arith.constant 0 : i32
    %add3A_2661 = vector.broadcast %add3A_2660 : i32 to vector<16xi32>
    %add3A_2662 = arith.addi %iota3A, %add3A_2661 : vector<16xi32>
    %gather3A_2663 = arith.constant 3 : i32
    %gather3A_2664 = arith.constant 0 : i32
    %gather3A_2665 = arith.constant 0 : i32
    %gather3A_2666 = tpu.memref_slice %arg6[%gather3A_2663, %gather3A_2664, %gather3A_2665] : memref<12x64x128xf32, #tpu.memory_space<vmem>> -> memref<1x64x128xf32, #tpu.memory_space<vmem>>
    %gather3A_2667 = tpu.memref_squeeze %gather3A_2666 : memref<1x64x128xf32, #tpu.memory_space<vmem>> -> memref<64x128xf32, #tpu.memory_space<vmem>>
    %gather3A_2668 = tpu.vector_load_idx %gather3A_2667[%add3A_2662, %broadcast_in_dim3A_2659] : memref<64x128xf32, #tpu.memory_space<vmem>>[vector<16xi32>, vector<16xi32>], vector<16xf32>,
    %swap3A_2669 = arith.constant 27 : i32
    %swap3A_2670 = arith.index_cast %swap3A_2669 : i32 to index
    %swap3A_2671 = arith.constant 0 : index
    %swap3A_2672 = tpu.vector_load %arg7[%swap3A_2670, %swap3A_2671] {strides = array<i32>} : memref<32x64xf32, #tpu.memory_space<vmem>>, vector<16xf32>,
    tpu.vector_store %arg7[%swap3A_2670, %swap3A_2671], %gather3A_2668 {strides = array<i32>} : memref<32x64xf32, #tpu.memory_space<vmem>>, vector<16xf32>,
    %add3A_2673 = arith.constant 16 : i32
    %add3A_2674 = vector.broadcast %add3A_2673 : i32 to vector<16xi32>
    %add3A_2675 = arith.addi %iota3A, %add3A_2674 : vector<16xi32>
    %gather3A_2676 = arith.constant 3 : i32
    %gather3A_2677 = arith.constant 0 : i32
    %gather3A_2678 = arith.constant 0 : i32
    %gather3A_2679 = tpu.memref_slice %arg6[%gather3A_2676, %gather3A_2677, %gather3A_2678] : memref<12x64x128xf32, #tpu.memory_space<vmem>> -> memref<1x64x128xf32, #tpu.memory_space<vmem>>
    %gather3A_2680 = tpu.memref_squeeze %gather3A_2679 : memref<1x64x128xf32, #tpu.memory_space<vmem>> -> memref<64x128xf32, #tpu.memory_space<vmem>>
    %gather3A_2681 = tpu.vector_load_idx %gather3A_2680[%add3A_2675, %broadcast_in_dim3A_2659] : memref<64x128xf32, #tpu.memory_space<vmem>>[vector<16xi32>, vector<16xi32>], vector<16xf32>,
    %swap3A_2682 = arith.constant 27 : i32
    %swap3A_2683 = arith.index_cast %swap3A_2682 : i32 to index
    %swap3A_2684 = arith.constant 16 : index
    %swap3A_2685 = tpu.vector_load %arg7[%swap3A_2683, %swap3A_2684] {strides = array<i32>} : memref<32x64xf32, #tpu.memory_space<vmem>>, vector<16xf32>,
    tpu.vector_store %arg7[%swap3A_2683, %swap3A_2684], %gather3A_2681 {strides = array<i32>} : memref<32x64xf32, #tpu.memory_space<vmem>>, vector<16xf32>,
    %add3A_2686 = arith.constant 32 : i32
    %add3A_2687 = vector.broadcast %add3A_2686 : i32 to vector<16xi32>
    %add3A_2688 = arith.addi %iota3A, %add3A_2687 : vector<16xi32>
    %gather3A_2689 = arith.constant 3 : i32
    %gather3A_2690 = arith.constant 0 : i32
    %gather3A_2691 = arith.constant 0 : i32
    %gather3A_2692 = tpu.memref_slice %arg6[%gather3A_2689, %gather3A_2690, %gather3A_2691] : memref<12x64x128xf32, #tpu.memory_space<vmem>> -> memref<1x64x128xf32, #tpu.memory_space<vmem>>
    %gather3A_2693 = tpu.memref_squeeze %gather3A_2692 : memref<1x64x128xf32, #tpu.memory_space<vmem>> -> memref<64x128xf32, #tpu.memory_space<vmem>>
    %gather3A_2694 = tpu.vector_load_idx %gather3A_2693[%add3A_2688, %broadcast_in_dim3A_2659] : memref<64x128xf32, #tpu.memory_space<vmem>>[vector<16xi32>, vector<16xi32>], vector<16xf32>,
    %swap3A_2695 = arith.constant 27 : i32
    %swap3A_2696 = arith.index_cast %swap3A_2695 : i32 to index
    %swap3A_2697 = arith.constant 32 : index
    %swap3A_2698 = tpu.vector_load %arg7[%swap3A_2696, %swap3A_2697] {strides = array<i32>} : memref<32x64xf32, #tpu.memory_space<vmem>>, vector<16xf32>,
    tpu.vector_store %arg7[%swap3A_2696, %swap3A_2697], %gather3A_2694 {strides = array<i32>} : memref<32x64xf32, #tpu.memory_space<vmem>>, vector<16xf32>,
    %add3A_2699 = arith.constant 48 : i32
    %add3A_2700 = vector.broadcast %add3A_2699 : i32 to vector<16xi32>
    %add3A_2701 = arith.addi %iota3A, %add3A_2700 : vector<16xi32>
    %gather3A_2702 = arith.constant 3 : i32
    %gather3A_2703 = arith.constant 0 : i32
    %gather3A_2704 = arith.constant 0 : i32
    %gather3A_2705 = tpu.memref_slice %arg6[%gather3A_2702, %gather3A_2703, %gather3A_2704] : memref<12x64x128xf32, #tpu.memory_space<vmem>> -> memref<1x64x128xf32, #tpu.memory_space<vmem>>
    %gather3A_2706 = tpu.memref_squeeze %gather3A_2705 : memref<1x64x128xf32, #tpu.memory_space<vmem>> -> memref<64x128xf32, #tpu.memory_space<vmem>>
    %gather3A_2707 = tpu.vector_load_idx %gather3A_2706[%add3A_2701, %broadcast_in_dim3A_2659] : memref<64x128xf32, #tpu.memory_space<vmem>>[vector<16xi32>, vector<16xi32>], vector<16xf32>,
    %swap3A_2708 = arith.constant 27 : i32
    %swap3A_2709 = arith.index_cast %swap3A_2708 : i32 to index
    %swap3A_2710 = arith.constant 48 : index
    %swap3A_2711 = tpu.vector_load %arg7[%swap3A_2709, %swap3A_2710] {strides = array<i32>} : memref<32x64xf32, #tpu.memory_space<vmem>>, vector<16xf32>,
    tpu.vector_store %arg7[%swap3A_2709, %swap3A_2710], %gather3A_2707 {strides = array<i32>} : memref<32x64xf32, #tpu.memory_space<vmem>>, vector<16xf32>,
    %dma_wait3A_2712 = arith.constant 4 : i32
    %dma_wait3A_2713 = arith.constant 0 : i32
    %dma_wait3A_2714 = arith.constant 0 : i32
    %dma_wait3A_2715 = tpu.memref_slice %arg6[%dma_wait3A_2712, %dma_wait3A_2713, %dma_wait3A_2714] : memref<12x64x128xf32, #tpu.memory_space<vmem>> -> memref<1x64x128xf32, #tpu.memory_space<vmem>>
    %dma_wait3A_2716 = tpu.memref_squeeze %dma_wait3A_2715 : memref<1x64x128xf32, #tpu.memory_space<vmem>> -> memref<64x128xf32, #tpu.memory_space<vmem>>
    %dma_wait3A_2717 = arith.constant 0 : i32
    %dma_wait3A_2718 = tpu.memref_slice %arg3[%dma_wait3A_2717, %multiple_of3A_1840] : memref<64x100000xf32, #tpu.memory_space<hbm>> -> memref<64x128xf32, #tpu.memory_space<hbm>>
    %dma_wait3A_2719 = arith.constant 0 : i32
    %dma_wait3A_2720 = arith.constant 0 : i32
    %dma_wait3A_2721 = tpu.memref_slice %arg6[%dma_wait3A_2712, %dma_wait3A_2719, %dma_wait3A_2720] : memref<12x64x128xf32, #tpu.memory_space<vmem>> -> memref<1x64x128xf32, #tpu.memory_space<vmem>>
    %dma_wait3A_2722 = tpu.memref_squeeze %dma_wait3A_2721 : memref<1x64x128xf32, #tpu.memory_space<vmem>> -> memref<64x128xf32, #tpu.memory_space<vmem>>
    %dma_wait3A_2723 = arith.constant 0 : i32
    %dma_wait3A_2724 = tpu.memref_slice %arg3[%dma_wait3A_2723, %multiple_of3A_1840] : memref<64x100000xf32, #tpu.memory_space<hbm>> -> memref<64x128xf32, #tpu.memory_space<hbm>>
    tpu.wait_dma2 semaphore(%arg12 : memref<!tpu.dma_semaphore, #tpu.memory_space<semaphore_mem>>) src(%dma_wait3A_2724 : memref<64x128xf32, #tpu.memory_space<hbm>>) dst(%dma_wait3A_2722 : memref<64x128xf32, #tpu.memory_space<vmem>>)
    %get3A_2725 = arith.constant 16 : index
    %get3A_2726 = tpu.vector_load %arg5[%get3A_2725] {strides = array<i32>} : memref<32xi32, #tpu.memory_space<vmem>>, vector<16xi32>,
    %slice3A_2727 = vector.extract_strided_slice %get3A_2726 {offsets = [12], sizes = [1], strides = [1]} : vector<16xi32> to vector<1xi32>
    %squeeze3A_2728 = vector.extract %slice3A_2727[0] : i32 from vector<1xi32>
    %and3A_2729 = arith.constant 127 : i32
    %and3A_2730 = arith.andi %squeeze3A_2728, %and3A_2729 : i32
    %broadcast_in_dim3A_2731 = vector.broadcast %and3A_2730 : i32 to vector<16xi32>
    %add3A_2732 = arith.constant 0 : i32
    %add3A_2733 = vector.broadcast %add3A_2732 : i32 to vector<16xi32>
    %add3A_2734 = arith.addi %iota3A, %add3A_2733 : vector<16xi32>
    %gather3A_2735 = arith.constant 4 : i32
    %gather3A_2736 = arith.constant 0 : i32
    %gather3A_2737 = arith.constant 0 : i32
    %gather3A_2738 = tpu.memref_slice %arg6[%gather3A_2735, %gather3A_2736, %gather3A_2737] : memref<12x64x128xf32, #tpu.memory_space<vmem>> -> memref<1x64x128xf32, #tpu.memory_space<vmem>>
    %gather3A_2739 = tpu.memref_squeeze %gather3A_2738 : memref<1x64x128xf32, #tpu.memory_space<vmem>> -> memref<64x128xf32, #tpu.memory_space<vmem>>
    %gather3A_2740 = tpu.vector_load_idx %gather3A_2739[%add3A_2734, %broadcast_in_dim3A_2731] : memref<64x128xf32, #tpu.memory_space<vmem>>[vector<16xi32>, vector<16xi32>], vector<16xf32>,
    %swap3A_2741 = arith.constant 28 : i32
    %swap3A_2742 = arith.index_cast %swap3A_2741 : i32 to index
    %swap3A_2743 = arith.constant 0 : index
    %swap3A_2744 = tpu.vector_load %arg7[%swap3A_2742, %swap3A_2743] {strides = array<i32>} : memref<32x64xf32, #tpu.memory_space<vmem>>, vector<16xf32>,
    tpu.vector_store %arg7[%swap3A_2742, %swap3A_2743], %gather3A_2740 {strides = array<i32>} : memref<32x64xf32, #tpu.memory_space<vmem>>, vector<16xf32>,
    %add3A_2745 = arith.constant 16 : i32
    %add3A_2746 = vector.broadcast %add3A_2745 : i32 to vector<16xi32>
    %add3A_2747 = arith.addi %iota3A, %add3A_2746 : vector<16xi32>
    %gather3A_2748 = arith.constant 4 : i32
    %gather3A_2749 = arith.constant 0 : i32
    %gather3A_2750 = arith.constant 0 : i32
    %gather3A_2751 = tpu.memref_slice %arg6[%gather3A_2748, %gather3A_2749, %gather3A_2750] : memref<12x64x128xf32, #tpu.memory_space<vmem>> -> memref<1x64x128xf32, #tpu.memory_space<vmem>>
    %gather3A_2752 = tpu.memref_squeeze %gather3A_2751 : memref<1x64x128xf32, #tpu.memory_space<vmem>> -> memref<64x128xf32, #tpu.memory_space<vmem>>
    %gather3A_2753 = tpu.vector_load_idx %gather3A_2752[%add3A_2747, %broadcast_in_dim3A_2731] : memref<64x128xf32, #tpu.memory_space<vmem>>[vector<16xi32>, vector<16xi32>], vector<16xf32>,
    %swap3A_2754 = arith.constant 28 : i32
    %swap3A_2755 = arith.index_cast %swap3A_2754 : i32 to index
    %swap3A_2756 = arith.constant 16 : index
    %swap3A_2757 = tpu.vector_load %arg7[%swap3A_2755, %swap3A_2756] {strides = array<i32>} : memref<32x64xf32, #tpu.memory_space<vmem>>, vector<16xf32>,
    tpu.vector_store %arg7[%swap3A_2755, %swap3A_2756], %gather3A_2753 {strides = array<i32>} : memref<32x64xf32, #tpu.memory_space<vmem>>, vector<16xf32>,
    %add3A_2758 = arith.constant 32 : i32
    %add3A_2759 = vector.broadcast %add3A_2758 : i32 to vector<16xi32>
    %add3A_2760 = arith.addi %iota3A, %add3A_2759 : vector<16xi32>
    %gather3A_2761 = arith.constant 4 : i32
    %gather3A_2762 = arith.constant 0 : i32
    %gather3A_2763 = arith.constant 0 : i32
    %gather3A_2764 = tpu.memref_slice %arg6[%gather3A_2761, %gather3A_2762, %gather3A_2763] : memref<12x64x128xf32, #tpu.memory_space<vmem>> -> memref<1x64x128xf32, #tpu.memory_space<vmem>>
    %gather3A_2765 = tpu.memref_squeeze %gather3A_2764 : memref<1x64x128xf32, #tpu.memory_space<vmem>> -> memref<64x128xf32, #tpu.memory_space<vmem>>
    %gather3A_2766 = tpu.vector_load_idx %gather3A_2765[%add3A_2760, %broadcast_in_dim3A_2731] : memref<64x128xf32, #tpu.memory_space<vmem>>[vector<16xi32>, vector<16xi32>], vector<16xf32>,
    %swap3A_2767 = arith.constant 28 : i32
    %swap3A_2768 = arith.index_cast %swap3A_2767 : i32 to index
    %swap3A_2769 = arith.constant 32 : index
    %swap3A_2770 = tpu.vector_load %arg7[%swap3A_2768, %swap3A_2769] {strides = array<i32>} : memref<32x64xf32, #tpu.memory_space<vmem>>, vector<16xf32>,
    tpu.vector_store %arg7[%swap3A_2768, %swap3A_2769], %gather3A_2766 {strides = array<i32>} : memref<32x64xf32, #tpu.memory_space<vmem>>, vector<16xf32>,
    %add3A_2771 = arith.constant 48 : i32
    %add3A_2772 = vector.broadcast %add3A_2771 : i32 to vector<16xi32>
    %add3A_2773 = arith.addi %iota3A, %add3A_2772 : vector<16xi32>
    %gather3A_2774 = arith.constant 4 : i32
    %gather3A_2775 = arith.constant 0 : i32
    %gather3A_2776 = arith.constant 0 : i32
    %gather3A_2777 = tpu.memref_slice %arg6[%gather3A_2774, %gather3A_2775, %gather3A_2776] : memref<12x64x128xf32, #tpu.memory_space<vmem>> -> memref<1x64x128xf32, #tpu.memory_space<vmem>>
    %gather3A_2778 = tpu.memref_squeeze %gather3A_2777 : memref<1x64x128xf32, #tpu.memory_space<vmem>> -> memref<64x128xf32, #tpu.memory_space<vmem>>
    %gather3A_2779 = tpu.vector_load_idx %gather3A_2778[%add3A_2773, %broadcast_in_dim3A_2731] : memref<64x128xf32, #tpu.memory_space<vmem>>[vector<16xi32>, vector<16xi32>], vector<16xf32>,
    %swap3A_2780 = arith.constant 28 : i32
    %swap3A_2781 = arith.index_cast %swap3A_2780 : i32 to index
    %swap3A_2782 = arith.constant 48 : index
    %swap3A_2783 = tpu.vector_load %arg7[%swap3A_2781, %swap3A_2782] {strides = array<i32>} : memref<32x64xf32, #tpu.memory_space<vmem>>, vector<16xf32>,
    tpu.vector_store %arg7[%swap3A_2781, %swap3A_2782], %gather3A_2779 {strides = array<i32>} : memref<32x64xf32, #tpu.memory_space<vmem>>, vector<16xf32>,
    %dma_wait3A_2784 = arith.constant 5 : i32
    %dma_wait3A_2785 = arith.constant 0 : i32
    %dma_wait3A_2786 = arith.constant 0 : i32
    %dma_wait3A_2787 = tpu.memref_slice %arg6[%dma_wait3A_2784, %dma_wait3A_2785, %dma_wait3A_2786] : memref<12x64x128xf32, #tpu.memory_space<vmem>> -> memref<1x64x128xf32, #tpu.memory_space<vmem>>
    %dma_wait3A_2788 = tpu.memref_squeeze %dma_wait3A_2787 : memref<1x64x128xf32, #tpu.memory_space<vmem>> -> memref<64x128xf32, #tpu.memory_space<vmem>>
    %dma_wait3A_2789 = arith.constant 0 : i32
    %dma_wait3A_2790 = tpu.memref_slice %arg3[%dma_wait3A_2789, %multiple_of3A_1934] : memref<64x100000xf32, #tpu.memory_space<hbm>> -> memref<64x128xf32, #tpu.memory_space<hbm>>
    %dma_wait3A_2791 = arith.constant 0 : i32
    %dma_wait3A_2792 = arith.constant 0 : i32
    %dma_wait3A_2793 = tpu.memref_slice %arg6[%dma_wait3A_2784, %dma_wait3A_2791, %dma_wait3A_2792] : memref<12x64x128xf32, #tpu.memory_space<vmem>> -> memref<1x64x128xf32, #tpu.memory_space<vmem>>
    %dma_wait3A_2794 = tpu.memref_squeeze %dma_wait3A_2793 : memref<1x64x128xf32, #tpu.memory_space<vmem>> -> memref<64x128xf32, #tpu.memory_space<vmem>>
    %dma_wait3A_2795 = arith.constant 0 : i32
    %dma_wait3A_2796 = tpu.memref_slice %arg3[%dma_wait3A_2795, %multiple_of3A_1934] : memref<64x100000xf32, #tpu.memory_space<hbm>> -> memref<64x128xf32, #tpu.memory_space<hbm>>
    tpu.wait_dma2 semaphore(%arg13 : memref<!tpu.dma_semaphore, #tpu.memory_space<semaphore_mem>>) src(%dma_wait3A_2796 : memref<64x128xf32, #tpu.memory_space<hbm>>) dst(%dma_wait3A_2794 : memref<64x128xf32, #tpu.memory_space<vmem>>)
    %get3A_2797 = arith.constant 16 : index
    %get3A_2798 = tpu.vector_load %arg5[%get3A_2797] {strides = array<i32>} : memref<32xi32, #tpu.memory_space<vmem>>, vector<16xi32>,
    %slice3A_2799 = vector.extract_strided_slice %get3A_2798 {offsets = [13], sizes = [1], strides = [1]} : vector<16xi32> to vector<1xi32>
    %squeeze3A_2800 = vector.extract %slice3A_2799[0] : i32 from vector<1xi32>
    %and3A_2801 = arith.constant 127 : i32
    %and3A_2802 = arith.andi %squeeze3A_2800, %and3A_2801 : i32
    %broadcast_in_dim3A_2803 = vector.broadcast %and3A_2802 : i32 to vector<16xi32>
    %add3A_2804 = arith.constant 0 : i32
    %add3A_2805 = vector.broadcast %add3A_2804 : i32 to vector<16xi32>
    %add3A_2806 = arith.addi %iota3A, %add3A_2805 : vector<16xi32>
    %gather3A_2807 = arith.constant 5 : i32
    %gather3A_2808 = arith.constant 0 : i32
    %gather3A_2809 = arith.constant 0 : i32
    %gather3A_2810 = tpu.memref_slice %arg6[%gather3A_2807, %gather3A_2808, %gather3A_2809] : memref<12x64x128xf32, #tpu.memory_space<vmem>> -> memref<1x64x128xf32, #tpu.memory_space<vmem>>
    %gather3A_2811 = tpu.memref_squeeze %gather3A_2810 : memref<1x64x128xf32, #tpu.memory_space<vmem>> -> memref<64x128xf32, #tpu.memory_space<vmem>>
    %gather3A_2812 = tpu.vector_load_idx %gather3A_2811[%add3A_2806, %broadcast_in_dim3A_2803] : memref<64x128xf32, #tpu.memory_space<vmem>>[vector<16xi32>, vector<16xi32>], vector<16xf32>,
    %swap3A_2813 = arith.constant 29 : i32
    %swap3A_2814 = arith.index_cast %swap3A_2813 : i32 to index
    %swap3A_2815 = arith.constant 0 : index
    %swap3A_2816 = tpu.vector_load %arg7[%swap3A_2814, %swap3A_2815] {strides = array<i32>} : memref<32x64xf32, #tpu.memory_space<vmem>>, vector<16xf32>,
    tpu.vector_store %arg7[%swap3A_2814, %swap3A_2815], %gather3A_2812 {strides = array<i32>} : memref<32x64xf32, #tpu.memory_space<vmem>>, vector<16xf32>,
    %add3A_2817 = arith.constant 16 : i32
    %add3A_2818 = vector.broadcast %add3A_2817 : i32 to vector<16xi32>
    %add3A_2819 = arith.addi %iota3A, %add3A_2818 : vector<16xi32>
    %gather3A_2820 = arith.constant 5 : i32
    %gather3A_2821 = arith.constant 0 : i32
    %gather3A_2822 = arith.constant 0 : i32
    %gather3A_2823 = tpu.memref_slice %arg6[%gather3A_2820, %gather3A_2821, %gather3A_2822] : memref<12x64x128xf32, #tpu.memory_space<vmem>> -> memref<1x64x128xf32, #tpu.memory_space<vmem>>
    %gather3A_2824 = tpu.memref_squeeze %gather3A_2823 : memref<1x64x128xf32, #tpu.memory_space<vmem>> -> memref<64x128xf32, #tpu.memory_space<vmem>>
    %gather3A_2825 = tpu.vector_load_idx %gather3A_2824[%add3A_2819, %broadcast_in_dim3A_2803] : memref<64x128xf32, #tpu.memory_space<vmem>>[vector<16xi32>, vector<16xi32>], vector<16xf32>,
    %swap3A_2826 = arith.constant 29 : i32
    %swap3A_2827 = arith.index_cast %swap3A_2826 : i32 to index
    %swap3A_2828 = arith.constant 16 : index
    %swap3A_2829 = tpu.vector_load %arg7[%swap3A_2827, %swap3A_2828] {strides = array<i32>} : memref<32x64xf32, #tpu.memory_space<vmem>>, vector<16xf32>,
    tpu.vector_store %arg7[%swap3A_2827, %swap3A_2828], %gather3A_2825 {strides = array<i32>} : memref<32x64xf32, #tpu.memory_space<vmem>>, vector<16xf32>,
    %add3A_2830 = arith.constant 32 : i32
    %add3A_2831 = vector.broadcast %add3A_2830 : i32 to vector<16xi32>
    %add3A_2832 = arith.addi %iota3A, %add3A_2831 : vector<16xi32>
    %gather3A_2833 = arith.constant 5 : i32
    %gather3A_2834 = arith.constant 0 : i32
    %gather3A_2835 = arith.constant 0 : i32
    %gather3A_2836 = tpu.memref_slice %arg6[%gather3A_2833, %gather3A_2834, %gather3A_2835] : memref<12x64x128xf32, #tpu.memory_space<vmem>> -> memref<1x64x128xf32, #tpu.memory_space<vmem>>
    %gather3A_2837 = tpu.memref_squeeze %gather3A_2836 : memref<1x64x128xf32, #tpu.memory_space<vmem>> -> memref<64x128xf32, #tpu.memory_space<vmem>>
    %gather3A_2838 = tpu.vector_load_idx %gather3A_2837[%add3A_2832, %broadcast_in_dim3A_2803] : memref<64x128xf32, #tpu.memory_space<vmem>>[vector<16xi32>, vector<16xi32>], vector<16xf32>,
    %swap3A_2839 = arith.constant 29 : i32
    %swap3A_2840 = arith.index_cast %swap3A_2839 : i32 to index
    %swap3A_2841 = arith.constant 32 : index
    %swap3A_2842 = tpu.vector_load %arg7[%swap3A_2840, %swap3A_2841] {strides = array<i32>} : memref<32x64xf32, #tpu.memory_space<vmem>>, vector<16xf32>,
    tpu.vector_store %arg7[%swap3A_2840, %swap3A_2841], %gather3A_2838 {strides = array<i32>} : memref<32x64xf32, #tpu.memory_space<vmem>>, vector<16xf32>,
    %add3A_2843 = arith.constant 48 : i32
    %add3A_2844 = vector.broadcast %add3A_2843 : i32 to vector<16xi32>
    %add3A_2845 = arith.addi %iota3A, %add3A_2844 : vector<16xi32>
    %gather3A_2846 = arith.constant 5 : i32
    %gather3A_2847 = arith.constant 0 : i32
    %gather3A_2848 = arith.constant 0 : i32
    %gather3A_2849 = tpu.memref_slice %arg6[%gather3A_2846, %gather3A_2847, %gather3A_2848] : memref<12x64x128xf32, #tpu.memory_space<vmem>> -> memref<1x64x128xf32, #tpu.memory_space<vmem>>
    %gather3A_2850 = tpu.memref_squeeze %gather3A_2849 : memref<1x64x128xf32, #tpu.memory_space<vmem>> -> memref<64x128xf32, #tpu.memory_space<vmem>>
    %gather3A_2851 = tpu.vector_load_idx %gather3A_2850[%add3A_2845, %broadcast_in_dim3A_2803] : memref<64x128xf32, #tpu.memory_space<vmem>>[vector<16xi32>, vector<16xi32>], vector<16xf32>,
    %swap3A_2852 = arith.constant 29 : i32
    %swap3A_2853 = arith.index_cast %swap3A_2852 : i32 to index
    %swap3A_2854 = arith.constant 48 : index
    %swap3A_2855 = tpu.vector_load %arg7[%swap3A_2853, %swap3A_2854] {strides = array<i32>} : memref<32x64xf32, #tpu.memory_space<vmem>>, vector<16xf32>,
    tpu.vector_store %arg7[%swap3A_2853, %swap3A_2854], %gather3A_2851 {strides = array<i32>} : memref<32x64xf32, #tpu.memory_space<vmem>>, vector<16xf32>,
    %dma_wait3A_2856 = arith.constant 6 : i32
    %dma_wait3A_2857 = arith.constant 0 : i32
    %dma_wait3A_2858 = arith.constant 0 : i32
    %dma_wait3A_2859 = tpu.memref_slice %arg6[%dma_wait3A_2856, %dma_wait3A_2857, %dma_wait3A_2858] : memref<12x64x128xf32, #tpu.memory_space<vmem>> -> memref<1x64x128xf32, #tpu.memory_space<vmem>>
    %dma_wait3A_2860 = tpu.memref_squeeze %dma_wait3A_2859 : memref<1x64x128xf32, #tpu.memory_space<vmem>> -> memref<64x128xf32, #tpu.memory_space<vmem>>
    %dma_wait3A_2861 = arith.constant 0 : i32
    %dma_wait3A_2862 = tpu.memref_slice %arg3[%dma_wait3A_2861, %multiple_of3A_2028] : memref<64x100000xf32, #tpu.memory_space<hbm>> -> memref<64x128xf32, #tpu.memory_space<hbm>>
    %dma_wait3A_2863 = arith.constant 0 : i32
    %dma_wait3A_2864 = arith.constant 0 : i32
    %dma_wait3A_2865 = tpu.memref_slice %arg6[%dma_wait3A_2856, %dma_wait3A_2863, %dma_wait3A_2864] : memref<12x64x128xf32, #tpu.memory_space<vmem>> -> memref<1x64x128xf32, #tpu.memory_space<vmem>>
    %dma_wait3A_2866 = tpu.memref_squeeze %dma_wait3A_2865 : memref<1x64x128xf32, #tpu.memory_space<vmem>> -> memref<64x128xf32, #tpu.memory_space<vmem>>
    %dma_wait3A_2867 = arith.constant 0 : i32
    %dma_wait3A_2868 = tpu.memref_slice %arg3[%dma_wait3A_2867, %multiple_of3A_2028] : memref<64x100000xf32, #tpu.memory_space<hbm>> -> memref<64x128xf32, #tpu.memory_space<hbm>>
    tpu.wait_dma2 semaphore(%arg14 : memref<!tpu.dma_semaphore, #tpu.memory_space<semaphore_mem>>) src(%dma_wait3A_2868 : memref<64x128xf32, #tpu.memory_space<hbm>>) dst(%dma_wait3A_2866 : memref<64x128xf32, #tpu.memory_space<vmem>>)
    %get3A_2869 = arith.constant 16 : index
    %get3A_2870 = tpu.vector_load %arg5[%get3A_2869] {strides = array<i32>} : memref<32xi32, #tpu.memory_space<vmem>>, vector<16xi32>,
    %slice3A_2871 = vector.extract_strided_slice %get3A_2870 {offsets = [14], sizes = [1], strides = [1]} : vector<16xi32> to vector<1xi32>
    %squeeze3A_2872 = vector.extract %slice3A_2871[0] : i32 from vector<1xi32>
    %and3A_2873 = arith.constant 127 : i32
    %and3A_2874 = arith.andi %squeeze3A_2872, %and3A_2873 : i32
    %broadcast_in_dim3A_2875 = vector.broadcast %and3A_2874 : i32 to vector<16xi32>
    %add3A_2876 = arith.constant 0 : i32
    %add3A_2877 = vector.broadcast %add3A_2876 : i32 to vector<16xi32>
    %add3A_2878 = arith.addi %iota3A, %add3A_2877 : vector<16xi32>
    %gather3A_2879 = arith.constant 6 : i32
    %gather3A_2880 = arith.constant 0 : i32
    %gather3A_2881 = arith.constant 0 : i32
    %gather3A_2882 = tpu.memref_slice %arg6[%gather3A_2879, %gather3A_2880, %gather3A_2881] : memref<12x64x128xf32, #tpu.memory_space<vmem>> -> memref<1x64x128xf32, #tpu.memory_space<vmem>>
    %gather3A_2883 = tpu.memref_squeeze %gather3A_2882 : memref<1x64x128xf32, #tpu.memory_space<vmem>> -> memref<64x128xf32, #tpu.memory_space<vmem>>
    %gather3A_2884 = tpu.vector_load_idx %gather3A_2883[%add3A_2878, %broadcast_in_dim3A_2875] : memref<64x128xf32, #tpu.memory_space<vmem>>[vector<16xi32>, vector<16xi32>], vector<16xf32>,
    %swap3A_2885 = arith.constant 30 : i32
    %swap3A_2886 = arith.index_cast %swap3A_2885 : i32 to index
    %swap3A_2887 = arith.constant 0 : index
    %swap3A_2888 = tpu.vector_load %arg7[%swap3A_2886, %swap3A_2887] {strides = array<i32>} : memref<32x64xf32, #tpu.memory_space<vmem>>, vector<16xf32>,
    tpu.vector_store %arg7[%swap3A_2886, %swap3A_2887], %gather3A_2884 {strides = array<i32>} : memref<32x64xf32, #tpu.memory_space<vmem>>, vector<16xf32>,
    %add3A_2889 = arith.constant 16 : i32
    %add3A_2890 = vector.broadcast %add3A_2889 : i32 to vector<16xi32>
    %add3A_2891 = arith.addi %iota3A, %add3A_2890 : vector<16xi32>
    %gather3A_2892 = arith.constant 6 : i32
    %gather3A_2893 = arith.constant 0 : i32
    %gather3A_2894 = arith.constant 0 : i32
    %gather3A_2895 = tpu.memref_slice %arg6[%gather3A_2892, %gather3A_2893, %gather3A_2894] : memref<12x64x128xf32, #tpu.memory_space<vmem>> -> memref<1x64x128xf32, #tpu.memory_space<vmem>>
    %gather3A_2896 = tpu.memref_squeeze %gather3A_2895 : memref<1x64x128xf32, #tpu.memory_space<vmem>> -> memref<64x128xf32, #tpu.memory_space<vmem>>
    %gather3A_2897 = tpu.vector_load_idx %gather3A_2896[%add3A_2891, %broadcast_in_dim3A_2875] : memref<64x128xf32, #tpu.memory_space<vmem>>[vector<16xi32>, vector<16xi32>], vector<16xf32>,
    %swap3A_2898 = arith.constant 30 : i32
    %swap3A_2899 = arith.index_cast %swap3A_2898 : i32 to index
    %swap3A_2900 = arith.constant 16 : index
    %swap3A_2901 = tpu.vector_load %arg7[%swap3A_2899, %swap3A_2900] {strides = array<i32>} : memref<32x64xf32, #tpu.memory_space<vmem>>, vector<16xf32>,
    tpu.vector_store %arg7[%swap3A_2899, %swap3A_2900], %gather3A_2897 {strides = array<i32>} : memref<32x64xf32, #tpu.memory_space<vmem>>, vector<16xf32>,
    %add3A_2902 = arith.constant 32 : i32
    %add3A_2903 = vector.broadcast %add3A_2902 : i32 to vector<16xi32>
    %add3A_2904 = arith.addi %iota3A, %add3A_2903 : vector<16xi32>
    %gather3A_2905 = arith.constant 6 : i32
    %gather3A_2906 = arith.constant 0 : i32
    %gather3A_2907 = arith.constant 0 : i32
    %gather3A_2908 = tpu.memref_slice %arg6[%gather3A_2905, %gather3A_2906, %gather3A_2907] : memref<12x64x128xf32, #tpu.memory_space<vmem>> -> memref<1x64x128xf32, #tpu.memory_space<vmem>>
    %gather3A_2909 = tpu.memref_squeeze %gather3A_2908 : memref<1x64x128xf32, #tpu.memory_space<vmem>> -> memref<64x128xf32, #tpu.memory_space<vmem>>
    %gather3A_2910 = tpu.vector_load_idx %gather3A_2909[%add3A_2904, %broadcast_in_dim3A_2875] : memref<64x128xf32, #tpu.memory_space<vmem>>[vector<16xi32>, vector<16xi32>], vector<16xf32>,
    %swap3A_2911 = arith.constant 30 : i32
    %swap3A_2912 = arith.index_cast %swap3A_2911 : i32 to index
    %swap3A_2913 = arith.constant 32 : index
    %swap3A_2914 = tpu.vector_load %arg7[%swap3A_2912, %swap3A_2913] {strides = array<i32>} : memref<32x64xf32, #tpu.memory_space<vmem>>, vector<16xf32>,
    tpu.vector_store %arg7[%swap3A_2912, %swap3A_2913], %gather3A_2910 {strides = array<i32>} : memref<32x64xf32, #tpu.memory_space<vmem>>, vector<16xf32>,
    %add3A_2915 = arith.constant 48 : i32
    %add3A_2916 = vector.broadcast %add3A_2915 : i32 to vector<16xi32>
    %add3A_2917 = arith.addi %iota3A, %add3A_2916 : vector<16xi32>
    %gather3A_2918 = arith.constant 6 : i32
    %gather3A_2919 = arith.constant 0 : i32
    %gather3A_2920 = arith.constant 0 : i32
    %gather3A_2921 = tpu.memref_slice %arg6[%gather3A_2918, %gather3A_2919, %gather3A_2920] : memref<12x64x128xf32, #tpu.memory_space<vmem>> -> memref<1x64x128xf32, #tpu.memory_space<vmem>>
    %gather3A_2922 = tpu.memref_squeeze %gather3A_2921 : memref<1x64x128xf32, #tpu.memory_space<vmem>> -> memref<64x128xf32, #tpu.memory_space<vmem>>
    %gather3A_2923 = tpu.vector_load_idx %gather3A_2922[%add3A_2917, %broadcast_in_dim3A_2875] : memref<64x128xf32, #tpu.memory_space<vmem>>[vector<16xi32>, vector<16xi32>], vector<16xf32>,
    %swap3A_2924 = arith.constant 30 : i32
    %swap3A_2925 = arith.index_cast %swap3A_2924 : i32 to index
    %swap3A_2926 = arith.constant 48 : index
    %swap3A_2927 = tpu.vector_load %arg7[%swap3A_2925, %swap3A_2926] {strides = array<i32>} : memref<32x64xf32, #tpu.memory_space<vmem>>, vector<16xf32>,
    tpu.vector_store %arg7[%swap3A_2925, %swap3A_2926], %gather3A_2923 {strides = array<i32>} : memref<32x64xf32, #tpu.memory_space<vmem>>, vector<16xf32>,
    %dma_wait3A_2928 = arith.constant 7 : i32
    %dma_wait3A_2929 = arith.constant 0 : i32
    %dma_wait3A_2930 = arith.constant 0 : i32
    %dma_wait3A_2931 = tpu.memref_slice %arg6[%dma_wait3A_2928, %dma_wait3A_2929, %dma_wait3A_2930] : memref<12x64x128xf32, #tpu.memory_space<vmem>> -> memref<1x64x128xf32, #tpu.memory_space<vmem>>
    %dma_wait3A_2932 = tpu.memref_squeeze %dma_wait3A_2931 : memref<1x64x128xf32, #tpu.memory_space<vmem>> -> memref<64x128xf32, #tpu.memory_space<vmem>>
    %dma_wait3A_2933 = arith.constant 0 : i32
    %dma_wait3A_2934 = tpu.memref_slice %arg3[%dma_wait3A_2933, %multiple_of3A_2122] : memref<64x100000xf32, #tpu.memory_space<hbm>> -> memref<64x128xf32, #tpu.memory_space<hbm>>
    %dma_wait3A_2935 = arith.constant 0 : i32
    %dma_wait3A_2936 = arith.constant 0 : i32
    %dma_wait3A_2937 = tpu.memref_slice %arg6[%dma_wait3A_2928, %dma_wait3A_2935, %dma_wait3A_2936] : memref<12x64x128xf32, #tpu.memory_space<vmem>> -> memref<1x64x128xf32, #tpu.memory_space<vmem>>
    %dma_wait3A_2938 = tpu.memref_squeeze %dma_wait3A_2937 : memref<1x64x128xf32, #tpu.memory_space<vmem>> -> memref<64x128xf32, #tpu.memory_space<vmem>>
    %dma_wait3A_2939 = arith.constant 0 : i32
    %dma_wait3A_2940 = tpu.memref_slice %arg3[%dma_wait3A_2939, %multiple_of3A_2122] : memref<64x100000xf32, #tpu.memory_space<hbm>> -> memref<64x128xf32, #tpu.memory_space<hbm>>
    tpu.wait_dma2 semaphore(%arg15 : memref<!tpu.dma_semaphore, #tpu.memory_space<semaphore_mem>>) src(%dma_wait3A_2940 : memref<64x128xf32, #tpu.memory_space<hbm>>) dst(%dma_wait3A_2938 : memref<64x128xf32, #tpu.memory_space<vmem>>)
    %get3A_2941 = arith.constant 16 : index
    %get3A_2942 = tpu.vector_load %arg5[%get3A_2941] {strides = array<i32>} : memref<32xi32, #tpu.memory_space<vmem>>, vector<16xi32>,
    %slice3A_2943 = vector.extract_strided_slice %get3A_2942 {offsets = [15], sizes = [1], strides = [1]} : vector<16xi32> to vector<1xi32>
    %squeeze3A_2944 = vector.extract %slice3A_2943[0] : i32 from vector<1xi32>
    %and3A_2945 = arith.constant 127 : i32
    %and3A_2946 = arith.andi %squeeze3A_2944, %and3A_2945 : i32
    %broadcast_in_dim3A_2947 = vector.broadcast %and3A_2946 : i32 to vector<16xi32>
    %add3A_2948 = arith.constant 0 : i32
    %add3A_2949 = vector.broadcast %add3A_2948 : i32 to vector<16xi32>
    %add3A_2950 = arith.addi %iota3A, %add3A_2949 : vector<16xi32>
    %gather3A_2951 = arith.constant 7 : i32
    %gather3A_2952 = arith.constant 0 : i32
    %gather3A_2953 = arith.constant 0 : i32
    %gather3A_2954 = tpu.memref_slice %arg6[%gather3A_2951, %gather3A_2952, %gather3A_2953] : memref<12x64x128xf32, #tpu.memory_space<vmem>> -> memref<1x64x128xf32, #tpu.memory_space<vmem>>
    %gather3A_2955 = tpu.memref_squeeze %gather3A_2954 : memref<1x64x128xf32, #tpu.memory_space<vmem>> -> memref<64x128xf32, #tpu.memory_space<vmem>>
    %gather3A_2956 = tpu.vector_load_idx %gather3A_2955[%add3A_2950, %broadcast_in_dim3A_2947] : memref<64x128xf32, #tpu.memory_space<vmem>>[vector<16xi32>, vector<16xi32>], vector<16xf32>,
    %swap3A_2957 = arith.constant 31 : i32
    %swap3A_2958 = arith.index_cast %swap3A_2957 : i32 to index
    %swap3A_2959 = arith.constant 0 : index
    %swap3A_2960 = tpu.vector_load %arg7[%swap3A_2958, %swap3A_2959] {strides = array<i32>} : memref<32x64xf32, #tpu.memory_space<vmem>>, vector<16xf32>,
    tpu.vector_store %arg7[%swap3A_2958, %swap3A_2959], %gather3A_2956 {strides = array<i32>} : memref<32x64xf32, #tpu.memory_space<vmem>>, vector<16xf32>,
    %add3A_2961 = arith.constant 16 : i32
    %add3A_2962 = vector.broadcast %add3A_2961 : i32 to vector<16xi32>
    %add3A_2963 = arith.addi %iota3A, %add3A_2962 : vector<16xi32>
    %gather3A_2964 = arith.constant 7 : i32
    %gather3A_2965 = arith.constant 0 : i32
    %gather3A_2966 = arith.constant 0 : i32
    %gather3A_2967 = tpu.memref_slice %arg6[%gather3A_2964, %gather3A_2965, %gather3A_2966] : memref<12x64x128xf32, #tpu.memory_space<vmem>> -> memref<1x64x128xf32, #tpu.memory_space<vmem>>
    %gather3A_2968 = tpu.memref_squeeze %gather3A_2967 : memref<1x64x128xf32, #tpu.memory_space<vmem>> -> memref<64x128xf32, #tpu.memory_space<vmem>>
    %gather3A_2969 = tpu.vector_load_idx %gather3A_2968[%add3A_2963, %broadcast_in_dim3A_2947] : memref<64x128xf32, #tpu.memory_space<vmem>>[vector<16xi32>, vector<16xi32>], vector<16xf32>,
    %swap3A_2970 = arith.constant 31 : i32
    %swap3A_2971 = arith.index_cast %swap3A_2970 : i32 to index
    %swap3A_2972 = arith.constant 16 : index
    %swap3A_2973 = tpu.vector_load %arg7[%swap3A_2971, %swap3A_2972] {strides = array<i32>} : memref<32x64xf32, #tpu.memory_space<vmem>>, vector<16xf32>,
    tpu.vector_store %arg7[%swap3A_2971, %swap3A_2972], %gather3A_2969 {strides = array<i32>} : memref<32x64xf32, #tpu.memory_space<vmem>>, vector<16xf32>,
    %add3A_2974 = arith.constant 32 : i32
    %add3A_2975 = vector.broadcast %add3A_2974 : i32 to vector<16xi32>
    %add3A_2976 = arith.addi %iota3A, %add3A_2975 : vector<16xi32>
    %gather3A_2977 = arith.constant 7 : i32
    %gather3A_2978 = arith.constant 0 : i32
    %gather3A_2979 = arith.constant 0 : i32
    %gather3A_2980 = tpu.memref_slice %arg6[%gather3A_2977, %gather3A_2978, %gather3A_2979] : memref<12x64x128xf32, #tpu.memory_space<vmem>> -> memref<1x64x128xf32, #tpu.memory_space<vmem>>
    %gather3A_2981 = tpu.memref_squeeze %gather3A_2980 : memref<1x64x128xf32, #tpu.memory_space<vmem>> -> memref<64x128xf32, #tpu.memory_space<vmem>>
    %gather3A_2982 = tpu.vector_load_idx %gather3A_2981[%add3A_2976, %broadcast_in_dim3A_2947] : memref<64x128xf32, #tpu.memory_space<vmem>>[vector<16xi32>, vector<16xi32>], vector<16xf32>,
    %swap3A_2983 = arith.constant 31 : i32
    %swap3A_2984 = arith.index_cast %swap3A_2983 : i32 to index
    %swap3A_2985 = arith.constant 32 : index
    %swap3A_2986 = tpu.vector_load %arg7[%swap3A_2984, %swap3A_2985] {strides = array<i32>} : memref<32x64xf32, #tpu.memory_space<vmem>>, vector<16xf32>,
    tpu.vector_store %arg7[%swap3A_2984, %swap3A_2985], %gather3A_2982 {strides = array<i32>} : memref<32x64xf32, #tpu.memory_space<vmem>>, vector<16xf32>,
    %add3A_2987 = arith.constant 48 : i32
    %add3A_2988 = vector.broadcast %add3A_2987 : i32 to vector<16xi32>
    %add3A_2989 = arith.addi %iota3A, %add3A_2988 : vector<16xi32>
    %gather3A_2990 = arith.constant 7 : i32
    %gather3A_2991 = arith.constant 0 : i32
    %gather3A_2992 = arith.constant 0 : i32
    %gather3A_2993 = tpu.memref_slice %arg6[%gather3A_2990, %gather3A_2991, %gather3A_2992] : memref<12x64x128xf32, #tpu.memory_space<vmem>> -> memref<1x64x128xf32, #tpu.memory_space<vmem>>
    %gather3A_2994 = tpu.memref_squeeze %gather3A_2993 : memref<1x64x128xf32, #tpu.memory_space<vmem>> -> memref<64x128xf32, #tpu.memory_space<vmem>>
    %gather3A_2995 = tpu.vector_load_idx %gather3A_2994[%add3A_2989, %broadcast_in_dim3A_2947] : memref<64x128xf32, #tpu.memory_space<vmem>>[vector<16xi32>, vector<16xi32>], vector<16xf32>,
    %swap3A_2996 = arith.constant 31 : i32
    %swap3A_2997 = arith.index_cast %swap3A_2996 : i32 to index
    %swap3A_2998 = arith.constant 48 : index
    %swap3A_2999 = tpu.vector_load %arg7[%swap3A_2997, %swap3A_2998] {strides = array<i32>} : memref<32x64xf32, #tpu.memory_space<vmem>>, vector<16xf32>,
    tpu.vector_store %arg7[%swap3A_2997, %swap3A_2998], %gather3A_2995 {strides = array<i32>} : memref<32x64xf32, #tpu.memory_space<vmem>>, vector<16xf32>,
    "tpu.region"() ({
      %run_scoped3A = tpu.sem_alloc : memref<!tpu.dma_semaphore, #tpu.memory_space<semaphore_mem>>
      %dma_start3A_3000 = arith.constant 0 : i32
      %dma_start3A_3001 = tpu.memref_slice %arg4[%mul3A_2, %dma_start3A_3000] : memref<1024x64xf32, #tpu.memory_space<hbm>> -> memref<32x64xf32, #tpu.memory_space<hbm>>
      %dma_start3A_3002 = arith.constant 0 : i32
      %dma_start3A_3003 = tpu.memref_slice %arg4[%mul3A_2, %dma_start3A_3002] : memref<1024x64xf32, #tpu.memory_space<hbm>> -> memref<32x64xf32, #tpu.memory_space<hbm>>
      tpu.enqueue_dma source(%arg7 : memref<32x64xf32, #tpu.memory_space<vmem>>) target(%dma_start3A_3003 : memref<32x64xf32, #tpu.memory_space<hbm>>) target_semaphore(%run_scoped3A : memref<!tpu.dma_semaphore, #tpu.memory_space<semaphore_mem>>)
      %dma_wait3A_3004 = arith.constant 0 : i32
      %dma_wait3A_3005 = tpu.memref_slice %arg4[%mul3A_2, %dma_wait3A_3004] : memref<1024x64xf32, #tpu.memory_space<hbm>> -> memref<32x64xf32, #tpu.memory_space<hbm>>
      %dma_wait3A_3006 = arith.constant 0 : i32
      %dma_wait3A_3007 = tpu.memref_slice %arg4[%mul3A_2, %dma_wait3A_3006] : memref<1024x64xf32, #tpu.memory_space<hbm>> -> memref<32x64xf32, #tpu.memory_space<hbm>>
      tpu.wait_dma2 semaphore(%run_scoped3A : memref<!tpu.dma_semaphore, #tpu.memory_space<semaphore_mem>>) src(%arg7 : memref<32x64xf32, #tpu.memory_space<vmem>>) dst(%dma_wait3A_3007 : memref<32x64xf32, #tpu.memory_space<hbm>>)
      tpu.yield
    }) : () -> ()
    return
  }
}

</mosaic_0001>

<sc_bundles>
// kernel: kernel.3.cloned.1.call-start
scs
__scs_entry_jumppad:
0x0: {  	(pc) =	sbr.rel $0x88, $3  }
0x1: {  	(tag) =	ssettag $0x0;
	lr =	simm.s32 $0x1  }
0x2: {  	[smem:$0x3F9F] =	sst lr;
	_ =	strace $0xD0000000  }
0x3: {  	_ = 	snop  }
0x4: {  	_ = 	snop  }
0x5: {  	_ = 	snop  }
0x6: {  	_ = 	snop  }
0x7: {  	_ = 	snop  }
__scs_overlays_trampoline_lowered:
0x8: {  	[smem:$0x3FAE] =	sst s0  }
0x9: {  	[smem:$0x3FAF] =	sst s1  }
0xa: {  	[smem:$0x3FB0] =	sst s2  }
0xb: {  	[smem:$0x3FB1] =	sst s3  }
0xc: {  	[smem:$0x3FB2] =	sst s4  }
0xd: {  	[smem:$0x3FB3] =	sst s5  }
0xe: {  	[smem:$0x3FB4] =	sst s6  }
0xf: {  	[smem:$0x3FB5] =	sst s7  }
0x10: {  	[smem:$0x3FB6] =	sst s8  }
0x11: {  	[smem:$0x3FB7] =	sst s9;
	s0 =	simm.s32 @!p0 $0x0  }
0x12: {  	s1 =	sld [smem:$0x3F9D];
	s0 =	simm.s32 @p0 $0x1  }
0x13: {  	[smem:$0x3FB8] =	sst s0;
	s0 =	simm.s32 @!p1 $0x0  }
0x14: {  	s2 =	sld [smem:$0x3F9C];
	s0 =	simm.s32 @p1 $0x1  }
0x15: {  	[smem:$0x3FB9] =	sst s0;
	s0 =	simm.s32 @!p2 $0x0  }
0x16: {  	s3 =	sld [smem:$0x3FDB];
	s0 =	simm.s32 @p2 $0x1  }
0x17: {  	s4 =	simm.s32 $0x1BF5;
	[smem:$0x3FBB] =	sst s0  }
0x18: {  	s0 =	sld [smem:$0x3F9E];
	_ =	swait.ge [sflag:s4], $0x0  }
0x19: {  	s7 =	sld [smem:$0x3F9F]  }
0x1a: {  	s8 =	sadd.s32 $0xFFFFE003, lr  }
0x1b: {  	s9 =	sadd.s32 $0xFFFFFEF7, lr;
	s5 =	simm.s32 $0xFFFFFFFF;
	p2 =	slt.u32 s8, $0xFFFFF086  }
0x1c: {  	p1 =	slt.u32 s9, $0xF7A;
	s5 =	simm.s32 @!p2 $0x0  }
0x1d: {  	s5 =	simm.s32 @p1 $0x1;
	p0 =	seq.s32 s7, s2  }
0x1e: {  	s7 =	smul.u32 @!p0 $0xF7A, s2;
	p2 =	seq.s32 @!p0 s5, $0x0  }
0x1f: {  	s9 =	smul.u32 $0xF7A, s1;
	s8 =	simm.s32 @!p0 $0x1BF5;
	p2 =	por !p2, p0  }
0x20: {  	[sflag:s8] =	ssyncset.s32 @!p0 $0xFFFFF086;
	s6 =	sadd.s32 @!p0 s3, s7;
	s7 =	simm.s32 @!p0 $0x108  }
0x21: {  	s3 =	sadd.s32 s3, s9;
	s6 =	sadd.s32 @!p0 $0x88, s6;
	s7 =	simm.s32 @p2 $0x1082  }
0x22: {  	[simem:s7], [sflag:s8] =	dma.local @!p0 [hbm:s6], $0xF7A  }
0x23: {  	s9 =	sor.u32 $0xD0000000, s2;
	s6 =	simm.s32 $0x108;
	_ =	swait.ge @!p0 [sflag:s8], $0x0  }
0x24: {  	s3 =	sadd.s32 $0x88, s3;
	s6 =	simm.s32 @!p1 $0x1082;
	[sflag:s4] =	ssyncset.s32 $0xFFFFF086  }
0x25: {  	[simem:s6], [sflag:s4] =	dma.local [hbm:s3], $0xF7A  }
0x26: {  	[smem:$0x3F9F] =	sst s1;
	(tag) =	ssettag s2;
	_ =	strace s9  }
0x27: {  	s1 =	sld [smem:$0x3FAF]  }
0x28: {  	s2 =	sld [smem:$0x3FB0]  }
0x29: {  	s4 =	sld [smem:$0x3FB2]  }
0x2a: {  	p0 =	seq.s32 s5, $0x0;
	s5 =	sld [smem:$0x3FB3]  }
0x2b: {  	s6 =	sld [smem:$0x3FB4]  }
0x2c: {  	s7 =	sld [smem:$0x3FB5]  }
0x2d: {  	s3 =	simm.s32 $0x108;
	s8 =	sld [smem:$0x3FB6]  }
0x2e: {  	s3 =	simm.s32 @!p0 $0x1082;
	s9 =	sld [smem:$0x3FB7]  }
0x2f: {  	lr =	sadd.s32 s0, s3;
	s0 =	sld [smem:$0x3FAE]  }
0x30: {  	s3 =	sld [smem:$0x3FB1]  }
0x31: {  	[smem:$0x3FBA] =	sst s10  }
0x32: {  	s10 =	sld [smem:$0x3FB8];
	_ =	sdelay $0x3  }
0x33: {  	p0 =	seq.s32 s10, $0x1;
	s10 =	sld [smem:$0x3FBA];
	_ =	sdelay $0x3  }
0x34: {  	[smem:$0x3FBA] =	sst s10  }
0x35: {  	s10 =	sld [smem:$0x3FB9];
	_ =	sdelay $0x3  }
0x36: {  	p1 =	seq.s32 s10, $0x1;
	s10 =	sld [smem:$0x3FBA];
	_ =	sdelay $0x3  }
0x37: {  	[smem:$0x3FBA] =	sst s10  }
0x38: {  	s10 =	sld [smem:$0x3FBB]  }
0x39: {  	_ = 	snop;
	(pc) =	sbr.ind lr, $3  }
0x3a: {  	_ = 	snop  }
0x3b: {  	_ = 	snop  }
0x3c: {  	p2 =	seq.s32 s10, $0x1;
	s10 =	sld [smem:$0x3FBA]  }
0x3d: {  	_ =	shalt  }
0x3e: {  	_ =	shalt  }
0x3f: {  	_ =	shalt  }
0x40: {  	_ =	shalt  }
0x41: {  	_ =	shalt  }
0x42: {  	_ =	shalt  }
0x43: {  	_ =	shalt  }
0x44: {  	_ =	shalt  }
0x45: {  	_ =	shalt  }
0x46: {  	_ =	shalt  }
0x47: {  	_ =	shalt  }
0x48: {  	_ =	shalt  }
0x49: {  	_ =	shalt  }
0x4a: {  	_ =	shalt  }
0x4b: {  	_ =	shalt  }
0x4c: {  	_ =	shalt  }
0x4d: {  	_ =	shalt  }
0x4e: {  	_ =	shalt  }
0x4f: {  	_ =	shalt  }
0x50: {  	_ =	shalt  }
0x51: {  	_ =	shalt  }
0x52: {  	_ =	shalt  }
0x53: {  	_ =	shalt  }
0x54: {  	_ =	shalt  }
0x55: {  	_ =	shalt  }
0x56: {  	_ =	shalt  }
0x57: {  	_ =	shalt  }
0x58: {  	_ =	shalt  }
0x59: {  	_ =	shalt  }
0x5a: {  	_ =	shalt  }
0x5b: {  	_ =	shalt  }
0x5c: {  	_ =	shalt  }
0x5d: {  	_ =	shalt  }
0x5e: {  	_ =	shalt  }
0x5f: {  	_ =	shalt  }
0x60: {  	_ =	shalt  }
0x61: {  	_ =	shalt  }
0x62: {  	_ =	shalt  }
0x63: {  	_ =	shalt  }
0x64: {  	_ =	shalt  }
0x65: {  	_ =	shalt  }
0x66: {  	_ =	shalt  }
0x67: {  	_ =	shalt  }
0x68: {  	_ =	shalt  }
0x69: {  	_ =	shalt  }
0x6a: {  	_ =	shalt  }
0x6b: {  	_ =	shalt  }
0x6c: {  	_ =	shalt  }
0x6d: {  	_ =	shalt  }
0x6e: {  	_ =	shalt  }
0x6f: {  	_ =	shalt  }
0x70: {  	_ =	shalt  }
0x71: {  	_ =	shalt  }
0x72: {  	_ =	shalt  }
0x73: {  	_ =	shalt  }
0x74: {  	_ =	shalt  }
0x75: {  	_ =	shalt  }
0x76: {  	_ =	shalt  }
0x77: {  	_ =	shalt  }
0x78: {  	_ =	shalt  }
0x79: {  	_ =	shalt  }
0x7a: {  	_ =	shalt  }
0x7b: {  	_ =	shalt  }
0x7c: {  	_ =	shalt  }
0x7d: {  	_ =	shalt  }
0x7e: {  	_ =	shalt  }
0x7f: {  	_ =	shalt  }
0x80: {  	_ =	shalt  }
0x81: {  	_ =	shalt  }
0x82: {  	_ =	shalt  }
0x83: {  	_ =	shalt  }
0x84: {  	_ =	shalt  }
0x85: {  	_ =	shalt  }
0x86: {  	_ =	shalt  }
0x87: {  	_ =	shalt  }
.Lfunc_end0:
.L_simem_size_0:
called_computation_lowered:
.L_overlay_start_0:
0x88: {  	s2 =	sld [smem:$0x3FD9]  }
0x89: {  	s3 =	sld [smem:$0x3FFE];
	_ =	sdelay $0x1  }
0x8a: {  	s1 =	srdreg.scid  }
0x8b: {  	s0 =	sand.u32 $0x1, s1  }
0x8c: {  	s17 =	sshll.u32 s0, $0xA;
	s2 =	sadd.s32 s3, s2  }
0x8d: {  	s2 =	sadd.s32 s2, s17  }
0x8e: {  	[smem:$0x3FC6] =	sst s2  }
0x8f: {  	_ = 	snop  }
0x90: {  	s2 =	sld [smem:$0x3FC9]  }
0x91: {  	s18 =	sld [smem:$0x3FC8];
	(tm) =	ssettm $0x1  }
0x92: {  	s4 =	sld [smem:$0x3FFB];
	_ =	sdelay $0x3  }
0x93: {  	_ =	strace s4  }
0x94: {  	s4 =	sld [smem:$0x3FFC];
	_ =	sdelay $0x3  }
0x95: {  	_ =	strace s4  }
0x96: {  	s4 =	sld [smem:$0x3FFD];
	_ =	sdelay $0x3  }
0x97: {  	_ =	strace s4  }
0x98: {  	_ =	strace $0x8FFFFFFF  }
0x99: {  	s19 =	sld [smem:$0x3FDB];
	_ =	sdelay $0x1  }
0x9a: {  	s5 =	simm.s32 $_scs_section_size  }
0x9b: {  	s6 =	simm.s32 $_size__tile_overlayer_lowered;
	s7 =	simm.s32 $_tile_overlayer_lowered  }
0x9c: {  	s22 =	simm.s32 $0x1BFF;
	s21 =	sshll.u32 s7, $0x1;
	s4 =	sadd.s32 s5, s19  }
0x9d: {  	s8 =	simm.s32 $0x0;
	s20 =	sshll.u32 s6, $0x1;
	s6 =	sadd.s32 s21, s4  }
0x9e: {  	[timem:s8], [sflag:s22] =	dma.local [hbm:s6], s20  }
0x9f: {  	_ =	swait.ge [sflag:s22], s20  }
0xa0: {  	s5 =	ssub.s32 $0x0, s20;
	[sflag:s22] =	ssyncset.done $0x0  }
0xa1: {  	[sflag:s22] =	ssyncadd.s32 s5;
	_ =	sdelay $0x1  }
0xa2: {  	s23 =	simm.s32 $0x1B8B  }
0xa3: {  	_ =	swait.ge [sflag:s23], $0x1  }
0xa4: {  	[sflag:s23] =	ssyncset.done $0x0  }
0xa5: {  	s25 =	simm.s32 $0x1B8E;
	s24 =	sld [smem:$0x3FFE];
	[sflag:s23] =	ssyncadd.s32 $0xFFFFFFFF  }
0xa6: {  	s26 =	simm.s32 $execute0_lowered;
	[smem:$0x3FD2] =	sst s25  }
0xa7: {  	s6 =	sshll.u32 s26, $0x1;
	_ =	strace $0x80000046;
	[dreg:$0x1] =	wrdreg $0xFFFFFFFF  }
0xa8: {  	s28 =	simm.s32 $_size_execute0_lowered;
	s4 =	sadd.s32 s4, s6;
	[dreg:$0x0] =	wrdreg $0x0  }
0xa9: {  	s6 =	sshll.u32 s28, $0x1;
	[dreg:$0x2] =	wrdreg s4  }
0xaa: {  	[dreg:$0x3] =	wrdreg s6  }
0xab: {  	[dreg:$0x4] =	wrdreg $0xC0  }
0xac: {  	_ =	task [dreg:s8], $0x5FFFF  }
0xad: {  	[dreg:$0x1] =	wrdreg $0xFFFFFFFF  }
0xae: {  	[dreg:$0x0] =	wrdreg $0x60  }
0xaf: {  	[dreg:$0x2] =	wrdreg s2  }
0xb0: {  	[dreg:$0x3] =	wrdreg s18  }
0xb1: {  	[dreg:$0x4] =	wrdreg s24  }
0xb2: {  	[dreg:$0x5] =	wrdreg $0x9  }
0xb3: {  	_ =	task.clear_ibuf [dreg:s8], $0x6FFFF;
	_ =	strace $0x90000046  }
0xb4: {  	s29 =	simm.s32 $0x9;
	_ =	strace $0x80000048  }
0xb5: {  	_ =	swait.ge [sflag:s29], $0x1  }
0xb6: {  	[sflag:s29] =	ssyncadd.s32 $0xFFFFFFFF  }
0xb7: {  	_ =	strace $0x90000048  }
0xb8: {  	_ =	sfence  }
0xb9: {  	s30 =	sld [smem:$0x0];
	_ =	sdelay $0x2  }
0xba: {  	s31 =	sshll.u32 s1, $0xD;
	s1 =	sshrl.u32 s1, $0x2  }
0xbb: {  	s3 =	sand.u32 $0x4000, s31;
	s1 =	sadd.s32 s1, s30  }
0xbc: {  	s0 =	sor.u32 s3, s0;
	s1 =	sshll.u32 s1, $0x11  }
0xbd: {  	s0 =	sor.u32 s1, s0  }
0xbe: {  	s0 =	sadd.s32 $0x8F2B, s0  }
0xbf: {  	[sflag:s0] =	ssyncadd.remote.s32 $0x1  }
0xc0: {  	_ =	sfence.sel $0xFFFF  }
0xc1: {  	[dreg:$0x0] =	wrdreg $0xFFFFFFFF;
	(pc) =	sbr.abs _section_cstart, $3  }
0xc2: {  	[dreg:$0x1] =	wrdreg $0xFFFFFFFF  }
0xc3: {  	_ =	task.clear_ibuf [dreg:s8], $0x2FFFF;
	_ =	strace $0x9FFFFFFF  }
0xc4: {  	(tm) =	ssettm $0x7FFFFFFF  }
0xc5: {  	_ =	shalt  }
tec
execute0_lowered:
.L_overlay_start_1:
0x0: {  	(tag) =	ssettag $0x1  }
0x1: {  	s0 =	rddreg [dreg:$0x0]  }
0x2: {  	s2 =	rddreg [dreg:$0x1]  }
0x3: {  	s4 =	rddreg [dreg:$0x2];
	s3 =	srdreg.scid  }
0x4: {  	s1 =	stileid.u32;
	s22 =	simm.s32 $0x0;
	s8 =	simm.s32 $0x80  }
0x5: {  	s9 =	simm.s32 $0x2080;
	s10 =	simm.s32 $0x4080;
	s11 =	simm.s32 $0x6080  }
0x6: {  	s12 =	simm.s32 $0x8080;
	s13 =	simm.s32 $0xA080;
	s14 =	simm.s32 $0xC080  }
0x7: {  	s15 =	simm.s32 $0xE080;
	s16 =	simm.s32 $0x10080;
	s17 =	simm.s32 $0x12080  }
0x8: {  	s18 =	simm.s32 $0x14080;
	s19 =	simm.s32 $0x16080;
	s20 =	simm.s32 $0x1  }
0x9: {  	s21 =	simm.s32 $0x2;
	s26 =	simm.s32 $0x18080;
	s28 =	simm.s32 $0x8  }
0xa: {  	s30 =	simm.s32 $0xA;
	s31 =	simm.s32 $0xB;
	s29 =	simm.s32 $0xD  }
0xb: {  	s5 =	sand.u32 $0x1, s3;
	s6 =	sshll.u32 s1, $0x6;
	[smem:$0x7FF] =	sst s22  }
0xc: {  	s22 =	simm.s32 $0x3;
	s7 =	sshll.u32 s5, $0x5;
	_ =	strace $0x80000047  }
0xd: {  	s5 =	ssub.s32 $0x2, s5;
	[dreg:$0x6] =	wrdreg s26;
	s6 =	sor.u32 s7, s6  }
0xe: {  	s26 =	simm.s32 $0x7;
	s23 =	sshrl.u32 s5, $0x1;
	s7 =	sshll.u32 s6, $0x4  }
0xf: {  	s6 =	sshrl.u32 s6, $0x3;
	s25 =	ssub.s32 s5, s23;
	s23 =	simm.s32 $0x4  }
0x10: {  	v0 =	vlaneseq.u32;
	s5 =	simm.s32 $0x0;
	s4 =	sadd.s32 s7, s4;
	s0 =	sadd.s32 s0, s6  }
0x11: {  	v0 =	vmul.u32 $0x80, v0;
	s6 =	simm.s32 $0x400;
	s7 =	simm.s32 $0xC3800;
	[dreg:$0x4] =	wrdreg s0  }
0x12: {  	s24 =	sadd.s32 $0x400, s4;
	s4 =	smax.u32 s25, $0x1;
	s25 =	simm.s32 $0x6  }
0x13: {  	v1 =	vor.u32 $0x800, v0;
	v2 =	vor.u32 $0x1000, v0;
	v3 =	vor.u32 $0x1800, v0;
	s0 =	simm.s32 $0xC;
	[dreg:$0x5] =	wrdreg s24;
	s24 =	simm.s32 $0x5  }
.LBB2_1:
0x14: {  	s1 =	rddreg [dreg:$0x4];
	s3 =	simm.s32 $0x0  }
0x15: {  	[tilespmem:s3], [sflag:$0xD] =	stream.linear.gather [hbm4b:s1+s3], $0x20, $0x38;
	[tilespmem:$0x19080] =	vst v63  }
0x16: {  	_ =	swait.ge [sflag:s29], $0x20  }
0x17: {  	[sflag:s29] =	ssyncset.done $0x0  }
0x18: {  	[sflag:s29] =	ssyncadd.s32 $0xFFFFFFE0  }
0x19: {  	v4 =	vld [tilespmem:$0x0];
	_ =	sdelay $0x4  }
0x1a: {  	(v2sf) =	vpush v4, $0x0;
	_ =	sdelay $0xe  }
0x1b: {  	s3 =	spop (v2sf)  }
0x1c: {  	s1 =	sand.u32 $0xFFFFF80, s3  }
0x1d: {  	s1 =	sadd.s32 s2, s1  }
0x1e: {  	[tilespmem:s8], [sflag:$0x1] =	stream.strided.gather [hbm4b:s1+s6], $0x2000, s7, s6, $0x38;
	[tilespmem:$0x19080] =	vst v63  }
0x1f: {  	v4 =	vld [tilespmem:$0x0];
	_ =	sdelay $0x4  }
0x20: {  	(v2sf) =	vpush v4, $0x1;
	_ =	sdelay $0xe  }
0x21: {  	s3 =	spop (v2sf)  }
0x22: {  	s1 =	sand.u32 $0xFFFFF80, s3  }
0x23: {  	s1 =	sadd.s32 s2, s1  }
0x24: {  	[tilespmem:s9], [sflag:$0x2] =	stream.strided.gather [hbm4b:s1+s6], $0x2000, s7, s6, $0x38;
	[tilespmem:$0x19080] =	vst v63  }
0x25: {  	v4 =	vld [tilespmem:$0x0];
	_ =	sdelay $0x4  }
0x26: {  	(v2sf) =	vpush v4, $0x2;
	_ =	sdelay $0xe  }
0x27: {  	s3 =	spop (v2sf)  }
0x28: {  	s1 =	sand.u32 $0xFFFFF80, s3  }
0x29: {  	s1 =	sadd.s32 s2, s1  }
0x2a: {  	[tilespmem:s10], [sflag:$0x3] =	stream.strided.gather [hbm4b:s1+s6], $0x2000, s7, s6, $0x38;
	[tilespmem:$0x19080] =	vst v63  }
0x2b: {  	v4 =	vld [tilespmem:$0x0];
	_ =	sdelay $0x4  }
0x2c: {  	(v2sf) =	vpush v4, $0x3;
	_ =	sdelay $0xe  }
0x2d: {  	s3 =	spop (v2sf)  }
0x2e: {  	s1 =	sand.u32 $0xFFFFF80, s3  }
0x2f: {  	s1 =	sadd.s32 s2, s1  }
0x30: {  	[tilespmem:s11], [sflag:$0x4] =	stream.strided.gather [hbm4b:s1+s6], $0x2000, s7, s6, $0x38;
	[tilespmem:$0x19080] =	vst v63  }
0x31: {  	v4 =	vld [tilespmem:$0x0];
	_ =	sdelay $0x4  }
0x32: {  	(v2sf) =	vpush v4, $0x4;
	_ =	sdelay $0xe  }
0x33: {  	s3 =	spop (v2sf)  }
0x34: {  	s1 =	sand.u32 $0xFFFFF80, s3  }
0x35: {  	s1 =	sadd.s32 s2, s1  }
0x36: {  	[tilespmem:s12], [sflag:$0x5] =	stream.strided.gather [hbm4b:s1+s6], $0x2000, s7, s6, $0x38;
	[tilespmem:$0x19080] =	vst v63  }
0x37: {  	v4 =	vld [tilespmem:$0x0];
	_ =	sdelay $0x4  }
0x38: {  	(v2sf) =	vpush v4, $0x5;
	_ =	sdelay $0xe  }
0x39: {  	s3 =	spop (v2sf)  }
0x3a: {  	s1 =	sand.u32 $0xFFFFF80, s3  }
0x3b: {  	s1 =	sadd.s32 s2, s1  }
0x3c: {  	[tilespmem:s13], [sflag:$0x6] =	stream.strided.gather [hbm4b:s1+s6], $0x2000, s7, s6, $0x38;
	[tilespmem:$0x19080] =	vst v63  }
0x3d: {  	v4 =	vld [tilespmem:$0x0];
	_ =	sdelay $0x4  }
0x3e: {  	(v2sf) =	vpush v4, $0x6;
	_ =	sdelay $0xe  }
0x3f: {  	s3 =	spop (v2sf)  }
0x40: {  	s1 =	sand.u32 $0xFFFFF80, s3  }
0x41: {  	s1 =	sadd.s32 s2, s1  }
0x42: {  	[tilespmem:s14], [sflag:$0x7] =	stream.strided.gather [hbm4b:s1+s6], $0x2000, s7, s6, $0x38;
	[tilespmem:$0x19080] =	vst v63  }
0x43: {  	v4 =	vld [tilespmem:$0x0];
	_ =	sdelay $0x4  }
0x44: {  	(v2sf) =	vpush v4, $0x7;
	_ =	sdelay $0xe  }
0x45: {  	s3 =	spop (v2sf)  }
0x46: {  	s1 =	sand.u32 $0xFFFFF80, s3  }
0x47: {  	s1 =	sadd.s32 s2, s1  }
0x48: {  	[tilespmem:s15], [sflag:$0x8] =	stream.strided.gather [hbm4b:s1+s6], $0x2000, s7, s6, $0x38;
	[tilespmem:$0x19080] =	vst v63  }
0x49: {  	v4 =	vld [tilespmem:$0x0];
	_ =	sdelay $0x4  }
0x4a: {  	(v2sf) =	vpush v4, $0x8;
	_ =	sdelay $0xe  }
0x4b: {  	s3 =	spop (v2sf)  }
0x4c: {  	s1 =	sand.u32 $0xFFFFF80, s3  }
0x4d: {  	s1 =	sadd.s32 s2, s1  }
0x4e: {  	[tilespmem:s16], [sflag:$0x9] =	stream.strided.gather [hbm4b:s1+s6], $0x2000, s7, s6, $0x38;
	[tilespmem:$0x19080] =	vst v63  }
0x4f: {  	v4 =	vld [tilespmem:$0x0];
	_ =	sdelay $0x4  }
0x50: {  	(v2sf) =	vpush v4, $0x9;
	_ =	sdelay $0xe  }
0x51: {  	s3 =	spop (v2sf)  }
0x52: {  	s1 =	sand.u32 $0xFFFFF80, s3  }
0x53: {  	s1 =	sadd.s32 s2, s1  }
0x54: {  	[tilespmem:s17], [sflag:$0xA] =	stream.strided.gather [hbm4b:s1+s6], $0x2000, s7, s6, $0x38;
	[tilespmem:$0x19080] =	vst v63  }
0x55: {  	v4 =	vld [tilespmem:$0x0];
	_ =	sdelay $0x4  }
0x56: {  	(v2sf) =	vpush v4, $0xA;
	_ =	sdelay $0xe  }
0x57: {  	s3 =	spop (v2sf)  }
0x58: {  	s1 =	sand.u32 $0xFFFFF80, s3  }
0x59: {  	s1 =	sadd.s32 s2, s1  }
0x5a: {  	[tilespmem:s18], [sflag:$0xB] =	stream.strided.gather [hbm4b:s1+s6], $0x2000, s7, s6, $0x38;
	[tilespmem:$0x19080] =	vst v63  }
0x5b: {  	v4 =	vld [tilespmem:$0x0];
	_ =	sdelay $0x4  }
0x5c: {  	(v2sf) =	vpush v4, $0xB;
	_ =	sdelay $0xe  }
0x5d: {  	s3 =	spop (v2sf)  }
0x5e: {  	s1 =	sand.u32 $0xFFFFF80, s3  }
0x5f: {  	s1 =	sadd.s32 s2, s1  }
0x60: {  	[tilespmem:s19], [sflag:$0xC] =	stream.strided.gather [hbm4b:s1+s6], $0x2000, s7, s6, $0x38;
	[tilespmem:$0x19080] =	vst v63  }
0x61: {  	_ =	swait.ge [sflag:s20], $0x2000  }
0x62: {  	[sflag:s20] =	ssyncset.done $0x0  }
0x63: {  	[sflag:s20] =	ssyncadd.s32 $0xFFFFE000  }
0x64: {  	v4 =	vld [tilespmem:$0x0];
	_ =	sdelay $0x4  }
0x65: {  	(v2sf) =	vpush v4, $0x0;
	_ =	sdelay $0xe  }
0x66: {  	s3 =	spop (v2sf)  }
0x67: {  	s1 =	sand.u32 $0x7F, s3  }
0x68: {  	v4 =	vor.u32 s1, v0;
	_ =	sdelay $0x4  }
0x69: {  	v4 =	vld.idx.msk [tilespmem:v4+s8+$0x0], $0xffff  }
0x6a: {  	v6 =	vld [tilespmem:$0x0];
	v5 =	vor.u32 s1, v1;
	_ =	sdelay $0x3  }
0x6b: {  	[tilespmem:$0x18080] =	vst v4  }
0x6c: {  	(v2sf) =	vpush v6, $0xC;
	v4 =	vld.idx.msk [tilespmem:v5+s8+$0x0], $0xffff  }
0x6d: {  	v5 =	vor.u32 s1, v2;
	_ =	sdelay $0x3  }
0x6e: {  	[tilespmem:$0x18090] =	vst v4  }
0x6f: {  	v4 =	vld.idx.msk [tilespmem:v5+s8+$0x0], $0xffff  }
0x70: {  	v5 =	vor.u32 s1, v3;
	_ =	sdelay $0x3  }
0x71: {  	[tilespmem:$0x180A0] =	vst v4  }
0x72: {  	v4 =	vld.idx.msk [tilespmem:v5+s8+$0x0], $0xffff;
	_ =	sdelay $0x2  }
0x73: {  	s3 =	spop (v2sf)  }
0x74: {  	s1 =	sand.u32 $0xFFFFF80, s3  }
0x75: {  	s1 =	sadd.s32 s2, s1;
	[tilespmem:$0x180B0] =	vst v4  }
0x76: {  	[tilespmem:s8], [sflag:$0x1] =	stream.strided.gather [hbm4b:s1+s6], $0x2000, s7, s6, $0x38;
	[tilespmem:$0x19080] =	vst v63  }
0x77: {  	_ =	swait.ge [sflag:s21], $0x2000  }
0x78: {  	[sflag:s21] =	ssyncset.done $0x0  }
0x79: {  	[sflag:s21] =	ssyncadd.s32 $0xFFFFE000  }
0x7a: {  	v4 =	vld [tilespmem:$0x0];
	_ =	sdelay $0x4  }
0x7b: {  	(v2sf) =	vpush v4, $0x1;
	_ =	sdelay $0xe  }
0x7c: {  	s3 =	spop (v2sf)  }
0x7d: {  	s1 =	sand.u32 $0x7F, s3  }
0x7e: {  	v4 =	vor.u32 s1, v0;
	_ =	sdelay $0x4  }
0x7f: {  	v4 =	vld.idx.msk [tilespmem:v4+s9+$0x0], $0xffff  }
0x80: {  	v45 =	vld [tilespmem:$0x0];
	v5 =	vor.u32 s1, v1;
	_ =	sdelay $0x3  }
0x81: {  	[tilespmem:$0x18100] =	vst v4  }
0x82: {  	(v2sf) =	vpush v45, $0xD;
	v4 =	vld.idx.msk [tilespmem:v5+s9+$0x0], $0xffff  }
0x83: {  	v5 =	vor.u32 s1, v2;
	_ =	sdelay $0x3  }
0x84: {  	[tilespmem:$0x18110] =	vst v4  }
0x85: {  	v4 =	vld.idx.msk [tilespmem:v5+s9+$0x0], $0xffff  }
0x86: {  	v5 =	vor.u32 s1, v3;
	_ =	sdelay $0x3  }
0x87: {  	[tilespmem:$0x18120] =	vst v4  }
0x88: {  	v4 =	vld.idx.msk [tilespmem:v5+s9+$0x0], $0xffff;
	_ =	sdelay $0x2  }
0x89: {  	s3 =	spop (v2sf)  }
0x8a: {  	s1 =	sand.u32 $0xFFFFF80, s3  }
0x8b: {  	s1 =	sadd.s32 s2, s1;
	[tilespmem:$0x18130] =	vst v4  }
0x8c: {  	[tilespmem:s9], [sflag:$0x2] =	stream.strided.gather [hbm4b:s1+s6], $0x2000, s7, s6, $0x38;
	[tilespmem:$0x19080] =	vst v63  }
0x8d: {  	_ =	swait.ge [sflag:s22], $0x2000  }
0x8e: {  	[sflag:s22] =	ssyncset.done $0x0  }
0x8f: {  	[sflag:s22] =	ssyncadd.s32 $0xFFFFE000  }
0x90: {  	v4 =	vld [tilespmem:$0x0];
	_ =	sdelay $0x4  }
0x91: {  	(v2sf) =	vpush v4, $0x2;
	_ =	sdelay $0xe  }
0x92: {  	s3 =	spop (v2sf)  }
0x93: {  	s1 =	sand.u32 $0x7F, s3  }
0x94: {  	v4 =	vor.u32 s1, v0;
	_ =	sdelay $0x4  }
0x95: {  	v4 =	vld.idx.msk [tilespmem:v4+s10+$0x0], $0xffff  }
0x96: {  	v46 =	vld [tilespmem:$0x0];
	v5 =	vor.u32 s1, v1;
	_ =	sdelay $0x3  }
0x97: {  	[tilespmem:$0x18180] =	vst v4  }
0x98: {  	(v2sf) =	vpush v46, $0xE;
	v4 =	vld.idx.msk [tilespmem:v5+s10+$0x0], $0xffff  }
0x99: {  	v5 =	vor.u32 s1, v2;
	_ =	sdelay $0x3  }
0x9a: {  	[tilespmem:$0x18190] =	vst v4  }
0x9b: {  	v4 =	vld.idx.msk [tilespmem:v5+s10+$0x0], $0xffff  }
0x9c: {  	v5 =	vor.u32 s1, v3;
	_ =	sdelay $0x3  }
0x9d: {  	[tilespmem:$0x181A0] =	vst v4  }
0x9e: {  	v4 =	vld.idx.msk [tilespmem:v5+s10+$0x0], $0xffff;
	_ =	sdelay $0x2  }
0x9f: {  	s3 =	spop (v2sf)  }
0xa0: {  	s1 =	sand.u32 $0xFFFFF80, s3  }
0xa1: {  	s1 =	sadd.s32 s2, s1;
	[tilespmem:$0x181B0] =	vst v4  }
0xa2: {  	[tilespmem:s10], [sflag:$0x3] =	stream.strided.gather [hbm4b:s1+s6], $0x2000, s7, s6, $0x38;
	[tilespmem:$0x19080] =	vst v63  }
0xa3: {  	_ =	swait.ge [sflag:s23], $0x2000  }
0xa4: {  	[sflag:s23] =	ssyncset.done $0x0  }
0xa5: {  	[sflag:s23] =	ssyncadd.s32 $0xFFFFE000  }
0xa6: {  	v4 =	vld [tilespmem:$0x0];
	_ =	sdelay $0x4  }
0xa7: {  	(v2sf) =	vpush v4, $0x3;
	_ =	sdelay $0xe  }
0xa8: {  	s3 =	spop (v2sf)  }
0xa9: {  	s1 =	sand.u32 $0x7F, s3  }
0xaa: {  	v4 =	vor.u32 s1, v0;
	_ =	sdelay $0x4  }
0xab: {  	v4 =	vld.idx.msk [tilespmem:v4+s11+$0x0], $0xffff  }
0xac: {  	v47 =	vld [tilespmem:$0x0];
	v5 =	vor.u32 s1, v1;
	_ =	sdelay $0x3  }
0xad: {  	[tilespmem:$0x18200] =	vst v4  }
0xae: {  	(v2sf) =	vpush v47, $0xF;
	v4 =	vld.idx.msk [tilespmem:v5+s11+$0x0], $0xffff  }
0xaf: {  	v5 =	vor.u32 s1, v2;
	_ =	sdelay $0x3  }
0xb0: {  	[tilespmem:$0x18210] =	vst v4  }
0xb1: {  	v4 =	vld.idx.msk [tilespmem:v5+s11+$0x0], $0xffff  }
0xb2: {  	v5 =	vor.u32 s1, v3;
	_ =	sdelay $0x3  }
0xb3: {  	[tilespmem:$0x18220] =	vst v4  }
0xb4: {  	v4 =	vld.idx.msk [tilespmem:v5+s11+$0x0], $0xffff;
	_ =	sdelay $0x2  }
0xb5: {  	s3 =	spop (v2sf)  }
0xb6: {  	s1 =	sand.u32 $0xFFFFF80, s3  }
0xb7: {  	s1 =	sadd.s32 s2, s1;
	[tilespmem:$0x18230] =	vst v4  }
0xb8: {  	[tilespmem:s11], [sflag:$0x4] =	stream.strided.gather [hbm4b:s1+s6], $0x2000, s7, s6, $0x38;
	[tilespmem:$0x19080] =	vst v63  }
0xb9: {  	_ =	swait.ge [sflag:s24], $0x2000  }
0xba: {  	[sflag:s24] =	ssyncset.done $0x0  }
0xbb: {  	[sflag:s24] =	ssyncadd.s32 $0xFFFFE000  }
0xbc: {  	v4 =	vld [tilespmem:$0x0];
	_ =	sdelay $0x4  }
0xbd: {  	(v2sf) =	vpush v4, $0x4;
	_ =	sdelay $0xe  }
0xbe: {  	s3 =	spop (v2sf)  }
0xbf: {  	s1 =	sand.u32 $0x7F, s3  }
0xc0: {  	v4 =	vor.u32 s1, v0;
	_ =	sdelay $0x4  }
0xc1: {  	v4 =	vld.idx.msk [tilespmem:v4+s12+$0x0], $0xffff  }
0xc2: {  	v48 =	vld [tilespmem:$0x10];
	v5 =	vor.u32 s1, v1;
	_ =	sdelay $0x3  }
0xc3: {  	[tilespmem:$0x18280] =	vst v4  }
0xc4: {  	(v2sf) =	vpush v48, $0x0;
	v4 =	vld.idx.msk [tilespmem:v5+s12+$0x0], $0xffff  }
0xc5: {  	v5 =	vor.u32 s1, v2;
	_ =	sdelay $0x3  }
0xc6: {  	[tilespmem:$0x18290] =	vst v4  }
0xc7: {  	v4 =	vld.idx.msk [tilespmem:v5+s12+$0x0], $0xffff  }
0xc8: {  	v5 =	vor.u32 s1, v3;
	_ =	sdelay $0x3  }
0xc9: {  	[tilespmem:$0x182A0] =	vst v4  }
0xca: {  	v4 =	vld.idx.msk [tilespmem:v5+s12+$0x0], $0xffff;
	_ =	sdelay $0x2  }
0xcb: {  	s3 =	spop (v2sf)  }
0xcc: {  	s1 =	sand.u32 $0xFFFFF80, s3  }
0xcd: {  	s1 =	sadd.s32 s2, s1;
	[tilespmem:$0x182B0] =	vst v4  }
0xce: {  	[tilespmem:s12], [sflag:$0x5] =	stream.strided.gather [hbm4b:s1+s6], $0x2000, s7, s6, $0x38;
	[tilespmem:$0x19080] =	vst v63  }
0xcf: {  	_ =	swait.ge [sflag:s25], $0x2000  }
0xd0: {  	[sflag:s25] =	ssyncset.done $0x0  }
0xd1: {  	[sflag:s25] =	ssyncadd.s32 $0xFFFFE000  }
0xd2: {  	v4 =	vld [tilespmem:$0x0];
	_ =	sdelay $0x4  }
0xd3: {  	(v2sf) =	vpush v4, $0x5;
	_ =	sdelay $0xe  }
0xd4: {  	s3 =	spop (v2sf)  }
0xd5: {  	s1 =	sand.u32 $0x7F, s3  }
0xd6: {  	v4 =	vor.u32 s1, v0;
	_ =	sdelay $0x4  }
0xd7: {  	v4 =	vld.idx.msk [tilespmem:v4+s13+$0x0], $0xffff  }
0xd8: {  	v49 =	vld [tilespmem:$0x10];
	v5 =	vor.u32 s1, v1;
	_ =	sdelay $0x3  }
0xd9: {  	[tilespmem:$0x18300] =	vst v4  }
0xda: {  	(v2sf) =	vpush v49, $0x1;
	v4 =	vld.idx.msk [tilespmem:v5+s13+$0x0], $0xffff  }
0xdb: {  	v5 =	vor.u32 s1, v2;
	_ =	sdelay $0x3  }
0xdc: {  	[tilespmem:$0x18310] =	vst v4  }
0xdd: {  	v4 =	vld.idx.msk [tilespmem:v5+s13+$0x0], $0xffff  }
0xde: {  	v5 =	vor.u32 s1, v3;
	_ =	sdelay $0x3  }
0xdf: {  	[tilespmem:$0x18320] =	vst v4  }
0xe0: {  	v4 =	vld.idx.msk [tilespmem:v5+s13+$0x0], $0xffff;
	_ =	sdelay $0x2  }
0xe1: {  	s3 =	spop (v2sf)  }
0xe2: {  	s1 =	sand.u32 $0xFFFFF80, s3  }
0xe3: {  	s1 =	sadd.s32 s2, s1;
	[tilespmem:$0x18330] =	vst v4  }
0xe4: {  	[tilespmem:s13], [sflag:$0x6] =	stream.strided.gather [hbm4b:s1+s6], $0x2000, s7, s6, $0x38;
	[tilespmem:$0x19080] =	vst v63  }
0xe5: {  	_ =	swait.ge [sflag:s26], $0x2000  }
0xe6: {  	[sflag:s26] =	ssyncset.done $0x0  }
0xe7: {  	[sflag:s26] =	ssyncadd.s32 $0xFFFFE000  }
0xe8: {  	v4 =	vld [tilespmem:$0x0];
	_ =	sdelay $0x4  }
0xe9: {  	(v2sf) =	vpush v4, $0x6;
	_ =	sdelay $0xe  }
0xea: {  	s3 =	spop (v2sf)  }
0xeb: {  	s1 =	sand.u32 $0x7F, s3  }
0xec: {  	v4 =	vor.u32 s1, v0;
	_ =	sdelay $0x4  }
0xed: {  	v4 =	vld.idx.msk [tilespmem:v4+s14+$0x0], $0xffff  }
0xee: {  	v50 =	vld [tilespmem:$0x10];
	v5 =	vor.u32 s1, v1;
	_ =	sdelay $0x3  }
0xef: {  	[tilespmem:$0x18380] =	vst v4  }
0xf0: {  	(v2sf) =	vpush v50, $0x2;
	v4 =	vld.idx.msk [tilespmem:v5+s14+$0x0], $0xffff  }
0xf1: {  	v5 =	vor.u32 s1, v2;
	_ =	sdelay $0x3  }
0xf2: {  	[tilespmem:$0x18390] =	vst v4  }
0xf3: {  	v4 =	vld.idx.msk [tilespmem:v5+s14+$0x0], $0xffff  }
0xf4: {  	v5 =	vor.u32 s1, v3;
	_ =	sdelay $0x3  }
0xf5: {  	[tilespmem:$0x183A0] =	vst v4  }
0xf6: {  	v4 =	vld.idx.msk [tilespmem:v5+s14+$0x0], $0xffff;
	_ =	sdelay $0x2  }
0xf7: {  	s3 =	spop (v2sf)  }
0xf8: {  	s1 =	sand.u32 $0xFFFFF80, s3  }
0xf9: {  	s1 =	sadd.s32 s2, s1;
	[tilespmem:$0x183B0] =	vst v4  }
0xfa: {  	[tilespmem:s14], [sflag:$0x7] =	stream.strided.gather [hbm4b:s1+s6], $0x2000, s7, s6, $0x38;
	[tilespmem:$0x19080] =	vst v63  }
0xfb: {  	_ =	swait.ge [sflag:s28], $0x2000  }
0xfc: {  	[sflag:s28] =	ssyncset.done $0x0  }
0xfd: {  	[sflag:s28] =	ssyncadd.s32 $0xFFFFE000  }
0xfe: {  	v4 =	vld [tilespmem:$0x0];
	_ =	sdelay $0x4  }
0xff: {  	(v2sf) =	vpush v4, $0x7;
	_ =	sdelay $0xe  }
0x100: {  	s3 =	spop (v2sf)  }
0x101: {  	s1 =	sand.u32 $0x7F, s3  }
0x102: {  	v4 =	vor.u32 s1, v0;
	_ =	sdelay $0x4  }
0x103: {  	v4 =	vld.idx.msk [tilespmem:v4+s15+$0x0], $0xffff  }
0x104: {  	v51 =	vld [tilespmem:$0x10];
	v5 =	vor.u32 s1, v1;
	_ =	sdelay $0x3  }
0x105: {  	[tilespmem:$0x18400] =	vst v4  }
0x106: {  	(v2sf) =	vpush v51, $0x3;
	v4 =	vld.idx.msk [tilespmem:v5+s15+$0x0], $0xffff  }
0x107: {  	v5 =	vor.u32 s1, v2;
	_ =	sdelay $0x3  }
0x108: {  	[tilespmem:$0x18410] =	vst v4  }
0x109: {  	v4 =	vld.idx.msk [tilespmem:v5+s15+$0x0], $0xffff  }
0x10a: {  	v5 =	vor.u32 s1, v3;
	_ =	sdelay $0x3  }
0x10b: {  	[tilespmem:$0x18420] =	vst v4  }
0x10c: {  	v4 =	vld.idx.msk [tilespmem:v5+s15+$0x0], $0xffff;
	_ =	sdelay $0x2  }
0x10d: {  	s3 =	spop (v2sf)  }
0x10e: {  	s1 =	sand.u32 $0xFFFFF80, s3  }
0x10f: {  	s3 =	simm.s32 $0x9;
	s1 =	sadd.s32 s2, s1;
	[tilespmem:$0x18430] =	vst v4  }
0x110: {  	[tilespmem:s15], [sflag:$0x8] =	stream.strided.gather [hbm4b:s1+s6], $0x2000, s7, s6, $0x38;
	[tilespmem:$0x19080] =	vst v63  }
0x111: {  	_ =	swait.ge [sflag:s3], $0x2000  }
0x112: {  	[sflag:s3] =	ssyncset.done $0x0  }
0x113: {  	[sflag:s3] =	ssyncadd.s32 $0xFFFFE000  }
0x114: {  	v4 =	vld [tilespmem:$0x0];
	_ =	sdelay $0x4  }
0x115: {  	(v2sf) =	vpush v4, $0x8;
	_ =	sdelay $0xe  }
0x116: {  	s1 =	spop (v2sf)  }
0x117: {  	s1 =	sand.u32 $0x7F, s1  }
0x118: {  	v4 =	vor.u32 s1, v0;
	_ =	sdelay $0x4  }
0x119: {  	v4 =	vld.idx.msk [tilespmem:v4+s16+$0x0], $0xffff  }
0x11a: {  	v52 =	vld [tilespmem:$0x10];
	v5 =	vor.u32 s1, v1;
	_ =	sdelay $0x3  }
0x11b: {  	[tilespmem:$0x18480] =	vst v4  }
0x11c: {  	(v2sf) =	vpush v52, $0x4;
	v4 =	vld.idx.msk [tilespmem:v5+s16+$0x0], $0xffff  }
0x11d: {  	v5 =	vor.u32 s1, v2;
	_ =	sdelay $0x3  }
0x11e: {  	[tilespmem:$0x18490] =	vst v4  }
0x11f: {  	v4 =	vld.idx.msk [tilespmem:v5+s16+$0x0], $0xffff  }
0x120: {  	v5 =	vor.u32 s1, v3;
	_ =	sdelay $0x3  }
0x121: {  	[tilespmem:$0x184A0] =	vst v4  }
0x122: {  	v4 =	vld.idx.msk [tilespmem:v5+s16+$0x0], $0xffff;
	_ =	sdelay $0x2  }
0x123: {  	s1 =	spop (v2sf)  }
0x124: {  	s1 =	sand.u32 $0xFFFFF80, s1  }
0x125: {  	s1 =	sadd.s32 s2, s1;
	[tilespmem:$0x184B0] =	vst v4  }
0x126: {  	[tilespmem:s16], [sflag:$0x9] =	stream.strided.gather [hbm4b:s1+s6], $0x2000, s7, s6, $0x38;
	[tilespmem:$0x19080] =	vst v63  }
0x127: {  	_ =	swait.ge [sflag:s30], $0x2000  }
0x128: {  	[sflag:s30] =	ssyncset.done $0x0  }
0x129: {  	[sflag:s30] =	ssyncadd.s32 $0xFFFFE000  }
0x12a: {  	v4 =	vld [tilespmem:$0x0];
	_ =	sdelay $0x4  }
0x12b: {  	(v2sf) =	vpush v4, $0x9;
	_ =	sdelay $0xe  }
0x12c: {  	s1 =	spop (v2sf)  }
0x12d: {  	s1 =	sand.u32 $0x7F, s1  }
0x12e: {  	v4 =	vor.u32 s1, v0;
	_ =	sdelay $0x4  }
0x12f: {  	v4 =	vld.idx.msk [tilespmem:v4+s17+$0x0], $0xffff  }
0x130: {  	v53 =	vld [tilespmem:$0x10];
	v5 =	vor.u32 s1, v1;
	_ =	sdelay $0x3  }
0x131: {  	[tilespmem:$0x18500] =	vst v4  }
0x132: {  	(v2sf) =	vpush v53, $0x5;
	v4 =	vld.idx.msk [tilespmem:v5+s17+$0x0], $0xffff  }
0x133: {  	v5 =	vor.u32 s1, v2;
	_ =	sdelay $0x3  }
0x134: {  	[tilespmem:$0x18510] =	vst v4  }
0x135: {  	v4 =	vld.idx.msk [tilespmem:v5+s17+$0x0], $0xffff  }
0x136: {  	v5 =	vor.u32 s1, v3;
	_ =	sdelay $0x3  }
0x137: {  	[tilespmem:$0x18520] =	vst v4  }
0x138: {  	v4 =	vld.idx.msk [tilespmem:v5+s17+$0x0], $0xffff;
	_ =	sdelay $0x2  }
0x139: {  	s1 =	spop (v2sf)  }
0x13a: {  	s1 =	sand.u32 $0xFFFFF80, s1  }
0x13b: {  	s1 =	sadd.s32 s2, s1;
	[tilespmem:$0x18530] =	vst v4  }
0x13c: {  	[tilespmem:s17], [sflag:$0xA] =	stream.strided.gather [hbm4b:s1+s6], $0x2000, s7, s6, $0x38;
	[tilespmem:$0x19080] =	vst v63  }
0x13d: {  	_ =	swait.ge [sflag:s31], $0x2000  }
0x13e: {  	[sflag:s31] =	ssyncset.done $0x0  }
0x13f: {  	[sflag:s31] =	ssyncadd.s32 $0xFFFFE000  }
0x140: {  	v4 =	vld [tilespmem:$0x0];
	_ =	sdelay $0x4  }
0x141: {  	(v2sf) =	vpush v4, $0xA;
	_ =	sdelay $0xe  }
0x142: {  	s1 =	spop (v2sf)  }
0x143: {  	s1 =	sand.u32 $0x7F, s1  }
0x144: {  	v4 =	vor.u32 s1, v0;
	_ =	sdelay $0x4  }
0x145: {  	v4 =	vld.idx.msk [tilespmem:v4+s18+$0x0], $0xffff  }
0x146: {  	v54 =	vld [tilespmem:$0x10];
	v5 =	vor.u32 s1, v1;
	_ =	sdelay $0x3  }
0x147: {  	[tilespmem:$0x18580] =	vst v4  }
0x148: {  	(v2sf) =	vpush v54, $0x6;
	v4 =	vld.idx.msk [tilespmem:v5+s18+$0x0], $0xffff  }
0x149: {  	v5 =	vor.u32 s1, v2;
	_ =	sdelay $0x3  }
0x14a: {  	[tilespmem:$0x18590] =	vst v4  }
0x14b: {  	v4 =	vld.idx.msk [tilespmem:v5+s18+$0x0], $0xffff  }
0x14c: {  	v5 =	vor.u32 s1, v3;
	_ =	sdelay $0x3  }
0x14d: {  	[tilespmem:$0x185A0] =	vst v4  }
0x14e: {  	v4 =	vld.idx.msk [tilespmem:v5+s18+$0x0], $0xffff;
	_ =	sdelay $0x2  }
0x14f: {  	s1 =	spop (v2sf)  }
0x150: {  	s1 =	sand.u32 $0xFFFFF80, s1  }
0x151: {  	s1 =	sadd.s32 s2, s1;
	[tilespmem:$0x185B0] =	vst v4  }
0x152: {  	[tilespmem:s18], [sflag:$0xB] =	stream.strided.gather [hbm4b:s1+s6], $0x2000, s7, s6, $0x38;
	[tilespmem:$0x19080] =	vst v63  }
0x153: {  	_ =	swait.ge [sflag:s0], $0x2000  }
0x154: {  	[sflag:s0] =	ssyncset.done $0x0  }
0x155: {  	[sflag:s0] =	ssyncadd.s32 $0xFFFFE000  }
0x156: {  	v4 =	vld [tilespmem:$0x0];
	_ =	sdelay $0x4  }
0x157: {  	(v2sf) =	vpush v4, $0xB;
	_ =	sdelay $0xe  }
0x158: {  	s1 =	spop (v2sf)  }
0x159: {  	s1 =	sand.u32 $0x7F, s1  }
0x15a: {  	v4 =	vor.u32 s1, v0;
	_ =	sdelay $0x4  }
0x15b: {  	v4 =	vld.idx.msk [tilespmem:v4+s19+$0x0], $0xffff  }
0x15c: {  	v55 =	vld [tilespmem:$0x10];
	v5 =	vor.u32 s1, v1;
	_ =	sdelay $0x3  }
0x15d: {  	[tilespmem:$0x18600] =	vst v4  }
0x15e: {  	(v2sf) =	vpush v55, $0x7;
	v4 =	vld.idx.msk [tilespmem:v5+s19+$0x0], $0xffff  }
0x15f: {  	v5 =	vor.u32 s1, v2;
	_ =	sdelay $0x3  }
0x160: {  	[tilespmem:$0x18610] =	vst v4  }
0x161: {  	v4 =	vld.idx.msk [tilespmem:v5+s19+$0x0], $0xffff  }
0x162: {  	v5 =	vor.u32 s1, v3;
	_ =	sdelay $0x3  }
0x163: {  	[tilespmem:$0x18620] =	vst v4  }
0x164: {  	v4 =	vld.idx.msk [tilespmem:v5+s19+$0x0], $0xffff;
	_ =	sdelay $0x2  }
0x165: {  	s1 =	spop (v2sf)  }
0x166: {  	s1 =	sand.u32 $0xFFFFF80, s1  }
0x167: {  	s1 =	sadd.s32 s2, s1;
	[tilespmem:$0x18630] =	vst v4  }
0x168: {  	[tilespmem:s19], [sflag:$0xC] =	stream.strided.gather [hbm4b:s1+s6], $0x2000, s7, s6, $0x38;
	[tilespmem:$0x19080] =	vst v63  }
0x169: {  	_ =	swait.ge [sflag:s20], $0x2000  }
0x16a: {  	[sflag:s20] =	ssyncset.done $0x0  }
0x16b: {  	[sflag:s20] =	ssyncadd.s32 $0xFFFFE000  }
0x16c: {  	v4 =	vld [tilespmem:$0x0];
	_ =	sdelay $0x4  }
0x16d: {  	(v2sf) =	vpush v4, $0xC;
	_ =	sdelay $0xe  }
0x16e: {  	s1 =	spop (v2sf)  }
0x16f: {  	s1 =	sand.u32 $0x7F, s1  }
0x170: {  	v4 =	vor.u32 s1, v0;
	_ =	sdelay $0x4  }
0x171: {  	v4 =	vld.idx.msk [tilespmem:v4+s8+$0x0], $0xffff  }
0x172: {  	v56 =	vld [tilespmem:$0x10];
	v5 =	vor.u32 s1, v1;
	_ =	sdelay $0x3  }
0x173: {  	[tilespmem:$0x18680] =	vst v4  }
0x174: {  	(v2sf) =	vpush v56, $0x8;
	v4 =	vld.idx.msk [tilespmem:v5+s8+$0x0], $0xffff  }
0x175: {  	v5 =	vor.u32 s1, v2;
	_ =	sdelay $0x3  }
0x176: {  	[tilespmem:$0x18690] =	vst v4  }
0x177: {  	v4 =	vld.idx.msk [tilespmem:v5+s8+$0x0], $0xffff  }
0x178: {  	v5 =	vor.u32 s1, v3;
	_ =	sdelay $0x3  }
0x179: {  	[tilespmem:$0x186A0] =	vst v4  }
0x17a: {  	v4 =	vld.idx.msk [tilespmem:v5+s8+$0x0], $0xffff;
	_ =	sdelay $0x2  }
0x17b: {  	s1 =	spop (v2sf)  }
0x17c: {  	s1 =	sand.u32 $0xFFFFF80, s1  }
0x17d: {  	s1 =	sadd.s32 s2, s1;
	[tilespmem:$0x186B0] =	vst v4  }
0x17e: {  	[tilespmem:s8], [sflag:$0x1] =	stream.strided.gather [hbm4b:s1+s6], $0x2000, s7, s6, $0x38;
	[tilespmem:$0x19080] =	vst v63  }
0x17f: {  	_ =	swait.ge [sflag:s21], $0x2000  }
0x180: {  	[sflag:s21] =	ssyncset.done $0x0  }
0x181: {  	[sflag:s21] =	ssyncadd.s32 $0xFFFFE000  }
0x182: {  	v4 =	vld [tilespmem:$0x0];
	_ =	sdelay $0x4  }
0x183: {  	(v2sf) =	vpush v4, $0xD;
	_ =	sdelay $0xe  }
0x184: {  	s1 =	spop (v2sf)  }
0x185: {  	s1 =	sand.u32 $0x7F, s1  }
0x186: {  	v4 =	vor.u32 s1, v0;
	_ =	sdelay $0x4  }
0x187: {  	v4 =	vld.idx.msk [tilespmem:v4+s9+$0x0], $0xffff  }
0x188: {  	v57 =	vld [tilespmem:$0x10];
	v5 =	vor.u32 s1, v1;
	_ =	sdelay $0x3  }
0x189: {  	[tilespmem:$0x18700] =	vst v4  }
0x18a: {  	(v2sf) =	vpush v57, $0x9;
	v4 =	vld.idx.msk [tilespmem:v5+s9+$0x0], $0xffff  }
0x18b: {  	v5 =	vor.u32 s1, v2;
	_ =	sdelay $0x3  }
0x18c: {  	[tilespmem:$0x18710] =	vst v4  }
0x18d: {  	v4 =	vld.idx.msk [tilespmem:v5+s9+$0x0], $0xffff  }
0x18e: {  	v5 =	vor.u32 s1, v3;
	_ =	sdelay $0x3  }
0x18f: {  	[tilespmem:$0x18720] =	vst v4  }
0x190: {  	v4 =	vld.idx.msk [tilespmem:v5+s9+$0x0], $0xffff;
	_ =	sdelay $0x2  }
0x191: {  	s1 =	spop (v2sf)  }
0x192: {  	s1 =	sand.u32 $0xFFFFF80, s1  }
0x193: {  	s1 =	sadd.s32 s2, s1;
	[tilespmem:$0x18730] =	vst v4  }
0x194: {  	[tilespmem:s9], [sflag:$0x2] =	stream.strided.gather [hbm4b:s1+s6], $0x2000, s7, s6, $0x38;
	[tilespmem:$0x19080] =	vst v63  }
0x195: {  	_ =	swait.ge [sflag:s22], $0x2000  }
0x196: {  	[sflag:s22] =	ssyncset.done $0x0  }
0x197: {  	[sflag:s22] =	ssyncadd.s32 $0xFFFFE000  }
0x198: {  	v4 =	vld [tilespmem:$0x0];
	_ =	sdelay $0x4  }
0x199: {  	(v2sf) =	vpush v4, $0xE;
	_ =	sdelay $0xe  }
0x19a: {  	s1 =	spop (v2sf)  }
0x19b: {  	s1 =	sand.u32 $0x7F, s1  }
0x19c: {  	v4 =	vor.u32 s1, v0;
	_ =	sdelay $0x4  }
0x19d: {  	v4 =	vld.idx.msk [tilespmem:v4+s10+$0x0], $0xffff  }
0x19e: {  	v58 =	vld [tilespmem:$0x10];
	v5 =	vor.u32 s1, v1;
	_ =	sdelay $0x3  }
0x19f: {  	[tilespmem:$0x18780] =	vst v4  }
0x1a0: {  	(v2sf) =	vpush v58, $0xA;
	v4 =	vld.idx.msk [tilespmem:v5+s10+$0x0], $0xffff  }
0x1a1: {  	v5 =	vor.u32 s1, v2;
	_ =	sdelay $0x3  }
0x1a2: {  	[tilespmem:$0x18790] =	vst v4  }
0x1a3: {  	v4 =	vld.idx.msk [tilespmem:v5+s10+$0x0], $0xffff  }
0x1a4: {  	v5 =	vor.u32 s1, v3;
	_ =	sdelay $0x3  }
0x1a5: {  	[tilespmem:$0x187A0] =	vst v4  }
0x1a6: {  	v4 =	vld.idx.msk [tilespmem:v5+s10+$0x0], $0xffff;
	_ =	sdelay $0x2  }
0x1a7: {  	s1 =	spop (v2sf)  }
0x1a8: {  	s1 =	sand.u32 $0xFFFFF80, s1  }
0x1a9: {  	s1 =	sadd.s32 s2, s1;
	[tilespmem:$0x187B0] =	vst v4  }
0x1aa: {  	[tilespmem:s10], [sflag:$0x3] =	stream.strided.gather [hbm4b:s1+s6], $0x2000, s7, s6, $0x38;
	[tilespmem:$0x19080] =	vst v63  }
0x1ab: {  	_ =	swait.ge [sflag:s23], $0x2000  }
0x1ac: {  	[sflag:s23] =	ssyncset.done $0x0  }
0x1ad: {  	[sflag:s23] =	ssyncadd.s32 $0xFFFFE000  }
0x1ae: {  	v4 =	vld [tilespmem:$0x0];
	_ =	sdelay $0x4  }
0x1af: {  	(v2sf) =	vpush v4, $0xF;
	_ =	sdelay $0xe  }
0x1b0: {  	s1 =	spop (v2sf)  }
0x1b1: {  	s1 =	sand.u32 $0x7F, s1  }
0x1b2: {  	v4 =	vor.u32 s1, v0;
	_ =	sdelay $0x4  }
0x1b3: {  	v4 =	vld.idx.msk [tilespmem:v4+s11+$0x0], $0xffff  }
0x1b4: {  	v59 =	vld [tilespmem:$0x10];
	v5 =	vor.u32 s1, v1;
	_ =	sdelay $0x3  }
0x1b5: {  	[tilespmem:$0x18800] =	vst v4  }
0x1b6: {  	(v2sf) =	vpush v59, $0xB;
	v4 =	vld.idx.msk [tilespmem:v5+s11+$0x0], $0xffff  }
0x1b7: {  	v5 =	vor.u32 s1, v2;
	_ =	sdelay $0x3  }
0x1b8: {  	[tilespmem:$0x18810] =	vst v4  }
0x1b9: {  	v4 =	vld.idx.msk [tilespmem:v5+s11+$0x0], $0xffff  }
0x1ba: {  	v5 =	vor.u32 s1, v3;
	_ =	sdelay $0x3  }
0x1bb: {  	[tilespmem:$0x18820] =	vst v4  }
0x1bc: {  	v4 =	vld.idx.msk [tilespmem:v5+s11+$0x0], $0xffff;
	_ =	sdelay $0x2  }
0x1bd: {  	s1 =	spop (v2sf)  }
0x1be: {  	s1 =	sand.u32 $0xFFFFF80, s1  }
0x1bf: {  	s1 =	sadd.s32 s2, s1;
	[tilespmem:$0x18830] =	vst v4  }
0x1c0: {  	[tilespmem:s11], [sflag:$0x4] =	stream.strided.gather [hbm4b:s1+s6], $0x2000, s7, s6, $0x38;
	[tilespmem:$0x19080] =	vst v63  }
0x1c1: {  	_ =	swait.ge [sflag:s24], $0x2000  }
0x1c2: {  	[sflag:s24] =	ssyncset.done $0x0  }
0x1c3: {  	[sflag:s24] =	ssyncadd.s32 $0xFFFFE000  }
0x1c4: {  	v4 =	vld [tilespmem:$0x10];
	_ =	sdelay $0x4  }
0x1c5: {  	(v2sf) =	vpush v4, $0x0;
	_ =	sdelay $0xe  }
0x1c6: {  	s1 =	spop (v2sf)  }
0x1c7: {  	s1 =	sand.u32 $0x7F, s1  }
0x1c8: {  	v4 =	vor.u32 s1, v0;
	_ =	sdelay $0x4  }
0x1c9: {  	v4 =	vld.idx.msk [tilespmem:v4+s12+$0x0], $0xffff  }
0x1ca: {  	v60 =	vld [tilespmem:$0x10];
	v5 =	vor.u32 s1, v1;
	_ =	sdelay $0x3  }
0x1cb: {  	[tilespmem:$0x18880] =	vst v4  }
0x1cc: {  	(v2sf) =	vpush v60, $0xC;
	v4 =	vld.idx.msk [tilespmem:v5+s12+$0x0], $0xffff  }
0x1cd: {  	v5 =	vor.u32 s1, v2;
	_ =	sdelay $0x3  }
0x1ce: {  	[tilespmem:$0x18890] =	vst v4  }
0x1cf: {  	v4 =	vld.idx.msk [tilespmem:v5+s12+$0x0], $0xffff  }
0x1d0: {  	v5 =	vor.u32 s1, v3;
	_ =	sdelay $0x3  }
0x1d1: {  	[tilespmem:$0x188A0] =	vst v4  }
0x1d2: {  	v4 =	vld.idx.msk [tilespmem:v5+s12+$0x0], $0xffff;
	_ =	sdelay $0x2  }
0x1d3: {  	s1 =	spop (v2sf)  }
0x1d4: {  	s1 =	sand.u32 $0xFFFFF80, s1  }
0x1d5: {  	s1 =	sadd.s32 s2, s1;
	[tilespmem:$0x188B0] =	vst v4  }
0x1d6: {  	[tilespmem:s12], [sflag:$0x5] =	stream.strided.gather [hbm4b:s1+s6], $0x2000, s7, s6, $0x38;
	[tilespmem:$0x19080] =	vst v63  }
0x1d7: {  	_ =	swait.ge [sflag:s25], $0x2000  }
0x1d8: {  	[sflag:s25] =	ssyncset.done $0x0  }
0x1d9: {  	[sflag:s25] =	ssyncadd.s32 $0xFFFFE000  }
0x1da: {  	v4 =	vld [tilespmem:$0x10];
	_ =	sdelay $0x4  }
0x1db: {  	(v2sf) =	vpush v4, $0x1;
	_ =	sdelay $0xe  }
0x1dc: {  	s1 =	spop (v2sf)  }
0x1dd: {  	s1 =	sand.u32 $0x7F, s1  }
0x1de: {  	v4 =	vor.u32 s1, v0;
	_ =	sdelay $0x4  }
0x1df: {  	v4 =	vld.idx.msk [tilespmem:v4+s13+$0x0], $0xffff  }
0x1e0: {  	v61 =	vld [tilespmem:$0x10];
	v5 =	vor.u32 s1, v1;
	_ =	sdelay $0x3  }
0x1e1: {  	[tilespmem:$0x18900] =	vst v4  }
0x1e2: {  	(v2sf) =	vpush v61, $0xD;
	v4 =	vld.idx.msk [tilespmem:v5+s13+$0x0], $0xffff  }
0x1e3: {  	v5 =	vor.u32 s1, v2;
	_ =	sdelay $0x3  }
0x1e4: {  	[tilespmem:$0x18910] =	vst v4  }
0x1e5: {  	v4 =	vld.idx.msk [tilespmem:v5+s13+$0x0], $0xffff  }
0x1e6: {  	v5 =	vor.u32 s1, v3;
	_ =	sdelay $0x3  }
0x1e7: {  	[tilespmem:$0x18920] =	vst v4  }
0x1e8: {  	v4 =	vld.idx.msk [tilespmem:v5+s13+$0x0], $0xffff;
	_ =	sdelay $0x2  }
0x1e9: {  	s1 =	spop (v2sf)  }
0x1ea: {  	s1 =	sand.u32 $0xFFFFF80, s1  }
0x1eb: {  	s1 =	sadd.s32 s2, s1;
	[tilespmem:$0x18930] =	vst v4  }
0x1ec: {  	[tilespmem:s13], [sflag:$0x6] =	stream.strided.gather [hbm4b:s1+s6], $0x2000, s7, s6, $0x38;
	[tilespmem:$0x19080] =	vst v63  }
0x1ed: {  	_ =	swait.ge [sflag:s26], $0x2000  }
0x1ee: {  	[sflag:s26] =	ssyncset.done $0x0  }
0x1ef: {  	[sflag:s26] =	ssyncadd.s32 $0xFFFFE000  }
0x1f0: {  	v4 =	vld [tilespmem:$0x10];
	_ =	sdelay $0x4  }
0x1f1: {  	(v2sf) =	vpush v4, $0x2;
	_ =	sdelay $0xe  }
0x1f2: {  	s1 =	spop (v2sf)  }
0x1f3: {  	s1 =	sand.u32 $0x7F, s1  }
0x1f4: {  	v4 =	vor.u32 s1, v0;
	_ =	sdelay $0x4  }
0x1f5: {  	v4 =	vld.idx.msk [tilespmem:v4+s14+$0x0], $0xffff  }
0x1f6: {  	v62 =	vld [tilespmem:$0x10];
	v5 =	vor.u32 s1, v1;
	_ =	sdelay $0x3  }
0x1f7: {  	[tilespmem:$0x18980] =	vst v4  }
0x1f8: {  	(v2sf) =	vpush v62, $0xE;
	v4 =	vld.idx.msk [tilespmem:v5+s14+$0x0], $0xffff  }
0x1f9: {  	v5 =	vor.u32 s1, v2;
	_ =	sdelay $0x3  }
0x1fa: {  	[tilespmem:$0x18990] =	vst v4  }
0x1fb: {  	v4 =	vld.idx.msk [tilespmem:v5+s14+$0x0], $0xffff  }
0x1fc: {  	v5 =	vor.u32 s1, v3;
	_ =	sdelay $0x3  }
0x1fd: {  	[tilespmem:$0x189A0] =	vst v4  }
0x1fe: {  	v4 =	vld.idx.msk [tilespmem:v5+s14+$0x0], $0xffff;
	_ =	sdelay $0x2  }
0x1ff: {  	s1 =	spop (v2sf)  }
0x200: {  	s1 =	sand.u32 $0xFFFFF80, s1  }
0x201: {  	s1 =	sadd.s32 s2, s1;
	[tilespmem:$0x189B0] =	vst v4  }
0x202: {  	[tilespmem:s14], [sflag:$0x7] =	stream.strided.gather [hbm4b:s1+s6], $0x2000, s7, s6, $0x38;
	[tilespmem:$0x19080] =	vst v63  }
0x203: {  	_ =	swait.ge [sflag:s28], $0x2000  }
0x204: {  	[sflag:s28] =	ssyncset.done $0x0  }
0x205: {  	[sflag:s28] =	ssyncadd.s32 $0xFFFFE000  }
0x206: {  	v4 =	vld [tilespmem:$0x10];
	_ =	sdelay $0x4  }
0x207: {  	(v2sf) =	vpush v4, $0x3;
	_ =	sdelay $0xe  }
0x208: {  	s1 =	spop (v2sf)  }
0x209: {  	s1 =	sand.u32 $0x7F, s1  }
0x20a: {  	v4 =	vor.u32 s1, v0;
	_ =	sdelay $0x4  }
0x20b: {  	v4 =	vld.idx.msk [tilespmem:v4+s15+$0x0], $0xffff  }
0x20c: {  	v63 =	vld [tilespmem:$0x10];
	v5 =	vor.u32 s1, v1;
	_ =	sdelay $0x3  }
0x20d: {  	[tilespmem:$0x18A00] =	vst v4  }
0x20e: {  	(v2sf) =	vpush v63, $0xF;
	v4 =	vld.idx.msk [tilespmem:v5+s15+$0x0], $0xffff  }
0x20f: {  	v5 =	vor.u32 s1, v2;
	_ =	sdelay $0x3  }
0x210: {  	[tilespmem:$0x18A10] =	vst v4  }
0x211: {  	v4 =	vld.idx.msk [tilespmem:v5+s15+$0x0], $0xffff  }
0x212: {  	v5 =	vor.u32 s1, v3;
	_ =	sdelay $0x3  }
0x213: {  	[tilespmem:$0x18A20] =	vst v4  }
0x214: {  	v4 =	vld.idx.msk [tilespmem:v5+s15+$0x0], $0xffff;
	_ =	sdelay $0x2  }
0x215: {  	s1 =	spop (v2sf)  }
0x216: {  	s1 =	sand.u32 $0xFFFFF80, s1  }
0x217: {  	s1 =	sadd.s32 s2, s1;
	[tilespmem:$0x18A30] =	vst v4  }
0x218: {  	[tilespmem:s15], [sflag:$0x8] =	stream.strided.gather [hbm4b:s1+s6], $0x2000, s7, s6, $0x38;
	[tilespmem:$0x19080] =	vst v63  }
0x219: {  	_ =	swait.ge [sflag:s3], $0x2000  }
0x21a: {  	[sflag:s3] =	ssyncset.done $0x0  }
0x21b: {  	[sflag:s3] =	ssyncadd.s32 $0xFFFFE000  }
0x21c: {  	v4 =	vld [tilespmem:$0x10];
	_ =	sdelay $0x4  }
0x21d: {  	(v2sf) =	vpush v4, $0x4;
	_ =	sdelay $0xe  }
0x21e: {  	s3 =	spop (v2sf)  }
0x21f: {  	s1 =	sand.u32 $0x7F, s3  }
0x220: {  	v4 =	vor.u32 s1, v0;
	_ =	sdelay $0x4  }
0x221: {  	v4 =	vld.idx.msk [tilespmem:v4+s16+$0x0], $0xffff  }
0x222: {  	v5 =	vor.u32 s1, v1;
	_ =	sdelay $0x3  }
0x223: {  	[tilespmem:$0x18A80] =	vst v4  }
0x224: {  	v4 =	vld.idx.msk [tilespmem:v5+s16+$0x0], $0xffff  }
0x225: {  	v5 =	vor.u32 s1, v2;
	_ =	sdelay $0x3  }
0x226: {  	[tilespmem:$0x18A90] =	vst v4  }
0x227: {  	v4 =	vld.idx.msk [tilespmem:v5+s16+$0x0], $0xffff  }
0x228: {  	v5 =	vor.u32 s1, v3;
	_ =	sdelay $0x3  }
0x229: {  	[tilespmem:$0x18AA0] =	vst v4  }
0x22a: {  	v4 =	vld.idx.msk [tilespmem:v5+s16+$0x0], $0xffff;
	_ =	sdelay $0x4  }
0x22b: {  	[tilespmem:$0x18AB0] =	vst v4  }
0x22c: {  	_ =	swait.ge [sflag:s30], $0x2000  }
0x22d: {  	[sflag:s30] =	ssyncset.done $0x0  }
0x22e: {  	[sflag:s30] =	ssyncadd.s32 $0xFFFFE000  }
0x22f: {  	v4 =	vld [tilespmem:$0x10];
	_ =	sdelay $0x4  }
0x230: {  	(v2sf) =	vpush v4, $0x5;
	_ =	sdelay $0xe  }
0x231: {  	s3 =	spop (v2sf)  }
0x232: {  	s1 =	sand.u32 $0x7F, s3  }
0x233: {  	v4 =	vor.u32 s1, v0;
	_ =	sdelay $0x4  }
0x234: {  	v4 =	vld.idx.msk [tilespmem:v4+s17+$0x0], $0xffff  }
0x235: {  	v5 =	vor.u32 s1, v1;
	_ =	sdelay $0x3  }
0x236: {  	[tilespmem:$0x18B00] =	vst v4  }
0x237: {  	v4 =	vld.idx.msk [tilespmem:v5+s17+$0x0], $0xffff  }
0x238: {  	v5 =	vor.u32 s1, v2;
	_ =	sdelay $0x3  }
0x239: {  	[tilespmem:$0x18B10] =	vst v4  }
0x23a: {  	v4 =	vld.idx.msk [tilespmem:v5+s17+$0x0], $0xffff  }
0x23b: {  	v5 =	vor.u32 s1, v3;
	_ =	sdelay $0x3  }
0x23c: {  	[tilespmem:$0x18B20] =	vst v4  }
0x23d: {  	v4 =	vld.idx.msk [tilespmem:v5+s17+$0x0], $0xffff;
	_ =	sdelay $0x4  }
0x23e: {  	[tilespmem:$0x18B30] =	vst v4  }
0x23f: {  	_ =	swait.ge [sflag:s31], $0x2000  }
0x240: {  	[sflag:s31] =	ssyncset.done $0x0  }
0x241: {  	[sflag:s31] =	ssyncadd.s32 $0xFFFFE000  }
0x242: {  	v4 =	vld [tilespmem:$0x10];
	_ =	sdelay $0x4  }
0x243: {  	(v2sf) =	vpush v4, $0x6;
	_ =	sdelay $0xe  }
0x244: {  	s3 =	spop (v2sf)  }
0x245: {  	s1 =	sand.u32 $0x7F, s3  }
0x246: {  	v4 =	vor.u32 s1, v0;
	_ =	sdelay $0x4  }
0x247: {  	v4 =	vld.idx.msk [tilespmem:v4+s18+$0x0], $0xffff  }
0x248: {  	v5 =	vor.u32 s1, v1;
	_ =	sdelay $0x3  }
0x249: {  	[tilespmem:$0x18B80] =	vst v4  }
0x24a: {  	v4 =	vld.idx.msk [tilespmem:v5+s18+$0x0], $0xffff  }
0x24b: {  	v5 =	vor.u32 s1, v2;
	_ =	sdelay $0x3  }
0x24c: {  	[tilespmem:$0x18B90] =	vst v4  }
0x24d: {  	v4 =	vld.idx.msk [tilespmem:v5+s18+$0x0], $0xffff  }
0x24e: {  	v5 =	vor.u32 s1, v3;
	_ =	sdelay $0x3  }
0x24f: {  	[tilespmem:$0x18BA0] =	vst v4  }
0x250: {  	v4 =	vld.idx.msk [tilespmem:v5+s18+$0x0], $0xffff;
	_ =	sdelay $0x4  }
0x251: {  	[tilespmem:$0x18BB0] =	vst v4  }
0x252: {  	_ =	swait.ge [sflag:s0], $0x2000  }
0x253: {  	[sflag:s0] =	ssyncset.done $0x0  }
0x254: {  	[sflag:s0] =	ssyncadd.s32 $0xFFFFE000  }
0x255: {  	v4 =	vld [tilespmem:$0x10];
	_ =	sdelay $0x4  }
0x256: {  	(v2sf) =	vpush v4, $0x7;
	_ =	sdelay $0xe  }
0x257: {  	s3 =	spop (v2sf)  }
0x258: {  	s1 =	sand.u32 $0x7F, s3  }
0x259: {  	v4 =	vor.u32 s1, v0;
	_ =	sdelay $0x4  }
0x25a: {  	v4 =	vld.idx.msk [tilespmem:v4+s19+$0x0], $0xffff  }
0x25b: {  	v5 =	vor.u32 s1, v1;
	_ =	sdelay $0x3  }
0x25c: {  	[tilespmem:$0x18C00] =	vst v4  }
0x25d: {  	v4 =	vld.idx.msk [tilespmem:v5+s19+$0x0], $0xffff  }
0x25e: {  	v5 =	vor.u32 s1, v2;
	_ =	sdelay $0x3  }
0x25f: {  	[tilespmem:$0x18C10] =	vst v4  }
0x260: {  	v4 =	vld.idx.msk [tilespmem:v5+s19+$0x0], $0xffff  }
0x261: {  	v5 =	vor.u32 s1, v3;
	_ =	sdelay $0x3  }
0x262: {  	[tilespmem:$0x18C20] =	vst v4  }
0x263: {  	v4 =	vld.idx.msk [tilespmem:v5+s19+$0x0], $0xffff;
	_ =	sdelay $0x4  }
0x264: {  	[tilespmem:$0x18C30] =	vst v4  }
0x265: {  	_ =	swait.ge [sflag:s20], $0x2000  }
0x266: {  	[sflag:s20] =	ssyncset.done $0x0  }
0x267: {  	[sflag:s20] =	ssyncadd.s32 $0xFFFFE000  }
0x268: {  	v4 =	vld [tilespmem:$0x10];
	_ =	sdelay $0x4  }
0x269: {  	(v2sf) =	vpush v4, $0x8;
	_ =	sdelay $0xe  }
0x26a: {  	s3 =	spop (v2sf)  }
0x26b: {  	s1 =	sand.u32 $0x7F, s3  }
0x26c: {  	v4 =	vor.u32 s1, v0;
	_ =	sdelay $0x4  }
0x26d: {  	v4 =	vld.idx.msk [tilespmem:v4+s8+$0x0], $0xffff  }
0x26e: {  	v5 =	vor.u32 s1, v1;
	_ =	sdelay $0x3  }
0x26f: {  	[tilespmem:$0x18C80] =	vst v4  }
0x270: {  	v4 =	vld.idx.msk [tilespmem:v5+s8+$0x0], $0xffff  }
0x271: {  	v5 =	vor.u32 s1, v2;
	_ =	sdelay $0x3  }
0x272: {  	[tilespmem:$0x18C90] =	vst v4  }
0x273: {  	v4 =	vld.idx.msk [tilespmem:v5+s8+$0x0], $0xffff  }
0x274: {  	v5 =	vor.u32 s1, v3;
	_ =	sdelay $0x3  }
0x275: {  	[tilespmem:$0x18CA0] =	vst v4  }
0x276: {  	v4 =	vld.idx.msk [tilespmem:v5+s8+$0x0], $0xffff;
	_ =	sdelay $0x4  }
0x277: {  	[tilespmem:$0x18CB0] =	vst v4  }
0x278: {  	_ =	swait.ge [sflag:s21], $0x2000  }
0x279: {  	[sflag:s21] =	ssyncset.done $0x0  }
0x27a: {  	[sflag:s21] =	ssyncadd.s32 $0xFFFFE000  }
0x27b: {  	v4 =	vld [tilespmem:$0x10];
	_ =	sdelay $0x4  }
0x27c: {  	(v2sf) =	vpush v4, $0x9;
	_ =	sdelay $0xe  }
0x27d: {  	s3 =	spop (v2sf)  }
0x27e: {  	s1 =	sand.u32 $0x7F, s3  }
0x27f: {  	v4 =	vor.u32 s1, v0;
	_ =	sdelay $0x4  }
0x280: {  	v4 =	vld.idx.msk [tilespmem:v4+s9+$0x0], $0xffff  }
0x281: {  	v5 =	vor.u32 s1, v1;
	_ =	sdelay $0x3  }
0x282: {  	[tilespmem:$0x18D00] =	vst v4  }
0x283: {  	v4 =	vld.idx.msk [tilespmem:v5+s9+$0x0], $0xffff  }
0x284: {  	v5 =	vor.u32 s1, v2;
	_ =	sdelay $0x3  }
0x285: {  	[tilespmem:$0x18D10] =	vst v4  }
0x286: {  	v4 =	vld.idx.msk [tilespmem:v5+s9+$0x0], $0xffff  }
0x287: {  	v5 =	vor.u32 s1, v3;
	_ =	sdelay $0x3  }
0x288: {  	[tilespmem:$0x18D20] =	vst v4  }
0x289: {  	v4 =	vld.idx.msk [tilespmem:v5+s9+$0x0], $0xffff;
	_ =	sdelay $0x4  }
0x28a: {  	[tilespmem:$0x18D30] =	vst v4  }
0x28b: {  	_ =	swait.ge [sflag:s22], $0x2000  }
0x28c: {  	[sflag:s22] =	ssyncset.done $0x0  }
0x28d: {  	[sflag:s22] =	ssyncadd.s32 $0xFFFFE000  }
0x28e: {  	v4 =	vld [tilespmem:$0x10];
	_ =	sdelay $0x4  }
0x28f: {  	(v2sf) =	vpush v4, $0xA;
	_ =	sdelay $0xe  }
0x290: {  	s3 =	spop (v2sf)  }
0x291: {  	s1 =	sand.u32 $0x7F, s3  }
0x292: {  	v4 =	vor.u32 s1, v0;
	_ =	sdelay $0x4  }
0x293: {  	v4 =	vld.idx.msk [tilespmem:v4+s10+$0x0], $0xffff  }
0x294: {  	v5 =	vor.u32 s1, v1;
	_ =	sdelay $0x3  }
0x295: {  	[tilespmem:$0x18D80] =	vst v4  }
0x296: {  	v4 =	vld.idx.msk [tilespmem:v5+s10+$0x0], $0xffff  }
0x297: {  	v5 =	vor.u32 s1, v2;
	_ =	sdelay $0x3  }
0x298: {  	[tilespmem:$0x18D90] =	vst v4  }
0x299: {  	v4 =	vld.idx.msk [tilespmem:v5+s10+$0x0], $0xffff  }
0x29a: {  	v5 =	vor.u32 s1, v3;
	_ =	sdelay $0x3  }
0x29b: {  	[tilespmem:$0x18DA0] =	vst v4  }
0x29c: {  	v4 =	vld.idx.msk [tilespmem:v5+s10+$0x0], $0xffff;
	_ =	sdelay $0x4  }
0x29d: {  	[tilespmem:$0x18DB0] =	vst v4  }
0x29e: {  	_ =	swait.ge [sflag:s23], $0x2000  }
0x29f: {  	[sflag:s23] =	ssyncset.done $0x0  }
0x2a0: {  	[sflag:s23] =	ssyncadd.s32 $0xFFFFE000  }
0x2a1: {  	v4 =	vld [tilespmem:$0x10];
	_ =	sdelay $0x4  }
0x2a2: {  	(v2sf) =	vpush v4, $0xB;
	_ =	sdelay $0xe  }
0x2a3: {  	s3 =	spop (v2sf)  }
0x2a4: {  	s1 =	sand.u32 $0x7F, s3  }
0x2a5: {  	v4 =	vor.u32 s1, v0;
	_ =	sdelay $0x4  }
0x2a6: {  	v4 =	vld.idx.msk [tilespmem:v4+s11+$0x0], $0xffff  }
0x2a7: {  	v5 =	vor.u32 s1, v1;
	_ =	sdelay $0x3  }
0x2a8: {  	[tilespmem:$0x18E00] =	vst v4  }
0x2a9: {  	v4 =	vld.idx.msk [tilespmem:v5+s11+$0x0], $0xffff  }
0x2aa: {  	v5 =	vor.u32 s1, v2;
	_ =	sdelay $0x3  }
0x2ab: {  	[tilespmem:$0x18E10] =	vst v4  }
0x2ac: {  	v4 =	vld.idx.msk [tilespmem:v5+s11+$0x0], $0xffff  }
0x2ad: {  	v5 =	vor.u32 s1, v3;
	_ =	sdelay $0x3  }
0x2ae: {  	[tilespmem:$0x18E20] =	vst v4  }
0x2af: {  	v4 =	vld.idx.msk [tilespmem:v5+s11+$0x0], $0xffff;
	_ =	sdelay $0x4  }
0x2b0: {  	[tilespmem:$0x18E30] =	vst v4  }
0x2b1: {  	_ =	swait.ge [sflag:s24], $0x2000  }
0x2b2: {  	[sflag:s24] =	ssyncset.done $0x0  }
0x2b3: {  	[sflag:s24] =	ssyncadd.s32 $0xFFFFE000  }
0x2b4: {  	v4 =	vld [tilespmem:$0x10];
	_ =	sdelay $0x4  }
0x2b5: {  	(v2sf) =	vpush v4, $0xC;
	_ =	sdelay $0xe  }
0x2b6: {  	s3 =	spop (v2sf)  }
0x2b7: {  	s1 =	sand.u32 $0x7F, s3  }
0x2b8: {  	v4 =	vor.u32 s1, v0;
	_ =	sdelay $0x4  }
0x2b9: {  	v4 =	vld.idx.msk [tilespmem:v4+s12+$0x0], $0xffff  }
0x2ba: {  	v5 =	vor.u32 s1, v1;
	_ =	sdelay $0x3  }
0x2bb: {  	[tilespmem:$0x18E80] =	vst v4  }
0x2bc: {  	v4 =	vld.idx.msk [tilespmem:v5+s12+$0x0], $0xffff  }
0x2bd: {  	v5 =	vor.u32 s1, v2;
	_ =	sdelay $0x3  }
0x2be: {  	[tilespmem:$0x18E90] =	vst v4  }
0x2bf: {  	v4 =	vld.idx.msk [tilespmem:v5+s12+$0x0], $0xffff  }
0x2c0: {  	v5 =	vor.u32 s1, v3;
	_ =	sdelay $0x3  }
0x2c1: {  	[tilespmem:$0x18EA0] =	vst v4  }
0x2c2: {  	v4 =	vld.idx.msk [tilespmem:v5+s12+$0x0], $0xffff;
	_ =	sdelay $0x4  }
0x2c3: {  	[tilespmem:$0x18EB0] =	vst v4  }
0x2c4: {  	_ =	swait.ge [sflag:s25], $0x2000  }
0x2c5: {  	[sflag:s25] =	ssyncset.done $0x0  }
0x2c6: {  	[sflag:s25] =	ssyncadd.s32 $0xFFFFE000  }
0x2c7: {  	v4 =	vld [tilespmem:$0x10];
	_ =	sdelay $0x4  }
0x2c8: {  	(v2sf) =	vpush v4, $0xD;
	_ =	sdelay $0xe  }
0x2c9: {  	s3 =	spop (v2sf)  }
0x2ca: {  	s1 =	sand.u32 $0x7F, s3  }
0x2cb: {  	v4 =	vor.u32 s1, v0;
	_ =	sdelay $0x4  }
0x2cc: {  	v4 =	vld.idx.msk [tilespmem:v4+s13+$0x0], $0xffff  }
0x2cd: {  	v5 =	vor.u32 s1, v1;
	_ =	sdelay $0x3  }
0x2ce: {  	[tilespmem:$0x18F00] =	vst v4  }
0x2cf: {  	v4 =	vld.idx.msk [tilespmem:v5+s13+$0x0], $0xffff  }
0x2d0: {  	v5 =	vor.u32 s1, v2;
	_ =	sdelay $0x3  }
0x2d1: {  	[tilespmem:$0x18F10] =	vst v4  }
0x2d2: {  	v4 =	vld.idx.msk [tilespmem:v5+s13+$0x0], $0xffff  }
0x2d3: {  	v5 =	vor.u32 s1, v3;
	_ =	sdelay $0x3  }
0x2d4: {  	[tilespmem:$0x18F20] =	vst v4  }
0x2d5: {  	v4 =	vld.idx.msk [tilespmem:v5+s13+$0x0], $0xffff;
	_ =	sdelay $0x4  }
0x2d6: {  	[tilespmem:$0x18F30] =	vst v4  }
0x2d7: {  	_ =	swait.ge [sflag:s26], $0x2000  }
0x2d8: {  	[sflag:s26] =	ssyncset.done $0x0  }
0x2d9: {  	[sflag:s26] =	ssyncadd.s32 $0xFFFFE000  }
0x2da: {  	v4 =	vld [tilespmem:$0x10];
	_ =	sdelay $0x4  }
0x2db: {  	(v2sf) =	vpush v4, $0xE;
	_ =	sdelay $0xe  }
0x2dc: {  	s3 =	spop (v2sf)  }
0x2dd: {  	s1 =	sand.u32 $0x7F, s3  }
0x2de: {  	v4 =	vor.u32 s1, v0;
	_ =	sdelay $0x4  }
0x2df: {  	v4 =	vld.idx.msk [tilespmem:v4+s14+$0x0], $0xffff  }
0x2e0: {  	v5 =	vor.u32 s1, v1;
	_ =	sdelay $0x3  }
0x2e1: {  	[tilespmem:$0x18F80] =	vst v4  }
0x2e2: {  	v4 =	vld.idx.msk [tilespmem:v5+s14+$0x0], $0xffff  }
0x2e3: {  	v5 =	vor.u32 s1, v2;
	_ =	sdelay $0x3  }
0x2e4: {  	[tilespmem:$0x18F90] =	vst v4  }
0x2e5: {  	v4 =	vld.idx.msk [tilespmem:v5+s14+$0x0], $0xffff  }
0x2e6: {  	v5 =	vor.u32 s1, v3;
	_ =	sdelay $0x3  }
0x2e7: {  	[tilespmem:$0x18FA0] =	vst v4  }
0x2e8: {  	v4 =	vld.idx.msk [tilespmem:v5+s14+$0x0], $0xffff;
	_ =	sdelay $0x4  }
0x2e9: {  	[tilespmem:$0x18FB0] =	vst v4  }
0x2ea: {  	_ =	swait.ge [sflag:s28], $0x2000  }
0x2eb: {  	[sflag:s28] =	ssyncset.done $0x0  }
0x2ec: {  	[sflag:s28] =	ssyncadd.s32 $0xFFFFE000  }
0x2ed: {  	v4 =	vld [tilespmem:$0x10];
	_ =	sdelay $0x4  }
0x2ee: {  	(v2sf) =	vpush v4, $0xF;
	_ =	sdelay $0xe  }
0x2ef: {  	s3 =	spop (v2sf)  }
0x2f0: {  	s1 =	sand.u32 $0x7F, s3  }
0x2f1: {  	v4 =	vor.u32 s1, v0;
	_ =	sdelay $0x4  }
0x2f2: {  	v4 =	vld.idx.msk [tilespmem:v4+s15+$0x0], $0xffff  }
0x2f3: {  	v5 =	vor.u32 s1, v1;
	_ =	sdelay $0x3  }
0x2f4: {  	[tilespmem:$0x19000] =	vst v4  }
0x2f5: {  	v4 =	vld.idx.msk [tilespmem:v5+s15+$0x0], $0xffff  }
0x2f6: {  	v5 =	vor.u32 s1, v2;
	_ =	sdelay $0x3  }
0x2f7: {  	[tilespmem:$0x19010] =	vst v4  }
0x2f8: {  	v4 =	vld.idx.msk [tilespmem:v5+s15+$0x0], $0xffff  }
0x2f9: {  	v5 =	vor.u32 s1, v3;
	_ =	sdelay $0x3  }
0x2fa: {  	[tilespmem:$0x19020] =	vst v4  }
0x2fb: {  	v4 =	vld.idx.msk [tilespmem:v5+s15+$0x0], $0xffff;
	_ =	sdelay $0x3  }
0x2fc: {  	p0 =	sne.s32 s4, $0x1;
	s3 =	rddreg [dreg:$0x6]  }
.Ltmp0:
0x2fd: {  	s1 =	rddreg [dreg:$0x5];
	[tilespmem:$0x19030] =	vst v4;
	(pc) =	sbr.rel @p0 .LBB2_1-.Ltmp0, $4  }
0x2fe: {  	[hbm4b:s1+s5] =	stream.linear.scatter [tilespmem:s3], [sflag:$0xD], $0x1000, $0x38;
	[tilespmem:$0x19080] =	vst v63  }
0x2ff: {  	_ =	swait.ge [sflag:s29], $0x1000  }
0x300: {  	[sflag:s29] =	ssyncset.done $0x0  }
0x301: {  	s4 =	sadd.s32 $0xFFFFFFFF, s4;
	[sflag:s29] =	ssyncadd.s32 $0xFFFFF000  }
0x302: {  	_ =	sfence.sel $0x180000  }
0x303: {  	[bflag:$0x0] =	sbarrier.arrive $0xFFFF  }
0x304: {  	_ =	strace $0x90000047  }
0x305: {  	s0 =	stileid.u32;
	[bflag:$0x2] =	sbarrier.arrive $0xFFFF  }
0x306: {  	p0 =	sne.s32 s0, $0x0;
	s0 =	rddreg [dreg:$0x3]  }
0x307: {  	s0 =	sadd.s32 @!p0 $0x100000, s0  }
0x308: {  	[sflag:s0] =	ssyncadd.tile.s32 @!p0 $0x1;
	_ =	shalt  }
.Lfunc_end2:
_tile_overlayer_lowered:
.L_overlay_start_2:
0x309: {  	(tag) =	ssettag $0x2  }
0x30a: {  	s0 =	rddreg [dreg:$0x0];
	s2 =	stileid.u32  }
0x30b: {  	s1 =	rddreg [dreg:$0x1];
	p0 =	sne.s32 s2, $0x0  }
0x30c: {  	s3 =	rddreg [dreg:$0x2];
	[bflag:$0x3] =	sbarrier.arrive $0xFFFF;
	s2 =	simm.s32 @!p0 $0x1C0D  }
0x30d: {  	[timem:s3], [sflag:s2] =	dma.local @!p0 [hbm:s0], s1  }
0x30e: {  	s0 =	simm.s32 @!p0 $0xD  }
0x30f: {  	_ =	swait.ge @!p0 [sflag:s0], s1  }
0x310: {  	s1 =	ssub.s32 @!p0 $0x0, s1;
	[sflag:s0] =	ssyncset.done @!p0 $0x0  }
0x311: {  	[sflag:s0] =	ssyncadd.s32 @!p0 s1  }
0x312: {  	[bflag:$0x3] =	sbarrier.arrive $0xFFFF  }
0x313: {  	_ =	shalt  }

</sc_bundles>
